<compile_context>
chip_gen: v7x
topology: tpu7x:2x2x1
jax: 0.10.2.dev20260603
libtpu: 0.0.44.dev20260713+nightly
codegen_flags: <defaults>
</compile_context>

<pallas_src>
import functools
import math

import jax
import jax.numpy as jnp
from jax import lax
from jax.experimental import pallas as pl
from jax.experimental.pallas import tpu as pltpu
from jax.experimental.pallas import tpu_sc as plsc

CH = 128
LANES = 16


def _sc_mesh_info():
  info = plsc.get_sparse_core_info()
  return info.num_cores, info.num_subcores


def _sc_degree(dst_idx, npad):
  nc, ns = _sc_mesh_info()
  nw, nch, _ = dst_idx.shape
  rows_per_tile = npad // ns
  GRP = 12
  mesh = plsc.VectorSubcoreMesh(core_axis_name="c", subcore_axis_name="s")

  @functools.partial(
      pl.kernel,
      out_type=jax.ShapeDtypeStruct((nc, npad), jnp.float32),
      mesh=mesh,
      scratch_types=[
          pltpu.VMEM((nch, CH), jnp.int32),
          pltpu.VMEM((CH,), jnp.float32),
          pltpu.VMEM((rows_per_tile,), jnp.float32),
          pltpu.VMEM_SHARED((npad,), jnp.float32),
          pltpu.SemaphoreType.DMA,
      ],
  )
  def k(didx_hbm, out_hbm, didx_v, vals_v, z_v, acc_sh, sem):
    c = lax.axis_index("c")
    s = lax.axis_index("s")
    wid = s * nc + c
    pltpu.sync_copy(didx_hbm.at[wid], didx_v)
    for i in range(0, CH, LANES):
      vals_v[pl.ds(i, LANES)] = jnp.ones((LANES,), jnp.float32)
    for i in range(0, rows_per_tile, LANES):
      z_v[pl.ds(i, LANES)] = jnp.zeros((LANES,), jnp.float32)
    row0 = s * rows_per_tile
    pltpu.sync_copy(z_v, acc_sh.at[pl.ds(row0, rows_per_tile)])
    plsc.subcore_barrier()

    def body(g, carry):
      j0 = GRP * g
      for q in range(GRP):
        pltpu.async_copy(vals_v, acc_sh.at[didx_v.at[j0 + q]], sem, add=True)
      for q in range(GRP):
        pltpu.make_async_copy(vals_v, acc_sh.at[didx_v.at[0]], sem).wait()
      return carry

    lax.fori_loop(0, nch // GRP, body, 0)
    for j in range(nch - nch % GRP, nch):
      pltpu.sync_copy(vals_v, acc_sh.at[didx_v.at[j]], add=True)
    plsc.subcore_barrier()
    pltpu.sync_copy(acc_sh.at[pl.ds(row0, rows_per_tile)],
                    out_hbm.at[c, pl.ds(row0, rows_per_tile)])

  return k(dst_idx)


def _sc_segsum_1d(vals, src_idx, dst_idx, npad):
  nc, ns = _sc_mesh_info()
  nw, nch_a, _ = dst_idx.shape
  rows_per_tile = npad // ns
  DEP = 8
  nfull = (nch_a // DEP) * DEP
  mesh = plsc.VectorSubcoreMesh(core_axis_name="c", subcore_axis_name="s")

  @functools.partial(
      pl.kernel,
      out_type=jax.ShapeDtypeStruct((nc, npad), jnp.float32),
      mesh=mesh,
      scratch_types=[
          pltpu.VMEM((nch_a, CH), jnp.int32),
          pltpu.VMEM((nch_a, CH), jnp.int32),
          pltpu.VMEM((DEP, CH), jnp.float32),
          pltpu.VMEM((rows_per_tile,), jnp.float32),
          pltpu.VMEM_SHARED((npad,), jnp.float32),
      ] + [pltpu.SemaphoreType.DMA] * DEP,
  )
  def k(vals_hbm, sidx_hbm, didx_hbm, out_hbm, sidx_v, didx_v, bufs, z_v,
        acc_sh, *gsems):
    c = lax.axis_index("c")
    s = lax.axis_index("s")
    wid = s * nc + c
    pltpu.sync_copy(sidx_hbm.at[wid], sidx_v)
    pltpu.sync_copy(didx_hbm.at[wid], didx_v)
    for i in range(0, rows_per_tile, LANES):
      z_v[pl.ds(i, LANES)] = jnp.zeros((LANES,), jnp.float32)
    row0 = s * rows_per_tile
    pltpu.sync_copy(z_v, acc_sh.at[pl.ds(row0, rows_per_tile)])
    plsc.subcore_barrier()

    for q in range(DEP):
      pltpu.async_copy(vals_hbm.at[sidx_v.at[q]], bufs.at[q], gsems[q])

    def body(kk, carry):
      j0 = DEP * kk
      for q in range(DEP):
        pltpu.make_async_copy(
            vals_hbm.at[sidx_v.at[0]], bufs.at[q], gsems[q]).wait()
        pltpu.sync_copy(bufs.at[q], acc_sh.at[didx_v.at[j0 + q]], add=True)
        nxt = jnp.minimum(j0 + DEP + q, nch_a - 1)
        pltpu.async_copy(vals_hbm.at[sidx_v.at[nxt]], bufs.at[q], gsems[q])
      return carry

    lax.fori_loop(0, nch_a // DEP, body, 0)
    for q in range(DEP):
      pltpu.make_async_copy(
          vals_hbm.at[sidx_v.at[0]], bufs.at[q], gsems[q]).wait()
      if nfull + q < nch_a:
        pltpu.sync_copy(bufs.at[q], acc_sh.at[didx_v.at[nfull + q]],
                        add=True)
    plsc.subcore_barrier()
    pltpu.sync_copy(acc_sh.at[pl.ds(row0, rows_per_tile)],
                    out_hbm.at[c, pl.ds(row0, rows_per_tile)])

  return k(vals, src_idx, dst_idx)


def _sc_segsum_rows(table, idx, npad, d, nch):
  nc, ns = _sc_mesh_info()
  nw, nch_a, two, ch = idx.shape
  rows_per_tile = npad // ns
  zrows = 16
  mesh = plsc.VectorSubcoreMesh(core_axis_name="c", subcore_axis_name="s")

  @functools.partial(
      pl.kernel,
      out_type=jax.ShapeDtypeStruct((nc, npad, d), jnp.float32),
      mesh=mesh,
      scratch_types=[
          pltpu.VMEM((4, 2, ch), jnp.int32),
          pltpu.VMEM((ch, d), jnp.float32),
          pltpu.VMEM((ch, d), jnp.float32),
          pltpu.VMEM((zrows, d), jnp.float32),
          pltpu.VMEM_SHARED((npad, d), jnp.float32),
          pltpu.SemaphoreType.DMA,
          pltpu.SemaphoreType.DMA,
          pltpu.SemaphoreType.DMA,
      ],
  )
  def k(tab_hbm, idx_hbm, out_hbm, islot, buf0, buf1, z_v, acc_sh,
        gsem0, gsem1, isem):
    c = lax.axis_index("c")
    s = lax.axis_index("s")
    wid = s * nc + c
    for r in range(zrows):
      for i in range(0, d, LANES):
        z_v[r, pl.ds(i, LANES)] = jnp.zeros((LANES,), jnp.float32)
    row0 = s * rows_per_tile

    def zbody(t, carry):
      pltpu.async_copy(z_v, acc_sh.at[pl.ds(row0 + t * zrows, zrows)], isem)
      return carry

    nz = rows_per_tile // zrows
    lax.fori_loop(0, nz, zbody, 0)

    def zdrain(t, carry):
      pltpu.make_async_copy(
          z_v, acc_sh.at[pl.ds(row0, zrows)], isem).wait()
      return carry

    lax.fori_loop(0, nz, zdrain, 0)
    plsc.subcore_barrier()

    for q in range(4):
      pltpu.sync_copy(idx_hbm.at[wid, q], islot.at[q])
    pltpu.async_copy(tab_hbm.at[islot.at[0, 0]], buf0, gsem0)
    pltpu.async_copy(tab_hbm.at[islot.at[1, 0]], buf1, gsem1)

    def body(k2, carry):
      j0 = 2 * k2
      s0 = lax.rem(j0, 4)
      s1 = lax.rem(j0 + 1, 4)
      s2 = lax.rem(j0 + 2, 4)
      s3 = lax.rem(j0 + 3, 4)
      pltpu.make_async_copy(tab_hbm.at[islot.at[s0, 0]], buf0, gsem0).wait()
      pltpu.sync_copy(buf0, acc_sh.at[islot.at[s0, 1]], add=True)
      pltpu.async_copy(idx_hbm.at[wid, j0 + 4], islot.at[s0], isem)
      pltpu.async_copy(tab_hbm.at[islot.at[s2, 0]], buf0, gsem0)
      pltpu.make_async_copy(tab_hbm.at[islot.at[s1, 0]], buf1, gsem1).wait()
      pltpu.sync_copy(buf1, acc_sh.at[islot.at[s1, 1]], add=True)
      pltpu.async_copy(idx_hbm.at[wid, j0 + 5], islot.at[s1], isem)
      pltpu.async_copy(tab_hbm.at[islot.at[s3, 0]], buf1, gsem1)
      pltpu.make_async_copy(idx_hbm.at[wid, 0], islot.at[s0], isem).wait()
      pltpu.make_async_copy(idx_hbm.at[wid, 0], islot.at[s1], isem).wait()
      return carry

    lax.fori_loop(0, nch // 2, body, 0)
    pltpu.make_async_copy(tab_hbm.at[islot.at[0, 0]], buf0, gsem0).wait()
    pltpu.make_async_copy(tab_hbm.at[islot.at[1, 0]], buf1, gsem1).wait()
    plsc.subcore_barrier()
    pltpu.sync_copy(acc_sh.at[pl.ds(row0, rows_per_tile)],
                    out_hbm.at[c, pl.ds(row0, rows_per_tile)])

  return k(table, idx)


def _tc_matmul_scale(x_pad, w1, degp, blk):
  npad, d_in = x_pad.shape
  d_hid = w1.shape[1]
  nc = degp.shape[0]
  grid = npad // blk

  def body(xb, wb, degb, g1b, dinvb):
    deg = degb[0] + degb[1] + 1.0
    dinv = lax.rsqrt(deg)
    mm = jnp.dot(xb[...], wb[...], preferred_element_type=jnp.float32)
    g1b[...] = mm * dinv
    dinvb[...] = dinv

  return pl.pallas_call(
      body,
      grid=(grid,),
      in_specs=[
          pl.BlockSpec((blk, d_in), lambda i: (i, 0)),
          pl.BlockSpec((d_in, d_hid), lambda i: (0, 0)),
          pl.BlockSpec((nc, blk, 1), lambda i: (0, i, 0)),
      ],
      out_specs=[
          pl.BlockSpec((blk, d_hid), lambda i: (i, 0)),
          pl.BlockSpec((blk, 1), lambda i: (i, 0)),
      ],
      out_shape=[
          jax.ShapeDtypeStruct((npad, d_hid), jnp.float32),
          jax.ShapeDtypeStruct((npad, 1), jnp.float32),
      ],
  )(x_pad, w1, degp)


def _tc_layer2_in(p1, g1, dinv, b1, w2, blk):
  nc, npad, d_hid = p1.shape
  d_out = w2.shape[1]
  grid = npad // blk

  def body(pb, g1b, dinvb, b1b, wb, g2b):
    s = (pb[0] + pb[1] + g1b[...]) * dinvb[...]
    h = jnp.maximum(s + b1b[...], 0.0)
    mm = jnp.dot(h, wb[...], preferred_element_type=jnp.float32)
    g2b[...] = mm * dinvb[...]

  return pl.pallas_call(
      body,
      grid=(grid,),
      in_specs=[
          pl.BlockSpec((nc, blk, d_hid), lambda i: (0, i, 0)),
          pl.BlockSpec((blk, d_hid), lambda i: (i, 0)),
          pl.BlockSpec((blk, 1), lambda i: (i, 0)),
          pl.BlockSpec((1, d_hid), lambda i: (0, 0)),
          pl.BlockSpec((d_hid, d_out), lambda i: (0, 0)),
      ],
      out_specs=pl.BlockSpec((blk, d_out), lambda i: (i, 0)),
      out_shape=jax.ShapeDtypeStruct((npad, d_out), jnp.float32),
  )(p1, g1, dinv, b1, w2)


def _tc_combine(p2, g2, dinv, b2, blk):
  nc, npad, d_out = p2.shape
  grid = npad // blk

  def body(pb, g2b, dinvb, b2b, outb):
    outb[...] = (pb[0] + pb[1] + g2b[...]) * dinvb[...] + b2b[...]

  return pl.pallas_call(
      body,
      grid=(grid,),
      in_specs=[
          pl.BlockSpec((nc, blk, d_out), lambda i: (0, i, 0)),
          pl.BlockSpec((blk, d_out), lambda i: (i, 0)),
          pl.BlockSpec((blk, 1), lambda i: (i, 0)),
          pl.BlockSpec((1, 1), lambda i: (0, 0)),
      ],
      out_specs=pl.BlockSpec((blk, d_out), lambda i: (i, 0)),
      out_shape=jax.ShapeDtypeStruct((npad, d_out), jnp.float32),
  )(p2, g2, dinv, b2)


def kernel(x, edge_index, W1, b1, W2, b2):
  n, d_in = x.shape
  d_hid = W1.shape[1]
  d_out = W2.shape[1]
  e = edge_index.shape[1]
  nc, ns = _sc_mesh_info()
  nw = nc * ns

  npad = ((n + 1 + 1023) // 1024) * 1024
  blk = 5120 if npad % 5120 == 0 else 1024
  dump = n

  nch = math.ceil(e / (nw * CH))
  nch = ((nch + 3) // 4) * 4
  e_pad = nw * nch * CH
  src = edge_index[0].astype(jnp.int32)
  dst = edge_index[1].astype(jnp.int32)
  pad_n = e_pad - e
  pad_src = jnp.arange(pad_n, dtype=jnp.int32) % n
  pad_dst = n + jnp.arange(pad_n, dtype=jnp.int32) % (npad - n)
  la_n = nw * 4 * CH
  la_src = (jnp.arange(la_n, dtype=jnp.int32) % n).reshape(nw, 4, CH)
  la_dst = (n + jnp.arange(la_n, dtype=jnp.int32) % (npad - n)).reshape(
      nw, 4, CH)
  src_p = jnp.concatenate([src, pad_src]).reshape(nw, nch, CH)
  dst_p = jnp.concatenate([dst, pad_dst]).reshape(nw, nch, CH)
  src_p = jnp.concatenate([src_p, la_src], axis=1)
  dst_p = jnp.concatenate([dst_p, la_dst], axis=1)

  x_pad = jnp.zeros((npad, d_in), x.dtype).at[:n].set(x)

  degp = _sc_degree(dst_p, npad)

  g1, dinv = _tc_matmul_scale(x_pad, W1, degp.reshape(nc, npad, 1), blk)

  idx_c = jnp.stack([src_p, dst_p], axis=2)
  p1 = _sc_segsum_rows(g1, idx_c, npad, d_hid, nch)

  g2 = _tc_layer2_in(p1, g1, dinv, b1.reshape(1, d_hid), W2, blk)

  p2 = _sc_segsum_1d(g2.reshape(npad), src_p, dst_p, npad)

  out = _tc_combine(p2.reshape(nc, npad, 1), g2, dinv,
                    b2.reshape(1, 1), blk)
  return out[:n]

# --- scband reference (transcript-rebuilt; emitter-appended) ---
"""Pipeline reference for scband-simple-evgnn-46815143527094 (READ-ONLY COPY).

The authoritative reference and input builder live on the scoring server;
editing this copy changes nothing except your own understanding.
"""

import jax, jax.numpy as jnp
import numpy as np

N_NODES = 10000
N_EDGES = 320000
D_IN = 128
D_HID = 128
D_OUT = 1


def setup_inputs(seed: int = 0) -> dict:
    key = jax.random.key(seed)
    k1, k2, k3, k4, k5, k6 = jax.random.split(key, 6)
    x = jax.random.normal(k1, (N_NODES, D_IN), dtype=jnp.float32)
    edge_index = jax.random.randint(k2, (2, N_EDGES), 0, N_NODES, dtype=jnp.int64)
    W1 = jax.random.normal(k3, (D_IN, D_HID), dtype=jnp.float32) * (1.0 / np.sqrt(D_IN))
    b1 = jnp.zeros((D_HID,), dtype=jnp.float32)
    W2 = jax.random.normal(k4, (D_HID, D_OUT), dtype=jnp.float32) * (1.0 / np.sqrt(D_HID))
    b2 = jnp.zeros((D_OUT,), dtype=jnp.float32)
    return {"x": x, "edge_index": edge_index, "W1": W1, "b1": b1, "W2": W2, "b2": b2}


def _gcn_norm(edge_index, n):
    # add self loops (GCNConv default), compute symmetric normalization
    loop = jnp.arange(n, dtype=edge_index.dtype)
    src = jnp.concatenate([edge_index[0], loop])
    dst = jnp.concatenate([edge_index[1], loop])
    deg = jnp.zeros((n,), dtype=jnp.float32).at[dst].add(1.0)
    dinv = jnp.where(deg > 0, 1.0 / jnp.sqrt(deg), 0.0)
    norm = dinv[src] * dinv[dst]
    return src, dst, norm


def _gcn_conv(h, W, b, src, dst, norm, n):
    h = h @ W                      # linear transform first (PyG GCNConv)
    m = jnp.take(h, src, axis=0) * norm[:, None]   # gather + scale
    out = jax.ops.segment_sum(m, dst, num_segments=n)  # scatter-add
    return out + b


def reference(x, edge_index, W1, b1, W2, b2):
    n = x.shape[0]
    src, dst, norm = _gcn_norm(edge_index, n)
    h = jax.nn.relu(_gcn_conv(x, W1, b1, src, dst, norm, n))
    out = _gcn_conv(h, W2, b2, src, dst, norm, n)
    return out

if __name__ == "__main__":
    import jax
    _d = setup_inputs()
    print(jax.jit(kernel)(*tuple(_d.values())))

</pallas_src>

<mosaic_0001>
#map = affine_map<(d0, d1) -> (0, 0, 0)>
#map1 = affine_map<(d0, d1) -> (0, 0)>
module attributes {stable_mosaic.version = 14 : i64} {
  func.func @k(%arg0: i32, %arg1: i32, %arg2: memref<32x84x128xi32, #tpu.memory_space<hbm>>, %arg3: memref<2x10240xf32, #tpu.memory_space<hbm>>, %arg4: memref<84x128xi32, #tpu.memory_space<vmem>>, %arg5: memref<128xf32, #tpu.memory_space<vmem>>, %arg6: memref<640xf32, #tpu.memory_space<vmem>>, %arg7: memref<10240xf32, #tpu.memory_space<vmem_shared>>, %arg8: memref<!tpu.dma_semaphore, #tpu.memory_space<semaphore_mem>>) attributes {dimension_semantics = [#tpu.dimension_semantics<core_parallel>, #tpu.dimension_semantics<subcore_parallel>], iteration_bounds = array<i64: 2, 16>, scalar_prefetch = 0 : i64, scratch_operands = 5 : i64, tpu.core_type = #tpu.core_type<sc_vector_subcore>, window_params = [{transform_indices = #map}, {transform_indices = #map1}]} {
    %mul3A = arith.constant 2 : i32
    %mul3A_0 = arith.muli %arg1, %mul3A : i32
    %add3A = arith.addi %mul3A_0, %arg0 : i32
    "tpu.region"() ({
      %run_scoped3A = tpu.sem_alloc : memref<!tpu.dma_semaphore, #tpu.memory_space<semaphore_mem>>
      %dma_start3A = arith.constant 0 : i32
      %dma_start3A_295 = arith.constant 0 : i32
      %dma_start3A_296 = tpu.memref_slice %arg2[%add3A, %dma_start3A, %dma_start3A_295] : memref<32x84x128xi32, #tpu.memory_space<hbm>> -> memref<1x84x128xi32, #tpu.memory_space<hbm>>
      %dma_start3A_297 = tpu.memref_squeeze %dma_start3A_296 : memref<1x84x128xi32, #tpu.memory_space<hbm>> -> memref<84x128xi32, #tpu.memory_space<hbm>>
      %dma_start3A_298 = arith.constant 0 : i32
      %dma_start3A_299 = arith.constant 0 : i32
      %dma_start3A_300 = tpu.memref_slice %arg2[%add3A, %dma_start3A_298, %dma_start3A_299] : memref<32x84x128xi32, #tpu.memory_space<hbm>> -> memref<1x84x128xi32, #tpu.memory_space<hbm>>
      %dma_start3A_301 = tpu.memref_squeeze %dma_start3A_300 : memref<1x84x128xi32, #tpu.memory_space<hbm>> -> memref<84x128xi32, #tpu.memory_space<hbm>>
      tpu.enqueue_dma source(%dma_start3A_301 : memref<84x128xi32, #tpu.memory_space<hbm>>) target(%arg4 : memref<84x128xi32, #tpu.memory_space<vmem>>) target_semaphore(%run_scoped3A : memref<!tpu.dma_semaphore, #tpu.memory_space<semaphore_mem>>)
      %dma_wait3A = arith.constant 0 : i32
      %dma_wait3A_302 = arith.constant 0 : i32
      %dma_wait3A_303 = tpu.memref_slice %arg2[%add3A, %dma_wait3A, %dma_wait3A_302] : memref<32x84x128xi32, #tpu.memory_space<hbm>> -> memref<1x84x128xi32, #tpu.memory_space<hbm>>
      %dma_wait3A_304 = tpu.memref_squeeze %dma_wait3A_303 : memref<1x84x128xi32, #tpu.memory_space<hbm>> -> memref<84x128xi32, #tpu.memory_space<hbm>>
      %dma_wait3A_305 = arith.constant 0 : i32
      %dma_wait3A_306 = arith.constant 0 : i32
      %dma_wait3A_307 = tpu.memref_slice %arg2[%add3A, %dma_wait3A_305, %dma_wait3A_306] : memref<32x84x128xi32, #tpu.memory_space<hbm>> -> memref<1x84x128xi32, #tpu.memory_space<hbm>>
      %dma_wait3A_308 = tpu.memref_squeeze %dma_wait3A_307 : memref<1x84x128xi32, #tpu.memory_space<hbm>> -> memref<84x128xi32, #tpu.memory_space<hbm>>
      tpu.wait_dma2 semaphore(%run_scoped3A : memref<!tpu.dma_semaphore, #tpu.memory_space<semaphore_mem>>) src(%dma_wait3A_308 : memref<84x128xi32, #tpu.memory_space<hbm>>) dst(%arg4 : memref<84x128xi32, #tpu.memory_space<vmem>>)
      tpu.yield
    }) : () -> ()
    %broadcast_in_dim3A = arith.constant 1.000000e+00 : f32
    %broadcast_in_dim3A_1 = vector.broadcast %broadcast_in_dim3A : f32 to vector<16xf32>
    %swap3A = arith.constant 0 : index
    %swap3A_2 = tpu.vector_load %arg5[%swap3A] {strides = array<i32>} : memref<128xf32, #tpu.memory_space<vmem>>, vector<16xf32>,
    %swap3A_3 = vector.shape_cast %swap3A_2 : vector<16xf32> to vector<16xf32>
    %swap3A_4 = vector.shape_cast %broadcast_in_dim3A_1 : vector<16xf32> to vector<16xf32>
    tpu.vector_store %arg5[%swap3A], %swap3A_4 {strides = array<i32>} : memref<128xf32, #tpu.memory_space<vmem>>, vector<16xf32>,
    %broadcast_in_dim3A_5 = arith.constant 1.000000e+00 : f32
    %broadcast_in_dim3A_6 = vector.broadcast %broadcast_in_dim3A_5 : f32 to vector<16xf32>
    %swap3A_7 = arith.constant 16 : index
    %swap3A_8 = tpu.vector_load %arg5[%swap3A_7] {strides = array<i32>} : memref<128xf32, #tpu.memory_space<vmem>>, vector<16xf32>,
    %swap3A_9 = vector.shape_cast %swap3A_8 : vector<16xf32> to vector<16xf32>
    %swap3A_10 = vector.shape_cast %broadcast_in_dim3A_6 : vector<16xf32> to vector<16xf32>
    tpu.vector_store %arg5[%swap3A_7], %swap3A_10 {strides = array<i32>} : memref<128xf32, #tpu.memory_space<vmem>>, vector<16xf32>,
    %broadcast_in_dim3A_11 = arith.constant 1.000000e+00 : f32
    %broadcast_in_dim3A_12 = vector.broadcast %broadcast_in_dim3A_11 : f32 to vector<16xf32>
    %swap3A_13 = arith.constant 32 : index
    %swap3A_14 = tpu.vector_load %arg5[%swap3A_13] {strides = array<i32>} : memref<128xf32, #tpu.memory_space<vmem>>, vector<16xf32>,
    %swap3A_15 = vector.shape_cast %swap3A_14 : vector<16xf32> to vector<16xf32>
    %swap3A_16 = vector.shape_cast %broadcast_in_dim3A_12 : vector<16xf32> to vector<16xf32>
    tpu.vector_store %arg5[%swap3A_13], %swap3A_16 {strides = array<i32>} : memref<128xf32, #tpu.memory_space<vmem>>, vector<16xf32>,
    %broadcast_in_dim3A_17 = arith.constant 1.000000e+00 : f32
    %broadcast_in_dim3A_18 = vector.broadcast %broadcast_in_dim3A_17 : f32 to vector<16xf32>
    %swap3A_19 = arith.constant 48 : index
    %swap3A_20 = tpu.vector_load %arg5[%swap3A_19] {strides = array<i32>} : memref<128xf32, #tpu.memory_space<vmem>>, vector<16xf32>,
    %swap3A_21 = vector.shape_cast %swap3A_20 : vector<16xf32> to vector<16xf32>
    %swap3A_22 = vector.shape_cast %broadcast_in_dim3A_18 : vector<16xf32> to vector<16xf32>
    tpu.vector_store %arg5[%swap3A_19], %swap3A_22 {strides = array<i32>} : memref<128xf32, #tpu.memory_space<vmem>>, vector<16xf32>,
    %broadcast_in_dim3A_23 = arith.constant 1.000000e+00 : f32
    %broadcast_in_dim3A_24 = vector.broadcast %broadcast_in_dim3A_23 : f32 to vector<16xf32>
    %swap3A_25 = arith.constant 64 : index
    %swap3A_26 = tpu.vector_load %arg5[%swap3A_25] {strides = array<i32>} : memref<128xf32, #tpu.memory_space<vmem>>, vector<16xf32>,
    %swap3A_27 = vector.shape_cast %swap3A_26 : vector<16xf32> to vector<16xf32>
    %swap3A_28 = vector.shape_cast %broadcast_in_dim3A_24 : vector<16xf32> to vector<16xf32>
    tpu.vector_store %arg5[%swap3A_25], %swap3A_28 {strides = array<i32>} : memref<128xf32, #tpu.memory_space<vmem>>, vector<16xf32>,
    %broadcast_in_dim3A_29 = arith.constant 1.000000e+00 : f32
    %broadcast_in_dim3A_30 = vector.broadcast %broadcast_in_dim3A_29 : f32 to vector<16xf32>
    %swap3A_31 = arith.constant 80 : index
    %swap3A_32 = tpu.vector_load %arg5[%swap3A_31] {strides = array<i32>} : memref<128xf32, #tpu.memory_space<vmem>>, vector<16xf32>,
    %swap3A_33 = vector.shape_cast %swap3A_32 : vector<16xf32> to vector<16xf32>
    %swap3A_34 = vector.shape_cast %broadcast_in_dim3A_30 : vector<16xf32> to vector<16xf32>
    tpu.vector_store %arg5[%swap3A_31], %swap3A_34 {strides = array<i32>} : memref<128xf32, #tpu.memory_space<vmem>>, vector<16xf32>,
    %broadcast_in_dim3A_35 = arith.constant 1.000000e+00 : f32
    %broadcast_in_dim3A_36 = vector.broadcast %broadcast_in_dim3A_35 : f32 to vector<16xf32>
    %swap3A_37 = arith.constant 96 : index
    %swap3A_38 = tpu.vector_load %arg5[%swap3A_37] {strides = array<i32>} : memref<128xf32, #tpu.memory_space<vmem>>, vector<16xf32>,
    %swap3A_39 = vector.shape_cast %swap3A_38 : vector<16xf32> to vector<16xf32>
    %swap3A_40 = vector.shape_cast %broadcast_in_dim3A_36 : vector<16xf32> to vector<16xf32>
    tpu.vector_store %arg5[%swap3A_37], %swap3A_40 {strides = array<i32>} : memref<128xf32, #tpu.memory_space<vmem>>, vector<16xf32>,
    %broadcast_in_dim3A_41 = arith.constant 1.000000e+00 : f32
    %broadcast_in_dim3A_42 = vector.broadcast %broadcast_in_dim3A_41 : f32 to vector<16xf32>
    %swap3A_43 = arith.constant 112 : index
    %swap3A_44 = tpu.vector_load %arg5[%swap3A_43] {strides = array<i32>} : memref<128xf32, #tpu.memory_space<vmem>>, vector<16xf32>,
    %swap3A_45 = vector.shape_cast %swap3A_44 : vector<16xf32> to vector<16xf32>
    %swap3A_46 = vector.shape_cast %broadcast_in_dim3A_42 : vector<16xf32> to vector<16xf32>
    tpu.vector_store %arg5[%swap3A_43], %swap3A_46 {strides = array<i32>} : memref<128xf32, #tpu.memory_space<vmem>>, vector<16xf32>,
    %broadcast_in_dim3A_47 = arith.constant 0.000000e+00 : f32
    %broadcast_in_dim3A_48 = vector.broadcast %broadcast_in_dim3A_47 : f32 to vector<16xf32>
    %swap3A_49 = arith.constant 0 : index
    %swap3A_50 = tpu.vector_load %arg6[%swap3A_49] {strides = array<i32>} : memref<640xf32, #tpu.memory_space<vmem>>, vector<16xf32>,
    %swap3A_51 = vector.shape_cast %swap3A_50 : vector<16xf32> to vector<16xf32>
    %swap3A_52 = vector.shape_cast %broadcast_in_dim3A_48 : vector<16xf32> to vector<16xf32>
    tpu.vector_store %arg6[%swap3A_49], %swap3A_52 {strides = array<i32>} : memref<640xf32, #tpu.memory_space<vmem>>, vector<16xf32>,
    %broadcast_in_dim3A_53 = arith.constant 0.000000e+00 : f32
    %broadcast_in_dim3A_54 = vector.broadcast %broadcast_in_dim3A_53 : f32 to vector<16xf32>
    %swap3A_55 = arith.constant 16 : index
    %swap3A_56 = tpu.vector_load %arg6[%swap3A_55] {strides = array<i32>} : memref<640xf32, #tpu.memory_space<vmem>>, vector<16xf32>,
    %swap3A_57 = vector.shape_cast %swap3A_56 : vector<16xf32> to vector<16xf32>
    %swap3A_58 = vector.shape_cast %broadcast_in_dim3A_54 : vector<16xf32> to vector<16xf32>
    tpu.vector_store %arg6[%swap3A_55], %swap3A_58 {strides = array<i32>} : memref<640xf32, #tpu.memory_space<vmem>>, vector<16xf32>,
    %broadcast_in_dim3A_59 = arith.constant 0.000000e+00 : f32
    %broadcast_in_dim3A_60 = vector.broadcast %broadcast_in_dim3A_59 : f32 to vector<16xf32>
    %swap3A_61 = arith.constant 32 : index
    %swap3A_62 = tpu.vector_load %arg6[%swap3A_61] {strides = array<i32>} : memref<640xf32, #tpu.memory_space<vmem>>, vector<16xf32>,
    %swap3A_63 = vector.shape_cast %swap3A_62 : vector<16xf32> to vector<16xf32>
    %swap3A_64 = vector.shape_cast %broadcast_in_dim3A_60 : vector<16xf32> to vector<16xf32>
    tpu.vector_store %arg6[%swap3A_61], %swap3A_64 {strides = array<i32>} : memref<640xf32, #tpu.memory_space<vmem>>, vector<16xf32>,
    %broadcast_in_dim3A_65 = arith.constant 0.000000e+00 : f32
    %broadcast_in_dim3A_66 = vector.broadcast %broadcast_in_dim3A_65 : f32 to vector<16xf32>
    %swap3A_67 = arith.constant 48 : index
    %swap3A_68 = tpu.vector_load %arg6[%swap3A_67] {strides = array<i32>} : memref<640xf32, #tpu.memory_space<vmem>>, vector<16xf32>,
    %swap3A_69 = vector.shape_cast %swap3A_68 : vector<16xf32> to vector<16xf32>
    %swap3A_70 = vector.shape_cast %broadcast_in_dim3A_66 : vector<16xf32> to vector<16xf32>
    tpu.vector_store %arg6[%swap3A_67], %swap3A_70 {strides = array<i32>} : memref<640xf32, #tpu.memory_space<vmem>>, vector<16xf32>,
    %broadcast_in_dim3A_71 = arith.constant 0.000000e+00 : f32
    %broadcast_in_dim3A_72 = vector.broadcast %broadcast_in_dim3A_71 : f32 to vector<16xf32>
    %swap3A_73 = arith.constant 64 : index
    %swap3A_74 = tpu.vector_load %arg6[%swap3A_73] {strides = array<i32>} : memref<640xf32, #tpu.memory_space<vmem>>, vector<16xf32>,
    %swap3A_75 = vector.shape_cast %swap3A_74 : vector<16xf32> to vector<16xf32>
    %swap3A_76 = vector.shape_cast %broadcast_in_dim3A_72 : vector<16xf32> to vector<16xf32>
    tpu.vector_store %arg6[%swap3A_73], %swap3A_76 {strides = array<i32>} : memref<640xf32, #tpu.memory_space<vmem>>, vector<16xf32>,
    %broadcast_in_dim3A_77 = arith.constant 0.000000e+00 : f32
    %broadcast_in_dim3A_78 = vector.broadcast %broadcast_in_dim3A_77 : f32 to vector<16xf32>
    %swap3A_79 = arith.constant 80 : index
    %swap3A_80 = tpu.vector_load %arg6[%swap3A_79] {strides = array<i32>} : memref<640xf32, #tpu.memory_space<vmem>>, vector<16xf32>,
    %swap3A_81 = vector.shape_cast %swap3A_80 : vector<16xf32> to vector<16xf32>
    %swap3A_82 = vector.shape_cast %broadcast_in_dim3A_78 : vector<16xf32> to vector<16xf32>
    tpu.vector_store %arg6[%swap3A_79], %swap3A_82 {strides = array<i32>} : memref<640xf32, #tpu.memory_space<vmem>>, vector<16xf32>,
    %broadcast_in_dim3A_83 = arith.constant 0.000000e+00 : f32
    %broadcast_in_dim3A_84 = vector.broadcast %broadcast_in_dim3A_83 : f32 to vector<16xf32>
    %swap3A_85 = arith.constant 96 : index
    %swap3A_86 = tpu.vector_load %arg6[%swap3A_85] {strides = array<i32>} : memref<640xf32, #tpu.memory_space<vmem>>, vector<16xf32>,
    %swap3A_87 = vector.shape_cast %swap3A_86 : vector<16xf32> to vector<16xf32>
    %swap3A_88 = vector.shape_cast %broadcast_in_dim3A_84 : vector<16xf32> to vector<16xf32>
    tpu.vector_store %arg6[%swap3A_85], %swap3A_88 {strides = array<i32>} : memref<640xf32, #tpu.memory_space<vmem>>, vector<16xf32>,
    %broadcast_in_dim3A_89 = arith.constant 0.000000e+00 : f32
    %broadcast_in_dim3A_90 = vector.broadcast %broadcast_in_dim3A_89 : f32 to vector<16xf32>
    %swap3A_91 = arith.constant 112 : index
    %swap3A_92 = tpu.vector_load %arg6[%swap3A_91] {strides = array<i32>} : memref<640xf32, #tpu.memory_space<vmem>>, vector<16xf32>,
    %swap3A_93 = vector.shape_cast %swap3A_92 : vector<16xf32> to vector<16xf32>
    %swap3A_94 = vector.shape_cast %broadcast_in_dim3A_90 : vector<16xf32> to vector<16xf32>
    tpu.vector_store %arg6[%swap3A_91], %swap3A_94 {strides = array<i32>} : memref<640xf32, #tpu.memory_space<vmem>>, vector<16xf32>,
    %broadcast_in_dim3A_95 = arith.constant 0.000000e+00 : f32
    %broadcast_in_dim3A_96 = vector.broadcast %broadcast_in_dim3A_95 : f32 to vector<16xf32>
    %swap3A_97 = arith.constant 128 : index
    %swap3A_98 = tpu.vector_load %arg6[%swap3A_97] {strides = array<i32>} : memref<640xf32, #tpu.memory_space<vmem>>, vector<16xf32>,
    %swap3A_99 = vector.shape_cast %swap3A_98 : vector<16xf32> to vector<16xf32>
    %swap3A_100 = vector.shape_cast %broadcast_in_dim3A_96 : vector<16xf32> to vector<16xf32>
    tpu.vector_store %arg6[%swap3A_97], %swap3A_100 {strides = array<i32>} : memref<640xf32, #tpu.memory_space<vmem>>, vector<16xf32>,
    %broadcast_in_dim3A_101 = arith.constant 0.000000e+00 : f32
    %broadcast_in_dim3A_102 = vector.broadcast %broadcast_in_dim3A_101 : f32 to vector<16xf32>
    %swap3A_103 = arith.constant 144 : index
    %swap3A_104 = tpu.vector_load %arg6[%swap3A_103] {strides = array<i32>} : memref<640xf32, #tpu.memory_space<vmem>>, vector<16xf32>,
    %swap3A_105 = vector.shape_cast %swap3A_104 : vector<16xf32> to vector<16xf32>
    %swap3A_106 = vector.shape_cast %broadcast_in_dim3A_102 : vector<16xf32> to vector<16xf32>
    tpu.vector_store %arg6[%swap3A_103], %swap3A_106 {strides = array<i32>} : memref<640xf32, #tpu.memory_space<vmem>>, vector<16xf32>,
    %broadcast_in_dim3A_107 = arith.constant 0.000000e+00 : f32
    %broadcast_in_dim3A_108 = vector.broadcast %broadcast_in_dim3A_107 : f32 to vector<16xf32>
    %swap3A_109 = arith.constant 160 : index
    %swap3A_110 = tpu.vector_load %arg6[%swap3A_109] {strides = array<i32>} : memref<640xf32, #tpu.memory_space<vmem>>, vector<16xf32>,
    %swap3A_111 = vector.shape_cast %swap3A_110 : vector<16xf32> to vector<16xf32>
    %swap3A_112 = vector.shape_cast %broadcast_in_dim3A_108 : vector<16xf32> to vector<16xf32>
    tpu.vector_store %arg6[%swap3A_109], %swap3A_112 {strides = array<i32>} : memref<640xf32, #tpu.memory_space<vmem>>, vector<16xf32>,
    %broadcast_in_dim3A_113 = arith.constant 0.000000e+00 : f32
    %broadcast_in_dim3A_114 = vector.broadcast %broadcast_in_dim3A_113 : f32 to vector<16xf32>
    %swap3A_115 = arith.constant 176 : index
    %swap3A_116 = tpu.vector_load %arg6[%swap3A_115] {strides = array<i32>} : memref<640xf32, #tpu.memory_space<vmem>>, vector<16xf32>,
    %swap3A_117 = vector.shape_cast %swap3A_116 : vector<16xf32> to vector<16xf32>
    %swap3A_118 = vector.shape_cast %broadcast_in_dim3A_114 : vector<16xf32> to vector<16xf32>
    tpu.vector_store %arg6[%swap3A_115], %swap3A_118 {strides = array<i32>} : memref<640xf32, #tpu.memory_space<vmem>>, vector<16xf32>,
    %broadcast_in_dim3A_119 = arith.constant 0.000000e+00 : f32
    %broadcast_in_dim3A_120 = vector.broadcast %broadcast_in_dim3A_119 : f32 to vector<16xf32>
    %swap3A_121 = arith.constant 192 : index
    %swap3A_122 = tpu.vector_load %arg6[%swap3A_121] {strides = array<i32>} : memref<640xf32, #tpu.memory_space<vmem>>, vector<16xf32>,
    %swap3A_123 = vector.shape_cast %swap3A_122 : vector<16xf32> to vector<16xf32>
    %swap3A_124 = vector.shape_cast %broadcast_in_dim3A_120 : vector<16xf32> to vector<16xf32>
    tpu.vector_store %arg6[%swap3A_121], %swap3A_124 {strides = array<i32>} : memref<640xf32, #tpu.memory_space<vmem>>, vector<16xf32>,
    %broadcast_in_dim3A_125 = arith.constant 0.000000e+00 : f32
    %broadcast_in_dim3A_126 = vector.broadcast %broadcast_in_dim3A_125 : f32 to vector<16xf32>
    %swap3A_127 = arith.constant 208 : index
    %swap3A_128 = tpu.vector_load %arg6[%swap3A_127] {strides = array<i32>} : memref<640xf32, #tpu.memory_space<vmem>>, vector<16xf32>,
    %swap3A_129 = vector.shape_cast %swap3A_128 : vector<16xf32> to vector<16xf32>
    %swap3A_130 = vector.shape_cast %broadcast_in_dim3A_126 : vector<16xf32> to vector<16xf32>
    tpu.vector_store %arg6[%swap3A_127], %swap3A_130 {strides = array<i32>} : memref<640xf32, #tpu.memory_space<vmem>>, vector<16xf32>,
    %broadcast_in_dim3A_131 = arith.constant 0.000000e+00 : f32
    %broadcast_in_dim3A_132 = vector.broadcast %broadcast_in_dim3A_131 : f32 to vector<16xf32>
    %swap3A_133 = arith.constant 224 : index
    %swap3A_134 = tpu.vector_load %arg6[%swap3A_133] {strides = array<i32>} : memref<640xf32, #tpu.memory_space<vmem>>, vector<16xf32>,
    %swap3A_135 = vector.shape_cast %swap3A_134 : vector<16xf32> to vector<16xf32>
    %swap3A_136 = vector.shape_cast %broadcast_in_dim3A_132 : vector<16xf32> to vector<16xf32>
    tpu.vector_store %arg6[%swap3A_133], %swap3A_136 {strides = array<i32>} : memref<640xf32, #tpu.memory_space<vmem>>, vector<16xf32>,
    %broadcast_in_dim3A_137 = arith.constant 0.000000e+00 : f32
    %broadcast_in_dim3A_138 = vector.broadcast %broadcast_in_dim3A_137 : f32 to vector<16xf32>
    %swap3A_139 = arith.constant 240 : index
    %swap3A_140 = tpu.vector_load %arg6[%swap3A_139] {strides = array<i32>} : memref<640xf32, #tpu.memory_space<vmem>>, vector<16xf32>,
    %swap3A_141 = vector.shape_cast %swap3A_140 : vector<16xf32> to vector<16xf32>
    %swap3A_142 = vector.shape_cast %broadcast_in_dim3A_138 : vector<16xf32> to vector<16xf32>
    tpu.vector_store %arg6[%swap3A_139], %swap3A_142 {strides = array<i32>} : memref<640xf32, #tpu.memory_space<vmem>>, vector<16xf32>,
    %broadcast_in_dim3A_143 = arith.constant 0.000000e+00 : f32
    %broadcast_in_dim3A_144 = vector.broadcast %broadcast_in_dim3A_143 : f32 to vector<16xf32>
    %swap3A_145 = arith.constant 256 : index
    %swap3A_146 = tpu.vector_load %arg6[%swap3A_145] {strides = array<i32>} : memref<640xf32, #tpu.memory_space<vmem>>, vector<16xf32>,
    %swap3A_147 = vector.shape_cast %swap3A_146 : vector<16xf32> to vector<16xf32>
    %swap3A_148 = vector.shape_cast %broadcast_in_dim3A_144 : vector<16xf32> to vector<16xf32>
    tpu.vector_store %arg6[%swap3A_145], %swap3A_148 {strides = array<i32>} : memref<640xf32, #tpu.memory_space<vmem>>, vector<16xf32>,
    %broadcast_in_dim3A_149 = arith.constant 0.000000e+00 : f32
    %broadcast_in_dim3A_150 = vector.broadcast %broadcast_in_dim3A_149 : f32 to vector<16xf32>
    %swap3A_151 = arith.constant 272 : index
    %swap3A_152 = tpu.vector_load %arg6[%swap3A_151] {strides = array<i32>} : memref<640xf32, #tpu.memory_space<vmem>>, vector<16xf32>,
    %swap3A_153 = vector.shape_cast %swap3A_152 : vector<16xf32> to vector<16xf32>
    %swap3A_154 = vector.shape_cast %broadcast_in_dim3A_150 : vector<16xf32> to vector<16xf32>
    tpu.vector_store %arg6[%swap3A_151], %swap3A_154 {strides = array<i32>} : memref<640xf32, #tpu.memory_space<vmem>>, vector<16xf32>,
    %broadcast_in_dim3A_155 = arith.constant 0.000000e+00 : f32
    %broadcast_in_dim3A_156 = vector.broadcast %broadcast_in_dim3A_155 : f32 to vector<16xf32>
    %swap3A_157 = arith.constant 288 : index
    %swap3A_158 = tpu.vector_load %arg6[%swap3A_157] {strides = array<i32>} : memref<640xf32, #tpu.memory_space<vmem>>, vector<16xf32>,
    %swap3A_159 = vector.shape_cast %swap3A_158 : vector<16xf32> to vector<16xf32>
    %swap3A_160 = vector.shape_cast %broadcast_in_dim3A_156 : vector<16xf32> to vector<16xf32>
    tpu.vector_store %arg6[%swap3A_157], %swap3A_160 {strides = array<i32>} : memref<640xf32, #tpu.memory_space<vmem>>, vector<16xf32>,
    %broadcast_in_dim3A_161 = arith.constant 0.000000e+00 : f32
    %broadcast_in_dim3A_162 = vector.broadcast %broadcast_in_dim3A_161 : f32 to vector<16xf32>
    %swap3A_163 = arith.constant 304 : index
    %swap3A_164 = tpu.vector_load %arg6[%swap3A_163] {strides = array<i32>} : memref<640xf32, #tpu.memory_space<vmem>>, vector<16xf32>,
    %swap3A_165 = vector.shape_cast %swap3A_164 : vector<16xf32> to vector<16xf32>
    %swap3A_166 = vector.shape_cast %broadcast_in_dim3A_162 : vector<16xf32> to vector<16xf32>
    tpu.vector_store %arg6[%swap3A_163], %swap3A_166 {strides = array<i32>} : memref<640xf32, #tpu.memory_space<vmem>>, vector<16xf32>,
    %broadcast_in_dim3A_167 = arith.constant 0.000000e+00 : f32
    %broadcast_in_dim3A_168 = vector.broadcast %broadcast_in_dim3A_167 : f32 to vector<16xf32>
    %swap3A_169 = arith.constant 320 : index
    %swap3A_170 = tpu.vector_load %arg6[%swap3A_169] {strides = array<i32>} : memref<640xf32, #tpu.memory_space<vmem>>, vector<16xf32>,
    %swap3A_171 = vector.shape_cast %swap3A_170 : vector<16xf32> to vector<16xf32>
    %swap3A_172 = vector.shape_cast %broadcast_in_dim3A_168 : vector<16xf32> to vector<16xf32>
    tpu.vector_store %arg6[%swap3A_169], %swap3A_172 {strides = array<i32>} : memref<640xf32, #tpu.memory_space<vmem>>, vector<16xf32>,
    %broadcast_in_dim3A_173 = arith.constant 0.000000e+00 : f32
    %broadcast_in_dim3A_174 = vector.broadcast %broadcast_in_dim3A_173 : f32 to vector<16xf32>
    %swap3A_175 = arith.constant 336 : index
    %swap3A_176 = tpu.vector_load %arg6[%swap3A_175] {strides = array<i32>} : memref<640xf32, #tpu.memory_space<vmem>>, vector<16xf32>,
    %swap3A_177 = vector.shape_cast %swap3A_176 : vector<16xf32> to vector<16xf32>
    %swap3A_178 = vector.shape_cast %broadcast_in_dim3A_174 : vector<16xf32> to vector<16xf32>
    tpu.vector_store %arg6[%swap3A_175], %swap3A_178 {strides = array<i32>} : memref<640xf32, #tpu.memory_space<vmem>>, vector<16xf32>,
    %broadcast_in_dim3A_179 = arith.constant 0.000000e+00 : f32
    %broadcast_in_dim3A_180 = vector.broadcast %broadcast_in_dim3A_179 : f32 to vector<16xf32>
    %swap3A_181 = arith.constant 352 : index
    %swap3A_182 = tpu.vector_load %arg6[%swap3A_181] {strides = array<i32>} : memref<640xf32, #tpu.memory_space<vmem>>, vector<16xf32>,
    %swap3A_183 = vector.shape_cast %swap3A_182 : vector<16xf32> to vector<16xf32>
    %swap3A_184 = vector.shape_cast %broadcast_in_dim3A_180 : vector<16xf32> to vector<16xf32>
    tpu.vector_store %arg6[%swap3A_181], %swap3A_184 {strides = array<i32>} : memref<640xf32, #tpu.memory_space<vmem>>, vector<16xf32>,
    %broadcast_in_dim3A_185 = arith.constant 0.000000e+00 : f32
    %broadcast_in_dim3A_186 = vector.broadcast %broadcast_in_dim3A_185 : f32 to vector<16xf32>
    %swap3A_187 = arith.constant 368 : index
    %swap3A_188 = tpu.vector_load %arg6[%swap3A_187] {strides = array<i32>} : memref<640xf32, #tpu.memory_space<vmem>>, vector<16xf32>,
    %swap3A_189 = vector.shape_cast %swap3A_188 : vector<16xf32> to vector<16xf32>
    %swap3A_190 = vector.shape_cast %broadcast_in_dim3A_186 : vector<16xf32> to vector<16xf32>
    tpu.vector_store %arg6[%swap3A_187], %swap3A_190 {strides = array<i32>} : memref<640xf32, #tpu.memory_space<vmem>>, vector<16xf32>,
    %broadcast_in_dim3A_191 = arith.constant 0.000000e+00 : f32
    %broadcast_in_dim3A_192 = vector.broadcast %broadcast_in_dim3A_191 : f32 to vector<16xf32>
    %swap3A_193 = arith.constant 384 : index
    %swap3A_194 = tpu.vector_load %arg6[%swap3A_193] {strides = array<i32>} : memref<640xf32, #tpu.memory_space<vmem>>, vector<16xf32>,
    %swap3A_195 = vector.shape_cast %swap3A_194 : vector<16xf32> to vector<16xf32>
    %swap3A_196 = vector.shape_cast %broadcast_in_dim3A_192 : vector<16xf32> to vector<16xf32>
    tpu.vector_store %arg6[%swap3A_193], %swap3A_196 {strides = array<i32>} : memref<640xf32, #tpu.memory_space<vmem>>, vector<16xf32>,
    %broadcast_in_dim3A_197 = arith.constant 0.000000e+00 : f32
    %broadcast_in_dim3A_198 = vector.broadcast %broadcast_in_dim3A_197 : f32 to vector<16xf32>
    %swap3A_199 = arith.constant 400 : index
    %swap3A_200 = tpu.vector_load %arg6[%swap3A_199] {strides = array<i32>} : memref<640xf32, #tpu.memory_space<vmem>>, vector<16xf32>,
    %swap3A_201 = vector.shape_cast %swap3A_200 : vector<16xf32> to vector<16xf32>
    %swap3A_202 = vector.shape_cast %broadcast_in_dim3A_198 : vector<16xf32> to vector<16xf32>
    tpu.vector_store %arg6[%swap3A_199], %swap3A_202 {strides = array<i32>} : memref<640xf32, #tpu.memory_space<vmem>>, vector<16xf32>,
    %broadcast_in_dim3A_203 = arith.constant 0.000000e+00 : f32
    %broadcast_in_dim3A_204 = vector.broadcast %broadcast_in_dim3A_203 : f32 to vector<16xf32>
    %swap3A_205 = arith.constant 416 : index
    %swap3A_206 = tpu.vector_load %arg6[%swap3A_205] {strides = array<i32>} : memref<640xf32, #tpu.memory_space<vmem>>, vector<16xf32>,
    %swap3A_207 = vector.shape_cast %swap3A_206 : vector<16xf32> to vector<16xf32>
    %swap3A_208 = vector.shape_cast %broadcast_in_dim3A_204 : vector<16xf32> to vector<16xf32>
    tpu.vector_store %arg6[%swap3A_205], %swap3A_208 {strides = array<i32>} : memref<640xf32, #tpu.memory_space<vmem>>, vector<16xf32>,
    %broadcast_in_dim3A_209 = arith.constant 0.000000e+00 : f32
    %broadcast_in_dim3A_210 = vector.broadcast %broadcast_in_dim3A_209 : f32 to vector<16xf32>
    %swap3A_211 = arith.constant 432 : index
    %swap3A_212 = tpu.vector_load %arg6[%swap3A_211] {strides = array<i32>} : memref<640xf32, #tpu.memory_space<vmem>>, vector<16xf32>,
    %swap3A_213 = vector.shape_cast %swap3A_212 : vector<16xf32> to vector<16xf32>
    %swap3A_214 = vector.shape_cast %broadcast_in_dim3A_210 : vector<16xf32> to vector<16xf32>
    tpu.vector_store %arg6[%swap3A_211], %swap3A_214 {strides = array<i32>} : memref<640xf32, #tpu.memory_space<vmem>>, vector<16xf32>,
    %broadcast_in_dim3A_215 = arith.constant 0.000000e+00 : f32
    %broadcast_in_dim3A_216 = vector.broadcast %broadcast_in_dim3A_215 : f32 to vector<16xf32>
    %swap3A_217 = arith.constant 448 : index
    %swap3A_218 = tpu.vector_load %arg6[%swap3A_217] {strides = array<i32>} : memref<640xf32, #tpu.memory_space<vmem>>, vector<16xf32>,
    %swap3A_219 = vector.shape_cast %swap3A_218 : vector<16xf32> to vector<16xf32>
    %swap3A_220 = vector.shape_cast %broadcast_in_dim3A_216 : vector<16xf32> to vector<16xf32>
    tpu.vector_store %arg6[%swap3A_217], %swap3A_220 {strides = array<i32>} : memref<640xf32, #tpu.memory_space<vmem>>, vector<16xf32>,
    %broadcast_in_dim3A_221 = arith.constant 0.000000e+00 : f32
    %broadcast_in_dim3A_222 = vector.broadcast %broadcast_in_dim3A_221 : f32 to vector<16xf32>
    %swap3A_223 = arith.constant 464 : index
    %swap3A_224 = tpu.vector_load %arg6[%swap3A_223] {strides = array<i32>} : memref<640xf32, #tpu.memory_space<vmem>>, vector<16xf32>,
    %swap3A_225 = vector.shape_cast %swap3A_224 : vector<16xf32> to vector<16xf32>
    %swap3A_226 = vector.shape_cast %broadcast_in_dim3A_222 : vector<16xf32> to vector<16xf32>
    tpu.vector_store %arg6[%swap3A_223], %swap3A_226 {strides = array<i32>} : memref<640xf32, #tpu.memory_space<vmem>>, vector<16xf32>,
    %broadcast_in_dim3A_227 = arith.constant 0.000000e+00 : f32
    %broadcast_in_dim3A_228 = vector.broadcast %broadcast_in_dim3A_227 : f32 to vector<16xf32>
    %swap3A_229 = arith.constant 480 : index
    %swap3A_230 = tpu.vector_load %arg6[%swap3A_229] {strides = array<i32>} : memref<640xf32, #tpu.memory_space<vmem>>, vector<16xf32>,
    %swap3A_231 = vector.shape_cast %swap3A_230 : vector<16xf32> to vector<16xf32>
    %swap3A_232 = vector.shape_cast %broadcast_in_dim3A_228 : vector<16xf32> to vector<16xf32>
    tpu.vector_store %arg6[%swap3A_229], %swap3A_232 {strides = array<i32>} : memref<640xf32, #tpu.memory_space<vmem>>, vector<16xf32>,
    %broadcast_in_dim3A_233 = arith.constant 0.000000e+00 : f32
    %broadcast_in_dim3A_234 = vector.broadcast %broadcast_in_dim3A_233 : f32 to vector<16xf32>
    %swap3A_235 = arith.constant 496 : index
    %swap3A_236 = tpu.vector_load %arg6[%swap3A_235] {strides = array<i32>} : memref<640xf32, #tpu.memory_space<vmem>>, vector<16xf32>,
    %swap3A_237 = vector.shape_cast %swap3A_236 : vector<16xf32> to vector<16xf32>
    %swap3A_238 = vector.shape_cast %broadcast_in_dim3A_234 : vector<16xf32> to vector<16xf32>
    tpu.vector_store %arg6[%swap3A_235], %swap3A_238 {strides = array<i32>} : memref<640xf32, #tpu.memory_space<vmem>>, vector<16xf32>,
    %broadcast_in_dim3A_239 = arith.constant 0.000000e+00 : f32
    %broadcast_in_dim3A_240 = vector.broadcast %broadcast_in_dim3A_239 : f32 to vector<16xf32>
    %swap3A_241 = arith.constant 512 : index
    %swap3A_242 = tpu.vector_load %arg6[%swap3A_241] {strides = array<i32>} : memref<640xf32, #tpu.memory_space<vmem>>, vector<16xf32>,
    %swap3A_243 = vector.shape_cast %swap3A_242 : vector<16xf32> to vector<16xf32>
    %swap3A_244 = vector.shape_cast %broadcast_in_dim3A_240 : vector<16xf32> to vector<16xf32>
    tpu.vector_store %arg6[%swap3A_241], %swap3A_244 {strides = array<i32>} : memref<640xf32, #tpu.memory_space<vmem>>, vector<16xf32>,
    %broadcast_in_dim3A_245 = arith.constant 0.000000e+00 : f32
    %broadcast_in_dim3A_246 = vector.broadcast %broadcast_in_dim3A_245 : f32 to vector<16xf32>
    %swap3A_247 = arith.constant 528 : index
    %swap3A_248 = tpu.vector_load %arg6[%swap3A_247] {strides = array<i32>} : memref<640xf32, #tpu.memory_space<vmem>>, vector<16xf32>,
    %swap3A_249 = vector.shape_cast %swap3A_248 : vector<16xf32> to vector<16xf32>
    %swap3A_250 = vector.shape_cast %broadcast_in_dim3A_246 : vector<16xf32> to vector<16xf32>
    tpu.vector_store %arg6[%swap3A_247], %swap3A_250 {strides = array<i32>} : memref<640xf32, #tpu.memory_space<vmem>>, vector<16xf32>,
    %broadcast_in_dim3A_251 = arith.constant 0.000000e+00 : f32
    %broadcast_in_dim3A_252 = vector.broadcast %broadcast_in_dim3A_251 : f32 to vector<16xf32>
    %swap3A_253 = arith.constant 544 : index
    %swap3A_254 = tpu.vector_load %arg6[%swap3A_253] {strides = array<i32>} : memref<640xf32, #tpu.memory_space<vmem>>, vector<16xf32>,
    %swap3A_255 = vector.shape_cast %swap3A_254 : vector<16xf32> to vector<16xf32>
    %swap3A_256 = vector.shape_cast %broadcast_in_dim3A_252 : vector<16xf32> to vector<16xf32>
    tpu.vector_store %arg6[%swap3A_253], %swap3A_256 {strides = array<i32>} : memref<640xf32, #tpu.memory_space<vmem>>, vector<16xf32>,
    %broadcast_in_dim3A_257 = arith.constant 0.000000e+00 : f32
    %broadcast_in_dim3A_258 = vector.broadcast %broadcast_in_dim3A_257 : f32 to vector<16xf32>
    %swap3A_259 = arith.constant 560 : index
    %swap3A_260 = tpu.vector_load %arg6[%swap3A_259] {strides = array<i32>} : memref<640xf32, #tpu.memory_space<vmem>>, vector<16xf32>,
    %swap3A_261 = vector.shape_cast %swap3A_260 : vector<16xf32> to vector<16xf32>
    %swap3A_262 = vector.shape_cast %broadcast_in_dim3A_258 : vector<16xf32> to vector<16xf32>
    tpu.vector_store %arg6[%swap3A_259], %swap3A_262 {strides = array<i32>} : memref<640xf32, #tpu.memory_space<vmem>>, vector<16xf32>,
    %broadcast_in_dim3A_263 = arith.constant 0.000000e+00 : f32
    %broadcast_in_dim3A_264 = vector.broadcast %broadcast_in_dim3A_263 : f32 to vector<16xf32>
    %swap3A_265 = arith.constant 576 : index
    %swap3A_266 = tpu.vector_load %arg6[%swap3A_265] {strides = array<i32>} : memref<640xf32, #tpu.memory_space<vmem>>, vector<16xf32>,
    %swap3A_267 = vector.shape_cast %swap3A_266 : vector<16xf32> to vector<16xf32>
    %swap3A_268 = vector.shape_cast %broadcast_in_dim3A_264 : vector<16xf32> to vector<16xf32>
    tpu.vector_store %arg6[%swap3A_265], %swap3A_268 {strides = array<i32>} : memref<640xf32, #tpu.memory_space<vmem>>, vector<16xf32>,
    %broadcast_in_dim3A_269 = arith.constant 0.000000e+00 : f32
    %broadcast_in_dim3A_270 = vector.broadcast %broadcast_in_dim3A_269 : f32 to vector<16xf32>
    %swap3A_271 = arith.constant 592 : index
    %swap3A_272 = tpu.vector_load %arg6[%swap3A_271] {strides = array<i32>} : memref<640xf32, #tpu.memory_space<vmem>>, vector<16xf32>,
    %swap3A_273 = vector.shape_cast %swap3A_272 : vector<16xf32> to vector<16xf32>
    %swap3A_274 = vector.shape_cast %broadcast_in_dim3A_270 : vector<16xf32> to vector<16xf32>
    tpu.vector_store %arg6[%swap3A_271], %swap3A_274 {strides = array<i32>} : memref<640xf32, #tpu.memory_space<vmem>>, vector<16xf32>,
    %broadcast_in_dim3A_275 = arith.constant 0.000000e+00 : f32
    %broadcast_in_dim3A_276 = vector.broadcast %broadcast_in_dim3A_275 : f32 to vector<16xf32>
    %swap3A_277 = arith.constant 608 : index
    %swap3A_278 = tpu.vector_load %arg6[%swap3A_277] {strides = array<i32>} : memref<640xf32, #tpu.memory_space<vmem>>, vector<16xf32>,
    %swap3A_279 = vector.shape_cast %swap3A_278 : vector<16xf32> to vector<16xf32>
    %swap3A_280 = vector.shape_cast %broadcast_in_dim3A_276 : vector<16xf32> to vector<16xf32>
    tpu.vector_store %arg6[%swap3A_277], %swap3A_280 {strides = array<i32>} : memref<640xf32, #tpu.memory_space<vmem>>, vector<16xf32>,
    %broadcast_in_dim3A_281 = arith.constant 0.000000e+00 : f32
    %broadcast_in_dim3A_282 = vector.broadcast %broadcast_in_dim3A_281 : f32 to vector<16xf32>
    %swap3A_283 = arith.constant 624 : index
    %swap3A_284 = tpu.vector_load %arg6[%swap3A_283] {strides = array<i32>} : memref<640xf32, #tpu.memory_space<vmem>>, vector<16xf32>,
    %swap3A_285 = vector.shape_cast %swap3A_284 : vector<16xf32> to vector<16xf32>
    %swap3A_286 = vector.shape_cast %broadcast_in_dim3A_282 : vector<16xf32> to vector<16xf32>
    tpu.vector_store %arg6[%swap3A_283], %swap3A_286 {strides = array<i32>} : memref<640xf32, #tpu.memory_space<vmem>>, vector<16xf32>,
    %mul3A_287 = arith.constant 640 : i32
    %mul3A_288 = arith.muli %arg1, %mul3A_287 : i32
    "tpu.region"() ({
      %run_scoped3A = tpu.sem_alloc : memref<!tpu.dma_semaphore, #tpu.memory_space<semaphore_mem>>
      %dma_start3A = tpu.memref_slice %arg7[%mul3A_288] : memref<10240xf32, #tpu.memory_space<vmem_shared>> -> memref<640xf32, #tpu.memory_space<vmem_shared>>
      %dma_start3A_295 = tpu.memref_slice %arg7[%mul3A_288] : memref<10240xf32, #tpu.memory_space<vmem_shared>> -> memref<640xf32, #tpu.memory_space<vmem_shared>>
      tpu.enqueue_dma source(%arg6 : memref<640xf32, #tpu.memory_space<vmem>>) target(%dma_start3A_295 : memref<640xf32, #tpu.memory_space<vmem_shared>>) target_semaphore(%run_scoped3A : memref<!tpu.dma_semaphore, #tpu.memory_space<semaphore_mem>>)
      %dma_wait3A = tpu.memref_slice %arg7[%mul3A_288] : memref<10240xf32, #tpu.memory_space<vmem_shared>> -> memref<640xf32, #tpu.memory_space<vmem_shared>>
      %dma_wait3A_296 = tpu.memref_slice %arg7[%mul3A_288] : memref<10240xf32, #tpu.memory_space<vmem_shared>> -> memref<640xf32, #tpu.memory_space<vmem_shared>>
      tpu.wait_dma2 semaphore(%run_scoped3A : memref<!tpu.dma_semaphore, #tpu.memory_space<semaphore_mem>>) src(%arg6 : memref<640xf32, #tpu.memory_space<vmem>>) dst(%dma_wait3A_296 : memref<640xf32, #tpu.memory_space<vmem_shared>>)
      tpu.yield
    }) : () -> ()
    %barrier3A = arith.constant 0 : index
    tpu.barrier barrier_id(%barrier3A)
    %scan3A = arith.constant 0 : i32
    %scan3A_289 = arith.constant 0 : i32
    %scan3A_290 = arith.constant 7 : i32
    %scan3A_291 = arith.addi %scan3A_289, %scan3A_290 : i32
    %scan3A_292 = arith.constant 1 : i32
    scf.for %scan3A_295 = %scan3A_289 to %scan3A_291 step %scan3A_292  : i32 {
      %mul3A_296 = arith.constant 12 : i32
      %mul3A_297 = arith.muli %mul3A_296, %scan3A_295 : i32
      %add3A_298 = arith.constant 0 : i32
      %add3A_299 = arith.addi %mul3A_297, %add3A_298 : i32
      %dma_start3A = arith.constant 0 : i32
      %dma_start3A_300 = tpu.memref_slice %arg4[%add3A_299, %dma_start3A] : memref<84x128xi32, #tpu.memory_space<vmem>> -> memref<1x128xi32, #tpu.memory_space<vmem>>
      %dma_start3A_301 = tpu.memref_squeeze %dma_start3A_300 : memref<1x128xi32, #tpu.memory_space<vmem>> -> memref<128xi32, #tpu.memory_space<vmem>>
      %dma_start3A_302 = arith.constant 0 : i32
      %dma_start3A_303 = tpu.memref_slice %arg7[%dma_start3A_302] : memref<10240xf32, #tpu.memory_space<vmem_shared>> -> memref<10240xf32, #tpu.memory_space<vmem_shared>>
      tpu.enqueue_indirect_dma source(%arg5 : memref<128xf32, #tpu.memory_space<vmem>>) target(%dma_start3A_303 : memref<10240xf32, #tpu.memory_space<vmem_shared>>) offsets(%dma_start3A_301 : memref<128xi32, #tpu.memory_space<vmem>>) semaphore(%arg8 : memref<!tpu.dma_semaphore, #tpu.memory_space<semaphore_mem>>) {add = true}
      %add3A_304 = arith.constant 1 : i32
      %add3A_305 = arith.addi %mul3A_297, %add3A_304 : i32
      %dma_start3A_306 = arith.constant 0 : i32
      %dma_start3A_307 = tpu.memref_slice %arg4[%add3A_305, %dma_start3A_306] : memref<84x128xi32, #tpu.memory_space<vmem>> -> memref<1x128xi32, #tpu.memory_space<vmem>>
      %dma_start3A_308 = tpu.memref_squeeze %dma_start3A_307 : memref<1x128xi32, #tpu.memory_space<vmem>> -> memref<128xi32, #tpu.memory_space<vmem>>
      %dma_start3A_309 = arith.constant 0 : i32
      %dma_start3A_310 = tpu.memref_slice %arg7[%dma_start3A_309] : memref<10240xf32, #tpu.memory_space<vmem_shared>> -> memref<10240xf32, #tpu.memory_space<vmem_shared>>
      tpu.enqueue_indirect_dma source(%arg5 : memref<128xf32, #tpu.memory_space<vmem>>) target(%dma_start3A_310 : memref<10240xf32, #tpu.memory_space<vmem_shared>>) offsets(%dma_start3A_308 : memref<128xi32, #tpu.memory_space<vmem>>) semaphore(%arg8 : memref<!tpu.dma_semaphore, #tpu.memory_space<semaphore_mem>>) {add = true}
      %add3A_311 = arith.constant 2 : i32
      %add3A_312 = arith.addi %mul3A_297, %add3A_311 : i32
      %dma_start3A_313 = arith.constant 0 : i32
      %dma_start3A_314 = tpu.memref_slice %arg4[%add3A_312, %dma_start3A_313] : memref<84x128xi32, #tpu.memory_space<vmem>> -> memref<1x128xi32, #tpu.memory_space<vmem>>
      %dma_start3A_315 = tpu.memref_squeeze %dma_start3A_314 : memref<1x128xi32, #tpu.memory_space<vmem>> -> memref<128xi32, #tpu.memory_space<vmem>>
      %dma_start3A_316 = arith.constant 0 : i32
      %dma_start3A_317 = tpu.memref_slice %arg7[%dma_start3A_316] : memref<10240xf32, #tpu.memory_space<vmem_shared>> -> memref<10240xf32, #tpu.memory_space<vmem_shared>>
      tpu.enqueue_indirect_dma source(%arg5 : memref<128xf32, #tpu.memory_space<vmem>>) target(%dma_start3A_317 : memref<10240xf32, #tpu.memory_space<vmem_shared>>) offsets(%dma_start3A_315 : memref<128xi32, #tpu.memory_space<vmem>>) semaphore(%arg8 : memref<!tpu.dma_semaphore, #tpu.memory_space<semaphore_mem>>) {add = true}
      %add3A_318 = arith.constant 3 : i32
      %add3A_319 = arith.addi %mul3A_297, %add3A_318 : i32
      %dma_start3A_320 = arith.constant 0 : i32
      %dma_start3A_321 = tpu.memref_slice %arg4[%add3A_319, %dma_start3A_320] : memref<84x128xi32, #tpu.memory_space<vmem>> -> memref<1x128xi32, #tpu.memory_space<vmem>>
      %dma_start3A_322 = tpu.memref_squeeze %dma_start3A_321 : memref<1x128xi32, #tpu.memory_space<vmem>> -> memref<128xi32, #tpu.memory_space<vmem>>
      %dma_start3A_323 = arith.constant 0 : i32
      %dma_start3A_324 = tpu.memref_slice %arg7[%dma_start3A_323] : memref<10240xf32, #tpu.memory_space<vmem_shared>> -> memref<10240xf32, #tpu.memory_space<vmem_shared>>
      tpu.enqueue_indirect_dma source(%arg5 : memref<128xf32, #tpu.memory_space<vmem>>) target(%dma_start3A_324 : memref<10240xf32, #tpu.memory_space<vmem_shared>>) offsets(%dma_start3A_322 : memref<128xi32, #tpu.memory_space<vmem>>) semaphore(%arg8 : memref<!tpu.dma_semaphore, #tpu.memory_space<semaphore_mem>>) {add = true}
      %add3A_325 = arith.constant 4 : i32
      %add3A_326 = arith.addi %mul3A_297, %add3A_325 : i32
      %dma_start3A_327 = arith.constant 0 : i32
      %dma_start3A_328 = tpu.memref_slice %arg4[%add3A_326, %dma_start3A_327] : memref<84x128xi32, #tpu.memory_space<vmem>> -> memref<1x128xi32, #tpu.memory_space<vmem>>
      %dma_start3A_329 = tpu.memref_squeeze %dma_start3A_328 : memref<1x128xi32, #tpu.memory_space<vmem>> -> memref<128xi32, #tpu.memory_space<vmem>>
      %dma_start3A_330 = arith.constant 0 : i32
      %dma_start3A_331 = tpu.memref_slice %arg7[%dma_start3A_330] : memref<10240xf32, #tpu.memory_space<vmem_shared>> -> memref<10240xf32, #tpu.memory_space<vmem_shared>>
      tpu.enqueue_indirect_dma source(%arg5 : memref<128xf32, #tpu.memory_space<vmem>>) target(%dma_start3A_331 : memref<10240xf32, #tpu.memory_space<vmem_shared>>) offsets(%dma_start3A_329 : memref<128xi32, #tpu.memory_space<vmem>>) semaphore(%arg8 : memref<!tpu.dma_semaphore, #tpu.memory_space<semaphore_mem>>) {add = true}
      %add3A_332 = arith.constant 5 : i32
      %add3A_333 = arith.addi %mul3A_297, %add3A_332 : i32
      %dma_start3A_334 = arith.constant 0 : i32
      %dma_start3A_335 = tpu.memref_slice %arg4[%add3A_333, %dma_start3A_334] : memref<84x128xi32, #tpu.memory_space<vmem>> -> memref<1x128xi32, #tpu.memory_space<vmem>>
      %dma_start3A_336 = tpu.memref_squeeze %dma_start3A_335 : memref<1x128xi32, #tpu.memory_space<vmem>> -> memref<128xi32, #tpu.memory_space<vmem>>
      %dma_start3A_337 = arith.constant 0 : i32
      %dma_start3A_338 = tpu.memref_slice %arg7[%dma_start3A_337] : memref<10240xf32, #tpu.memory_space<vmem_shared>> -> memref<10240xf32, #tpu.memory_space<vmem_shared>>
      tpu.enqueue_indirect_dma source(%arg5 : memref<128xf32, #tpu.memory_space<vmem>>) target(%dma_start3A_338 : memref<10240xf32, #tpu.memory_space<vmem_shared>>) offsets(%dma_start3A_336 : memref<128xi32, #tpu.memory_space<vmem>>) semaphore(%arg8 : memref<!tpu.dma_semaphore, #tpu.memory_space<semaphore_mem>>) {add = true}
      %add3A_339 = arith.constant 6 : i32
      %add3A_340 = arith.addi %mul3A_297, %add3A_339 : i32
      %dma_start3A_341 = arith.constant 0 : i32
      %dma_start3A_342 = tpu.memref_slice %arg4[%add3A_340, %dma_start3A_341] : memref<84x128xi32, #tpu.memory_space<vmem>> -> memref<1x128xi32, #tpu.memory_space<vmem>>
      %dma_start3A_343 = tpu.memref_squeeze %dma_start3A_342 : memref<1x128xi32, #tpu.memory_space<vmem>> -> memref<128xi32, #tpu.memory_space<vmem>>
      %dma_start3A_344 = arith.constant 0 : i32
      %dma_start3A_345 = tpu.memref_slice %arg7[%dma_start3A_344] : memref<10240xf32, #tpu.memory_space<vmem_shared>> -> memref<10240xf32, #tpu.memory_space<vmem_shared>>
      tpu.enqueue_indirect_dma source(%arg5 : memref<128xf32, #tpu.memory_space<vmem>>) target(%dma_start3A_345 : memref<10240xf32, #tpu.memory_space<vmem_shared>>) offsets(%dma_start3A_343 : memref<128xi32, #tpu.memory_space<vmem>>) semaphore(%arg8 : memref<!tpu.dma_semaphore, #tpu.memory_space<semaphore_mem>>) {add = true}
      %add3A_346 = arith.constant 7 : i32
      %add3A_347 = arith.addi %mul3A_297, %add3A_346 : i32
      %dma_start3A_348 = arith.constant 0 : i32
      %dma_start3A_349 = tpu.memref_slice %arg4[%add3A_347, %dma_start3A_348] : memref<84x128xi32, #tpu.memory_space<vmem>> -> memref<1x128xi32, #tpu.memory_space<vmem>>
      %dma_start3A_350 = tpu.memref_squeeze %dma_start3A_349 : memref<1x128xi32, #tpu.memory_space<vmem>> -> memref<128xi32, #tpu.memory_space<vmem>>
      %dma_start3A_351 = arith.constant 0 : i32
      %dma_start3A_352 = tpu.memref_slice %arg7[%dma_start3A_351] : memref<10240xf32, #tpu.memory_space<vmem_shared>> -> memref<10240xf32, #tpu.memory_space<vmem_shared>>
      tpu.enqueue_indirect_dma source(%arg5 : memref<128xf32, #tpu.memory_space<vmem>>) target(%dma_start3A_352 : memref<10240xf32, #tpu.memory_space<vmem_shared>>) offsets(%dma_start3A_350 : memref<128xi32, #tpu.memory_space<vmem>>) semaphore(%arg8 : memref<!tpu.dma_semaphore, #tpu.memory_space<semaphore_mem>>) {add = true}
      %add3A_353 = arith.constant 8 : i32
      %add3A_354 = arith.addi %mul3A_297, %add3A_353 : i32
      %dma_start3A_355 = arith.constant 0 : i32
      %dma_start3A_356 = tpu.memref_slice %arg4[%add3A_354, %dma_start3A_355] : memref<84x128xi32, #tpu.memory_space<vmem>> -> memref<1x128xi32, #tpu.memory_space<vmem>>
      %dma_start3A_357 = tpu.memref_squeeze %dma_start3A_356 : memref<1x128xi32, #tpu.memory_space<vmem>> -> memref<128xi32, #tpu.memory_space<vmem>>
      %dma_start3A_358 = arith.constant 0 : i32
      %dma_start3A_359 = tpu.memref_slice %arg7[%dma_start3A_358] : memref<10240xf32, #tpu.memory_space<vmem_shared>> -> memref<10240xf32, #tpu.memory_space<vmem_shared>>
      tpu.enqueue_indirect_dma source(%arg5 : memref<128xf32, #tpu.memory_space<vmem>>) target(%dma_start3A_359 : memref<10240xf32, #tpu.memory_space<vmem_shared>>) offsets(%dma_start3A_357 : memref<128xi32, #tpu.memory_space<vmem>>) semaphore(%arg8 : memref<!tpu.dma_semaphore, #tpu.memory_space<semaphore_mem>>) {add = true}
      %add3A_360 = arith.constant 9 : i32
      %add3A_361 = arith.addi %mul3A_297, %add3A_360 : i32
      %dma_start3A_362 = arith.constant 0 : i32
      %dma_start3A_363 = tpu.memref_slice %arg4[%add3A_361, %dma_start3A_362] : memref<84x128xi32, #tpu.memory_space<vmem>> -> memref<1x128xi32, #tpu.memory_space<vmem>>
      %dma_start3A_364 = tpu.memref_squeeze %dma_start3A_363 : memref<1x128xi32, #tpu.memory_space<vmem>> -> memref<128xi32, #tpu.memory_space<vmem>>
      %dma_start3A_365 = arith.constant 0 : i32
      %dma_start3A_366 = tpu.memref_slice %arg7[%dma_start3A_365] : memref<10240xf32, #tpu.memory_space<vmem_shared>> -> memref<10240xf32, #tpu.memory_space<vmem_shared>>
      tpu.enqueue_indirect_dma source(%arg5 : memref<128xf32, #tpu.memory_space<vmem>>) target(%dma_start3A_366 : memref<10240xf32, #tpu.memory_space<vmem_shared>>) offsets(%dma_start3A_364 : memref<128xi32, #tpu.memory_space<vmem>>) semaphore(%arg8 : memref<!tpu.dma_semaphore, #tpu.memory_space<semaphore_mem>>) {add = true}
      %add3A_367 = arith.constant 10 : i32
      %add3A_368 = arith.addi %mul3A_297, %add3A_367 : i32
      %dma_start3A_369 = arith.constant 0 : i32
      %dma_start3A_370 = tpu.memref_slice %arg4[%add3A_368, %dma_start3A_369] : memref<84x128xi32, #tpu.memory_space<vmem>> -> memref<1x128xi32, #tpu.memory_space<vmem>>
      %dma_start3A_371 = tpu.memref_squeeze %dma_start3A_370 : memref<1x128xi32, #tpu.memory_space<vmem>> -> memref<128xi32, #tpu.memory_space<vmem>>
      %dma_start3A_372 = arith.constant 0 : i32
      %dma_start3A_373 = tpu.memref_slice %arg7[%dma_start3A_372] : memref<10240xf32, #tpu.memory_space<vmem_shared>> -> memref<10240xf32, #tpu.memory_space<vmem_shared>>
      tpu.enqueue_indirect_dma source(%arg5 : memref<128xf32, #tpu.memory_space<vmem>>) target(%dma_start3A_373 : memref<10240xf32, #tpu.memory_space<vmem_shared>>) offsets(%dma_start3A_371 : memref<128xi32, #tpu.memory_space<vmem>>) semaphore(%arg8 : memref<!tpu.dma_semaphore, #tpu.memory_space<semaphore_mem>>) {add = true}
      %add3A_374 = arith.constant 11 : i32
      %add3A_375 = arith.addi %mul3A_297, %add3A_374 : i32
      %dma_start3A_376 = arith.constant 0 : i32
      %dma_start3A_377 = tpu.memref_slice %arg4[%add3A_375, %dma_start3A_376] : memref<84x128xi32, #tpu.memory_space<vmem>> -> memref<1x128xi32, #tpu.memory_space<vmem>>
      %dma_start3A_378 = tpu.memref_squeeze %dma_start3A_377 : memref<1x128xi32, #tpu.memory_space<vmem>> -> memref<128xi32, #tpu.memory_space<vmem>>
      %dma_start3A_379 = arith.constant 0 : i32
      %dma_start3A_380 = tpu.memref_slice %arg7[%dma_start3A_379] : memref<10240xf32, #tpu.memory_space<vmem_shared>> -> memref<10240xf32, #tpu.memory_space<vmem_shared>>
      tpu.enqueue_indirect_dma source(%arg5 : memref<128xf32, #tpu.memory_space<vmem>>) target(%dma_start3A_380 : memref<10240xf32, #tpu.memory_space<vmem_shared>>) offsets(%dma_start3A_378 : memref<128xi32, #tpu.memory_space<vmem>>) semaphore(%arg8 : memref<!tpu.dma_semaphore, #tpu.memory_space<semaphore_mem>>) {add = true}
      %dma_wait3A = arith.constant 0 : i32
      %dma_wait3A_381 = arith.constant 0 : i32
      %dma_wait3A_382 = tpu.memref_slice %arg4[%dma_wait3A, %dma_wait3A_381] : memref<84x128xi32, #tpu.memory_space<vmem>> -> memref<1x128xi32, #tpu.memory_space<vmem>>
      %dma_wait3A_383 = tpu.memref_squeeze %dma_wait3A_382 : memref<1x128xi32, #tpu.memory_space<vmem>> -> memref<128xi32, #tpu.memory_space<vmem>>
      %dma_wait3A_384 = arith.constant 0 : i32
      %dma_wait3A_385 = tpu.memref_slice %arg7[%dma_wait3A_384] : memref<10240xf32, #tpu.memory_space<vmem_shared>> -> memref<10240xf32, #tpu.memory_space<vmem_shared>>
      tpu.wait_indirect_dma semaphore(%arg8 : memref<!tpu.dma_semaphore, #tpu.memory_space<semaphore_mem>>) src(%arg5 : memref<128xf32, #tpu.memory_space<vmem>>) dst(%dma_wait3A_385 : memref<10240xf32, #tpu.memory_space<vmem_shared>>)
      %dma_wait3A_386 = arith.constant 0 : i32
      %dma_wait3A_387 = arith.constant 0 : i32
      %dma_wait3A_388 = tpu.memref_slice %arg4[%dma_wait3A_386, %dma_wait3A_387] : memref<84x128xi32, #tpu.memory_space<vmem>> -> memref<1x128xi32, #tpu.memory_space<vmem>>
      %dma_wait3A_389 = tpu.memref_squeeze %dma_wait3A_388 : memref<1x128xi32, #tpu.memory_space<vmem>> -> memref<128xi32, #tpu.memory_space<vmem>>
      %dma_wait3A_390 = arith.constant 0 : i32
      %dma_wait3A_391 = tpu.memref_slice %arg7[%dma_wait3A_390] : memref<10240xf32, #tpu.memory_space<vmem_shared>> -> memref<10240xf32, #tpu.memory_space<vmem_shared>>
      tpu.wait_indirect_dma semaphore(%arg8 : memref<!tpu.dma_semaphore, #tpu.memory_space<semaphore_mem>>) src(%arg5 : memref<128xf32, #tpu.memory_space<vmem>>) dst(%dma_wait3A_391 : memref<10240xf32, #tpu.memory_space<vmem_shared>>)
      %dma_wait3A_392 = arith.constant 0 : i32
      %dma_wait3A_393 = arith.constant 0 : i32
      %dma_wait3A_394 = tpu.memref_slice %arg4[%dma_wait3A_392, %dma_wait3A_393] : memref<84x128xi32, #tpu.memory_space<vmem>> -> memref<1x128xi32, #tpu.memory_space<vmem>>
      %dma_wait3A_395 = tpu.memref_squeeze %dma_wait3A_394 : memref<1x128xi32, #tpu.memory_space<vmem>> -> memref<128xi32, #tpu.memory_space<vmem>>
      %dma_wait3A_396 = arith.constant 0 : i32
      %dma_wait3A_397 = tpu.memref_slice %arg7[%dma_wait3A_396] : memref<10240xf32, #tpu.memory_space<vmem_shared>> -> memref<10240xf32, #tpu.memory_space<vmem_shared>>
      tpu.wait_indirect_dma semaphore(%arg8 : memref<!tpu.dma_semaphore, #tpu.memory_space<semaphore_mem>>) src(%arg5 : memref<128xf32, #tpu.memory_space<vmem>>) dst(%dma_wait3A_397 : memref<10240xf32, #tpu.memory_space<vmem_shared>>)
      %dma_wait3A_398 = arith.constant 0 : i32
      %dma_wait3A_399 = arith.constant 0 : i32
      %dma_wait3A_400 = tpu.memref_slice %arg4[%dma_wait3A_398, %dma_wait3A_399] : memref<84x128xi32, #tpu.memory_space<vmem>> -> memref<1x128xi32, #tpu.memory_space<vmem>>
      %dma_wait3A_401 = tpu.memref_squeeze %dma_wait3A_400 : memref<1x128xi32, #tpu.memory_space<vmem>> -> memref<128xi32, #tpu.memory_space<vmem>>
      %dma_wait3A_402 = arith.constant 0 : i32
      %dma_wait3A_403 = tpu.memref_slice %arg7[%dma_wait3A_402] : memref<10240xf32, #tpu.memory_space<vmem_shared>> -> memref<10240xf32, #tpu.memory_space<vmem_shared>>
      tpu.wait_indirect_dma semaphore(%arg8 : memref<!tpu.dma_semaphore, #tpu.memory_space<semaphore_mem>>) src(%arg5 : memref<128xf32, #tpu.memory_space<vmem>>) dst(%dma_wait3A_403 : memref<10240xf32, #tpu.memory_space<vmem_shared>>)
      %dma_wait3A_404 = arith.constant 0 : i32
      %dma_wait3A_405 = arith.constant 0 : i32
      %dma_wait3A_406 = tpu.memref_slice %arg4[%dma_wait3A_404, %dma_wait3A_405] : memref<84x128xi32, #tpu.memory_space<vmem>> -> memref<1x128xi32, #tpu.memory_space<vmem>>
      %dma_wait3A_407 = tpu.memref_squeeze %dma_wait3A_406 : memref<1x128xi32, #tpu.memory_space<vmem>> -> memref<128xi32, #tpu.memory_space<vmem>>
      %dma_wait3A_408 = arith.constant 0 : i32
      %dma_wait3A_409 = tpu.memref_slice %arg7[%dma_wait3A_408] : memref<10240xf32, #tpu.memory_space<vmem_shared>> -> memref<10240xf32, #tpu.memory_space<vmem_shared>>
      tpu.wait_indirect_dma semaphore(%arg8 : memref<!tpu.dma_semaphore, #tpu.memory_space<semaphore_mem>>) src(%arg5 : memref<128xf32, #tpu.memory_space<vmem>>) dst(%dma_wait3A_409 : memref<10240xf32, #tpu.memory_space<vmem_shared>>)
      %dma_wait3A_410 = arith.constant 0 : i32
      %dma_wait3A_411 = arith.constant 0 : i32
      %dma_wait3A_412 = tpu.memref_slice %arg4[%dma_wait3A_410, %dma_wait3A_411] : memref<84x128xi32, #tpu.memory_space<vmem>> -> memref<1x128xi32, #tpu.memory_space<vmem>>
      %dma_wait3A_413 = tpu.memref_squeeze %dma_wait3A_412 : memref<1x128xi32, #tpu.memory_space<vmem>> -> memref<128xi32, #tpu.memory_space<vmem>>
      %dma_wait3A_414 = arith.constant 0 : i32
      %dma_wait3A_415 = tpu.memref_slice %arg7[%dma_wait3A_414] : memref<10240xf32, #tpu.memory_space<vmem_shared>> -> memref<10240xf32, #tpu.memory_space<vmem_shared>>
      tpu.wait_indirect_dma semaphore(%arg8 : memref<!tpu.dma_semaphore, #tpu.memory_space<semaphore_mem>>) src(%arg5 : memref<128xf32, #tpu.memory_space<vmem>>) dst(%dma_wait3A_415 : memref<10240xf32, #tpu.memory_space<vmem_shared>>)
      %dma_wait3A_416 = arith.constant 0 : i32
      %dma_wait3A_417 = arith.constant 0 : i32
      %dma_wait3A_418 = tpu.memref_slice %arg4[%dma_wait3A_416, %dma_wait3A_417] : memref<84x128xi32, #tpu.memory_space<vmem>> -> memref<1x128xi32, #tpu.memory_space<vmem>>
      %dma_wait3A_419 = tpu.memref_squeeze %dma_wait3A_418 : memref<1x128xi32, #tpu.memory_space<vmem>> -> memref<128xi32, #tpu.memory_space<vmem>>
      %dma_wait3A_420 = arith.constant 0 : i32
      %dma_wait3A_421 = tpu.memref_slice %arg7[%dma_wait3A_420] : memref<10240xf32, #tpu.memory_space<vmem_shared>> -> memref<10240xf32, #tpu.memory_space<vmem_shared>>
      tpu.wait_indirect_dma semaphore(%arg8 : memref<!tpu.dma_semaphore, #tpu.memory_space<semaphore_mem>>) src(%arg5 : memref<128xf32, #tpu.memory_space<vmem>>) dst(%dma_wait3A_421 : memref<10240xf32, #tpu.memory_space<vmem_shared>>)
      %dma_wait3A_422 = arith.constant 0 : i32
      %dma_wait3A_423 = arith.constant 0 : i32
      %dma_wait3A_424 = tpu.memref_slice %arg4[%dma_wait3A_422, %dma_wait3A_423] : memref<84x128xi32, #tpu.memory_space<vmem>> -> memref<1x128xi32, #tpu.memory_space<vmem>>
      %dma_wait3A_425 = tpu.memref_squeeze %dma_wait3A_424 : memref<1x128xi32, #tpu.memory_space<vmem>> -> memref<128xi32, #tpu.memory_space<vmem>>
      %dma_wait3A_426 = arith.constant 0 : i32
      %dma_wait3A_427 = tpu.memref_slice %arg7[%dma_wait3A_426] : memref<10240xf32, #tpu.memory_space<vmem_shared>> -> memref<10240xf32, #tpu.memory_space<vmem_shared>>
      tpu.wait_indirect_dma semaphore(%arg8 : memref<!tpu.dma_semaphore, #tpu.memory_space<semaphore_mem>>) src(%arg5 : memref<128xf32, #tpu.memory_space<vmem>>) dst(%dma_wait3A_427 : memref<10240xf32, #tpu.memory_space<vmem_shared>>)
      %dma_wait3A_428 = arith.constant 0 : i32
      %dma_wait3A_429 = arith.constant 0 : i32
      %dma_wait3A_430 = tpu.memref_slice %arg4[%dma_wait3A_428, %dma_wait3A_429] : memref<84x128xi32, #tpu.memory_space<vmem>> -> memref<1x128xi32, #tpu.memory_space<vmem>>
      %dma_wait3A_431 = tpu.memref_squeeze %dma_wait3A_430 : memref<1x128xi32, #tpu.memory_space<vmem>> -> memref<128xi32, #tpu.memory_space<vmem>>
      %dma_wait3A_432 = arith.constant 0 : i32
      %dma_wait3A_433 = tpu.memref_slice %arg7[%dma_wait3A_432] : memref<10240xf32, #tpu.memory_space<vmem_shared>> -> memref<10240xf32, #tpu.memory_space<vmem_shared>>
      tpu.wait_indirect_dma semaphore(%arg8 : memref<!tpu.dma_semaphore, #tpu.memory_space<semaphore_mem>>) src(%arg5 : memref<128xf32, #tpu.memory_space<vmem>>) dst(%dma_wait3A_433 : memref<10240xf32, #tpu.memory_space<vmem_shared>>)
      %dma_wait3A_434 = arith.constant 0 : i32
      %dma_wait3A_435 = arith.constant 0 : i32
      %dma_wait3A_436 = tpu.memref_slice %arg4[%dma_wait3A_434, %dma_wait3A_435] : memref<84x128xi32, #tpu.memory_space<vmem>> -> memref<1x128xi32, #tpu.memory_space<vmem>>
      %dma_wait3A_437 = tpu.memref_squeeze %dma_wait3A_436 : memref<1x128xi32, #tpu.memory_space<vmem>> -> memref<128xi32, #tpu.memory_space<vmem>>
      %dma_wait3A_438 = arith.constant 0 : i32
      %dma_wait3A_439 = tpu.memref_slice %arg7[%dma_wait3A_438] : memref<10240xf32, #tpu.memory_space<vmem_shared>> -> memref<10240xf32, #tpu.memory_space<vmem_shared>>
      tpu.wait_indirect_dma semaphore(%arg8 : memref<!tpu.dma_semaphore, #tpu.memory_space<semaphore_mem>>) src(%arg5 : memref<128xf32, #tpu.memory_space<vmem>>) dst(%dma_wait3A_439 : memref<10240xf32, #tpu.memory_space<vmem_shared>>)
      %dma_wait3A_440 = arith.constant 0 : i32
      %dma_wait3A_441 = arith.constant 0 : i32
      %dma_wait3A_442 = tpu.memref_slice %arg4[%dma_wait3A_440, %dma_wait3A_441] : memref<84x128xi32, #tpu.memory_space<vmem>> -> memref<1x128xi32, #tpu.memory_space<vmem>>
      %dma_wait3A_443 = tpu.memref_squeeze %dma_wait3A_442 : memref<1x128xi32, #tpu.memory_space<vmem>> -> memref<128xi32, #tpu.memory_space<vmem>>
      %dma_wait3A_444 = arith.constant 0 : i32
      %dma_wait3A_445 = tpu.memref_slice %arg7[%dma_wait3A_444] : memref<10240xf32, #tpu.memory_space<vmem_shared>> -> memref<10240xf32, #tpu.memory_space<vmem_shared>>
      tpu.wait_indirect_dma semaphore(%arg8 : memref<!tpu.dma_semaphore, #tpu.memory_space<semaphore_mem>>) src(%arg5 : memref<128xf32, #tpu.memory_space<vmem>>) dst(%dma_wait3A_445 : memref<10240xf32, #tpu.memory_space<vmem_shared>>)
      %dma_wait3A_446 = arith.constant 0 : i32
      %dma_wait3A_447 = arith.constant 0 : i32
      %dma_wait3A_448 = tpu.memref_slice %arg4[%dma_wait3A_446, %dma_wait3A_447] : memref<84x128xi32, #tpu.memory_space<vmem>> -> memref<1x128xi32, #tpu.memory_space<vmem>>
      %dma_wait3A_449 = tpu.memref_squeeze %dma_wait3A_448 : memref<1x128xi32, #tpu.memory_space<vmem>> -> memref<128xi32, #tpu.memory_space<vmem>>
      %dma_wait3A_450 = arith.constant 0 : i32
      %dma_wait3A_451 = tpu.memref_slice %arg7[%dma_wait3A_450] : memref<10240xf32, #tpu.memory_space<vmem_shared>> -> memref<10240xf32, #tpu.memory_space<vmem_shared>>
      tpu.wait_indirect_dma semaphore(%arg8 : memref<!tpu.dma_semaphore, #tpu.memory_space<semaphore_mem>>) src(%arg5 : memref<128xf32, #tpu.memory_space<vmem>>) dst(%dma_wait3A_451 : memref<10240xf32, #tpu.memory_space<vmem_shared>>)
    }
    %scan3A_293 = arith.constant 7 : i32
    %barrier3A_294 = arith.constant 0 : index
    tpu.barrier barrier_id(%barrier3A_294)
    "tpu.region"() ({
      %run_scoped3A = tpu.sem_alloc : memref<!tpu.dma_semaphore, #tpu.memory_space<semaphore_mem>>
      %dma_start3A = tpu.memref_slice %arg3[%arg0, %mul3A_288] : memref<2x10240xf32, #tpu.memory_space<hbm>> -> memref<1x640xf32, #tpu.memory_space<hbm>>
      %dma_start3A_295 = tpu.memref_squeeze %dma_start3A : memref<1x640xf32, #tpu.memory_space<hbm>> -> memref<640xf32, #tpu.memory_space<hbm>>
      %dma_start3A_296 = tpu.memref_slice %arg7[%mul3A_288] : memref<10240xf32, #tpu.memory_space<vmem_shared>> -> memref<640xf32, #tpu.memory_space<vmem_shared>>
      tpu.enqueue_dma source(%dma_start3A_296 : memref<640xf32, #tpu.memory_space<vmem_shared>>) target(%dma_start3A_295 : memref<640xf32, #tpu.memory_space<hbm>>) target_semaphore(%run_scoped3A : memref<!tpu.dma_semaphore, #tpu.memory_space<semaphore_mem>>)
      %dma_wait3A = tpu.memref_slice %arg3[%arg0, %mul3A_288] : memref<2x10240xf32, #tpu.memory_space<hbm>> -> memref<1x640xf32, #tpu.memory_space<hbm>>
      %dma_wait3A_297 = tpu.memref_squeeze %dma_wait3A : memref<1x640xf32, #tpu.memory_space<hbm>> -> memref<640xf32, #tpu.memory_space<hbm>>
      %dma_wait3A_298 = tpu.memref_slice %arg7[%mul3A_288] : memref<10240xf32, #tpu.memory_space<vmem_shared>> -> memref<640xf32, #tpu.memory_space<vmem_shared>>
      tpu.wait_dma2 semaphore(%run_scoped3A : memref<!tpu.dma_semaphore, #tpu.memory_space<semaphore_mem>>) src(%dma_wait3A_298 : memref<640xf32, #tpu.memory_space<vmem_shared>>) dst(%dma_wait3A_297 : memref<640xf32, #tpu.memory_space<hbm>>)
      tpu.yield
    }) : () -> ()
    return
  }
}

#map = affine_map<(d0, d1) -> (0)>
#map1 = affine_map<(d0, d1) -> (0, 0, 0)>
#map2 = affine_map<(d0, d1) -> (0, 0)>
module attributes {stable_mosaic.version = 14 : i64} {
  func.func @k(%arg0: i32, %arg1: i32, %arg2: memref<10240xf32, #tpu.memory_space<hbm>>, %arg3: memref<32x84x128xi32, #tpu.memory_space<hbm>>, %arg4: memref<32x84x128xi32, #tpu.memory_space<hbm>>, %arg5: memref<2x10240xf32, #tpu.memory_space<hbm>>, %arg6: memref<84x128xi32, #tpu.memory_space<vmem>>, %arg7: memref<84x128xi32, #tpu.memory_space<vmem>>, %arg8: memref<8x128xf32, #tpu.memory_space<vmem>>, %arg9: memref<640xf32, #tpu.memory_space<vmem>>, %arg10: memref<10240xf32, #tpu.memory_space<vmem_shared>>, %arg11: memref<!tpu.dma_semaphore, #tpu.memory_space<semaphore_mem>>, %arg12: memref<!tpu.dma_semaphore, #tpu.memory_space<semaphore_mem>>, %arg13: memref<!tpu.dma_semaphore, #tpu.memory_space<semaphore_mem>>, %arg14: memref<!tpu.dma_semaphore, #tpu.memory_space<semaphore_mem>>, %arg15: memref<!tpu.dma_semaphore, #tpu.memory_space<semaphore_mem>>, %arg16: memref<!tpu.dma_semaphore, #tpu.memory_space<semaphore_mem>>, %arg17: memref<!tpu.dma_semaphore, #tpu.memory_space<semaphore_mem>>, %arg18: memref<!tpu.dma_semaphore, #tpu.memory_space<semaphore_mem>>) attributes {dimension_semantics = [#tpu.dimension_semantics<core_parallel>, #tpu.dimension_semantics<subcore_parallel>], iteration_bounds = array<i64: 2, 16>, scalar_prefetch = 0 : i64, scratch_operands = 13 : i64, tpu.core_type = #tpu.core_type<sc_vector_subcore>, window_params = [{transform_indices = #map}, {transform_indices = #map1}, {transform_indices = #map1}, {transform_indices = #map2}]} {
    %mul3A = arith.constant 2 : i32
    %mul3A_0 = arith.muli %arg1, %mul3A : i32
    %add3A = arith.addi %mul3A_0, %arg0 : i32
    "tpu.region"() ({
      %run_scoped3A_412 = tpu.sem_alloc : memref<!tpu.dma_semaphore, #tpu.memory_space<semaphore_mem>>
      %dma_start3A_413 = arith.constant 0 : i32
      %dma_start3A_414 = arith.constant 0 : i32
      %dma_start3A_415 = tpu.memref_slice %arg3[%add3A, %dma_start3A_413, %dma_start3A_414] : memref<32x84x128xi32, #tpu.memory_space<hbm>> -> memref<1x84x128xi32, #tpu.memory_space<hbm>>
      %dma_start3A_416 = tpu.memref_squeeze %dma_start3A_415 : memref<1x84x128xi32, #tpu.memory_space<hbm>> -> memref<84x128xi32, #tpu.memory_space<hbm>>
      %dma_start3A_417 = arith.constant 0 : i32
      %dma_start3A_418 = arith.constant 0 : i32
      %dma_start3A_419 = tpu.memref_slice %arg3[%add3A, %dma_start3A_417, %dma_start3A_418] : memref<32x84x128xi32, #tpu.memory_space<hbm>> -> memref<1x84x128xi32, #tpu.memory_space<hbm>>
      %dma_start3A_420 = tpu.memref_squeeze %dma_start3A_419 : memref<1x84x128xi32, #tpu.memory_space<hbm>> -> memref<84x128xi32, #tpu.memory_space<hbm>>
      tpu.enqueue_dma source(%dma_start3A_420 : memref<84x128xi32, #tpu.memory_space<hbm>>) target(%arg6 : memref<84x128xi32, #tpu.memory_space<vmem>>) target_semaphore(%run_scoped3A_412 : memref<!tpu.dma_semaphore, #tpu.memory_space<semaphore_mem>>)
      %dma_wait3A_421 = arith.constant 0 : i32
      %dma_wait3A_422 = arith.constant 0 : i32
      %dma_wait3A_423 = tpu.memref_slice %arg3[%add3A, %dma_wait3A_421, %dma_wait3A_422] : memref<32x84x128xi32, #tpu.memory_space<hbm>> -> memref<1x84x128xi32, #tpu.memory_space<hbm>>
      %dma_wait3A_424 = tpu.memref_squeeze %dma_wait3A_423 : memref<1x84x128xi32, #tpu.memory_space<hbm>> -> memref<84x128xi32, #tpu.memory_space<hbm>>
      %dma_wait3A_425 = arith.constant 0 : i32
      %dma_wait3A_426 = arith.constant 0 : i32
      %dma_wait3A_427 = tpu.memref_slice %arg3[%add3A, %dma_wait3A_425, %dma_wait3A_426] : memref<32x84x128xi32, #tpu.memory_space<hbm>> -> memref<1x84x128xi32, #tpu.memory_space<hbm>>
      %dma_wait3A_428 = tpu.memref_squeeze %dma_wait3A_427 : memref<1x84x128xi32, #tpu.memory_space<hbm>> -> memref<84x128xi32, #tpu.memory_space<hbm>>
      tpu.wait_dma2 semaphore(%run_scoped3A_412 : memref<!tpu.dma_semaphore, #tpu.memory_space<semaphore_mem>>) src(%dma_wait3A_428 : memref<84x128xi32, #tpu.memory_space<hbm>>) dst(%arg6 : memref<84x128xi32, #tpu.memory_space<vmem>>)
      tpu.yield
    }) : () -> ()
    "tpu.region"() ({
      %run_scoped3A_412 = tpu.sem_alloc : memref<!tpu.dma_semaphore, #tpu.memory_space<semaphore_mem>>
      %dma_start3A_413 = arith.constant 0 : i32
      %dma_start3A_414 = arith.constant 0 : i32
      %dma_start3A_415 = tpu.memref_slice %arg4[%add3A, %dma_start3A_413, %dma_start3A_414] : memref<32x84x128xi32, #tpu.memory_space<hbm>> -> memref<1x84x128xi32, #tpu.memory_space<hbm>>
      %dma_start3A_416 = tpu.memref_squeeze %dma_start3A_415 : memref<1x84x128xi32, #tpu.memory_space<hbm>> -> memref<84x128xi32, #tpu.memory_space<hbm>>
      %dma_start3A_417 = arith.constant 0 : i32
      %dma_start3A_418 = arith.constant 0 : i32
      %dma_start3A_419 = tpu.memref_slice %arg4[%add3A, %dma_start3A_417, %dma_start3A_418] : memref<32x84x128xi32, #tpu.memory_space<hbm>> -> memref<1x84x128xi32, #tpu.memory_space<hbm>>
      %dma_start3A_420 = tpu.memref_squeeze %dma_start3A_419 : memref<1x84x128xi32, #tpu.memory_space<hbm>> -> memref<84x128xi32, #tpu.memory_space<hbm>>
      tpu.enqueue_dma source(%dma_start3A_420 : memref<84x128xi32, #tpu.memory_space<hbm>>) target(%arg7 : memref<84x128xi32, #tpu.memory_space<vmem>>) target_semaphore(%run_scoped3A_412 : memref<!tpu.dma_semaphore, #tpu.memory_space<semaphore_mem>>)
      %dma_wait3A_421 = arith.constant 0 : i32
      %dma_wait3A_422 = arith.constant 0 : i32
      %dma_wait3A_423 = tpu.memref_slice %arg4[%add3A, %dma_wait3A_421, %dma_wait3A_422] : memref<32x84x128xi32, #tpu.memory_space<hbm>> -> memref<1x84x128xi32, #tpu.memory_space<hbm>>
      %dma_wait3A_424 = tpu.memref_squeeze %dma_wait3A_423 : memref<1x84x128xi32, #tpu.memory_space<hbm>> -> memref<84x128xi32, #tpu.memory_space<hbm>>
      %dma_wait3A_425 = arith.constant 0 : i32
      %dma_wait3A_426 = arith.constant 0 : i32
      %dma_wait3A_427 = tpu.memref_slice %arg4[%add3A, %dma_wait3A_425, %dma_wait3A_426] : memref<32x84x128xi32, #tpu.memory_space<hbm>> -> memref<1x84x128xi32, #tpu.memory_space<hbm>>
      %dma_wait3A_428 = tpu.memref_squeeze %dma_wait3A_427 : memref<1x84x128xi32, #tpu.memory_space<hbm>> -> memref<84x128xi32, #tpu.memory_space<hbm>>
      tpu.wait_dma2 semaphore(%run_scoped3A_412 : memref<!tpu.dma_semaphore, #tpu.memory_space<semaphore_mem>>) src(%dma_wait3A_428 : memref<84x128xi32, #tpu.memory_space<hbm>>) dst(%arg7 : memref<84x128xi32, #tpu.memory_space<vmem>>)
      tpu.yield
    }) : () -> ()
    %broadcast_in_dim3A = arith.constant 0.000000e+00 : f32
    %broadcast_in_dim3A_1 = vector.broadcast %broadcast_in_dim3A : f32 to vector<16xf32>
    %swap3A = arith.constant 0 : index
    %swap3A_2 = tpu.vector_load %arg9[%swap3A] {strides = array<i32>} : memref<640xf32, #tpu.memory_space<vmem>>, vector<16xf32>,
    %swap3A_3 = vector.shape_cast %swap3A_2 : vector<16xf32> to vector<16xf32>
    %swap3A_4 = vector.shape_cast %broadcast_in_dim3A_1 : vector<16xf32> to vector<16xf32>
    tpu.vector_store %arg9[%swap3A], %swap3A_4 {strides = array<i32>} : memref<640xf32, #tpu.memory_space<vmem>>, vector<16xf32>,
    %broadcast_in_dim3A_5 = arith.constant 0.000000e+00 : f32
    %broadcast_in_dim3A_6 = vector.broadcast %broadcast_in_dim3A_5 : f32 to vector<16xf32>
    %swap3A_7 = arith.constant 16 : index
    %swap3A_8 = tpu.vector_load %arg9[%swap3A_7] {strides = array<i32>} : memref<640xf32, #tpu.memory_space<vmem>>, vector<16xf32>,
    %swap3A_9 = vector.shape_cast %swap3A_8 : vector<16xf32> to vector<16xf32>
    %swap3A_10 = vector.shape_cast %broadcast_in_dim3A_6 : vector<16xf32> to vector<16xf32>
    tpu.vector_store %arg9[%swap3A_7], %swap3A_10 {strides = array<i32>} : memref<640xf32, #tpu.memory_space<vmem>>, vector<16xf32>,
    %broadcast_in_dim3A_11 = arith.constant 0.000000e+00 : f32
    %broadcast_in_dim3A_12 = vector.broadcast %broadcast_in_dim3A_11 : f32 to vector<16xf32>
    %swap3A_13 = arith.constant 32 : index
    %swap3A_14 = tpu.vector_load %arg9[%swap3A_13] {strides = array<i32>} : memref<640xf32, #tpu.memory_space<vmem>>, vector<16xf32>,
    %swap3A_15 = vector.shape_cast %swap3A_14 : vector<16xf32> to vector<16xf32>
    %swap3A_16 = vector.shape_cast %broadcast_in_dim3A_12 : vector<16xf32> to vector<16xf32>
    tpu.vector_store %arg9[%swap3A_13], %swap3A_16 {strides = array<i32>} : memref<640xf32, #tpu.memory_space<vmem>>, vector<16xf32>,
    %broadcast_in_dim3A_17 = arith.constant 0.000000e+00 : f32
    %broadcast_in_dim3A_18 = vector.broadcast %broadcast_in_dim3A_17 : f32 to vector<16xf32>
    %swap3A_19 = arith.constant 48 : index
    %swap3A_20 = tpu.vector_load %arg9[%swap3A_19] {strides = array<i32>} : memref<640xf32, #tpu.memory_space<vmem>>, vector<16xf32>,
    %swap3A_21 = vector.shape_cast %swap3A_20 : vector<16xf32> to vector<16xf32>
    %swap3A_22 = vector.shape_cast %broadcast_in_dim3A_18 : vector<16xf32> to vector<16xf32>
    tpu.vector_store %arg9[%swap3A_19], %swap3A_22 {strides = array<i32>} : memref<640xf32, #tpu.memory_space<vmem>>, vector<16xf32>,
    %broadcast_in_dim3A_23 = arith.constant 0.000000e+00 : f32
    %broadcast_in_dim3A_24 = vector.broadcast %broadcast_in_dim3A_23 : f32 to vector<16xf32>
    %swap3A_25 = arith.constant 64 : index
    %swap3A_26 = tpu.vector_load %arg9[%swap3A_25] {strides = array<i32>} : memref<640xf32, #tpu.memory_space<vmem>>, vector<16xf32>,
    %swap3A_27 = vector.shape_cast %swap3A_26 : vector<16xf32> to vector<16xf32>
    %swap3A_28 = vector.shape_cast %broadcast_in_dim3A_24 : vector<16xf32> to vector<16xf32>
    tpu.vector_store %arg9[%swap3A_25], %swap3A_28 {strides = array<i32>} : memref<640xf32, #tpu.memory_space<vmem>>, vector<16xf32>,
    %broadcast_in_dim3A_29 = arith.constant 0.000000e+00 : f32
    %broadcast_in_dim3A_30 = vector.broadcast %broadcast_in_dim3A_29 : f32 to vector<16xf32>
    %swap3A_31 = arith.constant 80 : index
    %swap3A_32 = tpu.vector_load %arg9[%swap3A_31] {strides = array<i32>} : memref<640xf32, #tpu.memory_space<vmem>>, vector<16xf32>,
    %swap3A_33 = vector.shape_cast %swap3A_32 : vector<16xf32> to vector<16xf32>
    %swap3A_34 = vector.shape_cast %broadcast_in_dim3A_30 : vector<16xf32> to vector<16xf32>
    tpu.vector_store %arg9[%swap3A_31], %swap3A_34 {strides = array<i32>} : memref<640xf32, #tpu.memory_space<vmem>>, vector<16xf32>,
    %broadcast_in_dim3A_35 = arith.constant 0.000000e+00 : f32
    %broadcast_in_dim3A_36 = vector.broadcast %broadcast_in_dim3A_35 : f32 to vector<16xf32>
    %swap3A_37 = arith.constant 96 : index
    %swap3A_38 = tpu.vector_load %arg9[%swap3A_37] {strides = array<i32>} : memref<640xf32, #tpu.memory_space<vmem>>, vector<16xf32>,
    %swap3A_39 = vector.shape_cast %swap3A_38 : vector<16xf32> to vector<16xf32>
    %swap3A_40 = vector.shape_cast %broadcast_in_dim3A_36 : vector<16xf32> to vector<16xf32>
    tpu.vector_store %arg9[%swap3A_37], %swap3A_40 {strides = array<i32>} : memref<640xf32, #tpu.memory_space<vmem>>, vector<16xf32>,
    %broadcast_in_dim3A_41 = arith.constant 0.000000e+00 : f32
    %broadcast_in_dim3A_42 = vector.broadcast %broadcast_in_dim3A_41 : f32 to vector<16xf32>
    %swap3A_43 = arith.constant 112 : index
    %swap3A_44 = tpu.vector_load %arg9[%swap3A_43] {strides = array<i32>} : memref<640xf32, #tpu.memory_space<vmem>>, vector<16xf32>,
    %swap3A_45 = vector.shape_cast %swap3A_44 : vector<16xf32> to vector<16xf32>
    %swap3A_46 = vector.shape_cast %broadcast_in_dim3A_42 : vector<16xf32> to vector<16xf32>
    tpu.vector_store %arg9[%swap3A_43], %swap3A_46 {strides = array<i32>} : memref<640xf32, #tpu.memory_space<vmem>>, vector<16xf32>,
    %broadcast_in_dim3A_47 = arith.constant 0.000000e+00 : f32
    %broadcast_in_dim3A_48 = vector.broadcast %broadcast_in_dim3A_47 : f32 to vector<16xf32>
    %swap3A_49 = arith.constant 128 : index
    %swap3A_50 = tpu.vector_load %arg9[%swap3A_49] {strides = array<i32>} : memref<640xf32, #tpu.memory_space<vmem>>, vector<16xf32>,
    %swap3A_51 = vector.shape_cast %swap3A_50 : vector<16xf32> to vector<16xf32>
    %swap3A_52 = vector.shape_cast %broadcast_in_dim3A_48 : vector<16xf32> to vector<16xf32>
    tpu.vector_store %arg9[%swap3A_49], %swap3A_52 {strides = array<i32>} : memref<640xf32, #tpu.memory_space<vmem>>, vector<16xf32>,
    %broadcast_in_dim3A_53 = arith.constant 0.000000e+00 : f32
    %broadcast_in_dim3A_54 = vector.broadcast %broadcast_in_dim3A_53 : f32 to vector<16xf32>
    %swap3A_55 = arith.constant 144 : index
    %swap3A_56 = tpu.vector_load %arg9[%swap3A_55] {strides = array<i32>} : memref<640xf32, #tpu.memory_space<vmem>>, vector<16xf32>,
    %swap3A_57 = vector.shape_cast %swap3A_56 : vector<16xf32> to vector<16xf32>
    %swap3A_58 = vector.shape_cast %broadcast_in_dim3A_54 : vector<16xf32> to vector<16xf32>
    tpu.vector_store %arg9[%swap3A_55], %swap3A_58 {strides = array<i32>} : memref<640xf32, #tpu.memory_space<vmem>>, vector<16xf32>,
    %broadcast_in_dim3A_59 = arith.constant 0.000000e+00 : f32
    %broadcast_in_dim3A_60 = vector.broadcast %broadcast_in_dim3A_59 : f32 to vector<16xf32>
    %swap3A_61 = arith.constant 160 : index
    %swap3A_62 = tpu.vector_load %arg9[%swap3A_61] {strides = array<i32>} : memref<640xf32, #tpu.memory_space<vmem>>, vector<16xf32>,
    %swap3A_63 = vector.shape_cast %swap3A_62 : vector<16xf32> to vector<16xf32>
    %swap3A_64 = vector.shape_cast %broadcast_in_dim3A_60 : vector<16xf32> to vector<16xf32>
    tpu.vector_store %arg9[%swap3A_61], %swap3A_64 {strides = array<i32>} : memref<640xf32, #tpu.memory_space<vmem>>, vector<16xf32>,
    %broadcast_in_dim3A_65 = arith.constant 0.000000e+00 : f32
    %broadcast_in_dim3A_66 = vector.broadcast %broadcast_in_dim3A_65 : f32 to vector<16xf32>
    %swap3A_67 = arith.constant 176 : index
    %swap3A_68 = tpu.vector_load %arg9[%swap3A_67] {strides = array<i32>} : memref<640xf32, #tpu.memory_space<vmem>>, vector<16xf32>,
    %swap3A_69 = vector.shape_cast %swap3A_68 : vector<16xf32> to vector<16xf32>
    %swap3A_70 = vector.shape_cast %broadcast_in_dim3A_66 : vector<16xf32> to vector<16xf32>
    tpu.vector_store %arg9[%swap3A_67], %swap3A_70 {strides = array<i32>} : memref<640xf32, #tpu.memory_space<vmem>>, vector<16xf32>,
    %broadcast_in_dim3A_71 = arith.constant 0.000000e+00 : f32
    %broadcast_in_dim3A_72 = vector.broadcast %broadcast_in_dim3A_71 : f32 to vector<16xf32>
    %swap3A_73 = arith.constant 192 : index
    %swap3A_74 = tpu.vector_load %arg9[%swap3A_73] {strides = array<i32>} : memref<640xf32, #tpu.memory_space<vmem>>, vector<16xf32>,
    %swap3A_75 = vector.shape_cast %swap3A_74 : vector<16xf32> to vector<16xf32>
    %swap3A_76 = vector.shape_cast %broadcast_in_dim3A_72 : vector<16xf32> to vector<16xf32>
    tpu.vector_store %arg9[%swap3A_73], %swap3A_76 {strides = array<i32>} : memref<640xf32, #tpu.memory_space<vmem>>, vector<16xf32>,
    %broadcast_in_dim3A_77 = arith.constant 0.000000e+00 : f32
    %broadcast_in_dim3A_78 = vector.broadcast %broadcast_in_dim3A_77 : f32 to vector<16xf32>
    %swap3A_79 = arith.constant 208 : index
    %swap3A_80 = tpu.vector_load %arg9[%swap3A_79] {strides = array<i32>} : memref<640xf32, #tpu.memory_space<vmem>>, vector<16xf32>,
    %swap3A_81 = vector.shape_cast %swap3A_80 : vector<16xf32> to vector<16xf32>
    %swap3A_82 = vector.shape_cast %broadcast_in_dim3A_78 : vector<16xf32> to vector<16xf32>
    tpu.vector_store %arg9[%swap3A_79], %swap3A_82 {strides = array<i32>} : memref<640xf32, #tpu.memory_space<vmem>>, vector<16xf32>,
    %broadcast_in_dim3A_83 = arith.constant 0.000000e+00 : f32
    %broadcast_in_dim3A_84 = vector.broadcast %broadcast_in_dim3A_83 : f32 to vector<16xf32>
    %swap3A_85 = arith.constant 224 : index
    %swap3A_86 = tpu.vector_load %arg9[%swap3A_85] {strides = array<i32>} : memref<640xf32, #tpu.memory_space<vmem>>, vector<16xf32>,
    %swap3A_87 = vector.shape_cast %swap3A_86 : vector<16xf32> to vector<16xf32>
    %swap3A_88 = vector.shape_cast %broadcast_in_dim3A_84 : vector<16xf32> to vector<16xf32>
    tpu.vector_store %arg9[%swap3A_85], %swap3A_88 {strides = array<i32>} : memref<640xf32, #tpu.memory_space<vmem>>, vector<16xf32>,
    %broadcast_in_dim3A_89 = arith.constant 0.000000e+00 : f32
    %broadcast_in_dim3A_90 = vector.broadcast %broadcast_in_dim3A_89 : f32 to vector<16xf32>
    %swap3A_91 = arith.constant 240 : index
    %swap3A_92 = tpu.vector_load %arg9[%swap3A_91] {strides = array<i32>} : memref<640xf32, #tpu.memory_space<vmem>>, vector<16xf32>,
    %swap3A_93 = vector.shape_cast %swap3A_92 : vector<16xf32> to vector<16xf32>
    %swap3A_94 = vector.shape_cast %broadcast_in_dim3A_90 : vector<16xf32> to vector<16xf32>
    tpu.vector_store %arg9[%swap3A_91], %swap3A_94 {strides = array<i32>} : memref<640xf32, #tpu.memory_space<vmem>>, vector<16xf32>,
    %broadcast_in_dim3A_95 = arith.constant 0.000000e+00 : f32
    %broadcast_in_dim3A_96 = vector.broadcast %broadcast_in_dim3A_95 : f32 to vector<16xf32>
    %swap3A_97 = arith.constant 256 : index
    %swap3A_98 = tpu.vector_load %arg9[%swap3A_97] {strides = array<i32>} : memref<640xf32, #tpu.memory_space<vmem>>, vector<16xf32>,
    %swap3A_99 = vector.shape_cast %swap3A_98 : vector<16xf32> to vector<16xf32>
    %swap3A_100 = vector.shape_cast %broadcast_in_dim3A_96 : vector<16xf32> to vector<16xf32>
    tpu.vector_store %arg9[%swap3A_97], %swap3A_100 {strides = array<i32>} : memref<640xf32, #tpu.memory_space<vmem>>, vector<16xf32>,
    %broadcast_in_dim3A_101 = arith.constant 0.000000e+00 : f32
    %broadcast_in_dim3A_102 = vector.broadcast %broadcast_in_dim3A_101 : f32 to vector<16xf32>
    %swap3A_103 = arith.constant 272 : index
    %swap3A_104 = tpu.vector_load %arg9[%swap3A_103] {strides = array<i32>} : memref<640xf32, #tpu.memory_space<vmem>>, vector<16xf32>,
    %swap3A_105 = vector.shape_cast %swap3A_104 : vector<16xf32> to vector<16xf32>
    %swap3A_106 = vector.shape_cast %broadcast_in_dim3A_102 : vector<16xf32> to vector<16xf32>
    tpu.vector_store %arg9[%swap3A_103], %swap3A_106 {strides = array<i32>} : memref<640xf32, #tpu.memory_space<vmem>>, vector<16xf32>,
    %broadcast_in_dim3A_107 = arith.constant 0.000000e+00 : f32
    %broadcast_in_dim3A_108 = vector.broadcast %broadcast_in_dim3A_107 : f32 to vector<16xf32>
    %swap3A_109 = arith.constant 288 : index
    %swap3A_110 = tpu.vector_load %arg9[%swap3A_109] {strides = array<i32>} : memref<640xf32, #tpu.memory_space<vmem>>, vector<16xf32>,
    %swap3A_111 = vector.shape_cast %swap3A_110 : vector<16xf32> to vector<16xf32>
    %swap3A_112 = vector.shape_cast %broadcast_in_dim3A_108 : vector<16xf32> to vector<16xf32>
    tpu.vector_store %arg9[%swap3A_109], %swap3A_112 {strides = array<i32>} : memref<640xf32, #tpu.memory_space<vmem>>, vector<16xf32>,
    %broadcast_in_dim3A_113 = arith.constant 0.000000e+00 : f32
    %broadcast_in_dim3A_114 = vector.broadcast %broadcast_in_dim3A_113 : f32 to vector<16xf32>
    %swap3A_115 = arith.constant 304 : index
    %swap3A_116 = tpu.vector_load %arg9[%swap3A_115] {strides = array<i32>} : memref<640xf32, #tpu.memory_space<vmem>>, vector<16xf32>,
    %swap3A_117 = vector.shape_cast %swap3A_116 : vector<16xf32> to vector<16xf32>
    %swap3A_118 = vector.shape_cast %broadcast_in_dim3A_114 : vector<16xf32> to vector<16xf32>
    tpu.vector_store %arg9[%swap3A_115], %swap3A_118 {strides = array<i32>} : memref<640xf32, #tpu.memory_space<vmem>>, vector<16xf32>,
    %broadcast_in_dim3A_119 = arith.constant 0.000000e+00 : f32
    %broadcast_in_dim3A_120 = vector.broadcast %broadcast_in_dim3A_119 : f32 to vector<16xf32>
    %swap3A_121 = arith.constant 320 : index
    %swap3A_122 = tpu.vector_load %arg9[%swap3A_121] {strides = array<i32>} : memref<640xf32, #tpu.memory_space<vmem>>, vector<16xf32>,
    %swap3A_123 = vector.shape_cast %swap3A_122 : vector<16xf32> to vector<16xf32>
    %swap3A_124 = vector.shape_cast %broadcast_in_dim3A_120 : vector<16xf32> to vector<16xf32>
    tpu.vector_store %arg9[%swap3A_121], %swap3A_124 {strides = array<i32>} : memref<640xf32, #tpu.memory_space<vmem>>, vector<16xf32>,
    %broadcast_in_dim3A_125 = arith.constant 0.000000e+00 : f32
    %broadcast_in_dim3A_126 = vector.broadcast %broadcast_in_dim3A_125 : f32 to vector<16xf32>
    %swap3A_127 = arith.constant 336 : index
    %swap3A_128 = tpu.vector_load %arg9[%swap3A_127] {strides = array<i32>} : memref<640xf32, #tpu.memory_space<vmem>>, vector<16xf32>,
    %swap3A_129 = vector.shape_cast %swap3A_128 : vector<16xf32> to vector<16xf32>
    %swap3A_130 = vector.shape_cast %broadcast_in_dim3A_126 : vector<16xf32> to vector<16xf32>
    tpu.vector_store %arg9[%swap3A_127], %swap3A_130 {strides = array<i32>} : memref<640xf32, #tpu.memory_space<vmem>>, vector<16xf32>,
    %broadcast_in_dim3A_131 = arith.constant 0.000000e+00 : f32
    %broadcast_in_dim3A_132 = vector.broadcast %broadcast_in_dim3A_131 : f32 to vector<16xf32>
    %swap3A_133 = arith.constant 352 : index
    %swap3A_134 = tpu.vector_load %arg9[%swap3A_133] {strides = array<i32>} : memref<640xf32, #tpu.memory_space<vmem>>, vector<16xf32>,
    %swap3A_135 = vector.shape_cast %swap3A_134 : vector<16xf32> to vector<16xf32>
    %swap3A_136 = vector.shape_cast %broadcast_in_dim3A_132 : vector<16xf32> to vector<16xf32>
    tpu.vector_store %arg9[%swap3A_133], %swap3A_136 {strides = array<i32>} : memref<640xf32, #tpu.memory_space<vmem>>, vector<16xf32>,
    %broadcast_in_dim3A_137 = arith.constant 0.000000e+00 : f32
    %broadcast_in_dim3A_138 = vector.broadcast %broadcast_in_dim3A_137 : f32 to vector<16xf32>
    %swap3A_139 = arith.constant 368 : index
    %swap3A_140 = tpu.vector_load %arg9[%swap3A_139] {strides = array<i32>} : memref<640xf32, #tpu.memory_space<vmem>>, vector<16xf32>,
    %swap3A_141 = vector.shape_cast %swap3A_140 : vector<16xf32> to vector<16xf32>
    %swap3A_142 = vector.shape_cast %broadcast_in_dim3A_138 : vector<16xf32> to vector<16xf32>
    tpu.vector_store %arg9[%swap3A_139], %swap3A_142 {strides = array<i32>} : memref<640xf32, #tpu.memory_space<vmem>>, vector<16xf32>,
    %broadcast_in_dim3A_143 = arith.constant 0.000000e+00 : f32
    %broadcast_in_dim3A_144 = vector.broadcast %broadcast_in_dim3A_143 : f32 to vector<16xf32>
    %swap3A_145 = arith.constant 384 : index
    %swap3A_146 = tpu.vector_load %arg9[%swap3A_145] {strides = array<i32>} : memref<640xf32, #tpu.memory_space<vmem>>, vector<16xf32>,
    %swap3A_147 = vector.shape_cast %swap3A_146 : vector<16xf32> to vector<16xf32>
    %swap3A_148 = vector.shape_cast %broadcast_in_dim3A_144 : vector<16xf32> to vector<16xf32>
    tpu.vector_store %arg9[%swap3A_145], %swap3A_148 {strides = array<i32>} : memref<640xf32, #tpu.memory_space<vmem>>, vector<16xf32>,
    %broadcast_in_dim3A_149 = arith.constant 0.000000e+00 : f32
    %broadcast_in_dim3A_150 = vector.broadcast %broadcast_in_dim3A_149 : f32 to vector<16xf32>
    %swap3A_151 = arith.constant 400 : index
    %swap3A_152 = tpu.vector_load %arg9[%swap3A_151] {strides = array<i32>} : memref<640xf32, #tpu.memory_space<vmem>>, vector<16xf32>,
    %swap3A_153 = vector.shape_cast %swap3A_152 : vector<16xf32> to vector<16xf32>
    %swap3A_154 = vector.shape_cast %broadcast_in_dim3A_150 : vector<16xf32> to vector<16xf32>
    tpu.vector_store %arg9[%swap3A_151], %swap3A_154 {strides = array<i32>} : memref<640xf32, #tpu.memory_space<vmem>>, vector<16xf32>,
    %broadcast_in_dim3A_155 = arith.constant 0.000000e+00 : f32
    %broadcast_in_dim3A_156 = vector.broadcast %broadcast_in_dim3A_155 : f32 to vector<16xf32>
    %swap3A_157 = arith.constant 416 : index
    %swap3A_158 = tpu.vector_load %arg9[%swap3A_157] {strides = array<i32>} : memref<640xf32, #tpu.memory_space<vmem>>, vector<16xf32>,
    %swap3A_159 = vector.shape_cast %swap3A_158 : vector<16xf32> to vector<16xf32>
    %swap3A_160 = vector.shape_cast %broadcast_in_dim3A_156 : vector<16xf32> to vector<16xf32>
    tpu.vector_store %arg9[%swap3A_157], %swap3A_160 {strides = array<i32>} : memref<640xf32, #tpu.memory_space<vmem>>, vector<16xf32>,
    %broadcast_in_dim3A_161 = arith.constant 0.000000e+00 : f32
    %broadcast_in_dim3A_162 = vector.broadcast %broadcast_in_dim3A_161 : f32 to vector<16xf32>
    %swap3A_163 = arith.constant 432 : index
    %swap3A_164 = tpu.vector_load %arg9[%swap3A_163] {strides = array<i32>} : memref<640xf32, #tpu.memory_space<vmem>>, vector<16xf32>,
    %swap3A_165 = vector.shape_cast %swap3A_164 : vector<16xf32> to vector<16xf32>
    %swap3A_166 = vector.shape_cast %broadcast_in_dim3A_162 : vector<16xf32> to vector<16xf32>
    tpu.vector_store %arg9[%swap3A_163], %swap3A_166 {strides = array<i32>} : memref<640xf32, #tpu.memory_space<vmem>>, vector<16xf32>,
    %broadcast_in_dim3A_167 = arith.constant 0.000000e+00 : f32
    %broadcast_in_dim3A_168 = vector.broadcast %broadcast_in_dim3A_167 : f32 to vector<16xf32>
    %swap3A_169 = arith.constant 448 : index
    %swap3A_170 = tpu.vector_load %arg9[%swap3A_169] {strides = array<i32>} : memref<640xf32, #tpu.memory_space<vmem>>, vector<16xf32>,
    %swap3A_171 = vector.shape_cast %swap3A_170 : vector<16xf32> to vector<16xf32>
    %swap3A_172 = vector.shape_cast %broadcast_in_dim3A_168 : vector<16xf32> to vector<16xf32>
    tpu.vector_store %arg9[%swap3A_169], %swap3A_172 {strides = array<i32>} : memref<640xf32, #tpu.memory_space<vmem>>, vector<16xf32>,
    %broadcast_in_dim3A_173 = arith.constant 0.000000e+00 : f32
    %broadcast_in_dim3A_174 = vector.broadcast %broadcast_in_dim3A_173 : f32 to vector<16xf32>
    %swap3A_175 = arith.constant 464 : index
    %swap3A_176 = tpu.vector_load %arg9[%swap3A_175] {strides = array<i32>} : memref<640xf32, #tpu.memory_space<vmem>>, vector<16xf32>,
    %swap3A_177 = vector.shape_cast %swap3A_176 : vector<16xf32> to vector<16xf32>
    %swap3A_178 = vector.shape_cast %broadcast_in_dim3A_174 : vector<16xf32> to vector<16xf32>
    tpu.vector_store %arg9[%swap3A_175], %swap3A_178 {strides = array<i32>} : memref<640xf32, #tpu.memory_space<vmem>>, vector<16xf32>,
    %broadcast_in_dim3A_179 = arith.constant 0.000000e+00 : f32
    %broadcast_in_dim3A_180 = vector.broadcast %broadcast_in_dim3A_179 : f32 to vector<16xf32>
    %swap3A_181 = arith.constant 480 : index
    %swap3A_182 = tpu.vector_load %arg9[%swap3A_181] {strides = array<i32>} : memref<640xf32, #tpu.memory_space<vmem>>, vector<16xf32>,
    %swap3A_183 = vector.shape_cast %swap3A_182 : vector<16xf32> to vector<16xf32>
    %swap3A_184 = vector.shape_cast %broadcast_in_dim3A_180 : vector<16xf32> to vector<16xf32>
    tpu.vector_store %arg9[%swap3A_181], %swap3A_184 {strides = array<i32>} : memref<640xf32, #tpu.memory_space<vmem>>, vector<16xf32>,
    %broadcast_in_dim3A_185 = arith.constant 0.000000e+00 : f32
    %broadcast_in_dim3A_186 = vector.broadcast %broadcast_in_dim3A_185 : f32 to vector<16xf32>
    %swap3A_187 = arith.constant 496 : index
    %swap3A_188 = tpu.vector_load %arg9[%swap3A_187] {strides = array<i32>} : memref<640xf32, #tpu.memory_space<vmem>>, vector<16xf32>,
    %swap3A_189 = vector.shape_cast %swap3A_188 : vector<16xf32> to vector<16xf32>
    %swap3A_190 = vector.shape_cast %broadcast_in_dim3A_186 : vector<16xf32> to vector<16xf32>
    tpu.vector_store %arg9[%swap3A_187], %swap3A_190 {strides = array<i32>} : memref<640xf32, #tpu.memory_space<vmem>>, vector<16xf32>,
    %broadcast_in_dim3A_191 = arith.constant 0.000000e+00 : f32
    %broadcast_in_dim3A_192 = vector.broadcast %broadcast_in_dim3A_191 : f32 to vector<16xf32>
    %swap3A_193 = arith.constant 512 : index
    %swap3A_194 = tpu.vector_load %arg9[%swap3A_193] {strides = array<i32>} : memref<640xf32, #tpu.memory_space<vmem>>, vector<16xf32>,
    %swap3A_195 = vector.shape_cast %swap3A_194 : vector<16xf32> to vector<16xf32>
    %swap3A_196 = vector.shape_cast %broadcast_in_dim3A_192 : vector<16xf32> to vector<16xf32>
    tpu.vector_store %arg9[%swap3A_193], %swap3A_196 {strides = array<i32>} : memref<640xf32, #tpu.memory_space<vmem>>, vector<16xf32>,
    %broadcast_in_dim3A_197 = arith.constant 0.000000e+00 : f32
    %broadcast_in_dim3A_198 = vector.broadcast %broadcast_in_dim3A_197 : f32 to vector<16xf32>
    %swap3A_199 = arith.constant 528 : index
    %swap3A_200 = tpu.vector_load %arg9[%swap3A_199] {strides = array<i32>} : memref<640xf32, #tpu.memory_space<vmem>>, vector<16xf32>,
    %swap3A_201 = vector.shape_cast %swap3A_200 : vector<16xf32> to vector<16xf32>
    %swap3A_202 = vector.shape_cast %broadcast_in_dim3A_198 : vector<16xf32> to vector<16xf32>
    tpu.vector_store %arg9[%swap3A_199], %swap3A_202 {strides = array<i32>} : memref<640xf32, #tpu.memory_space<vmem>>, vector<16xf32>,
    %broadcast_in_dim3A_203 = arith.constant 0.000000e+00 : f32
    %broadcast_in_dim3A_204 = vector.broadcast %broadcast_in_dim3A_203 : f32 to vector<16xf32>
    %swap3A_205 = arith.constant 544 : index
    %swap3A_206 = tpu.vector_load %arg9[%swap3A_205] {strides = array<i32>} : memref<640xf32, #tpu.memory_space<vmem>>, vector<16xf32>,
    %swap3A_207 = vector.shape_cast %swap3A_206 : vector<16xf32> to vector<16xf32>
    %swap3A_208 = vector.shape_cast %broadcast_in_dim3A_204 : vector<16xf32> to vector<16xf32>
    tpu.vector_store %arg9[%swap3A_205], %swap3A_208 {strides = array<i32>} : memref<640xf32, #tpu.memory_space<vmem>>, vector<16xf32>,
    %broadcast_in_dim3A_209 = arith.constant 0.000000e+00 : f32
    %broadcast_in_dim3A_210 = vector.broadcast %broadcast_in_dim3A_209 : f32 to vector<16xf32>
    %swap3A_211 = arith.constant 560 : index
    %swap3A_212 = tpu.vector_load %arg9[%swap3A_211] {strides = array<i32>} : memref<640xf32, #tpu.memory_space<vmem>>, vector<16xf32>,
    %swap3A_213 = vector.shape_cast %swap3A_212 : vector<16xf32> to vector<16xf32>
    %swap3A_214 = vector.shape_cast %broadcast_in_dim3A_210 : vector<16xf32> to vector<16xf32>
    tpu.vector_store %arg9[%swap3A_211], %swap3A_214 {strides = array<i32>} : memref<640xf32, #tpu.memory_space<vmem>>, vector<16xf32>,
    %broadcast_in_dim3A_215 = arith.constant 0.000000e+00 : f32
    %broadcast_in_dim3A_216 = vector.broadcast %broadcast_in_dim3A_215 : f32 to vector<16xf32>
    %swap3A_217 = arith.constant 576 : index
    %swap3A_218 = tpu.vector_load %arg9[%swap3A_217] {strides = array<i32>} : memref<640xf32, #tpu.memory_space<vmem>>, vector<16xf32>,
    %swap3A_219 = vector.shape_cast %swap3A_218 : vector<16xf32> to vector<16xf32>
    %swap3A_220 = vector.shape_cast %broadcast_in_dim3A_216 : vector<16xf32> to vector<16xf32>
    tpu.vector_store %arg9[%swap3A_217], %swap3A_220 {strides = array<i32>} : memref<640xf32, #tpu.memory_space<vmem>>, vector<16xf32>,
    %broadcast_in_dim3A_221 = arith.constant 0.000000e+00 : f32
    %broadcast_in_dim3A_222 = vector.broadcast %broadcast_in_dim3A_221 : f32 to vector<16xf32>
    %swap3A_223 = arith.constant 592 : index
    %swap3A_224 = tpu.vector_load %arg9[%swap3A_223] {strides = array<i32>} : memref<640xf32, #tpu.memory_space<vmem>>, vector<16xf32>,
    %swap3A_225 = vector.shape_cast %swap3A_224 : vector<16xf32> to vector<16xf32>
    %swap3A_226 = vector.shape_cast %broadcast_in_dim3A_222 : vector<16xf32> to vector<16xf32>
    tpu.vector_store %arg9[%swap3A_223], %swap3A_226 {strides = array<i32>} : memref<640xf32, #tpu.memory_space<vmem>>, vector<16xf32>,
    %broadcast_in_dim3A_227 = arith.constant 0.000000e+00 : f32
    %broadcast_in_dim3A_228 = vector.broadcast %broadcast_in_dim3A_227 : f32 to vector<16xf32>
    %swap3A_229 = arith.constant 608 : index
    %swap3A_230 = tpu.vector_load %arg9[%swap3A_229] {strides = array<i32>} : memref<640xf32, #tpu.memory_space<vmem>>, vector<16xf32>,
    %swap3A_231 = vector.shape_cast %swap3A_230 : vector<16xf32> to vector<16xf32>
    %swap3A_232 = vector.shape_cast %broadcast_in_dim3A_228 : vector<16xf32> to vector<16xf32>
    tpu.vector_store %arg9[%swap3A_229], %swap3A_232 {strides = array<i32>} : memref<640xf32, #tpu.memory_space<vmem>>, vector<16xf32>,
    %broadcast_in_dim3A_233 = arith.constant 0.000000e+00 : f32
    %broadcast_in_dim3A_234 = vector.broadcast %broadcast_in_dim3A_233 : f32 to vector<16xf32>
    %swap3A_235 = arith.constant 624 : index
    %swap3A_236 = tpu.vector_load %arg9[%swap3A_235] {strides = array<i32>} : memref<640xf32, #tpu.memory_space<vmem>>, vector<16xf32>,
    %swap3A_237 = vector.shape_cast %swap3A_236 : vector<16xf32> to vector<16xf32>
    %swap3A_238 = vector.shape_cast %broadcast_in_dim3A_234 : vector<16xf32> to vector<16xf32>
    tpu.vector_store %arg9[%swap3A_235], %swap3A_238 {strides = array<i32>} : memref<640xf32, #tpu.memory_space<vmem>>, vector<16xf32>,
    %mul3A_239 = arith.constant 640 : i32
    %mul3A_240 = arith.muli %arg1, %mul3A_239 : i32
    "tpu.region"() ({
      %run_scoped3A_412 = tpu.sem_alloc : memref<!tpu.dma_semaphore, #tpu.memory_space<semaphore_mem>>
      %dma_start3A_413 = tpu.memref_slice %arg10[%mul3A_240] : memref<10240xf32, #tpu.memory_space<vmem_shared>> -> memref<640xf32, #tpu.memory_space<vmem_shared>>
      %dma_start3A_414 = tpu.memref_slice %arg10[%mul3A_240] : memref<10240xf32, #tpu.memory_space<vmem_shared>> -> memref<640xf32, #tpu.memory_space<vmem_shared>>
      tpu.enqueue_dma source(%arg9 : memref<640xf32, #tpu.memory_space<vmem>>) target(%dma_start3A_414 : memref<640xf32, #tpu.memory_space<vmem_shared>>) target_semaphore(%run_scoped3A_412 : memref<!tpu.dma_semaphore, #tpu.memory_space<semaphore_mem>>)
      %dma_wait3A_415 = tpu.memref_slice %arg10[%mul3A_240] : memref<10240xf32, #tpu.memory_space<vmem_shared>> -> memref<640xf32, #tpu.memory_space<vmem_shared>>
      %dma_wait3A_416 = tpu.memref_slice %arg10[%mul3A_240] : memref<10240xf32, #tpu.memory_space<vmem_shared>> -> memref<640xf32, #tpu.memory_space<vmem_shared>>
      tpu.wait_dma2 semaphore(%run_scoped3A_412 : memref<!tpu.dma_semaphore, #tpu.memory_space<semaphore_mem>>) src(%arg9 : memref<640xf32, #tpu.memory_space<vmem>>) dst(%dma_wait3A_416 : memref<640xf32, #tpu.memory_space<vmem_shared>>)
      tpu.yield
    }) : () -> ()
    %barrier3A = arith.constant 0 : index
    tpu.barrier barrier_id(%barrier3A)
    %dma_start3A = arith.constant 0 : i32
    %dma_start3A_241 = arith.constant 0 : i32
    %dma_start3A_242 = arith.constant 0 : i32
    %dma_start3A_243 = tpu.memref_slice %arg8[%dma_start3A_241, %dma_start3A_242] : memref<8x128xf32, #tpu.memory_space<vmem>> -> memref<1x128xf32, #tpu.memory_space<vmem>>
    %dma_start3A_244 = tpu.memref_squeeze %dma_start3A_243 : memref<1x128xf32, #tpu.memory_space<vmem>> -> memref<128xf32, #tpu.memory_space<vmem>>
    %dma_start3A_245 = arith.constant 0 : i32
    %dma_start3A_246 = tpu.memref_slice %arg6[%dma_start3A, %dma_start3A_245] : memref<84x128xi32, #tpu.memory_space<vmem>> -> memref<1x128xi32, #tpu.memory_space<vmem>>
    %dma_start3A_247 = tpu.memref_squeeze %dma_start3A_246 : memref<1x128xi32, #tpu.memory_space<vmem>> -> memref<128xi32, #tpu.memory_space<vmem>>
    %dma_start3A_248 = arith.constant 0 : i32
    %dma_start3A_249 = tpu.memref_slice %arg2[%dma_start3A_248] : memref<10240xf32, #tpu.memory_space<hbm>> -> memref<10240xf32, #tpu.memory_space<hbm>>
    tpu.enqueue_indirect_dma source(%dma_start3A_249 : memref<10240xf32, #tpu.memory_space<hbm>>) target(%dma_start3A_244 : memref<128xf32, #tpu.memory_space<vmem>>) offsets(%dma_start3A_247 : memref<128xi32, #tpu.memory_space<vmem>>) semaphore(%arg11 : memref<!tpu.dma_semaphore, #tpu.memory_space<semaphore_mem>>)
    %dma_start3A_250 = arith.constant 1 : i32
    %dma_start3A_251 = arith.constant 1 : i32
    %dma_start3A_252 = arith.constant 0 : i32
    %dma_start3A_253 = tpu.memref_slice %arg8[%dma_start3A_251, %dma_start3A_252] : memref<8x128xf32, #tpu.memory_space<vmem>> -> memref<1x128xf32, #tpu.memory_space<vmem>>
    %dma_start3A_254 = tpu.memref_squeeze %dma_start3A_253 : memref<1x128xf32, #tpu.memory_space<vmem>> -> memref<128xf32, #tpu.memory_space<vmem>>
    %dma_start3A_255 = arith.constant 0 : i32
    %dma_start3A_256 = tpu.memref_slice %arg6[%dma_start3A_250, %dma_start3A_255] : memref<84x128xi32, #tpu.memory_space<vmem>> -> memref<1x128xi32, #tpu.memory_space<vmem>>
    %dma_start3A_257 = tpu.memref_squeeze %dma_start3A_256 : memref<1x128xi32, #tpu.memory_space<vmem>> -> memref<128xi32, #tpu.memory_space<vmem>>
    %dma_start3A_258 = arith.constant 0 : i32
    %dma_start3A_259 = tpu.memref_slice %arg2[%dma_start3A_258] : memref<10240xf32, #tpu.memory_space<hbm>> -> memref<10240xf32, #tpu.memory_space<hbm>>
    tpu.enqueue_indirect_dma source(%dma_start3A_259 : memref<10240xf32, #tpu.memory_space<hbm>>) target(%dma_start3A_254 : memref<128xf32, #tpu.memory_space<vmem>>) offsets(%dma_start3A_257 : memref<128xi32, #tpu.memory_space<vmem>>) semaphore(%arg12 : memref<!tpu.dma_semaphore, #tpu.memory_space<semaphore_mem>>)
    %dma_start3A_260 = arith.constant 2 : i32
    %dma_start3A_261 = arith.constant 2 : i32
    %dma_start3A_262 = arith.constant 0 : i32
    %dma_start3A_263 = tpu.memref_slice %arg8[%dma_start3A_261, %dma_start3A_262] : memref<8x128xf32, #tpu.memory_space<vmem>> -> memref<1x128xf32, #tpu.memory_space<vmem>>
    %dma_start3A_264 = tpu.memref_squeeze %dma_start3A_263 : memref<1x128xf32, #tpu.memory_space<vmem>> -> memref<128xf32, #tpu.memory_space<vmem>>
    %dma_start3A_265 = arith.constant 0 : i32
    %dma_start3A_266 = tpu.memref_slice %arg6[%dma_start3A_260, %dma_start3A_265] : memref<84x128xi32, #tpu.memory_space<vmem>> -> memref<1x128xi32, #tpu.memory_space<vmem>>
    %dma_start3A_267 = tpu.memref_squeeze %dma_start3A_266 : memref<1x128xi32, #tpu.memory_space<vmem>> -> memref<128xi32, #tpu.memory_space<vmem>>
    %dma_start3A_268 = arith.constant 0 : i32
    %dma_start3A_269 = tpu.memref_slice %arg2[%dma_start3A_268] : memref<10240xf32, #tpu.memory_space<hbm>> -> memref<10240xf32, #tpu.memory_space<hbm>>
    tpu.enqueue_indirect_dma source(%dma_start3A_269 : memref<10240xf32, #tpu.memory_space<hbm>>) target(%dma_start3A_264 : memref<128xf32, #tpu.memory_space<vmem>>) offsets(%dma_start3A_267 : memref<128xi32, #tpu.memory_space<vmem>>) semaphore(%arg13 : memref<!tpu.dma_semaphore, #tpu.memory_space<semaphore_mem>>)
    %dma_start3A_270 = arith.constant 3 : i32
    %dma_start3A_271 = arith.constant 3 : i32
    %dma_start3A_272 = arith.constant 0 : i32
    %dma_start3A_273 = tpu.memref_slice %arg8[%dma_start3A_271, %dma_start3A_272] : memref<8x128xf32, #tpu.memory_space<vmem>> -> memref<1x128xf32, #tpu.memory_space<vmem>>
    %dma_start3A_274 = tpu.memref_squeeze %dma_start3A_273 : memref<1x128xf32, #tpu.memory_space<vmem>> -> memref<128xf32, #tpu.memory_space<vmem>>
    %dma_start3A_275 = arith.constant 0 : i32
    %dma_start3A_276 = tpu.memref_slice %arg6[%dma_start3A_270, %dma_start3A_275] : memref<84x128xi32, #tpu.memory_space<vmem>> -> memref<1x128xi32, #tpu.memory_space<vmem>>
    %dma_start3A_277 = tpu.memref_squeeze %dma_start3A_276 : memref<1x128xi32, #tpu.memory_space<vmem>> -> memref<128xi32, #tpu.memory_space<vmem>>
    %dma_start3A_278 = arith.constant 0 : i32
    %dma_start3A_279 = tpu.memref_slice %arg2[%dma_start3A_278] : memref<10240xf32, #tpu.memory_space<hbm>> -> memref<10240xf32, #tpu.memory_space<hbm>>
    tpu.enqueue_indirect_dma source(%dma_start3A_279 : memref<10240xf32, #tpu.memory_space<hbm>>) target(%dma_start3A_274 : memref<128xf32, #tpu.memory_space<vmem>>) offsets(%dma_start3A_277 : memref<128xi32, #tpu.memory_space<vmem>>) semaphore(%arg14 : memref<!tpu.dma_semaphore, #tpu.memory_space<semaphore_mem>>)
    %dma_start3A_280 = arith.constant 4 : i32
    %dma_start3A_281 = arith.constant 4 : i32
    %dma_start3A_282 = arith.constant 0 : i32
    %dma_start3A_283 = tpu.memref_slice %arg8[%dma_start3A_281, %dma_start3A_282] : memref<8x128xf32, #tpu.memory_space<vmem>> -> memref<1x128xf32, #tpu.memory_space<vmem>>
    %dma_start3A_284 = tpu.memref_squeeze %dma_start3A_283 : memref<1x128xf32, #tpu.memory_space<vmem>> -> memref<128xf32, #tpu.memory_space<vmem>>
    %dma_start3A_285 = arith.constant 0 : i32
    %dma_start3A_286 = tpu.memref_slice %arg6[%dma_start3A_280, %dma_start3A_285] : memref<84x128xi32, #tpu.memory_space<vmem>> -> memref<1x128xi32, #tpu.memory_space<vmem>>
    %dma_start3A_287 = tpu.memref_squeeze %dma_start3A_286 : memref<1x128xi32, #tpu.memory_space<vmem>> -> memref<128xi32, #tpu.memory_space<vmem>>
    %dma_start3A_288 = arith.constant 0 : i32
    %dma_start3A_289 = tpu.memref_slice %arg2[%dma_start3A_288] : memref<10240xf32, #tpu.memory_space<hbm>> -> memref<10240xf32, #tpu.memory_space<hbm>>
    tpu.enqueue_indirect_dma source(%dma_start3A_289 : memref<10240xf32, #tpu.memory_space<hbm>>) target(%dma_start3A_284 : memref<128xf32, #tpu.memory_space<vmem>>) offsets(%dma_start3A_287 : memref<128xi32, #tpu.memory_space<vmem>>) semaphore(%arg15 : memref<!tpu.dma_semaphore, #tpu.memory_space<semaphore_mem>>)
    %dma_start3A_290 = arith.constant 5 : i32
    %dma_start3A_291 = arith.constant 5 : i32
    %dma_start3A_292 = arith.constant 0 : i32
    %dma_start3A_293 = tpu.memref_slice %arg8[%dma_start3A_291, %dma_start3A_292] : memref<8x128xf32, #tpu.memory_space<vmem>> -> memref<1x128xf32, #tpu.memory_space<vmem>>
    %dma_start3A_294 = tpu.memref_squeeze %dma_start3A_293 : memref<1x128xf32, #tpu.memory_space<vmem>> -> memref<128xf32, #tpu.memory_space<vmem>>
    %dma_start3A_295 = arith.constant 0 : i32
    %dma_start3A_296 = tpu.memref_slice %arg6[%dma_start3A_290, %dma_start3A_295] : memref<84x128xi32, #tpu.memory_space<vmem>> -> memref<1x128xi32, #tpu.memory_space<vmem>>
    %dma_start3A_297 = tpu.memref_squeeze %dma_start3A_296 : memref<1x128xi32, #tpu.memory_space<vmem>> -> memref<128xi32, #tpu.memory_space<vmem>>
    %dma_start3A_298 = arith.constant 0 : i32
    %dma_start3A_299 = tpu.memref_slice %arg2[%dma_start3A_298] : memref<10240xf32, #tpu.memory_space<hbm>> -> memref<10240xf32, #tpu.memory_space<hbm>>
    tpu.enqueue_indirect_dma source(%dma_start3A_299 : memref<10240xf32, #tpu.memory_space<hbm>>) target(%dma_start3A_294 : memref<128xf32, #tpu.memory_space<vmem>>) offsets(%dma_start3A_297 : memref<128xi32, #tpu.memory_space<vmem>>) semaphore(%arg16 : memref<!tpu.dma_semaphore, #tpu.memory_space<semaphore_mem>>)
    %dma_start3A_300 = arith.constant 6 : i32
    %dma_start3A_301 = arith.constant 6 : i32
    %dma_start3A_302 = arith.constant 0 : i32
    %dma_start3A_303 = tpu.memref_slice %arg8[%dma_start3A_301, %dma_start3A_302] : memref<8x128xf32, #tpu.memory_space<vmem>> -> memref<1x128xf32, #tpu.memory_space<vmem>>
    %dma_start3A_304 = tpu.memref_squeeze %dma_start3A_303 : memref<1x128xf32, #tpu.memory_space<vmem>> -> memref<128xf32, #tpu.memory_space<vmem>>
    %dma_start3A_305 = arith.constant 0 : i32
    %dma_start3A_306 = tpu.memref_slice %arg6[%dma_start3A_300, %dma_start3A_305] : memref<84x128xi32, #tpu.memory_space<vmem>> -> memref<1x128xi32, #tpu.memory_space<vmem>>
    %dma_start3A_307 = tpu.memref_squeeze %dma_start3A_306 : memref<1x128xi32, #tpu.memory_space<vmem>> -> memref<128xi32, #tpu.memory_space<vmem>>
    %dma_start3A_308 = arith.constant 0 : i32
    %dma_start3A_309 = tpu.memref_slice %arg2[%dma_start3A_308] : memref<10240xf32, #tpu.memory_space<hbm>> -> memref<10240xf32, #tpu.memory_space<hbm>>
    tpu.enqueue_indirect_dma source(%dma_start3A_309 : memref<10240xf32, #tpu.memory_space<hbm>>) target(%dma_start3A_304 : memref<128xf32, #tpu.memory_space<vmem>>) offsets(%dma_start3A_307 : memref<128xi32, #tpu.memory_space<vmem>>) semaphore(%arg17 : memref<!tpu.dma_semaphore, #tpu.memory_space<semaphore_mem>>)
    %dma_start3A_310 = arith.constant 7 : i32
    %dma_start3A_311 = arith.constant 7 : i32
    %dma_start3A_312 = arith.constant 0 : i32
    %dma_start3A_313 = tpu.memref_slice %arg8[%dma_start3A_311, %dma_start3A_312] : memref<8x128xf32, #tpu.memory_space<vmem>> -> memref<1x128xf32, #tpu.memory_space<vmem>>
    %dma_start3A_314 = tpu.memref_squeeze %dma_start3A_313 : memref<1x128xf32, #tpu.memory_space<vmem>> -> memref<128xf32, #tpu.memory_space<vmem>>
    %dma_start3A_315 = arith.constant 0 : i32
    %dma_start3A_316 = tpu.memref_slice %arg6[%dma_start3A_310, %dma_start3A_315] : memref<84x128xi32, #tpu.memory_space<vmem>> -> memref<1x128xi32, #tpu.memory_space<vmem>>
    %dma_start3A_317 = tpu.memref_squeeze %dma_start3A_316 : memref<1x128xi32, #tpu.memory_space<vmem>> -> memref<128xi32, #tpu.memory_space<vmem>>
    %dma_start3A_318 = arith.constant 0 : i32
    %dma_start3A_319 = tpu.memref_slice %arg2[%dma_start3A_318] : memref<10240xf32, #tpu.memory_space<hbm>> -> memref<10240xf32, #tpu.memory_space<hbm>>
    tpu.enqueue_indirect_dma source(%dma_start3A_319 : memref<10240xf32, #tpu.memory_space<hbm>>) target(%dma_start3A_314 : memref<128xf32, #tpu.memory_space<vmem>>) offsets(%dma_start3A_317 : memref<128xi32, #tpu.memory_space<vmem>>) semaphore(%arg18 : memref<!tpu.dma_semaphore, #tpu.memory_space<semaphore_mem>>)
    %scan3A = arith.constant 0 : i32
    %scan3A_320 = arith.constant 0 : i32
    %scan3A_321 = arith.constant 10 : i32
    %scan3A_322 = arith.addi %scan3A_320, %scan3A_321 : i32
    %scan3A_323 = arith.constant 1 : i32
    scf.for %scan3A_412 = %scan3A_320 to %scan3A_322 step %scan3A_323  : i32 {
      %mul3A_413 = arith.constant 8 : i32
      %mul3A_414 = arith.muli %mul3A_413, %scan3A_412 : i32
      %dma_wait3A_415 = arith.constant 0 : i32
      %dma_wait3A_416 = arith.constant 0 : i32
      %dma_wait3A_417 = arith.constant 0 : i32
      %dma_wait3A_418 = tpu.memref_slice %arg8[%dma_wait3A_416, %dma_wait3A_417] : memref<8x128xf32, #tpu.memory_space<vmem>> -> memref<1x128xf32, #tpu.memory_space<vmem>>
      %dma_wait3A_419 = tpu.memref_squeeze %dma_wait3A_418 : memref<1x128xf32, #tpu.memory_space<vmem>> -> memref<128xf32, #tpu.memory_space<vmem>>
      %dma_wait3A_420 = arith.constant 0 : i32
      %dma_wait3A_421 = tpu.memref_slice %arg6[%dma_wait3A_415, %dma_wait3A_420] : memref<84x128xi32, #tpu.memory_space<vmem>> -> memref<1x128xi32, #tpu.memory_space<vmem>>
      %dma_wait3A_422 = tpu.memref_squeeze %dma_wait3A_421 : memref<1x128xi32, #tpu.memory_space<vmem>> -> memref<128xi32, #tpu.memory_space<vmem>>
      %dma_wait3A_423 = arith.constant 0 : i32
      %dma_wait3A_424 = tpu.memref_slice %arg2[%dma_wait3A_423] : memref<10240xf32, #tpu.memory_space<hbm>> -> memref<10240xf32, #tpu.memory_space<hbm>>
      tpu.wait_indirect_dma semaphore(%arg11 : memref<!tpu.dma_semaphore, #tpu.memory_space<semaphore_mem>>) src(%dma_wait3A_424 : memref<10240xf32, #tpu.memory_space<hbm>>) dst(%dma_wait3A_419 : memref<128xf32, #tpu.memory_space<vmem>>)
      %add3A_425 = arith.constant 0 : i32
      %add3A_426 = arith.addi %mul3A_414, %add3A_425 : i32
      %run_scoped3A_427 = arith.constant 0 : i32
      "tpu.region"() ({
        %run_scoped3A_638 = tpu.sem_alloc : memref<!tpu.dma_semaphore, #tpu.memory_space<semaphore_mem>>
        %dma_start3A_639 = arith.constant 0 : i32
        %dma_start3A_640 = tpu.memref_slice %arg8[%run_scoped3A_427, %dma_start3A_639] : memref<8x128xf32, #tpu.memory_space<vmem>> -> memref<1x128xf32, #tpu.memory_space<vmem>>
        %dma_start3A_641 = tpu.memref_squeeze %dma_start3A_640 : memref<1x128xf32, #tpu.memory_space<vmem>> -> memref<128xf32, #tpu.memory_space<vmem>>
        %dma_start3A_642 = arith.constant 0 : i32
        %dma_start3A_643 = tpu.memref_slice %arg7[%add3A_426, %dma_start3A_642] : memref<84x128xi32, #tpu.memory_space<vmem>> -> memref<1x128xi32, #tpu.memory_space<vmem>>
        %dma_start3A_644 = tpu.memref_squeeze %dma_start3A_643 : memref<1x128xi32, #tpu.memory_space<vmem>> -> memref<128xi32, #tpu.memory_space<vmem>>
        %dma_start3A_645 = arith.constant 0 : i32
        %dma_start3A_646 = tpu.memref_slice %arg10[%dma_start3A_645] : memref<10240xf32, #tpu.memory_space<vmem_shared>> -> memref<10240xf32, #tpu.memory_space<vmem_shared>>
        tpu.enqueue_indirect_dma source(%dma_start3A_641 : memref<128xf32, #tpu.memory_space<vmem>>) target(%dma_start3A_646 : memref<10240xf32, #tpu.memory_space<vmem_shared>>) offsets(%dma_start3A_644 : memref<128xi32, #tpu.memory_space<vmem>>) semaphore(%run_scoped3A_638 : memref<!tpu.dma_semaphore, #tpu.memory_space<semaphore_mem>>) {add = true}
        %dma_wait3A_647 = arith.constant 0 : i32
        %dma_wait3A_648 = tpu.memref_slice %arg8[%run_scoped3A_427, %dma_wait3A_647] : memref<8x128xf32, #tpu.memory_space<vmem>> -> memref<1x128xf32, #tpu.memory_space<vmem>>
        %dma_wait3A_649 = tpu.memref_squeeze %dma_wait3A_648 : memref<1x128xf32, #tpu.memory_space<vmem>> -> memref<128xf32, #tpu.memory_space<vmem>>
        %dma_wait3A_650 = arith.constant 0 : i32
        %dma_wait3A_651 = tpu.memref_slice %arg7[%add3A_426, %dma_wait3A_650] : memref<84x128xi32, #tpu.memory_space<vmem>> -> memref<1x128xi32, #tpu.memory_space<vmem>>
        %dma_wait3A_652 = tpu.memref_squeeze %dma_wait3A_651 : memref<1x128xi32, #tpu.memory_space<vmem>> -> memref<128xi32, #tpu.memory_space<vmem>>
        %dma_wait3A_653 = arith.constant 0 : i32
        %dma_wait3A_654 = tpu.memref_slice %arg10[%dma_wait3A_653] : memref<10240xf32, #tpu.memory_space<vmem_shared>> -> memref<10240xf32, #tpu.memory_space<vmem_shared>>
        tpu.wait_indirect_dma semaphore(%run_scoped3A_638 : memref<!tpu.dma_semaphore, #tpu.memory_space<semaphore_mem>>) src(%dma_wait3A_649 : memref<128xf32, #tpu.memory_space<vmem>>) dst(%dma_wait3A_654 : memref<10240xf32, #tpu.memory_space<vmem_shared>>)
        tpu.yield
      }) : () -> ()
      %add3A_428 = arith.constant 8 : i32
      %add3A_429 = arith.addi %mul3A_414, %add3A_428 : i32
      %add3A_430 = arith.constant 0 : i32
      %add3A_431 = arith.addi %add3A_429, %add3A_430 : i32
      %min3A = arith.constant 83 : i32
      %min3A_432 = arith.minsi %add3A_431, %min3A : i32
      %dma_start3A_433 = arith.constant 0 : i32
      %dma_start3A_434 = arith.constant 0 : i32
      %dma_start3A_435 = tpu.memref_slice %arg8[%dma_start3A_433, %dma_start3A_434] : memref<8x128xf32, #tpu.memory_space<vmem>> -> memref<1x128xf32, #tpu.memory_space<vmem>>
      %dma_start3A_436 = tpu.memref_squeeze %dma_start3A_435 : memref<1x128xf32, #tpu.memory_space<vmem>> -> memref<128xf32, #tpu.memory_space<vmem>>
      %dma_start3A_437 = arith.constant 0 : i32
      %dma_start3A_438 = tpu.memref_slice %arg6[%min3A_432, %dma_start3A_437] : memref<84x128xi32, #tpu.memory_space<vmem>> -> memref<1x128xi32, #tpu.memory_space<vmem>>
      %dma_start3A_439 = tpu.memref_squeeze %dma_start3A_438 : memref<1x128xi32, #tpu.memory_space<vmem>> -> memref<128xi32, #tpu.memory_space<vmem>>
      %dma_start3A_440 = arith.constant 0 : i32
      %dma_start3A_441 = tpu.memref_slice %arg2[%dma_start3A_440] : memref<10240xf32, #tpu.memory_space<hbm>> -> memref<10240xf32, #tpu.memory_space<hbm>>
      tpu.enqueue_indirect_dma source(%dma_start3A_441 : memref<10240xf32, #tpu.memory_space<hbm>>) target(%dma_start3A_436 : memref<128xf32, #tpu.memory_space<vmem>>) offsets(%dma_start3A_439 : memref<128xi32, #tpu.memory_space<vmem>>) semaphore(%arg11 : memref<!tpu.dma_semaphore, #tpu.memory_space<semaphore_mem>>)
      %dma_wait3A_442 = arith.constant 0 : i32
      %dma_wait3A_443 = arith.constant 1 : i32
      %dma_wait3A_444 = arith.constant 0 : i32
      %dma_wait3A_445 = tpu.memref_slice %arg8[%dma_wait3A_443, %dma_wait3A_444] : memref<8x128xf32, #tpu.memory_space<vmem>> -> memref<1x128xf32, #tpu.memory_space<vmem>>
      %dma_wait3A_446 = tpu.memref_squeeze %dma_wait3A_445 : memref<1x128xf32, #tpu.memory_space<vmem>> -> memref<128xf32, #tpu.memory_space<vmem>>
      %dma_wait3A_447 = arith.constant 0 : i32
      %dma_wait3A_448 = tpu.memref_slice %arg6[%dma_wait3A_442, %dma_wait3A_447] : memref<84x128xi32, #tpu.memory_space<vmem>> -> memref<1x128xi32, #tpu.memory_space<vmem>>
      %dma_wait3A_449 = tpu.memref_squeeze %dma_wait3A_448 : memref<1x128xi32, #tpu.memory_space<vmem>> -> memref<128xi32, #tpu.memory_space<vmem>>
      %dma_wait3A_450 = arith.constant 0 : i32
      %dma_wait3A_451 = tpu.memref_slice %arg2[%dma_wait3A_450] : memref<10240xf32, #tpu.memory_space<hbm>> -> memref<10240xf32, #tpu.memory_space<hbm>>
      tpu.wait_indirect_dma semaphore(%arg12 : memref<!tpu.dma_semaphore, #tpu.memory_space<semaphore_mem>>) src(%dma_wait3A_451 : memref<10240xf32, #tpu.memory_space<hbm>>) dst(%dma_wait3A_446 : memref<128xf32, #tpu.memory_space<vmem>>)
      %add3A_452 = arith.constant 1 : i32
      %add3A_453 = arith.addi %mul3A_414, %add3A_452 : i32
      %run_scoped3A_454 = arith.constant 1 : i32
      "tpu.region"() ({
        %run_scoped3A_638 = tpu.sem_alloc : memref<!tpu.dma_semaphore, #tpu.memory_space<semaphore_mem>>
        %dma_start3A_639 = arith.constant 0 : i32
        %dma_start3A_640 = tpu.memref_slice %arg8[%run_scoped3A_454, %dma_start3A_639] : memref<8x128xf32, #tpu.memory_space<vmem>> -> memref<1x128xf32, #tpu.memory_space<vmem>>
        %dma_start3A_641 = tpu.memref_squeeze %dma_start3A_640 : memref<1x128xf32, #tpu.memory_space<vmem>> -> memref<128xf32, #tpu.memory_space<vmem>>
        %dma_start3A_642 = arith.constant 0 : i32
        %dma_start3A_643 = tpu.memref_slice %arg7[%add3A_453, %dma_start3A_642] : memref<84x128xi32, #tpu.memory_space<vmem>> -> memref<1x128xi32, #tpu.memory_space<vmem>>
        %dma_start3A_644 = tpu.memref_squeeze %dma_start3A_643 : memref<1x128xi32, #tpu.memory_space<vmem>> -> memref<128xi32, #tpu.memory_space<vmem>>
        %dma_start3A_645 = arith.constant 0 : i32
        %dma_start3A_646 = tpu.memref_slice %arg10[%dma_start3A_645] : memref<10240xf32, #tpu.memory_space<vmem_shared>> -> memref<10240xf32, #tpu.memory_space<vmem_shared>>
        tpu.enqueue_indirect_dma source(%dma_start3A_641 : memref<128xf32, #tpu.memory_space<vmem>>) target(%dma_start3A_646 : memref<10240xf32, #tpu.memory_space<vmem_shared>>) offsets(%dma_start3A_644 : memref<128xi32, #tpu.memory_space<vmem>>) semaphore(%run_scoped3A_638 : memref<!tpu.dma_semaphore, #tpu.memory_space<semaphore_mem>>) {add = true}
        %dma_wait3A_647 = arith.constant 0 : i32
        %dma_wait3A_648 = tpu.memref_slice %arg8[%run_scoped3A_454, %dma_wait3A_647] : memref<8x128xf32, #tpu.memory_space<vmem>> -> memref<1x128xf32, #tpu.memory_space<vmem>>
        %dma_wait3A_649 = tpu.memref_squeeze %dma_wait3A_648 : memref<1x128xf32, #tpu.memory_space<vmem>> -> memref<128xf32, #tpu.memory_space<vmem>>
        %dma_wait3A_650 = arith.constant 0 : i32
        %dma_wait3A_651 = tpu.memref_slice %arg7[%add3A_453, %dma_wait3A_650] : memref<84x128xi32, #tpu.memory_space<vmem>> -> memref<1x128xi32, #tpu.memory_space<vmem>>
        %dma_wait3A_652 = tpu.memref_squeeze %dma_wait3A_651 : memref<1x128xi32, #tpu.memory_space<vmem>> -> memref<128xi32, #tpu.memory_space<vmem>>
        %dma_wait3A_653 = arith.constant 0 : i32
        %dma_wait3A_654 = tpu.memref_slice %arg10[%dma_wait3A_653] : memref<10240xf32, #tpu.memory_space<vmem_shared>> -> memref<10240xf32, #tpu.memory_space<vmem_shared>>
        tpu.wait_indirect_dma semaphore(%run_scoped3A_638 : memref<!tpu.dma_semaphore, #tpu.memory_space<semaphore_mem>>) src(%dma_wait3A_649 : memref<128xf32, #tpu.memory_space<vmem>>) dst(%dma_wait3A_654 : memref<10240xf32, #tpu.memory_space<vmem_shared>>)
        tpu.yield
      }) : () -> ()
      %add3A_455 = arith.constant 8 : i32
      %add3A_456 = arith.addi %mul3A_414, %add3A_455 : i32
      %add3A_457 = arith.constant 1 : i32
      %add3A_458 = arith.addi %add3A_456, %add3A_457 : i32
      %min3A_459 = arith.constant 83 : i32
      %min3A_460 = arith.minsi %add3A_458, %min3A_459 : i32
      %dma_start3A_461 = arith.constant 1 : i32
      %dma_start3A_462 = arith.constant 0 : i32
      %dma_start3A_463 = tpu.memref_slice %arg8[%dma_start3A_461, %dma_start3A_462] : memref<8x128xf32, #tpu.memory_space<vmem>> -> memref<1x128xf32, #tpu.memory_space<vmem>>
      %dma_start3A_464 = tpu.memref_squeeze %dma_start3A_463 : memref<1x128xf32, #tpu.memory_space<vmem>> -> memref<128xf32, #tpu.memory_space<vmem>>
      %dma_start3A_465 = arith.constant 0 : i32
      %dma_start3A_466 = tpu.memref_slice %arg6[%min3A_460, %dma_start3A_465] : memref<84x128xi32, #tpu.memory_space<vmem>> -> memref<1x128xi32, #tpu.memory_space<vmem>>
      %dma_start3A_467 = tpu.memref_squeeze %dma_start3A_466 : memref<1x128xi32, #tpu.memory_space<vmem>> -> memref<128xi32, #tpu.memory_space<vmem>>
      %dma_start3A_468 = arith.constant 0 : i32
      %dma_start3A_469 = tpu.memref_slice %arg2[%dma_start3A_468] : memref<10240xf32, #tpu.memory_space<hbm>> -> memref<10240xf32, #tpu.memory_space<hbm>>
      tpu.enqueue_indirect_dma source(%dma_start3A_469 : memref<10240xf32, #tpu.memory_space<hbm>>) target(%dma_start3A_464 : memref<128xf32, #tpu.memory_space<vmem>>) offsets(%dma_start3A_467 : memref<128xi32, #tpu.memory_space<vmem>>) semaphore(%arg12 : memref<!tpu.dma_semaphore, #tpu.memory_space<semaphore_mem>>)
      %dma_wait3A_470 = arith.constant 0 : i32
      %dma_wait3A_471 = arith.constant 2 : i32
      %dma_wait3A_472 = arith.constant 0 : i32
      %dma_wait3A_473 = tpu.memref_slice %arg8[%dma_wait3A_471, %dma_wait3A_472] : memref<8x128xf32, #tpu.memory_space<vmem>> -> memref<1x128xf32, #tpu.memory_space<vmem>>
      %dma_wait3A_474 = tpu.memref_squeeze %dma_wait3A_473 : memref<1x128xf32, #tpu.memory_space<vmem>> -> memref<128xf32, #tpu.memory_space<vmem>>
      %dma_wait3A_475 = arith.constant 0 : i32
      %dma_wait3A_476 = tpu.memref_slice %arg6[%dma_wait3A_470, %dma_wait3A_475] : memref<84x128xi32, #tpu.memory_space<vmem>> -> memref<1x128xi32, #tpu.memory_space<vmem>>
      %dma_wait3A_477 = tpu.memref_squeeze %dma_wait3A_476 : memref<1x128xi32, #tpu.memory_space<vmem>> -> memref<128xi32, #tpu.memory_space<vmem>>
      %dma_wait3A_478 = arith.constant 0 : i32
      %dma_wait3A_479 = tpu.memref_slice %arg2[%dma_wait3A_478] : memref<10240xf32, #tpu.memory_space<hbm>> -> memref<10240xf32, #tpu.memory_space<hbm>>
      tpu.wait_indirect_dma semaphore(%arg13 : memref<!tpu.dma_semaphore, #tpu.memory_space<semaphore_mem>>) src(%dma_wait3A_479 : memref<10240xf32, #tpu.memory_space<hbm>>) dst(%dma_wait3A_474 : memref<128xf32, #tpu.memory_space<vmem>>)
      %add3A_480 = arith.constant 2 : i32
      %add3A_481 = arith.addi %mul3A_414, %add3A_480 : i32
      %run_scoped3A_482 = arith.constant 2 : i32
      "tpu.region"() ({
        %run_scoped3A_638 = tpu.sem_alloc : memref<!tpu.dma_semaphore, #tpu.memory_space<semaphore_mem>>
        %dma_start3A_639 = arith.constant 0 : i32
        %dma_start3A_640 = tpu.memref_slice %arg8[%run_scoped3A_482, %dma_start3A_639] : memref<8x128xf32, #tpu.memory_space<vmem>> -> memref<1x128xf32, #tpu.memory_space<vmem>>
        %dma_start3A_641 = tpu.memref_squeeze %dma_start3A_640 : memref<1x128xf32, #tpu.memory_space<vmem>> -> memref<128xf32, #tpu.memory_space<vmem>>
        %dma_start3A_642 = arith.constant 0 : i32
        %dma_start3A_643 = tpu.memref_slice %arg7[%add3A_481, %dma_start3A_642] : memref<84x128xi32, #tpu.memory_space<vmem>> -> memref<1x128xi32, #tpu.memory_space<vmem>>
        %dma_start3A_644 = tpu.memref_squeeze %dma_start3A_643 : memref<1x128xi32, #tpu.memory_space<vmem>> -> memref<128xi32, #tpu.memory_space<vmem>>
        %dma_start3A_645 = arith.constant 0 : i32
        %dma_start3A_646 = tpu.memref_slice %arg10[%dma_start3A_645] : memref<10240xf32, #tpu.memory_space<vmem_shared>> -> memref<10240xf32, #tpu.memory_space<vmem_shared>>
        tpu.enqueue_indirect_dma source(%dma_start3A_641 : memref<128xf32, #tpu.memory_space<vmem>>) target(%dma_start3A_646 : memref<10240xf32, #tpu.memory_space<vmem_shared>>) offsets(%dma_start3A_644 : memref<128xi32, #tpu.memory_space<vmem>>) semaphore(%run_scoped3A_638 : memref<!tpu.dma_semaphore, #tpu.memory_space<semaphore_mem>>) {add = true}
        %dma_wait3A_647 = arith.constant 0 : i32
        %dma_wait3A_648 = tpu.memref_slice %arg8[%run_scoped3A_482, %dma_wait3A_647] : memref<8x128xf32, #tpu.memory_space<vmem>> -> memref<1x128xf32, #tpu.memory_space<vmem>>
        %dma_wait3A_649 = tpu.memref_squeeze %dma_wait3A_648 : memref<1x128xf32, #tpu.memory_space<vmem>> -> memref<128xf32, #tpu.memory_space<vmem>>
        %dma_wait3A_650 = arith.constant 0 : i32
        %dma_wait3A_651 = tpu.memref_slice %arg7[%add3A_481, %dma_wait3A_650] : memref<84x128xi32, #tpu.memory_space<vmem>> -> memref<1x128xi32, #tpu.memory_space<vmem>>
        %dma_wait3A_652 = tpu.memref_squeeze %dma_wait3A_651 : memref<1x128xi32, #tpu.memory_space<vmem>> -> memref<128xi32, #tpu.memory_space<vmem>>
        %dma_wait3A_653 = arith.constant 0 : i32
        %dma_wait3A_654 = tpu.memref_slice %arg10[%dma_wait3A_653] : memref<10240xf32, #tpu.memory_space<vmem_shared>> -> memref<10240xf32, #tpu.memory_space<vmem_shared>>
        tpu.wait_indirect_dma semaphore(%run_scoped3A_638 : memref<!tpu.dma_semaphore, #tpu.memory_space<semaphore_mem>>) src(%dma_wait3A_649 : memref<128xf32, #tpu.memory_space<vmem>>) dst(%dma_wait3A_654 : memref<10240xf32, #tpu.memory_space<vmem_shared>>)
        tpu.yield
      }) : () -> ()
      %add3A_483 = arith.constant 8 : i32
      %add3A_484 = arith.addi %mul3A_414, %add3A_483 : i32
      %add3A_485 = arith.constant 2 : i32
      %add3A_486 = arith.addi %add3A_484, %add3A_485 : i32
      %min3A_487 = arith.constant 83 : i32
      %min3A_488 = arith.minsi %add3A_486, %min3A_487 : i32
      %dma_start3A_489 = arith.constant 2 : i32
      %dma_start3A_490 = arith.constant 0 : i32
      %dma_start3A_491 = tpu.memref_slice %arg8[%dma_start3A_489, %dma_start3A_490] : memref<8x128xf32, #tpu.memory_space<vmem>> -> memref<1x128xf32, #tpu.memory_space<vmem>>
      %dma_start3A_492 = tpu.memref_squeeze %dma_start3A_491 : memref<1x128xf32, #tpu.memory_space<vmem>> -> memref<128xf32, #tpu.memory_space<vmem>>
      %dma_start3A_493 = arith.constant 0 : i32
      %dma_start3A_494 = tpu.memref_slice %arg6[%min3A_488, %dma_start3A_493] : memref<84x128xi32, #tpu.memory_space<vmem>> -> memref<1x128xi32, #tpu.memory_space<vmem>>
      %dma_start3A_495 = tpu.memref_squeeze %dma_start3A_494 : memref<1x128xi32, #tpu.memory_space<vmem>> -> memref<128xi32, #tpu.memory_space<vmem>>
      %dma_start3A_496 = arith.constant 0 : i32
      %dma_start3A_497 = tpu.memref_slice %arg2[%dma_start3A_496] : memref<10240xf32, #tpu.memory_space<hbm>> -> memref<10240xf32, #tpu.memory_space<hbm>>
      tpu.enqueue_indirect_dma source(%dma_start3A_497 : memref<10240xf32, #tpu.memory_space<hbm>>) target(%dma_start3A_492 : memref<128xf32, #tpu.memory_space<vmem>>) offsets(%dma_start3A_495 : memref<128xi32, #tpu.memory_space<vmem>>) semaphore(%arg13 : memref<!tpu.dma_semaphore, #tpu.memory_space<semaphore_mem>>)
      %dma_wait3A_498 = arith.constant 0 : i32
      %dma_wait3A_499 = arith.constant 3 : i32
      %dma_wait3A_500 = arith.constant 0 : i32
      %dma_wait3A_501 = tpu.memref_slice %arg8[%dma_wait3A_499, %dma_wait3A_500] : memref<8x128xf32, #tpu.memory_space<vmem>> -> memref<1x128xf32, #tpu.memory_space<vmem>>
      %dma_wait3A_502 = tpu.memref_squeeze %dma_wait3A_501 : memref<1x128xf32, #tpu.memory_space<vmem>> -> memref<128xf32, #tpu.memory_space<vmem>>
      %dma_wait3A_503 = arith.constant 0 : i32
      %dma_wait3A_504 = tpu.memref_slice %arg6[%dma_wait3A_498, %dma_wait3A_503] : memref<84x128xi32, #tpu.memory_space<vmem>> -> memref<1x128xi32, #tpu.memory_space<vmem>>
      %dma_wait3A_505 = tpu.memref_squeeze %dma_wait3A_504 : memref<1x128xi32, #tpu.memory_space<vmem>> -> memref<128xi32, #tpu.memory_space<vmem>>
      %dma_wait3A_506 = arith.constant 0 : i32
      %dma_wait3A_507 = tpu.memref_slice %arg2[%dma_wait3A_506] : memref<10240xf32, #tpu.memory_space<hbm>> -> memref<10240xf32, #tpu.memory_space<hbm>>
      tpu.wait_indirect_dma semaphore(%arg14 : memref<!tpu.dma_semaphore, #tpu.memory_space<semaphore_mem>>) src(%dma_wait3A_507 : memref<10240xf32, #tpu.memory_space<hbm>>) dst(%dma_wait3A_502 : memref<128xf32, #tpu.memory_space<vmem>>)
      %add3A_508 = arith.constant 3 : i32
      %add3A_509 = arith.addi %mul3A_414, %add3A_508 : i32
      %run_scoped3A_510 = arith.constant 3 : i32
      "tpu.region"() ({
        %run_scoped3A_638 = tpu.sem_alloc : memref<!tpu.dma_semaphore, #tpu.memory_space<semaphore_mem>>
        %dma_start3A_639 = arith.constant 0 : i32
        %dma_start3A_640 = tpu.memref_slice %arg8[%run_scoped3A_510, %dma_start3A_639] : memref<8x128xf32, #tpu.memory_space<vmem>> -> memref<1x128xf32, #tpu.memory_space<vmem>>
        %dma_start3A_641 = tpu.memref_squeeze %dma_start3A_640 : memref<1x128xf32, #tpu.memory_space<vmem>> -> memref<128xf32, #tpu.memory_space<vmem>>
        %dma_start3A_642 = arith.constant 0 : i32
        %dma_start3A_643 = tpu.memref_slice %arg7[%add3A_509, %dma_start3A_642] : memref<84x128xi32, #tpu.memory_space<vmem>> -> memref<1x128xi32, #tpu.memory_space<vmem>>
        %dma_start3A_644 = tpu.memref_squeeze %dma_start3A_643 : memref<1x128xi32, #tpu.memory_space<vmem>> -> memref<128xi32, #tpu.memory_space<vmem>>
        %dma_start3A_645 = arith.constant 0 : i32
        %dma_start3A_646 = tpu.memref_slice %arg10[%dma_start3A_645] : memref<10240xf32, #tpu.memory_space<vmem_shared>> -> memref<10240xf32, #tpu.memory_space<vmem_shared>>
        tpu.enqueue_indirect_dma source(%dma_start3A_641 : memref<128xf32, #tpu.memory_space<vmem>>) target(%dma_start3A_646 : memref<10240xf32, #tpu.memory_space<vmem_shared>>) offsets(%dma_start3A_644 : memref<128xi32, #tpu.memory_space<vmem>>) semaphore(%run_scoped3A_638 : memref<!tpu.dma_semaphore, #tpu.memory_space<semaphore_mem>>) {add = true}
        %dma_wait3A_647 = arith.constant 0 : i32
        %dma_wait3A_648 = tpu.memref_slice %arg8[%run_scoped3A_510, %dma_wait3A_647] : memref<8x128xf32, #tpu.memory_space<vmem>> -> memref<1x128xf32, #tpu.memory_space<vmem>>
        %dma_wait3A_649 = tpu.memref_squeeze %dma_wait3A_648 : memref<1x128xf32, #tpu.memory_space<vmem>> -> memref<128xf32, #tpu.memory_space<vmem>>
        %dma_wait3A_650 = arith.constant 0 : i32
        %dma_wait3A_651 = tpu.memref_slice %arg7[%add3A_509, %dma_wait3A_650] : memref<84x128xi32, #tpu.memory_space<vmem>> -> memref<1x128xi32, #tpu.memory_space<vmem>>
        %dma_wait3A_652 = tpu.memref_squeeze %dma_wait3A_651 : memref<1x128xi32, #tpu.memory_space<vmem>> -> memref<128xi32, #tpu.memory_space<vmem>>
        %dma_wait3A_653 = arith.constant 0 : i32
        %dma_wait3A_654 = tpu.memref_slice %arg10[%dma_wait3A_653] : memref<10240xf32, #tpu.memory_space<vmem_shared>> -> memref<10240xf32, #tpu.memory_space<vmem_shared>>
        tpu.wait_indirect_dma semaphore(%run_scoped3A_638 : memref<!tpu.dma_semaphore, #tpu.memory_space<semaphore_mem>>) src(%dma_wait3A_649 : memref<128xf32, #tpu.memory_space<vmem>>) dst(%dma_wait3A_654 : memref<10240xf32, #tpu.memory_space<vmem_shared>>)
        tpu.yield
      }) : () -> ()
      %add3A_511 = arith.constant 8 : i32
      %add3A_512 = arith.addi %mul3A_414, %add3A_511 : i32
      %add3A_513 = arith.constant 3 : i32
      %add3A_514 = arith.addi %add3A_512, %add3A_513 : i32
      %min3A_515 = arith.constant 83 : i32
      %min3A_516 = arith.minsi %add3A_514, %min3A_515 : i32
      %dma_start3A_517 = arith.constant 3 : i32
      %dma_start3A_518 = arith.constant 0 : i32
      %dma_start3A_519 = tpu.memref_slice %arg8[%dma_start3A_517, %dma_start3A_518] : memref<8x128xf32, #tpu.memory_space<vmem>> -> memref<1x128xf32, #tpu.memory_space<vmem>>
      %dma_start3A_520 = tpu.memref_squeeze %dma_start3A_519 : memref<1x128xf32, #tpu.memory_space<vmem>> -> memref<128xf32, #tpu.memory_space<vmem>>
      %dma_start3A_521 = arith.constant 0 : i32
      %dma_start3A_522 = tpu.memref_slice %arg6[%min3A_516, %dma_start3A_521] : memref<84x128xi32, #tpu.memory_space<vmem>> -> memref<1x128xi32, #tpu.memory_space<vmem>>
      %dma_start3A_523 = tpu.memref_squeeze %dma_start3A_522 : memref<1x128xi32, #tpu.memory_space<vmem>> -> memref<128xi32, #tpu.memory_space<vmem>>
      %dma_start3A_524 = arith.constant 0 : i32
      %dma_start3A_525 = tpu.memref_slice %arg2[%dma_start3A_524] : memref<10240xf32, #tpu.memory_space<hbm>> -> memref<10240xf32, #tpu.memory_space<hbm>>
      tpu.enqueue_indirect_dma source(%dma_start3A_525 : memref<10240xf32, #tpu.memory_space<hbm>>) target(%dma_start3A_520 : memref<128xf32, #tpu.memory_space<vmem>>) offsets(%dma_start3A_523 : memref<128xi32, #tpu.memory_space<vmem>>) semaphore(%arg14 : memref<!tpu.dma_semaphore, #tpu.memory_space<semaphore_mem>>)
      %dma_wait3A_526 = arith.constant 0 : i32
      %dma_wait3A_527 = arith.constant 4 : i32
      %dma_wait3A_528 = arith.constant 0 : i32
      %dma_wait3A_529 = tpu.memref_slice %arg8[%dma_wait3A_527, %dma_wait3A_528] : memref<8x128xf32, #tpu.memory_space<vmem>> -> memref<1x128xf32, #tpu.memory_space<vmem>>
      %dma_wait3A_530 = tpu.memref_squeeze %dma_wait3A_529 : memref<1x128xf32, #tpu.memory_space<vmem>> -> memref<128xf32, #tpu.memory_space<vmem>>
      %dma_wait3A_531 = arith.constant 0 : i32
      %dma_wait3A_532 = tpu.memref_slice %arg6[%dma_wait3A_526, %dma_wait3A_531] : memref<84x128xi32, #tpu.memory_space<vmem>> -> memref<1x128xi32, #tpu.memory_space<vmem>>
      %dma_wait3A_533 = tpu.memref_squeeze %dma_wait3A_532 : memref<1x128xi32, #tpu.memory_space<vmem>> -> memref<128xi32, #tpu.memory_space<vmem>>
      %dma_wait3A_534 = arith.constant 0 : i32
      %dma_wait3A_535 = tpu.memref_slice %arg2[%dma_wait3A_534] : memref<10240xf32, #tpu.memory_space<hbm>> -> memref<10240xf32, #tpu.memory_space<hbm>>
      tpu.wait_indirect_dma semaphore(%arg15 : memref<!tpu.dma_semaphore, #tpu.memory_space<semaphore_mem>>) src(%dma_wait3A_535 : memref<10240xf32, #tpu.memory_space<hbm>>) dst(%dma_wait3A_530 : memref<128xf32, #tpu.memory_space<vmem>>)
      %add3A_536 = arith.constant 4 : i32
      %add3A_537 = arith.addi %mul3A_414, %add3A_536 : i32
      %run_scoped3A_538 = arith.constant 4 : i32
      "tpu.region"() ({
        %run_scoped3A_638 = tpu.sem_alloc : memref<!tpu.dma_semaphore, #tpu.memory_space<semaphore_mem>>
        %dma_start3A_639 = arith.constant 0 : i32
        %dma_start3A_640 = tpu.memref_slice %arg8[%run_scoped3A_538, %dma_start3A_639] : memref<8x128xf32, #tpu.memory_space<vmem>> -> memref<1x128xf32, #tpu.memory_space<vmem>>
        %dma_start3A_641 = tpu.memref_squeeze %dma_start3A_640 : memref<1x128xf32, #tpu.memory_space<vmem>> -> memref<128xf32, #tpu.memory_space<vmem>>
        %dma_start3A_642 = arith.constant 0 : i32
        %dma_start3A_643 = tpu.memref_slice %arg7[%add3A_537, %dma_start3A_642] : memref<84x128xi32, #tpu.memory_space<vmem>> -> memref<1x128xi32, #tpu.memory_space<vmem>>
        %dma_start3A_644 = tpu.memref_squeeze %dma_start3A_643 : memref<1x128xi32, #tpu.memory_space<vmem>> -> memref<128xi32, #tpu.memory_space<vmem>>
        %dma_start3A_645 = arith.constant 0 : i32
        %dma_start3A_646 = tpu.memref_slice %arg10[%dma_start3A_645] : memref<10240xf32, #tpu.memory_space<vmem_shared>> -> memref<10240xf32, #tpu.memory_space<vmem_shared>>
        tpu.enqueue_indirect_dma source(%dma_start3A_641 : memref<128xf32, #tpu.memory_space<vmem>>) target(%dma_start3A_646 : memref<10240xf32, #tpu.memory_space<vmem_shared>>) offsets(%dma_start3A_644 : memref<128xi32, #tpu.memory_space<vmem>>) semaphore(%run_scoped3A_638 : memref<!tpu.dma_semaphore, #tpu.memory_space<semaphore_mem>>) {add = true}
        %dma_wait3A_647 = arith.constant 0 : i32
        %dma_wait3A_648 = tpu.memref_slice %arg8[%run_scoped3A_538, %dma_wait3A_647] : memref<8x128xf32, #tpu.memory_space<vmem>> -> memref<1x128xf32, #tpu.memory_space<vmem>>
        %dma_wait3A_649 = tpu.memref_squeeze %dma_wait3A_648 : memref<1x128xf32, #tpu.memory_space<vmem>> -> memref<128xf32, #tpu.memory_space<vmem>>
        %dma_wait3A_650 = arith.constant 0 : i32
        %dma_wait3A_651 = tpu.memref_slice %arg7[%add3A_537, %dma_wait3A_650] : memref<84x128xi32, #tpu.memory_space<vmem>> -> memref<1x128xi32, #tpu.memory_space<vmem>>
        %dma_wait3A_652 = tpu.memref_squeeze %dma_wait3A_651 : memref<1x128xi32, #tpu.memory_space<vmem>> -> memref<128xi32, #tpu.memory_space<vmem>>
        %dma_wait3A_653 = arith.constant 0 : i32
        %dma_wait3A_654 = tpu.memref_slice %arg10[%dma_wait3A_653] : memref<10240xf32, #tpu.memory_space<vmem_shared>> -> memref<10240xf32, #tpu.memory_space<vmem_shared>>
        tpu.wait_indirect_dma semaphore(%run_scoped3A_638 : memref<!tpu.dma_semaphore, #tpu.memory_space<semaphore_mem>>) src(%dma_wait3A_649 : memref<128xf32, #tpu.memory_space<vmem>>) dst(%dma_wait3A_654 : memref<10240xf32, #tpu.memory_space<vmem_shared>>)
        tpu.yield
      }) : () -> ()
      %add3A_539 = arith.constant 8 : i32
      %add3A_540 = arith.addi %mul3A_414, %add3A_539 : i32
      %add3A_541 = arith.constant 4 : i32
      %add3A_542 = arith.addi %add3A_540, %add3A_541 : i32
      %min3A_543 = arith.constant 83 : i32
      %min3A_544 = arith.minsi %add3A_542, %min3A_543 : i32
      %dma_start3A_545 = arith.constant 4 : i32
      %dma_start3A_546 = arith.constant 0 : i32
      %dma_start3A_547 = tpu.memref_slice %arg8[%dma_start3A_545, %dma_start3A_546] : memref<8x128xf32, #tpu.memory_space<vmem>> -> memref<1x128xf32, #tpu.memory_space<vmem>>
      %dma_start3A_548 = tpu.memref_squeeze %dma_start3A_547 : memref<1x128xf32, #tpu.memory_space<vmem>> -> memref<128xf32, #tpu.memory_space<vmem>>
      %dma_start3A_549 = arith.constant 0 : i32
      %dma_start3A_550 = tpu.memref_slice %arg6[%min3A_544, %dma_start3A_549] : memref<84x128xi32, #tpu.memory_space<vmem>> -> memref<1x128xi32, #tpu.memory_space<vmem>>
      %dma_start3A_551 = tpu.memref_squeeze %dma_start3A_550 : memref<1x128xi32, #tpu.memory_space<vmem>> -> memref<128xi32, #tpu.memory_space<vmem>>
      %dma_start3A_552 = arith.constant 0 : i32
      %dma_start3A_553 = tpu.memref_slice %arg2[%dma_start3A_552] : memref<10240xf32, #tpu.memory_space<hbm>> -> memref<10240xf32, #tpu.memory_space<hbm>>
      tpu.enqueue_indirect_dma source(%dma_start3A_553 : memref<10240xf32, #tpu.memory_space<hbm>>) target(%dma_start3A_548 : memref<128xf32, #tpu.memory_space<vmem>>) offsets(%dma_start3A_551 : memref<128xi32, #tpu.memory_space<vmem>>) semaphore(%arg15 : memref<!tpu.dma_semaphore, #tpu.memory_space<semaphore_mem>>)
      %dma_wait3A_554 = arith.constant 0 : i32
      %dma_wait3A_555 = arith.constant 5 : i32
      %dma_wait3A_556 = arith.constant 0 : i32
      %dma_wait3A_557 = tpu.memref_slice %arg8[%dma_wait3A_555, %dma_wait3A_556] : memref<8x128xf32, #tpu.memory_space<vmem>> -> memref<1x128xf32, #tpu.memory_space<vmem>>
      %dma_wait3A_558 = tpu.memref_squeeze %dma_wait3A_557 : memref<1x128xf32, #tpu.memory_space<vmem>> -> memref<128xf32, #tpu.memory_space<vmem>>
      %dma_wait3A_559 = arith.constant 0 : i32
      %dma_wait3A_560 = tpu.memref_slice %arg6[%dma_wait3A_554, %dma_wait3A_559] : memref<84x128xi32, #tpu.memory_space<vmem>> -> memref<1x128xi32, #tpu.memory_space<vmem>>
      %dma_wait3A_561 = tpu.memref_squeeze %dma_wait3A_560 : memref<1x128xi32, #tpu.memory_space<vmem>> -> memref<128xi32, #tpu.memory_space<vmem>>
      %dma_wait3A_562 = arith.constant 0 : i32
      %dma_wait3A_563 = tpu.memref_slice %arg2[%dma_wait3A_562] : memref<10240xf32, #tpu.memory_space<hbm>> -> memref<10240xf32, #tpu.memory_space<hbm>>
      tpu.wait_indirect_dma semaphore(%arg16 : memref<!tpu.dma_semaphore, #tpu.memory_space<semaphore_mem>>) src(%dma_wait3A_563 : memref<10240xf32, #tpu.memory_space<hbm>>) dst(%dma_wait3A_558 : memref<128xf32, #tpu.memory_space<vmem>>)
      %add3A_564 = arith.constant 5 : i32
      %add3A_565 = arith.addi %mul3A_414, %add3A_564 : i32
      %run_scoped3A_566 = arith.constant 5 : i32
      "tpu.region"() ({
        %run_scoped3A_638 = tpu.sem_alloc : memref<!tpu.dma_semaphore, #tpu.memory_space<semaphore_mem>>
        %dma_start3A_639 = arith.constant 0 : i32
        %dma_start3A_640 = tpu.memref_slice %arg8[%run_scoped3A_566, %dma_start3A_639] : memref<8x128xf32, #tpu.memory_space<vmem>> -> memref<1x128xf32, #tpu.memory_space<vmem>>
        %dma_start3A_641 = tpu.memref_squeeze %dma_start3A_640 : memref<1x128xf32, #tpu.memory_space<vmem>> -> memref<128xf32, #tpu.memory_space<vmem>>
        %dma_start3A_642 = arith.constant 0 : i32
        %dma_start3A_643 = tpu.memref_slice %arg7[%add3A_565, %dma_start3A_642] : memref<84x128xi32, #tpu.memory_space<vmem>> -> memref<1x128xi32, #tpu.memory_space<vmem>>
        %dma_start3A_644 = tpu.memref_squeeze %dma_start3A_643 : memref<1x128xi32, #tpu.memory_space<vmem>> -> memref<128xi32, #tpu.memory_space<vmem>>
        %dma_start3A_645 = arith.constant 0 : i32
        %dma_start3A_646 = tpu.memref_slice %arg10[%dma_start3A_645] : memref<10240xf32, #tpu.memory_space<vmem_shared>> -> memref<10240xf32, #tpu.memory_space<vmem_shared>>
        tpu.enqueue_indirect_dma source(%dma_start3A_641 : memref<128xf32, #tpu.memory_space<vmem>>) target(%dma_start3A_646 : memref<10240xf32, #tpu.memory_space<vmem_shared>>) offsets(%dma_start3A_644 : memref<128xi32, #tpu.memory_space<vmem>>) semaphore(%run_scoped3A_638 : memref<!tpu.dma_semaphore, #tpu.memory_space<semaphore_mem>>) {add = true}
        %dma_wait3A_647 = arith.constant 0 : i32
        %dma_wait3A_648 = tpu.memref_slice %arg8[%run_scoped3A_566, %dma_wait3A_647] : memref<8x128xf32, #tpu.memory_space<vmem>> -> memref<1x128xf32, #tpu.memory_space<vmem>>
        %dma_wait3A_649 = tpu.memref_squeeze %dma_wait3A_648 : memref<1x128xf32, #tpu.memory_space<vmem>> -> memref<128xf32, #tpu.memory_space<vmem>>
        %dma_wait3A_650 = arith.constant 0 : i32
        %dma_wait3A_651 = tpu.memref_slice %arg7[%add3A_565, %dma_wait3A_650] : memref<84x128xi32, #tpu.memory_space<vmem>> -> memref<1x128xi32, #tpu.memory_space<vmem>>
        %dma_wait3A_652 = tpu.memref_squeeze %dma_wait3A_651 : memref<1x128xi32, #tpu.memory_space<vmem>> -> memref<128xi32, #tpu.memory_space<vmem>>
        %dma_wait3A_653 = arith.constant 0 : i32
        %dma_wait3A_654 = tpu.memref_slice %arg10[%dma_wait3A_653] : memref<10240xf32, #tpu.memory_space<vmem_shared>> -> memref<10240xf32, #tpu.memory_space<vmem_shared>>
        tpu.wait_indirect_dma semaphore(%run_scoped3A_638 : memref<!tpu.dma_semaphore, #tpu.memory_space<semaphore_mem>>) src(%dma_wait3A_649 : memref<128xf32, #tpu.memory_space<vmem>>) dst(%dma_wait3A_654 : memref<10240xf32, #tpu.memory_space<vmem_shared>>)
        tpu.yield
      }) : () -> ()
      %add3A_567 = arith.constant 8 : i32
      %add3A_568 = arith.addi %mul3A_414, %add3A_567 : i32
      %add3A_569 = arith.constant 5 : i32
      %add3A_570 = arith.addi %add3A_568, %add3A_569 : i32
      %min3A_571 = arith.constant 83 : i32
      %min3A_572 = arith.minsi %add3A_570, %min3A_571 : i32
      %dma_start3A_573 = arith.constant 5 : i32
      %dma_start3A_574 = arith.constant 0 : i32
      %dma_start3A_575 = tpu.memref_slice %arg8[%dma_start3A_573, %dma_start3A_574] : memref<8x128xf32, #tpu.memory_space<vmem>> -> memref<1x128xf32, #tpu.memory_space<vmem>>
      %dma_start3A_576 = tpu.memref_squeeze %dma_start3A_575 : memref<1x128xf32, #tpu.memory_space<vmem>> -> memref<128xf32, #tpu.memory_space<vmem>>
      %dma_start3A_577 = arith.constant 0 : i32
      %dma_start3A_578 = tpu.memref_slice %arg6[%min3A_572, %dma_start3A_577] : memref<84x128xi32, #tpu.memory_space<vmem>> -> memref<1x128xi32, #tpu.memory_space<vmem>>
      %dma_start3A_579 = tpu.memref_squeeze %dma_start3A_578 : memref<1x128xi32, #tpu.memory_space<vmem>> -> memref<128xi32, #tpu.memory_space<vmem>>
      %dma_start3A_580 = arith.constant 0 : i32
      %dma_start3A_581 = tpu.memref_slice %arg2[%dma_start3A_580] : memref<10240xf32, #tpu.memory_space<hbm>> -> memref<10240xf32, #tpu.memory_space<hbm>>
      tpu.enqueue_indirect_dma source(%dma_start3A_581 : memref<10240xf32, #tpu.memory_space<hbm>>) target(%dma_start3A_576 : memref<128xf32, #tpu.memory_space<vmem>>) offsets(%dma_start3A_579 : memref<128xi32, #tpu.memory_space<vmem>>) semaphore(%arg16 : memref<!tpu.dma_semaphore, #tpu.memory_space<semaphore_mem>>)
      %dma_wait3A_582 = arith.constant 0 : i32
      %dma_wait3A_583 = arith.constant 6 : i32
      %dma_wait3A_584 = arith.constant 0 : i32
      %dma_wait3A_585 = tpu.memref_slice %arg8[%dma_wait3A_583, %dma_wait3A_584] : memref<8x128xf32, #tpu.memory_space<vmem>> -> memref<1x128xf32, #tpu.memory_space<vmem>>
      %dma_wait3A_586 = tpu.memref_squeeze %dma_wait3A_585 : memref<1x128xf32, #tpu.memory_space<vmem>> -> memref<128xf32, #tpu.memory_space<vmem>>
      %dma_wait3A_587 = arith.constant 0 : i32
      %dma_wait3A_588 = tpu.memref_slice %arg6[%dma_wait3A_582, %dma_wait3A_587] : memref<84x128xi32, #tpu.memory_space<vmem>> -> memref<1x128xi32, #tpu.memory_space<vmem>>
      %dma_wait3A_589 = tpu.memref_squeeze %dma_wait3A_588 : memref<1x128xi32, #tpu.memory_space<vmem>> -> memref<128xi32, #tpu.memory_space<vmem>>
      %dma_wait3A_590 = arith.constant 0 : i32
      %dma_wait3A_591 = tpu.memref_slice %arg2[%dma_wait3A_590] : memref<10240xf32, #tpu.memory_space<hbm>> -> memref<10240xf32, #tpu.memory_space<hbm>>
      tpu.wait_indirect_dma semaphore(%arg17 : memref<!tpu.dma_semaphore, #tpu.memory_space<semaphore_mem>>) src(%dma_wait3A_591 : memref<10240xf32, #tpu.memory_space<hbm>>) dst(%dma_wait3A_586 : memref<128xf32, #tpu.memory_space<vmem>>)
      %add3A_592 = arith.constant 6 : i32
      %add3A_593 = arith.addi %mul3A_414, %add3A_592 : i32
      %run_scoped3A_594 = arith.constant 6 : i32
      "tpu.region"() ({
        %run_scoped3A_638 = tpu.sem_alloc : memref<!tpu.dma_semaphore, #tpu.memory_space<semaphore_mem>>
        %dma_start3A_639 = arith.constant 0 : i32
        %dma_start3A_640 = tpu.memref_slice %arg8[%run_scoped3A_594, %dma_start3A_639] : memref<8x128xf32, #tpu.memory_space<vmem>> -> memref<1x128xf32, #tpu.memory_space<vmem>>
        %dma_start3A_641 = tpu.memref_squeeze %dma_start3A_640 : memref<1x128xf32, #tpu.memory_space<vmem>> -> memref<128xf32, #tpu.memory_space<vmem>>
        %dma_start3A_642 = arith.constant 0 : i32
        %dma_start3A_643 = tpu.memref_slice %arg7[%add3A_593, %dma_start3A_642] : memref<84x128xi32, #tpu.memory_space<vmem>> -> memref<1x128xi32, #tpu.memory_space<vmem>>
        %dma_start3A_644 = tpu.memref_squeeze %dma_start3A_643 : memref<1x128xi32, #tpu.memory_space<vmem>> -> memref<128xi32, #tpu.memory_space<vmem>>
        %dma_start3A_645 = arith.constant 0 : i32
        %dma_start3A_646 = tpu.memref_slice %arg10[%dma_start3A_645] : memref<10240xf32, #tpu.memory_space<vmem_shared>> -> memref<10240xf32, #tpu.memory_space<vmem_shared>>
        tpu.enqueue_indirect_dma source(%dma_start3A_641 : memref<128xf32, #tpu.memory_space<vmem>>) target(%dma_start3A_646 : memref<10240xf32, #tpu.memory_space<vmem_shared>>) offsets(%dma_start3A_644 : memref<128xi32, #tpu.memory_space<vmem>>) semaphore(%run_scoped3A_638 : memref<!tpu.dma_semaphore, #tpu.memory_space<semaphore_mem>>) {add = true}
        %dma_wait3A_647 = arith.constant 0 : i32
        %dma_wait3A_648 = tpu.memref_slice %arg8[%run_scoped3A_594, %dma_wait3A_647] : memref<8x128xf32, #tpu.memory_space<vmem>> -> memref<1x128xf32, #tpu.memory_space<vmem>>
        %dma_wait3A_649 = tpu.memref_squeeze %dma_wait3A_648 : memref<1x128xf32, #tpu.memory_space<vmem>> -> memref<128xf32, #tpu.memory_space<vmem>>
        %dma_wait3A_650 = arith.constant 0 : i32
        %dma_wait3A_651 = tpu.memref_slice %arg7[%add3A_593, %dma_wait3A_650] : memref<84x128xi32, #tpu.memory_space<vmem>> -> memref<1x128xi32, #tpu.memory_space<vmem>>
        %dma_wait3A_652 = tpu.memref_squeeze %dma_wait3A_651 : memref<1x128xi32, #tpu.memory_space<vmem>> -> memref<128xi32, #tpu.memory_space<vmem>>
        %dma_wait3A_653 = arith.constant 0 : i32
        %dma_wait3A_654 = tpu.memref_slice %arg10[%dma_wait3A_653] : memref<10240xf32, #tpu.memory_space<vmem_shared>> -> memref<10240xf32, #tpu.memory_space<vmem_shared>>
        tpu.wait_indirect_dma semaphore(%run_scoped3A_638 : memref<!tpu.dma_semaphore, #tpu.memory_space<semaphore_mem>>) src(%dma_wait3A_649 : memref<128xf32, #tpu.memory_space<vmem>>) dst(%dma_wait3A_654 : memref<10240xf32, #tpu.memory_space<vmem_shared>>)
        tpu.yield
      }) : () -> ()
      %add3A_595 = arith.constant 8 : i32
      %add3A_596 = arith.addi %mul3A_414, %add3A_595 : i32
      %add3A_597 = arith.constant 6 : i32
      %add3A_598 = arith.addi %add3A_596, %add3A_597 : i32
      %min3A_599 = arith.constant 83 : i32
      %min3A_600 = arith.minsi %add3A_598, %min3A_599 : i32
      %dma_start3A_601 = arith.constant 6 : i32
      %dma_start3A_602 = arith.constant 0 : i32
      %dma_start3A_603 = tpu.memref_slice %arg8[%dma_start3A_601, %dma_start3A_602] : memref<8x128xf32, #tpu.memory_space<vmem>> -> memref<1x128xf32, #tpu.memory_space<vmem>>
      %dma_start3A_604 = tpu.memref_squeeze %dma_start3A_603 : memref<1x128xf32, #tpu.memory_space<vmem>> -> memref<128xf32, #tpu.memory_space<vmem>>
      %dma_start3A_605 = arith.constant 0 : i32
      %dma_start3A_606 = tpu.memref_slice %arg6[%min3A_600, %dma_start3A_605] : memref<84x128xi32, #tpu.memory_space<vmem>> -> memref<1x128xi32, #tpu.memory_space<vmem>>
      %dma_start3A_607 = tpu.memref_squeeze %dma_start3A_606 : memref<1x128xi32, #tpu.memory_space<vmem>> -> memref<128xi32, #tpu.memory_space<vmem>>
      %dma_start3A_608 = arith.constant 0 : i32
      %dma_start3A_609 = tpu.memref_slice %arg2[%dma_start3A_608] : memref<10240xf32, #tpu.memory_space<hbm>> -> memref<10240xf32, #tpu.memory_space<hbm>>
      tpu.enqueue_indirect_dma source(%dma_start3A_609 : memref<10240xf32, #tpu.memory_space<hbm>>) target(%dma_start3A_604 : memref<128xf32, #tpu.memory_space<vmem>>) offsets(%dma_start3A_607 : memref<128xi32, #tpu.memory_space<vmem>>) semaphore(%arg17 : memref<!tpu.dma_semaphore, #tpu.memory_space<semaphore_mem>>)
      %dma_wait3A_610 = arith.constant 0 : i32
      %dma_wait3A_611 = arith.constant 7 : i32
      %dma_wait3A_612 = arith.constant 0 : i32
      %dma_wait3A_613 = tpu.memref_slice %arg8[%dma_wait3A_611, %dma_wait3A_612] : memref<8x128xf32, #tpu.memory_space<vmem>> -> memref<1x128xf32, #tpu.memory_space<vmem>>
      %dma_wait3A_614 = tpu.memref_squeeze %dma_wait3A_613 : memref<1x128xf32, #tpu.memory_space<vmem>> -> memref<128xf32, #tpu.memory_space<vmem>>
      %dma_wait3A_615 = arith.constant 0 : i32
      %dma_wait3A_616 = tpu.memref_slice %arg6[%dma_wait3A_610, %dma_wait3A_615] : memref<84x128xi32, #tpu.memory_space<vmem>> -> memref<1x128xi32, #tpu.memory_space<vmem>>
      %dma_wait3A_617 = tpu.memref_squeeze %dma_wait3A_616 : memref<1x128xi32, #tpu.memory_space<vmem>> -> memref<128xi32, #tpu.memory_space<vmem>>
      %dma_wait3A_618 = arith.constant 0 : i32
      %dma_wait3A_619 = tpu.memref_slice %arg2[%dma_wait3A_618] : memref<10240xf32, #tpu.memory_space<hbm>> -> memref<10240xf32, #tpu.memory_space<hbm>>
      tpu.wait_indirect_dma semaphore(%arg18 : memref<!tpu.dma_semaphore, #tpu.memory_space<semaphore_mem>>) src(%dma_wait3A_619 : memref<10240xf32, #tpu.memory_space<hbm>>) dst(%dma_wait3A_614 : memref<128xf32, #tpu.memory_space<vmem>>)
      %add3A_620 = arith.constant 7 : i32
      %add3A_621 = arith.addi %mul3A_414, %add3A_620 : i32
      %run_scoped3A_622 = arith.constant 7 : i32
      "tpu.region"() ({
        %run_scoped3A_638 = tpu.sem_alloc : memref<!tpu.dma_semaphore, #tpu.memory_space<semaphore_mem>>
        %dma_start3A_639 = arith.constant 0 : i32
        %dma_start3A_640 = tpu.memref_slice %arg8[%run_scoped3A_622, %dma_start3A_639] : memref<8x128xf32, #tpu.memory_space<vmem>> -> memref<1x128xf32, #tpu.memory_space<vmem>>
        %dma_start3A_641 = tpu.memref_squeeze %dma_start3A_640 : memref<1x128xf32, #tpu.memory_space<vmem>> -> memref<128xf32, #tpu.memory_space<vmem>>
        %dma_start3A_642 = arith.constant 0 : i32
        %dma_start3A_643 = tpu.memref_slice %arg7[%add3A_621, %dma_start3A_642] : memref<84x128xi32, #tpu.memory_space<vmem>> -> memref<1x128xi32, #tpu.memory_space<vmem>>
        %dma_start3A_644 = tpu.memref_squeeze %dma_start3A_643 : memref<1x128xi32, #tpu.memory_space<vmem>> -> memref<128xi32, #tpu.memory_space<vmem>>
        %dma_start3A_645 = arith.constant 0 : i32
        %dma_start3A_646 = tpu.memref_slice %arg10[%dma_start3A_645] : memref<10240xf32, #tpu.memory_space<vmem_shared>> -> memref<10240xf32, #tpu.memory_space<vmem_shared>>
        tpu.enqueue_indirect_dma source(%dma_start3A_641 : memref<128xf32, #tpu.memory_space<vmem>>) target(%dma_start3A_646 : memref<10240xf32, #tpu.memory_space<vmem_shared>>) offsets(%dma_start3A_644 : memref<128xi32, #tpu.memory_space<vmem>>) semaphore(%run_scoped3A_638 : memref<!tpu.dma_semaphore, #tpu.memory_space<semaphore_mem>>) {add = true}
        %dma_wait3A_647 = arith.constant 0 : i32
        %dma_wait3A_648 = tpu.memref_slice %arg8[%run_scoped3A_622, %dma_wait3A_647] : memref<8x128xf32, #tpu.memory_space<vmem>> -> memref<1x128xf32, #tpu.memory_space<vmem>>
        %dma_wait3A_649 = tpu.memref_squeeze %dma_wait3A_648 : memref<1x128xf32, #tpu.memory_space<vmem>> -> memref<128xf32, #tpu.memory_space<vmem>>
        %dma_wait3A_650 = arith.constant 0 : i32
        %dma_wait3A_651 = tpu.memref_slice %arg7[%add3A_621, %dma_wait3A_650] : memref<84x128xi32, #tpu.memory_space<vmem>> -> memref<1x128xi32, #tpu.memory_space<vmem>>
        %dma_wait3A_652 = tpu.memref_squeeze %dma_wait3A_651 : memref<1x128xi32, #tpu.memory_space<vmem>> -> memref<128xi32, #tpu.memory_space<vmem>>
        %dma_wait3A_653 = arith.constant 0 : i32
        %dma_wait3A_654 = tpu.memref_slice %arg10[%dma_wait3A_653] : memref<10240xf32, #tpu.memory_space<vmem_shared>> -> memref<10240xf32, #tpu.memory_space<vmem_shared>>
        tpu.wait_indirect_dma semaphore(%run_scoped3A_638 : memref<!tpu.dma_semaphore, #tpu.memory_space<semaphore_mem>>) src(%dma_wait3A_649 : memref<128xf32, #tpu.memory_space<vmem>>) dst(%dma_wait3A_654 : memref<10240xf32, #tpu.memory_space<vmem_shared>>)
        tpu.yield
      }) : () -> ()
      %add3A_623 = arith.constant 8 : i32
      %add3A_624 = arith.addi %mul3A_414, %add3A_623 : i32
      %add3A_625 = arith.constant 7 : i32
      %add3A_626 = arith.addi %add3A_624, %add3A_625 : i32
      %min3A_627 = arith.constant 83 : i32
      %min3A_628 = arith.minsi %add3A_626, %min3A_627 : i32
      %dma_start3A_629 = arith.constant 7 : i32
      %dma_start3A_630 = arith.constant 0 : i32
      %dma_start3A_631 = tpu.memref_slice %arg8[%dma_start3A_629, %dma_start3A_630] : memref<8x128xf32, #tpu.memory_space<vmem>> -> memref<1x128xf32, #tpu.memory_space<vmem>>
      %dma_start3A_632 = tpu.memref_squeeze %dma_start3A_631 : memref<1x128xf32, #tpu.memory_space<vmem>> -> memref<128xf32, #tpu.memory_space<vmem>>
      %dma_start3A_633 = arith.constant 0 : i32
      %dma_start3A_634 = tpu.memref_slice %arg6[%min3A_628, %dma_start3A_633] : memref<84x128xi32, #tpu.memory_space<vmem>> -> memref<1x128xi32, #tpu.memory_space<vmem>>
      %dma_start3A_635 = tpu.memref_squeeze %dma_start3A_634 : memref<1x128xi32, #tpu.memory_space<vmem>> -> memref<128xi32, #tpu.memory_space<vmem>>
      %dma_start3A_636 = arith.constant 0 : i32
      %dma_start3A_637 = tpu.memref_slice %arg2[%dma_start3A_636] : memref<10240xf32, #tpu.memory_space<hbm>> -> memref<10240xf32, #tpu.memory_space<hbm>>
      tpu.enqueue_indirect_dma source(%dma_start3A_637 : memref<10240xf32, #tpu.memory_space<hbm>>) target(%dma_start3A_632 : memref<128xf32, #tpu.memory_space<vmem>>) offsets(%dma_start3A_635 : memref<128xi32, #tpu.memory_space<vmem>>) semaphore(%arg18 : memref<!tpu.dma_semaphore, #tpu.memory_space<semaphore_mem>>)
    }
    %scan3A_324 = arith.constant 10 : i32
    %dma_wait3A = arith.constant 0 : i32
    %dma_wait3A_325 = arith.constant 0 : i32
    %dma_wait3A_326 = arith.constant 0 : i32
    %dma_wait3A_327 = tpu.memref_slice %arg8[%dma_wait3A_325, %dma_wait3A_326] : memref<8x128xf32, #tpu.memory_space<vmem>> -> memref<1x128xf32, #tpu.memory_space<vmem>>
    %dma_wait3A_328 = tpu.memref_squeeze %dma_wait3A_327 : memref<1x128xf32, #tpu.memory_space<vmem>> -> memref<128xf32, #tpu.memory_space<vmem>>
    %dma_wait3A_329 = arith.constant 0 : i32
    %dma_wait3A_330 = tpu.memref_slice %arg6[%dma_wait3A, %dma_wait3A_329] : memref<84x128xi32, #tpu.memory_space<vmem>> -> memref<1x128xi32, #tpu.memory_space<vmem>>
    %dma_wait3A_331 = tpu.memref_squeeze %dma_wait3A_330 : memref<1x128xi32, #tpu.memory_space<vmem>> -> memref<128xi32, #tpu.memory_space<vmem>>
    %dma_wait3A_332 = arith.constant 0 : i32
    %dma_wait3A_333 = tpu.memref_slice %arg2[%dma_wait3A_332] : memref<10240xf32, #tpu.memory_space<hbm>> -> memref<10240xf32, #tpu.memory_space<hbm>>
    tpu.wait_indirect_dma semaphore(%arg11 : memref<!tpu.dma_semaphore, #tpu.memory_space<semaphore_mem>>) src(%dma_wait3A_333 : memref<10240xf32, #tpu.memory_space<hbm>>) dst(%dma_wait3A_328 : memref<128xf32, #tpu.memory_space<vmem>>)
    %run_scoped3A = arith.constant 0 : i32
    %run_scoped3A_334 = arith.constant 80 : i32
    "tpu.region"() ({
      %run_scoped3A_412 = tpu.sem_alloc : memref<!tpu.dma_semaphore, #tpu.memory_space<semaphore_mem>>
      %dma_start3A_413 = arith.constant 0 : i32
      %dma_start3A_414 = tpu.memref_slice %arg8[%run_scoped3A, %dma_start3A_413] : memref<8x128xf32, #tpu.memory_space<vmem>> -> memref<1x128xf32, #tpu.memory_space<vmem>>
      %dma_start3A_415 = tpu.memref_squeeze %dma_start3A_414 : memref<1x128xf32, #tpu.memory_space<vmem>> -> memref<128xf32, #tpu.memory_space<vmem>>
      %dma_start3A_416 = arith.constant 0 : i32
      %dma_start3A_417 = tpu.memref_slice %arg7[%run_scoped3A_334, %dma_start3A_416] : memref<84x128xi32, #tpu.memory_space<vmem>> -> memref<1x128xi32, #tpu.memory_space<vmem>>
      %dma_start3A_418 = tpu.memref_squeeze %dma_start3A_417 : memref<1x128xi32, #tpu.memory_space<vmem>> -> memref<128xi32, #tpu.memory_space<vmem>>
      %dma_start3A_419 = arith.constant 0 : i32
      %dma_start3A_420 = tpu.memref_slice %arg10[%dma_start3A_419] : memref<10240xf32, #tpu.memory_space<vmem_shared>> -> memref<10240xf32, #tpu.memory_space<vmem_shared>>
      tpu.enqueue_indirect_dma source(%dma_start3A_415 : memref<128xf32, #tpu.memory_space<vmem>>) target(%dma_start3A_420 : memref<10240xf32, #tpu.memory_space<vmem_shared>>) offsets(%dma_start3A_418 : memref<128xi32, #tpu.memory_space<vmem>>) semaphore(%run_scoped3A_412 : memref<!tpu.dma_semaphore, #tpu.memory_space<semaphore_mem>>) {add = true}
      %dma_wait3A_421 = arith.constant 0 : i32
      %dma_wait3A_422 = tpu.memref_slice %arg8[%run_scoped3A, %dma_wait3A_421] : memref<8x128xf32, #tpu.memory_space<vmem>> -> memref<1x128xf32, #tpu.memory_space<vmem>>
      %dma_wait3A_423 = tpu.memref_squeeze %dma_wait3A_422 : memref<1x128xf32, #tpu.memory_space<vmem>> -> memref<128xf32, #tpu.memory_space<vmem>>
      %dma_wait3A_424 = arith.constant 0 : i32
      %dma_wait3A_425 = tpu.memref_slice %arg7[%run_scoped3A_334, %dma_wait3A_424] : memref<84x128xi32, #tpu.memory_space<vmem>> -> memref<1x128xi32, #tpu.memory_space<vmem>>
      %dma_wait3A_426 = tpu.memref_squeeze %dma_wait3A_425 : memref<1x128xi32, #tpu.memory_space<vmem>> -> memref<128xi32, #tpu.memory_space<vmem>>
      %dma_wait3A_427 = arith.constant 0 : i32
      %dma_wait3A_428 = tpu.memref_slice %arg10[%dma_wait3A_427] : memref<10240xf32, #tpu.memory_space<vmem_shared>> -> memref<10240xf32, #tpu.memory_space<vmem_shared>>
      tpu.wait_indirect_dma semaphore(%run_scoped3A_412 : memref<!tpu.dma_semaphore, #tpu.memory_space<semaphore_mem>>) src(%dma_wait3A_423 : memref<128xf32, #tpu.memory_space<vmem>>) dst(%dma_wait3A_428 : memref<10240xf32, #tpu.memory_space<vmem_shared>>)
      tpu.yield
    }) : () -> ()
    %dma_wait3A_335 = arith.constant 0 : i32
    %dma_wait3A_336 = arith.constant 1 : i32
    %dma_wait3A_337 = arith.constant 0 : i32
    %dma_wait3A_338 = tpu.memref_slice %arg8[%dma_wait3A_336, %dma_wait3A_337] : memref<8x128xf32, #tpu.memory_space<vmem>> -> memref<1x128xf32, #tpu.memory_space<vmem>>
    %dma_wait3A_339 = tpu.memref_squeeze %dma_wait3A_338 : memref<1x128xf32, #tpu.memory_space<vmem>> -> memref<128xf32, #tpu.memory_space<vmem>>
    %dma_wait3A_340 = arith.constant 0 : i32
    %dma_wait3A_341 = tpu.memref_slice %arg6[%dma_wait3A_335, %dma_wait3A_340] : memref<84x128xi32, #tpu.memory_space<vmem>> -> memref<1x128xi32, #tpu.memory_space<vmem>>
    %dma_wait3A_342 = tpu.memref_squeeze %dma_wait3A_341 : memref<1x128xi32, #tpu.memory_space<vmem>> -> memref<128xi32, #tpu.memory_space<vmem>>
    %dma_wait3A_343 = arith.constant 0 : i32
    %dma_wait3A_344 = tpu.memref_slice %arg2[%dma_wait3A_343] : memref<10240xf32, #tpu.memory_space<hbm>> -> memref<10240xf32, #tpu.memory_space<hbm>>
    tpu.wait_indirect_dma semaphore(%arg12 : memref<!tpu.dma_semaphore, #tpu.memory_space<semaphore_mem>>) src(%dma_wait3A_344 : memref<10240xf32, #tpu.memory_space<hbm>>) dst(%dma_wait3A_339 : memref<128xf32, #tpu.memory_space<vmem>>)
    %run_scoped3A_345 = arith.constant 1 : i32
    %run_scoped3A_346 = arith.constant 81 : i32
    "tpu.region"() ({
      %run_scoped3A_412 = tpu.sem_alloc : memref<!tpu.dma_semaphore, #tpu.memory_space<semaphore_mem>>
      %dma_start3A_413 = arith.constant 0 : i32
      %dma_start3A_414 = tpu.memref_slice %arg8[%run_scoped3A_345, %dma_start3A_413] : memref<8x128xf32, #tpu.memory_space<vmem>> -> memref<1x128xf32, #tpu.memory_space<vmem>>
      %dma_start3A_415 = tpu.memref_squeeze %dma_start3A_414 : memref<1x128xf32, #tpu.memory_space<vmem>> -> memref<128xf32, #tpu.memory_space<vmem>>
      %dma_start3A_416 = arith.constant 0 : i32
      %dma_start3A_417 = tpu.memref_slice %arg7[%run_scoped3A_346, %dma_start3A_416] : memref<84x128xi32, #tpu.memory_space<vmem>> -> memref<1x128xi32, #tpu.memory_space<vmem>>
      %dma_start3A_418 = tpu.memref_squeeze %dma_start3A_417 : memref<1x128xi32, #tpu.memory_space<vmem>> -> memref<128xi32, #tpu.memory_space<vmem>>
      %dma_start3A_419 = arith.constant 0 : i32
      %dma_start3A_420 = tpu.memref_slice %arg10[%dma_start3A_419] : memref<10240xf32, #tpu.memory_space<vmem_shared>> -> memref<10240xf32, #tpu.memory_space<vmem_shared>>
      tpu.enqueue_indirect_dma source(%dma_start3A_415 : memref<128xf32, #tpu.memory_space<vmem>>) target(%dma_start3A_420 : memref<10240xf32, #tpu.memory_space<vmem_shared>>) offsets(%dma_start3A_418 : memref<128xi32, #tpu.memory_space<vmem>>) semaphore(%run_scoped3A_412 : memref<!tpu.dma_semaphore, #tpu.memory_space<semaphore_mem>>) {add = true}
      %dma_wait3A_421 = arith.constant 0 : i32
      %dma_wait3A_422 = tpu.memref_slice %arg8[%run_scoped3A_345, %dma_wait3A_421] : memref<8x128xf32, #tpu.memory_space<vmem>> -> memref<1x128xf32, #tpu.memory_space<vmem>>
      %dma_wait3A_423 = tpu.memref_squeeze %dma_wait3A_422 : memref<1x128xf32, #tpu.memory_space<vmem>> -> memref<128xf32, #tpu.memory_space<vmem>>
      %dma_wait3A_424 = arith.constant 0 : i32
      %dma_wait3A_425 = tpu.memref_slice %arg7[%run_scoped3A_346, %dma_wait3A_424] : memref<84x128xi32, #tpu.memory_space<vmem>> -> memref<1x128xi32, #tpu.memory_space<vmem>>
      %dma_wait3A_426 = tpu.memref_squeeze %dma_wait3A_425 : memref<1x128xi32, #tpu.memory_space<vmem>> -> memref<128xi32, #tpu.memory_space<vmem>>
      %dma_wait3A_427 = arith.constant 0 : i32
      %dma_wait3A_428 = tpu.memref_slice %arg10[%dma_wait3A_427] : memref<10240xf32, #tpu.memory_space<vmem_shared>> -> memref<10240xf32, #tpu.memory_space<vmem_shared>>
      tpu.wait_indirect_dma semaphore(%run_scoped3A_412 : memref<!tpu.dma_semaphore, #tpu.memory_space<semaphore_mem>>) src(%dma_wait3A_423 : memref<128xf32, #tpu.memory_space<vmem>>) dst(%dma_wait3A_428 : memref<10240xf32, #tpu.memory_space<vmem_shared>>)
      tpu.yield
    }) : () -> ()
    %dma_wait3A_347 = arith.constant 0 : i32
    %dma_wait3A_348 = arith.constant 2 : i32
    %dma_wait3A_349 = arith.constant 0 : i32
    %dma_wait3A_350 = tpu.memref_slice %arg8[%dma_wait3A_348, %dma_wait3A_349] : memref<8x128xf32, #tpu.memory_space<vmem>> -> memref<1x128xf32, #tpu.memory_space<vmem>>
    %dma_wait3A_351 = tpu.memref_squeeze %dma_wait3A_350 : memref<1x128xf32, #tpu.memory_space<vmem>> -> memref<128xf32, #tpu.memory_space<vmem>>
    %dma_wait3A_352 = arith.constant 0 : i32
    %dma_wait3A_353 = tpu.memref_slice %arg6[%dma_wait3A_347, %dma_wait3A_352] : memref<84x128xi32, #tpu.memory_space<vmem>> -> memref<1x128xi32, #tpu.memory_space<vmem>>
    %dma_wait3A_354 = tpu.memref_squeeze %dma_wait3A_353 : memref<1x128xi32, #tpu.memory_space<vmem>> -> memref<128xi32, #tpu.memory_space<vmem>>
    %dma_wait3A_355 = arith.constant 0 : i32
    %dma_wait3A_356 = tpu.memref_slice %arg2[%dma_wait3A_355] : memref<10240xf32, #tpu.memory_space<hbm>> -> memref<10240xf32, #tpu.memory_space<hbm>>
    tpu.wait_indirect_dma semaphore(%arg13 : memref<!tpu.dma_semaphore, #tpu.memory_space<semaphore_mem>>) src(%dma_wait3A_356 : memref<10240xf32, #tpu.memory_space<hbm>>) dst(%dma_wait3A_351 : memref<128xf32, #tpu.memory_space<vmem>>)
    %run_scoped3A_357 = arith.constant 2 : i32
    %run_scoped3A_358 = arith.constant 82 : i32
    "tpu.region"() ({
      %run_scoped3A_412 = tpu.sem_alloc : memref<!tpu.dma_semaphore, #tpu.memory_space<semaphore_mem>>
      %dma_start3A_413 = arith.constant 0 : i32
      %dma_start3A_414 = tpu.memref_slice %arg8[%run_scoped3A_357, %dma_start3A_413] : memref<8x128xf32, #tpu.memory_space<vmem>> -> memref<1x128xf32, #tpu.memory_space<vmem>>
      %dma_start3A_415 = tpu.memref_squeeze %dma_start3A_414 : memref<1x128xf32, #tpu.memory_space<vmem>> -> memref<128xf32, #tpu.memory_space<vmem>>
      %dma_start3A_416 = arith.constant 0 : i32
      %dma_start3A_417 = tpu.memref_slice %arg7[%run_scoped3A_358, %dma_start3A_416] : memref<84x128xi32, #tpu.memory_space<vmem>> -> memref<1x128xi32, #tpu.memory_space<vmem>>
      %dma_start3A_418 = tpu.memref_squeeze %dma_start3A_417 : memref<1x128xi32, #tpu.memory_space<vmem>> -> memref<128xi32, #tpu.memory_space<vmem>>
      %dma_start3A_419 = arith.constant 0 : i32
      %dma_start3A_420 = tpu.memref_slice %arg10[%dma_start3A_419] : memref<10240xf32, #tpu.memory_space<vmem_shared>> -> memref<10240xf32, #tpu.memory_space<vmem_shared>>
      tpu.enqueue_indirect_dma source(%dma_start3A_415 : memref<128xf32, #tpu.memory_space<vmem>>) target(%dma_start3A_420 : memref<10240xf32, #tpu.memory_space<vmem_shared>>) offsets(%dma_start3A_418 : memref<128xi32, #tpu.memory_space<vmem>>) semaphore(%run_scoped3A_412 : memref<!tpu.dma_semaphore, #tpu.memory_space<semaphore_mem>>) {add = true}
      %dma_wait3A_421 = arith.constant 0 : i32
      %dma_wait3A_422 = tpu.memref_slice %arg8[%run_scoped3A_357, %dma_wait3A_421] : memref<8x128xf32, #tpu.memory_space<vmem>> -> memref<1x128xf32, #tpu.memory_space<vmem>>
      %dma_wait3A_423 = tpu.memref_squeeze %dma_wait3A_422 : memref<1x128xf32, #tpu.memory_space<vmem>> -> memref<128xf32, #tpu.memory_space<vmem>>
      %dma_wait3A_424 = arith.constant 0 : i32
      %dma_wait3A_425 = tpu.memref_slice %arg7[%run_scoped3A_358, %dma_wait3A_424] : memref<84x128xi32, #tpu.memory_space<vmem>> -> memref<1x128xi32, #tpu.memory_space<vmem>>
      %dma_wait3A_426 = tpu.memref_squeeze %dma_wait3A_425 : memref<1x128xi32, #tpu.memory_space<vmem>> -> memref<128xi32, #tpu.memory_space<vmem>>
      %dma_wait3A_427 = arith.constant 0 : i32
      %dma_wait3A_428 = tpu.memref_slice %arg10[%dma_wait3A_427] : memref<10240xf32, #tpu.memory_space<vmem_shared>> -> memref<10240xf32, #tpu.memory_space<vmem_shared>>
      tpu.wait_indirect_dma semaphore(%run_scoped3A_412 : memref<!tpu.dma_semaphore, #tpu.memory_space<semaphore_mem>>) src(%dma_wait3A_423 : memref<128xf32, #tpu.memory_space<vmem>>) dst(%dma_wait3A_428 : memref<10240xf32, #tpu.memory_space<vmem_shared>>)
      tpu.yield
    }) : () -> ()
    %dma_wait3A_359 = arith.constant 0 : i32
    %dma_wait3A_360 = arith.constant 3 : i32
    %dma_wait3A_361 = arith.constant 0 : i32
    %dma_wait3A_362 = tpu.memref_slice %arg8[%dma_wait3A_360, %dma_wait3A_361] : memref<8x128xf32, #tpu.memory_space<vmem>> -> memref<1x128xf32, #tpu.memory_space<vmem>>
    %dma_wait3A_363 = tpu.memref_squeeze %dma_wait3A_362 : memref<1x128xf32, #tpu.memory_space<vmem>> -> memref<128xf32, #tpu.memory_space<vmem>>
    %dma_wait3A_364 = arith.constant 0 : i32
    %dma_wait3A_365 = tpu.memref_slice %arg6[%dma_wait3A_359, %dma_wait3A_364] : memref<84x128xi32, #tpu.memory_space<vmem>> -> memref<1x128xi32, #tpu.memory_space<vmem>>
    %dma_wait3A_366 = tpu.memref_squeeze %dma_wait3A_365 : memref<1x128xi32, #tpu.memory_space<vmem>> -> memref<128xi32, #tpu.memory_space<vmem>>
    %dma_wait3A_367 = arith.constant 0 : i32
    %dma_wait3A_368 = tpu.memref_slice %arg2[%dma_wait3A_367] : memref<10240xf32, #tpu.memory_space<hbm>> -> memref<10240xf32, #tpu.memory_space<hbm>>
    tpu.wait_indirect_dma semaphore(%arg14 : memref<!tpu.dma_semaphore, #tpu.memory_space<semaphore_mem>>) src(%dma_wait3A_368 : memref<10240xf32, #tpu.memory_space<hbm>>) dst(%dma_wait3A_363 : memref<128xf32, #tpu.memory_space<vmem>>)
    %run_scoped3A_369 = arith.constant 3 : i32
    %run_scoped3A_370 = arith.constant 83 : i32
    "tpu.region"() ({
      %run_scoped3A_412 = tpu.sem_alloc : memref<!tpu.dma_semaphore, #tpu.memory_space<semaphore_mem>>
      %dma_start3A_413 = arith.constant 0 : i32
      %dma_start3A_414 = tpu.memref_slice %arg8[%run_scoped3A_369, %dma_start3A_413] : memref<8x128xf32, #tpu.memory_space<vmem>> -> memref<1x128xf32, #tpu.memory_space<vmem>>
      %dma_start3A_415 = tpu.memref_squeeze %dma_start3A_414 : memref<1x128xf32, #tpu.memory_space<vmem>> -> memref<128xf32, #tpu.memory_space<vmem>>
      %dma_start3A_416 = arith.constant 0 : i32
      %dma_start3A_417 = tpu.memref_slice %arg7[%run_scoped3A_370, %dma_start3A_416] : memref<84x128xi32, #tpu.memory_space<vmem>> -> memref<1x128xi32, #tpu.memory_space<vmem>>
      %dma_start3A_418 = tpu.memref_squeeze %dma_start3A_417 : memref<1x128xi32, #tpu.memory_space<vmem>> -> memref<128xi32, #tpu.memory_space<vmem>>
      %dma_start3A_419 = arith.constant 0 : i32
      %dma_start3A_420 = tpu.memref_slice %arg10[%dma_start3A_419] : memref<10240xf32, #tpu.memory_space<vmem_shared>> -> memref<10240xf32, #tpu.memory_space<vmem_shared>>
      tpu.enqueue_indirect_dma source(%dma_start3A_415 : memref<128xf32, #tpu.memory_space<vmem>>) target(%dma_start3A_420 : memref<10240xf32, #tpu.memory_space<vmem_shared>>) offsets(%dma_start3A_418 : memref<128xi32, #tpu.memory_space<vmem>>) semaphore(%run_scoped3A_412 : memref<!tpu.dma_semaphore, #tpu.memory_space<semaphore_mem>>) {add = true}
      %dma_wait3A_421 = arith.constant 0 : i32
      %dma_wait3A_422 = tpu.memref_slice %arg8[%run_scoped3A_369, %dma_wait3A_421] : memref<8x128xf32, #tpu.memory_space<vmem>> -> memref<1x128xf32, #tpu.memory_space<vmem>>
      %dma_wait3A_423 = tpu.memref_squeeze %dma_wait3A_422 : memref<1x128xf32, #tpu.memory_space<vmem>> -> memref<128xf32, #tpu.memory_space<vmem>>
      %dma_wait3A_424 = arith.constant 0 : i32
      %dma_wait3A_425 = tpu.memref_slice %arg7[%run_scoped3A_370, %dma_wait3A_424] : memref<84x128xi32, #tpu.memory_space<vmem>> -> memref<1x128xi32, #tpu.memory_space<vmem>>
      %dma_wait3A_426 = tpu.memref_squeeze %dma_wait3A_425 : memref<1x128xi32, #tpu.memory_space<vmem>> -> memref<128xi32, #tpu.memory_space<vmem>>
      %dma_wait3A_427 = arith.constant 0 : i32
      %dma_wait3A_428 = tpu.memref_slice %arg10[%dma_wait3A_427] : memref<10240xf32, #tpu.memory_space<vmem_shared>> -> memref<10240xf32, #tpu.memory_space<vmem_shared>>
      tpu.wait_indirect_dma semaphore(%run_scoped3A_412 : memref<!tpu.dma_semaphore, #tpu.memory_space<semaphore_mem>>) src(%dma_wait3A_423 : memref<128xf32, #tpu.memory_space<vmem>>) dst(%dma_wait3A_428 : memref<10240xf32, #tpu.memory_space<vmem_shared>>)
      tpu.yield
    }) : () -> ()
    %dma_wait3A_371 = arith.constant 0 : i32
    %dma_wait3A_372 = arith.constant 4 : i32
    %dma_wait3A_373 = arith.constant 0 : i32
    %dma_wait3A_374 = tpu.memref_slice %arg8[%dma_wait3A_372, %dma_wait3A_373] : memref<8x128xf32, #tpu.memory_space<vmem>> -> memref<1x128xf32, #tpu.memory_space<vmem>>
    %dma_wait3A_375 = tpu.memref_squeeze %dma_wait3A_374 : memref<1x128xf32, #tpu.memory_space<vmem>> -> memref<128xf32, #tpu.memory_space<vmem>>
    %dma_wait3A_376 = arith.constant 0 : i32
    %dma_wait3A_377 = tpu.memref_slice %arg6[%dma_wait3A_371, %dma_wait3A_376] : memref<84x128xi32, #tpu.memory_space<vmem>> -> memref<1x128xi32, #tpu.memory_space<vmem>>
    %dma_wait3A_378 = tpu.memref_squeeze %dma_wait3A_377 : memref<1x128xi32, #tpu.memory_space<vmem>> -> memref<128xi32, #tpu.memory_space<vmem>>
    %dma_wait3A_379 = arith.constant 0 : i32
    %dma_wait3A_380 = tpu.memref_slice %arg2[%dma_wait3A_379] : memref<10240xf32, #tpu.memory_space<hbm>> -> memref<10240xf32, #tpu.memory_space<hbm>>
    tpu.wait_indirect_dma semaphore(%arg15 : memref<!tpu.dma_semaphore, #tpu.memory_space<semaphore_mem>>) src(%dma_wait3A_380 : memref<10240xf32, #tpu.memory_space<hbm>>) dst(%dma_wait3A_375 : memref<128xf32, #tpu.memory_space<vmem>>)
    %dma_wait3A_381 = arith.constant 0 : i32
    %dma_wait3A_382 = arith.constant 5 : i32
    %dma_wait3A_383 = arith.constant 0 : i32
    %dma_wait3A_384 = tpu.memref_slice %arg8[%dma_wait3A_382, %dma_wait3A_383] : memref<8x128xf32, #tpu.memory_space<vmem>> -> memref<1x128xf32, #tpu.memory_space<vmem>>
    %dma_wait3A_385 = tpu.memref_squeeze %dma_wait3A_384 : memref<1x128xf32, #tpu.memory_space<vmem>> -> memref<128xf32, #tpu.memory_space<vmem>>
    %dma_wait3A_386 = arith.constant 0 : i32
    %dma_wait3A_387 = tpu.memref_slice %arg6[%dma_wait3A_381, %dma_wait3A_386] : memref<84x128xi32, #tpu.memory_space<vmem>> -> memref<1x128xi32, #tpu.memory_space<vmem>>
    %dma_wait3A_388 = tpu.memref_squeeze %dma_wait3A_387 : memref<1x128xi32, #tpu.memory_space<vmem>> -> memref<128xi32, #tpu.memory_space<vmem>>
    %dma_wait3A_389 = arith.constant 0 : i32
    %dma_wait3A_390 = tpu.memref_slice %arg2[%dma_wait3A_389] : memref<10240xf32, #tpu.memory_space<hbm>> -> memref<10240xf32, #tpu.memory_space<hbm>>
    tpu.wait_indirect_dma semaphore(%arg16 : memref<!tpu.dma_semaphore, #tpu.memory_space<semaphore_mem>>) src(%dma_wait3A_390 : memref<10240xf32, #tpu.memory_space<hbm>>) dst(%dma_wait3A_385 : memref<128xf32, #tpu.memory_space<vmem>>)
    %dma_wait3A_391 = arith.constant 0 : i32
    %dma_wait3A_392 = arith.constant 6 : i32
    %dma_wait3A_393 = arith.constant 0 : i32
    %dma_wait3A_394 = tpu.memref_slice %arg8[%dma_wait3A_392, %dma_wait3A_393] : memref<8x128xf32, #tpu.memory_space<vmem>> -> memref<1x128xf32, #tpu.memory_space<vmem>>
    %dma_wait3A_395 = tpu.memref_squeeze %dma_wait3A_394 : memref<1x128xf32, #tpu.memory_space<vmem>> -> memref<128xf32, #tpu.memory_space<vmem>>
    %dma_wait3A_396 = arith.constant 0 : i32
    %dma_wait3A_397 = tpu.memref_slice %arg6[%dma_wait3A_391, %dma_wait3A_396] : memref<84x128xi32, #tpu.memory_space<vmem>> -> memref<1x128xi32, #tpu.memory_space<vmem>>
    %dma_wait3A_398 = tpu.memref_squeeze %dma_wait3A_397 : memref<1x128xi32, #tpu.memory_space<vmem>> -> memref<128xi32, #tpu.memory_space<vmem>>
    %dma_wait3A_399 = arith.constant 0 : i32
    %dma_wait3A_400 = tpu.memref_slice %arg2[%dma_wait3A_399] : memref<10240xf32, #tpu.memory_space<hbm>> -> memref<10240xf32, #tpu.memory_space<hbm>>
    tpu.wait_indirect_dma semaphore(%arg17 : memref<!tpu.dma_semaphore, #tpu.memory_space<semaphore_mem>>) src(%dma_wait3A_400 : memref<10240xf32, #tpu.memory_space<hbm>>) dst(%dma_wait3A_395 : memref<128xf32, #tpu.memory_space<vmem>>)
    %dma_wait3A_401 = arith.constant 0 : i32
    %dma_wait3A_402 = arith.constant 7 : i32
    %dma_wait3A_403 = arith.constant 0 : i32
    %dma_wait3A_404 = tpu.memref_slice %arg8[%dma_wait3A_402, %dma_wait3A_403] : memref<8x128xf32, #tpu.memory_space<vmem>> -> memref<1x128xf32, #tpu.memory_space<vmem>>
    %dma_wait3A_405 = tpu.memref_squeeze %dma_wait3A_404 : memref<1x128xf32, #tpu.memory_space<vmem>> -> memref<128xf32, #tpu.memory_space<vmem>>
    %dma_wait3A_406 = arith.constant 0 : i32
    %dma_wait3A_407 = tpu.memref_slice %arg6[%dma_wait3A_401, %dma_wait3A_406] : memref<84x128xi32, #tpu.memory_space<vmem>> -> memref<1x128xi32, #tpu.memory_space<vmem>>
    %dma_wait3A_408 = tpu.memref_squeeze %dma_wait3A_407 : memref<1x128xi32, #tpu.memory_space<vmem>> -> memref<128xi32, #tpu.memory_space<vmem>>
    %dma_wait3A_409 = arith.constant 0 : i32
    %dma_wait3A_410 = tpu.memref_slice %arg2[%dma_wait3A_409] : memref<10240xf32, #tpu.memory_space<hbm>> -> memref<10240xf32, #tpu.memory_space<hbm>>
    tpu.wait_indirect_dma semaphore(%arg18 : memref<!tpu.dma_semaphore, #tpu.memory_space<semaphore_mem>>) src(%dma_wait3A_410 : memref<10240xf32, #tpu.memory_space<hbm>>) dst(%dma_wait3A_405 : memref<128xf32, #tpu.memory_space<vmem>>)
    %barrier3A_411 = arith.constant 0 : index
    tpu.barrier barrier_id(%barrier3A_411)
    "tpu.region"() ({
      %run_scoped3A_412 = tpu.sem_alloc : memref<!tpu.dma_semaphore, #tpu.memory_space<semaphore_mem>>
      %dma_start3A_413 = tpu.memref_slice %arg5[%arg0, %mul3A_240] : memref<2x10240xf32, #tpu.memory_space<hbm>> -> memref<1x640xf32, #tpu.memory_space<hbm>>
      %dma_start3A_414 = tpu.memref_squeeze %dma_start3A_413 : memref<1x640xf32, #tpu.memory_space<hbm>> -> memref<640xf32, #tpu.memory_space<hbm>>
      %dma_start3A_415 = tpu.memref_slice %arg10[%mul3A_240] : memref<10240xf32, #tpu.memory_space<vmem_shared>> -> memref<640xf32, #tpu.memory_space<vmem_shared>>
      tpu.enqueue_dma source(%dma_start3A_415 : memref<640xf32, #tpu.memory_space<vmem_shared>>) target(%dma_start3A_414 : memref<640xf32, #tpu.memory_space<hbm>>) target_semaphore(%run_scoped3A_412 : memref<!tpu.dma_semaphore, #tpu.memory_space<semaphore_mem>>)
      %dma_wait3A_416 = tpu.memref_slice %arg5[%arg0, %mul3A_240] : memref<2x10240xf32, #tpu.memory_space<hbm>> -> memref<1x640xf32, #tpu.memory_space<hbm>>
      %dma_wait3A_417 = tpu.memref_squeeze %dma_wait3A_416 : memref<1x640xf32, #tpu.memory_space<hbm>> -> memref<640xf32, #tpu.memory_space<hbm>>
      %dma_wait3A_418 = tpu.memref_slice %arg10[%mul3A_240] : memref<10240xf32, #tpu.memory_space<vmem_shared>> -> memref<640xf32, #tpu.memory_space<vmem_shared>>
      tpu.wait_dma2 semaphore(%run_scoped3A_412 : memref<!tpu.dma_semaphore, #tpu.memory_space<semaphore_mem>>) src(%dma_wait3A_418 : memref<640xf32, #tpu.memory_space<vmem_shared>>) dst(%dma_wait3A_417 : memref<640xf32, #tpu.memory_space<hbm>>)
      tpu.yield
    }) : () -> ()
    return
  }
}

#map = affine_map<(d0, d1) -> (0, 0)>
#map1 = affine_map<(d0, d1) -> (0, 0, 0, 0)>
#map2 = affine_map<(d0, d1) -> (0, 0, 0)>
module attributes {stable_mosaic.version = 14 : i64} {
  func.func @k(%arg0: i32, %arg1: i32, %arg2: memref<10240x128xf32, #tpu.memory_space<hbm>>, %arg3: memref<32x84x2x128xi32, #tpu.memory_space<hbm>>, %arg4: memref<2x10240x128xf32, #tpu.memory_space<hbm>>, %arg5: memref<4x2x128xi32, #tpu.memory_space<vmem>>, %arg6: memref<128x128xf32, #tpu.memory_space<vmem>>, %arg7: memref<128x128xf32, #tpu.memory_space<vmem>>, %arg8: memref<16x128xf32, #tpu.memory_space<vmem>>, %arg9: memref<10240x128xf32, #tpu.memory_space<vmem_shared>>, %arg10: memref<!tpu.dma_semaphore, #tpu.memory_space<semaphore_mem>>, %arg11: memref<!tpu.dma_semaphore, #tpu.memory_space<semaphore_mem>>, %arg12: memref<!tpu.dma_semaphore, #tpu.memory_space<semaphore_mem>>) attributes {dimension_semantics = [#tpu.dimension_semantics<core_parallel>, #tpu.dimension_semantics<subcore_parallel>], iteration_bounds = array<i64: 2, 16>, scalar_prefetch = 0 : i64, scratch_operands = 8 : i64, tpu.core_type = #tpu.core_type<sc_vector_subcore>, window_params = [{transform_indices = #map}, {transform_indices = #map1}, {transform_indices = #map2}]} {
    %mul3A = arith.constant 2 : i32
    %mul3A_0 = arith.muli %arg1, %mul3A : i32
    %add3A = arith.addi %mul3A_0, %arg0 : i32
    %broadcast_in_dim3A = arith.constant 0.000000e+00 : f32
    %broadcast_in_dim3A_1 = vector.broadcast %broadcast_in_dim3A : f32 to vector<16xf32>
    %swap3A = arith.constant 0 : i32
    %swap3A_2 = arith.index_cast %swap3A : i32 to index
    %swap3A_3 = arith.constant 0 : index
    %swap3A_4 = tpu.vector_load %arg8[%swap3A_2, %swap3A_3] {strides = array<i32>} : memref<16x128xf32, #tpu.memory_space<vmem>>, vector<1x16xf32>,
    %swap3A_5 = vector.shape_cast %swap3A_4 : vector<1x16xf32> to vector<16xf32>
    %swap3A_6 = vector.shape_cast %broadcast_in_dim3A_1 : vector<16xf32> to vector<1x16xf32>
    tpu.vector_store %arg8[%swap3A_2, %swap3A_3], %swap3A_6 {strides = array<i32>} : memref<16x128xf32, #tpu.memory_space<vmem>>, vector<1x16xf32>,
    %broadcast_in_dim3A_7 = arith.constant 0.000000e+00 : f32
    %broadcast_in_dim3A_8 = vector.broadcast %broadcast_in_dim3A_7 : f32 to vector<16xf32>
    %swap3A_9 = arith.constant 0 : i32
    %swap3A_10 = arith.index_cast %swap3A_9 : i32 to index
    %swap3A_11 = arith.constant 16 : index
    %swap3A_12 = tpu.vector_load %arg8[%swap3A_10, %swap3A_11] {strides = array<i32>} : memref<16x128xf32, #tpu.memory_space<vmem>>, vector<1x16xf32>,
    %swap3A_13 = vector.shape_cast %swap3A_12 : vector<1x16xf32> to vector<16xf32>
    %swap3A_14 = vector.shape_cast %broadcast_in_dim3A_8 : vector<16xf32> to vector<1x16xf32>
    tpu.vector_store %arg8[%swap3A_10, %swap3A_11], %swap3A_14 {strides = array<i32>} : memref<16x128xf32, #tpu.memory_space<vmem>>, vector<1x16xf32>,
    %broadcast_in_dim3A_15 = arith.constant 0.000000e+00 : f32
    %broadcast_in_dim3A_16 = vector.broadcast %broadcast_in_dim3A_15 : f32 to vector<16xf32>
    %swap3A_17 = arith.constant 0 : i32
    %swap3A_18 = arith.index_cast %swap3A_17 : i32 to index
    %swap3A_19 = arith.constant 32 : index
    %swap3A_20 = tpu.vector_load %arg8[%swap3A_18, %swap3A_19] {strides = array<i32>} : memref<16x128xf32, #tpu.memory_space<vmem>>, vector<1x16xf32>,
    %swap3A_21 = vector.shape_cast %swap3A_20 : vector<1x16xf32> to vector<16xf32>
    %swap3A_22 = vector.shape_cast %broadcast_in_dim3A_16 : vector<16xf32> to vector<1x16xf32>
    tpu.vector_store %arg8[%swap3A_18, %swap3A_19], %swap3A_22 {strides = array<i32>} : memref<16x128xf32, #tpu.memory_space<vmem>>, vector<1x16xf32>,
    %broadcast_in_dim3A_23 = arith.constant 0.000000e+00 : f32
    %broadcast_in_dim3A_24 = vector.broadcast %broadcast_in_dim3A_23 : f32 to vector<16xf32>
    %swap3A_25 = arith.constant 0 : i32
    %swap3A_26 = arith.index_cast %swap3A_25 : i32 to index
    %swap3A_27 = arith.constant 48 : index
    %swap3A_28 = tpu.vector_load %arg8[%swap3A_26, %swap3A_27] {strides = array<i32>} : memref<16x128xf32, #tpu.memory_space<vmem>>, vector<1x16xf32>,
    %swap3A_29 = vector.shape_cast %swap3A_28 : vector<1x16xf32> to vector<16xf32>
    %swap3A_30 = vector.shape_cast %broadcast_in_dim3A_24 : vector<16xf32> to vector<1x16xf32>
    tpu.vector_store %arg8[%swap3A_26, %swap3A_27], %swap3A_30 {strides = array<i32>} : memref<16x128xf32, #tpu.memory_space<vmem>>, vector<1x16xf32>,
    %broadcast_in_dim3A_31 = arith.constant 0.000000e+00 : f32
    %broadcast_in_dim3A_32 = vector.broadcast %broadcast_in_dim3A_31 : f32 to vector<16xf32>
    %swap3A_33 = arith.constant 0 : i32
    %swap3A_34 = arith.index_cast %swap3A_33 : i32 to index
    %swap3A_35 = arith.constant 64 : index
    %swap3A_36 = tpu.vector_load %arg8[%swap3A_34, %swap3A_35] {strides = array<i32>} : memref<16x128xf32, #tpu.memory_space<vmem>>, vector<1x16xf32>,
    %swap3A_37 = vector.shape_cast %swap3A_36 : vector<1x16xf32> to vector<16xf32>
    %swap3A_38 = vector.shape_cast %broadcast_in_dim3A_32 : vector<16xf32> to vector<1x16xf32>
    tpu.vector_store %arg8[%swap3A_34, %swap3A_35], %swap3A_38 {strides = array<i32>} : memref<16x128xf32, #tpu.memory_space<vmem>>, vector<1x16xf32>,
    %broadcast_in_dim3A_39 = arith.constant 0.000000e+00 : f32
    %broadcast_in_dim3A_40 = vector.broadcast %broadcast_in_dim3A_39 : f32 to vector<16xf32>
    %swap3A_41 = arith.constant 0 : i32
    %swap3A_42 = arith.index_cast %swap3A_41 : i32 to index
    %swap3A_43 = arith.constant 80 : index
    %swap3A_44 = tpu.vector_load %arg8[%swap3A_42, %swap3A_43] {strides = array<i32>} : memref<16x128xf32, #tpu.memory_space<vmem>>, vector<1x16xf32>,
    %swap3A_45 = vector.shape_cast %swap3A_44 : vector<1x16xf32> to vector<16xf32>
    %swap3A_46 = vector.shape_cast %broadcast_in_dim3A_40 : vector<16xf32> to vector<1x16xf32>
    tpu.vector_store %arg8[%swap3A_42, %swap3A_43], %swap3A_46 {strides = array<i32>} : memref<16x128xf32, #tpu.memory_space<vmem>>, vector<1x16xf32>,
    %broadcast_in_dim3A_47 = arith.constant 0.000000e+00 : f32
    %broadcast_in_dim3A_48 = vector.broadcast %broadcast_in_dim3A_47 : f32 to vector<16xf32>
    %swap3A_49 = arith.constant 0 : i32
    %swap3A_50 = arith.index_cast %swap3A_49 : i32 to index
    %swap3A_51 = arith.constant 96 : index
    %swap3A_52 = tpu.vector_load %arg8[%swap3A_50, %swap3A_51] {strides = array<i32>} : memref<16x128xf32, #tpu.memory_space<vmem>>, vector<1x16xf32>,
    %swap3A_53 = vector.shape_cast %swap3A_52 : vector<1x16xf32> to vector<16xf32>
    %swap3A_54 = vector.shape_cast %broadcast_in_dim3A_48 : vector<16xf32> to vector<1x16xf32>
    tpu.vector_store %arg8[%swap3A_50, %swap3A_51], %swap3A_54 {strides = array<i32>} : memref<16x128xf32, #tpu.memory_space<vmem>>, vector<1x16xf32>,
    %broadcast_in_dim3A_55 = arith.constant 0.000000e+00 : f32
    %broadcast_in_dim3A_56 = vector.broadcast %broadcast_in_dim3A_55 : f32 to vector<16xf32>
    %swap3A_57 = arith.constant 0 : i32
    %swap3A_58 = arith.index_cast %swap3A_57 : i32 to index
    %swap3A_59 = arith.constant 112 : index
    %swap3A_60 = tpu.vector_load %arg8[%swap3A_58, %swap3A_59] {strides = array<i32>} : memref<16x128xf32, #tpu.memory_space<vmem>>, vector<1x16xf32>,
    %swap3A_61 = vector.shape_cast %swap3A_60 : vector<1x16xf32> to vector<16xf32>
    %swap3A_62 = vector.shape_cast %broadcast_in_dim3A_56 : vector<16xf32> to vector<1x16xf32>
    tpu.vector_store %arg8[%swap3A_58, %swap3A_59], %swap3A_62 {strides = array<i32>} : memref<16x128xf32, #tpu.memory_space<vmem>>, vector<1x16xf32>,
    %broadcast_in_dim3A_63 = arith.constant 0.000000e+00 : f32
    %broadcast_in_dim3A_64 = vector.broadcast %broadcast_in_dim3A_63 : f32 to vector<16xf32>
    %swap3A_65 = arith.constant 1 : i32
    %swap3A_66 = arith.index_cast %swap3A_65 : i32 to index
    %swap3A_67 = arith.constant 0 : index
    %swap3A_68 = tpu.vector_load %arg8[%swap3A_66, %swap3A_67] {strides = array<i32>} : memref<16x128xf32, #tpu.memory_space<vmem>>, vector<1x16xf32>,
    %swap3A_69 = vector.shape_cast %swap3A_68 : vector<1x16xf32> to vector<16xf32>
    %swap3A_70 = vector.shape_cast %broadcast_in_dim3A_64 : vector<16xf32> to vector<1x16xf32>
    tpu.vector_store %arg8[%swap3A_66, %swap3A_67], %swap3A_70 {strides = array<i32>} : memref<16x128xf32, #tpu.memory_space<vmem>>, vector<1x16xf32>,
    %broadcast_in_dim3A_71 = arith.constant 0.000000e+00 : f32
    %broadcast_in_dim3A_72 = vector.broadcast %broadcast_in_dim3A_71 : f32 to vector<16xf32>
    %swap3A_73 = arith.constant 1 : i32
    %swap3A_74 = arith.index_cast %swap3A_73 : i32 to index
    %swap3A_75 = arith.constant 16 : index
    %swap3A_76 = tpu.vector_load %arg8[%swap3A_74, %swap3A_75] {strides = array<i32>} : memref<16x128xf32, #tpu.memory_space<vmem>>, vector<1x16xf32>,
    %swap3A_77 = vector.shape_cast %swap3A_76 : vector<1x16xf32> to vector<16xf32>
    %swap3A_78 = vector.shape_cast %broadcast_in_dim3A_72 : vector<16xf32> to vector<1x16xf32>
    tpu.vector_store %arg8[%swap3A_74, %swap3A_75], %swap3A_78 {strides = array<i32>} : memref<16x128xf32, #tpu.memory_space<vmem>>, vector<1x16xf32>,
    %broadcast_in_dim3A_79 = arith.constant 0.000000e+00 : f32
    %broadcast_in_dim3A_80 = vector.broadcast %broadcast_in_dim3A_79 : f32 to vector<16xf32>
    %swap3A_81 = arith.constant 1 : i32
    %swap3A_82 = arith.index_cast %swap3A_81 : i32 to index
    %swap3A_83 = arith.constant 32 : index
    %swap3A_84 = tpu.vector_load %arg8[%swap3A_82, %swap3A_83] {strides = array<i32>} : memref<16x128xf32, #tpu.memory_space<vmem>>, vector<1x16xf32>,
    %swap3A_85 = vector.shape_cast %swap3A_84 : vector<1x16xf32> to vector<16xf32>
    %swap3A_86 = vector.shape_cast %broadcast_in_dim3A_80 : vector<16xf32> to vector<1x16xf32>
    tpu.vector_store %arg8[%swap3A_82, %swap3A_83], %swap3A_86 {strides = array<i32>} : memref<16x128xf32, #tpu.memory_space<vmem>>, vector<1x16xf32>,
    %broadcast_in_dim3A_87 = arith.constant 0.000000e+00 : f32
    %broadcast_in_dim3A_88 = vector.broadcast %broadcast_in_dim3A_87 : f32 to vector<16xf32>
    %swap3A_89 = arith.constant 1 : i32
    %swap3A_90 = arith.index_cast %swap3A_89 : i32 to index
    %swap3A_91 = arith.constant 48 : index
    %swap3A_92 = tpu.vector_load %arg8[%swap3A_90, %swap3A_91] {strides = array<i32>} : memref<16x128xf32, #tpu.memory_space<vmem>>, vector<1x16xf32>,
    %swap3A_93 = vector.shape_cast %swap3A_92 : vector<1x16xf32> to vector<16xf32>
    %swap3A_94 = vector.shape_cast %broadcast_in_dim3A_88 : vector<16xf32> to vector<1x16xf32>
    tpu.vector_store %arg8[%swap3A_90, %swap3A_91], %swap3A_94 {strides = array<i32>} : memref<16x128xf32, #tpu.memory_space<vmem>>, vector<1x16xf32>,
    %broadcast_in_dim3A_95 = arith.constant 0.000000e+00 : f32
    %broadcast_in_dim3A_96 = vector.broadcast %broadcast_in_dim3A_95 : f32 to vector<16xf32>
    %swap3A_97 = arith.constant 1 : i32
    %swap3A_98 = arith.index_cast %swap3A_97 : i32 to index
    %swap3A_99 = arith.constant 64 : index
    %swap3A_100 = tpu.vector_load %arg8[%swap3A_98, %swap3A_99] {strides = array<i32>} : memref<16x128xf32, #tpu.memory_space<vmem>>, vector<1x16xf32>,
    %swap3A_101 = vector.shape_cast %swap3A_100 : vector<1x16xf32> to vector<16xf32>
    %swap3A_102 = vector.shape_cast %broadcast_in_dim3A_96 : vector<16xf32> to vector<1x16xf32>
    tpu.vector_store %arg8[%swap3A_98, %swap3A_99], %swap3A_102 {strides = array<i32>} : memref<16x128xf32, #tpu.memory_space<vmem>>, vector<1x16xf32>,
    %broadcast_in_dim3A_103 = arith.constant 0.000000e+00 : f32
    %broadcast_in_dim3A_104 = vector.broadcast %broadcast_in_dim3A_103 : f32 to vector<16xf32>
    %swap3A_105 = arith.constant 1 : i32
    %swap3A_106 = arith.index_cast %swap3A_105 : i32 to index
    %swap3A_107 = arith.constant 80 : index
    %swap3A_108 = tpu.vector_load %arg8[%swap3A_106, %swap3A_107] {strides = array<i32>} : memref<16x128xf32, #tpu.memory_space<vmem>>, vector<1x16xf32>,
    %swap3A_109 = vector.shape_cast %swap3A_108 : vector<1x16xf32> to vector<16xf32>
    %swap3A_110 = vector.shape_cast %broadcast_in_dim3A_104 : vector<16xf32> to vector<1x16xf32>
    tpu.vector_store %arg8[%swap3A_106, %swap3A_107], %swap3A_110 {strides = array<i32>} : memref<16x128xf32, #tpu.memory_space<vmem>>, vector<1x16xf32>,
    %broadcast_in_dim3A_111 = arith.constant 0.000000e+00 : f32
    %broadcast_in_dim3A_112 = vector.broadcast %broadcast_in_dim3A_111 : f32 to vector<16xf32>
    %swap3A_113 = arith.constant 1 : i32
    %swap3A_114 = arith.index_cast %swap3A_113 : i32 to index
    %swap3A_115 = arith.constant 96 : index
    %swap3A_116 = tpu.vector_load %arg8[%swap3A_114, %swap3A_115] {strides = array<i32>} : memref<16x128xf32, #tpu.memory_space<vmem>>, vector<1x16xf32>,
    %swap3A_117 = vector.shape_cast %swap3A_116 : vector<1x16xf32> to vector<16xf32>
    %swap3A_118 = vector.shape_cast %broadcast_in_dim3A_112 : vector<16xf32> to vector<1x16xf32>
    tpu.vector_store %arg8[%swap3A_114, %swap3A_115], %swap3A_118 {strides = array<i32>} : memref<16x128xf32, #tpu.memory_space<vmem>>, vector<1x16xf32>,
    %broadcast_in_dim3A_119 = arith.constant 0.000000e+00 : f32
    %broadcast_in_dim3A_120 = vector.broadcast %broadcast_in_dim3A_119 : f32 to vector<16xf32>
    %swap3A_121 = arith.constant 1 : i32
    %swap3A_122 = arith.index_cast %swap3A_121 : i32 to index
    %swap3A_123 = arith.constant 112 : index
    %swap3A_124 = tpu.vector_load %arg8[%swap3A_122, %swap3A_123] {strides = array<i32>} : memref<16x128xf32, #tpu.memory_space<vmem>>, vector<1x16xf32>,
    %swap3A_125 = vector.shape_cast %swap3A_124 : vector<1x16xf32> to vector<16xf32>
    %swap3A_126 = vector.shape_cast %broadcast_in_dim3A_120 : vector<16xf32> to vector<1x16xf32>
    tpu.vector_store %arg8[%swap3A_122, %swap3A_123], %swap3A_126 {strides = array<i32>} : memref<16x128xf32, #tpu.memory_space<vmem>>, vector<1x16xf32>,
    %broadcast_in_dim3A_127 = arith.constant 0.000000e+00 : f32
    %broadcast_in_dim3A_128 = vector.broadcast %broadcast_in_dim3A_127 : f32 to vector<16xf32>
    %swap3A_129 = arith.constant 2 : i32
    %swap3A_130 = arith.index_cast %swap3A_129 : i32 to index
    %swap3A_131 = arith.constant 0 : index
    %swap3A_132 = tpu.vector_load %arg8[%swap3A_130, %swap3A_131] {strides = array<i32>} : memref<16x128xf32, #tpu.memory_space<vmem>>, vector<1x16xf32>,
    %swap3A_133 = vector.shape_cast %swap3A_132 : vector<1x16xf32> to vector<16xf32>
    %swap3A_134 = vector.shape_cast %broadcast_in_dim3A_128 : vector<16xf32> to vector<1x16xf32>
    tpu.vector_store %arg8[%swap3A_130, %swap3A_131], %swap3A_134 {strides = array<i32>} : memref<16x128xf32, #tpu.memory_space<vmem>>, vector<1x16xf32>,
    %broadcast_in_dim3A_135 = arith.constant 0.000000e+00 : f32
    %broadcast_in_dim3A_136 = vector.broadcast %broadcast_in_dim3A_135 : f32 to vector<16xf32>
    %swap3A_137 = arith.constant 2 : i32
    %swap3A_138 = arith.index_cast %swap3A_137 : i32 to index
    %swap3A_139 = arith.constant 16 : index
    %swap3A_140 = tpu.vector_load %arg8[%swap3A_138, %swap3A_139] {strides = array<i32>} : memref<16x128xf32, #tpu.memory_space<vmem>>, vector<1x16xf32>,
    %swap3A_141 = vector.shape_cast %swap3A_140 : vector<1x16xf32> to vector<16xf32>
    %swap3A_142 = vector.shape_cast %broadcast_in_dim3A_136 : vector<16xf32> to vector<1x16xf32>
    tpu.vector_store %arg8[%swap3A_138, %swap3A_139], %swap3A_142 {strides = array<i32>} : memref<16x128xf32, #tpu.memory_space<vmem>>, vector<1x16xf32>,
    %broadcast_in_dim3A_143 = arith.constant 0.000000e+00 : f32
    %broadcast_in_dim3A_144 = vector.broadcast %broadcast_in_dim3A_143 : f32 to vector<16xf32>
    %swap3A_145 = arith.constant 2 : i32
    %swap3A_146 = arith.index_cast %swap3A_145 : i32 to index
    %swap3A_147 = arith.constant 32 : index
    %swap3A_148 = tpu.vector_load %arg8[%swap3A_146, %swap3A_147] {strides = array<i32>} : memref<16x128xf32, #tpu.memory_space<vmem>>, vector<1x16xf32>,
    %swap3A_149 = vector.shape_cast %swap3A_148 : vector<1x16xf32> to vector<16xf32>
    %swap3A_150 = vector.shape_cast %broadcast_in_dim3A_144 : vector<16xf32> to vector<1x16xf32>
    tpu.vector_store %arg8[%swap3A_146, %swap3A_147], %swap3A_150 {strides = array<i32>} : memref<16x128xf32, #tpu.memory_space<vmem>>, vector<1x16xf32>,
    %broadcast_in_dim3A_151 = arith.constant 0.000000e+00 : f32
    %broadcast_in_dim3A_152 = vector.broadcast %broadcast_in_dim3A_151 : f32 to vector<16xf32>
    %swap3A_153 = arith.constant 2 : i32
    %swap3A_154 = arith.index_cast %swap3A_153 : i32 to index
    %swap3A_155 = arith.constant 48 : index
    %swap3A_156 = tpu.vector_load %arg8[%swap3A_154, %swap3A_155] {strides = array<i32>} : memref<16x128xf32, #tpu.memory_space<vmem>>, vector<1x16xf32>,
    %swap3A_157 = vector.shape_cast %swap3A_156 : vector<1x16xf32> to vector<16xf32>
    %swap3A_158 = vector.shape_cast %broadcast_in_dim3A_152 : vector<16xf32> to vector<1x16xf32>
    tpu.vector_store %arg8[%swap3A_154, %swap3A_155], %swap3A_158 {strides = array<i32>} : memref<16x128xf32, #tpu.memory_space<vmem>>, vector<1x16xf32>,
    %broadcast_in_dim3A_159 = arith.constant 0.000000e+00 : f32
    %broadcast_in_dim3A_160 = vector.broadcast %broadcast_in_dim3A_159 : f32 to vector<16xf32>
    %swap3A_161 = arith.constant 2 : i32
    %swap3A_162 = arith.index_cast %swap3A_161 : i32 to index
    %swap3A_163 = arith.constant 64 : index
    %swap3A_164 = tpu.vector_load %arg8[%swap3A_162, %swap3A_163] {strides = array<i32>} : memref<16x128xf32, #tpu.memory_space<vmem>>, vector<1x16xf32>,
    %swap3A_165 = vector.shape_cast %swap3A_164 : vector<1x16xf32> to vector<16xf32>
    %swap3A_166 = vector.shape_cast %broadcast_in_dim3A_160 : vector<16xf32> to vector<1x16xf32>
    tpu.vector_store %arg8[%swap3A_162, %swap3A_163], %swap3A_166 {strides = array<i32>} : memref<16x128xf32, #tpu.memory_space<vmem>>, vector<1x16xf32>,
    %broadcast_in_dim3A_167 = arith.constant 0.000000e+00 : f32
    %broadcast_in_dim3A_168 = vector.broadcast %broadcast_in_dim3A_167 : f32 to vector<16xf32>
    %swap3A_169 = arith.constant 2 : i32
    %swap3A_170 = arith.index_cast %swap3A_169 : i32 to index
    %swap3A_171 = arith.constant 80 : index
    %swap3A_172 = tpu.vector_load %arg8[%swap3A_170, %swap3A_171] {strides = array<i32>} : memref<16x128xf32, #tpu.memory_space<vmem>>, vector<1x16xf32>,
    %swap3A_173 = vector.shape_cast %swap3A_172 : vector<1x16xf32> to vector<16xf32>
    %swap3A_174 = vector.shape_cast %broadcast_in_dim3A_168 : vector<16xf32> to vector<1x16xf32>
    tpu.vector_store %arg8[%swap3A_170, %swap3A_171], %swap3A_174 {strides = array<i32>} : memref<16x128xf32, #tpu.memory_space<vmem>>, vector<1x16xf32>,
    %broadcast_in_dim3A_175 = arith.constant 0.000000e+00 : f32
    %broadcast_in_dim3A_176 = vector.broadcast %broadcast_in_dim3A_175 : f32 to vector<16xf32>
    %swap3A_177 = arith.constant 2 : i32
    %swap3A_178 = arith.index_cast %swap3A_177 : i32 to index
    %swap3A_179 = arith.constant 96 : index
    %swap3A_180 = tpu.vector_load %arg8[%swap3A_178, %swap3A_179] {strides = array<i32>} : memref<16x128xf32, #tpu.memory_space<vmem>>, vector<1x16xf32>,
    %swap3A_181 = vector.shape_cast %swap3A_180 : vector<1x16xf32> to vector<16xf32>
    %swap3A_182 = vector.shape_cast %broadcast_in_dim3A_176 : vector<16xf32> to vector<1x16xf32>
    tpu.vector_store %arg8[%swap3A_178, %swap3A_179], %swap3A_182 {strides = array<i32>} : memref<16x128xf32, #tpu.memory_space<vmem>>, vector<1x16xf32>,
    %broadcast_in_dim3A_183 = arith.constant 0.000000e+00 : f32
    %broadcast_in_dim3A_184 = vector.broadcast %broadcast_in_dim3A_183 : f32 to vector<16xf32>
    %swap3A_185 = arith.constant 2 : i32
    %swap3A_186 = arith.index_cast %swap3A_185 : i32 to index
    %swap3A_187 = arith.constant 112 : index
    %swap3A_188 = tpu.vector_load %arg8[%swap3A_186, %swap3A_187] {strides = array<i32>} : memref<16x128xf32, #tpu.memory_space<vmem>>, vector<1x16xf32>,
    %swap3A_189 = vector.shape_cast %swap3A_188 : vector<1x16xf32> to vector<16xf32>
    %swap3A_190 = vector.shape_cast %broadcast_in_dim3A_184 : vector<16xf32> to vector<1x16xf32>
    tpu.vector_store %arg8[%swap3A_186, %swap3A_187], %swap3A_190 {strides = array<i32>} : memref<16x128xf32, #tpu.memory_space<vmem>>, vector<1x16xf32>,
    %broadcast_in_dim3A_191 = arith.constant 0.000000e+00 : f32
    %broadcast_in_dim3A_192 = vector.broadcast %broadcast_in_dim3A_191 : f32 to vector<16xf32>
    %swap3A_193 = arith.constant 3 : i32
    %swap3A_194 = arith.index_cast %swap3A_193 : i32 to index
    %swap3A_195 = arith.constant 0 : index
    %swap3A_196 = tpu.vector_load %arg8[%swap3A_194, %swap3A_195] {strides = array<i32>} : memref<16x128xf32, #tpu.memory_space<vmem>>, vector<1x16xf32>,
    %swap3A_197 = vector.shape_cast %swap3A_196 : vector<1x16xf32> to vector<16xf32>
    %swap3A_198 = vector.shape_cast %broadcast_in_dim3A_192 : vector<16xf32> to vector<1x16xf32>
    tpu.vector_store %arg8[%swap3A_194, %swap3A_195], %swap3A_198 {strides = array<i32>} : memref<16x128xf32, #tpu.memory_space<vmem>>, vector<1x16xf32>,
    %broadcast_in_dim3A_199 = arith.constant 0.000000e+00 : f32
    %broadcast_in_dim3A_200 = vector.broadcast %broadcast_in_dim3A_199 : f32 to vector<16xf32>
    %swap3A_201 = arith.constant 3 : i32
    %swap3A_202 = arith.index_cast %swap3A_201 : i32 to index
    %swap3A_203 = arith.constant 16 : index
    %swap3A_204 = tpu.vector_load %arg8[%swap3A_202, %swap3A_203] {strides = array<i32>} : memref<16x128xf32, #tpu.memory_space<vmem>>, vector<1x16xf32>,
    %swap3A_205 = vector.shape_cast %swap3A_204 : vector<1x16xf32> to vector<16xf32>
    %swap3A_206 = vector.shape_cast %broadcast_in_dim3A_200 : vector<16xf32> to vector<1x16xf32>
    tpu.vector_store %arg8[%swap3A_202, %swap3A_203], %swap3A_206 {strides = array<i32>} : memref<16x128xf32, #tpu.memory_space<vmem>>, vector<1x16xf32>,
    %broadcast_in_dim3A_207 = arith.constant 0.000000e+00 : f32
    %broadcast_in_dim3A_208 = vector.broadcast %broadcast_in_dim3A_207 : f32 to vector<16xf32>
    %swap3A_209 = arith.constant 3 : i32
    %swap3A_210 = arith.index_cast %swap3A_209 : i32 to index
    %swap3A_211 = arith.constant 32 : index
    %swap3A_212 = tpu.vector_load %arg8[%swap3A_210, %swap3A_211] {strides = array<i32>} : memref<16x128xf32, #tpu.memory_space<vmem>>, vector<1x16xf32>,
    %swap3A_213 = vector.shape_cast %swap3A_212 : vector<1x16xf32> to vector<16xf32>
    %swap3A_214 = vector.shape_cast %broadcast_in_dim3A_208 : vector<16xf32> to vector<1x16xf32>
    tpu.vector_store %arg8[%swap3A_210, %swap3A_211], %swap3A_214 {strides = array<i32>} : memref<16x128xf32, #tpu.memory_space<vmem>>, vector<1x16xf32>,
    %broadcast_in_dim3A_215 = arith.constant 0.000000e+00 : f32
    %broadcast_in_dim3A_216 = vector.broadcast %broadcast_in_dim3A_215 : f32 to vector<16xf32>
    %swap3A_217 = arith.constant 3 : i32
    %swap3A_218 = arith.index_cast %swap3A_217 : i32 to index
    %swap3A_219 = arith.constant 48 : index
    %swap3A_220 = tpu.vector_load %arg8[%swap3A_218, %swap3A_219] {strides = array<i32>} : memref<16x128xf32, #tpu.memory_space<vmem>>, vector<1x16xf32>,
    %swap3A_221 = vector.shape_cast %swap3A_220 : vector<1x16xf32> to vector<16xf32>
    %swap3A_222 = vector.shape_cast %broadcast_in_dim3A_216 : vector<16xf32> to vector<1x16xf32>
    tpu.vector_store %arg8[%swap3A_218, %swap3A_219], %swap3A_222 {strides = array<i32>} : memref<16x128xf32, #tpu.memory_space<vmem>>, vector<1x16xf32>,
    %broadcast_in_dim3A_223 = arith.constant 0.000000e+00 : f32
    %broadcast_in_dim3A_224 = vector.broadcast %broadcast_in_dim3A_223 : f32 to vector<16xf32>
    %swap3A_225 = arith.constant 3 : i32
    %swap3A_226 = arith.index_cast %swap3A_225 : i32 to index
    %swap3A_227 = arith.constant 64 : index
    %swap3A_228 = tpu.vector_load %arg8[%swap3A_226, %swap3A_227] {strides = array<i32>} : memref<16x128xf32, #tpu.memory_space<vmem>>, vector<1x16xf32>,
    %swap3A_229 = vector.shape_cast %swap3A_228 : vector<1x16xf32> to vector<16xf32>
    %swap3A_230 = vector.shape_cast %broadcast_in_dim3A_224 : vector<16xf32> to vector<1x16xf32>
    tpu.vector_store %arg8[%swap3A_226, %swap3A_227], %swap3A_230 {strides = array<i32>} : memref<16x128xf32, #tpu.memory_space<vmem>>, vector<1x16xf32>,
    %broadcast_in_dim3A_231 = arith.constant 0.000000e+00 : f32
    %broadcast_in_dim3A_232 = vector.broadcast %broadcast_in_dim3A_231 : f32 to vector<16xf32>
    %swap3A_233 = arith.constant 3 : i32
    %swap3A_234 = arith.index_cast %swap3A_233 : i32 to index
    %swap3A_235 = arith.constant 80 : index
    %swap3A_236 = tpu.vector_load %arg8[%swap3A_234, %swap3A_235] {strides = array<i32>} : memref<16x128xf32, #tpu.memory_space<vmem>>, vector<1x16xf32>,
    %swap3A_237 = vector.shape_cast %swap3A_236 : vector<1x16xf32> to vector<16xf32>
    %swap3A_238 = vector.shape_cast %broadcast_in_dim3A_232 : vector<16xf32> to vector<1x16xf32>
    tpu.vector_store %arg8[%swap3A_234, %swap3A_235], %swap3A_238 {strides = array<i32>} : memref<16x128xf32, #tpu.memory_space<vmem>>, vector<1x16xf32>,
    %broadcast_in_dim3A_239 = arith.constant 0.000000e+00 : f32
    %broadcast_in_dim3A_240 = vector.broadcast %broadcast_in_dim3A_239 : f32 to vector<16xf32>
    %swap3A_241 = arith.constant 3 : i32
    %swap3A_242 = arith.index_cast %swap3A_241 : i32 to index
    %swap3A_243 = arith.constant 96 : index
    %swap3A_244 = tpu.vector_load %arg8[%swap3A_242, %swap3A_243] {strides = array<i32>} : memref<16x128xf32, #tpu.memory_space<vmem>>, vector<1x16xf32>,
    %swap3A_245 = vector.shape_cast %swap3A_244 : vector<1x16xf32> to vector<16xf32>
    %swap3A_246 = vector.shape_cast %broadcast_in_dim3A_240 : vector<16xf32> to vector<1x16xf32>
    tpu.vector_store %arg8[%swap3A_242, %swap3A_243], %swap3A_246 {strides = array<i32>} : memref<16x128xf32, #tpu.memory_space<vmem>>, vector<1x16xf32>,
    %broadcast_in_dim3A_247 = arith.constant 0.000000e+00 : f32
    %broadcast_in_dim3A_248 = vector.broadcast %broadcast_in_dim3A_247 : f32 to vector<16xf32>
    %swap3A_249 = arith.constant 3 : i32
    %swap3A_250 = arith.index_cast %swap3A_249 : i32 to index
    %swap3A_251 = arith.constant 112 : index
    %swap3A_252 = tpu.vector_load %arg8[%swap3A_250, %swap3A_251] {strides = array<i32>} : memref<16x128xf32, #tpu.memory_space<vmem>>, vector<1x16xf32>,
    %swap3A_253 = vector.shape_cast %swap3A_252 : vector<1x16xf32> to vector<16xf32>
    %swap3A_254 = vector.shape_cast %broadcast_in_dim3A_248 : vector<16xf32> to vector<1x16xf32>
    tpu.vector_store %arg8[%swap3A_250, %swap3A_251], %swap3A_254 {strides = array<i32>} : memref<16x128xf32, #tpu.memory_space<vmem>>, vector<1x16xf32>,
    %broadcast_in_dim3A_255 = arith.constant 0.000000e+00 : f32
    %broadcast_in_dim3A_256 = vector.broadcast %broadcast_in_dim3A_255 : f32 to vector<16xf32>
    %swap3A_257 = arith.constant 4 : i32
    %swap3A_258 = arith.index_cast %swap3A_257 : i32 to index
    %swap3A_259 = arith.constant 0 : index
    %swap3A_260 = tpu.vector_load %arg8[%swap3A_258, %swap3A_259] {strides = array<i32>} : memref<16x128xf32, #tpu.memory_space<vmem>>, vector<1x16xf32>,
    %swap3A_261 = vector.shape_cast %swap3A_260 : vector<1x16xf32> to vector<16xf32>
    %swap3A_262 = vector.shape_cast %broadcast_in_dim3A_256 : vector<16xf32> to vector<1x16xf32>
    tpu.vector_store %arg8[%swap3A_258, %swap3A_259], %swap3A_262 {strides = array<i32>} : memref<16x128xf32, #tpu.memory_space<vmem>>, vector<1x16xf32>,
    %broadcast_in_dim3A_263 = arith.constant 0.000000e+00 : f32
    %broadcast_in_dim3A_264 = vector.broadcast %broadcast_in_dim3A_263 : f32 to vector<16xf32>
    %swap3A_265 = arith.constant 4 : i32
    %swap3A_266 = arith.index_cast %swap3A_265 : i32 to index
    %swap3A_267 = arith.constant 16 : index
    %swap3A_268 = tpu.vector_load %arg8[%swap3A_266, %swap3A_267] {strides = array<i32>} : memref<16x128xf32, #tpu.memory_space<vmem>>, vector<1x16xf32>,
    %swap3A_269 = vector.shape_cast %swap3A_268 : vector<1x16xf32> to vector<16xf32>
    %swap3A_270 = vector.shape_cast %broadcast_in_dim3A_264 : vector<16xf32> to vector<1x16xf32>
    tpu.vector_store %arg8[%swap3A_266, %swap3A_267], %swap3A_270 {strides = array<i32>} : memref<16x128xf32, #tpu.memory_space<vmem>>, vector<1x16xf32>,
    %broadcast_in_dim3A_271 = arith.constant 0.000000e+00 : f32
    %broadcast_in_dim3A_272 = vector.broadcast %broadcast_in_dim3A_271 : f32 to vector<16xf32>
    %swap3A_273 = arith.constant 4 : i32
    %swap3A_274 = arith.index_cast %swap3A_273 : i32 to index
    %swap3A_275 = arith.constant 32 : index
    %swap3A_276 = tpu.vector_load %arg8[%swap3A_274, %swap3A_275] {strides = array<i32>} : memref<16x128xf32, #tpu.memory_space<vmem>>, vector<1x16xf32>,
    %swap3A_277 = vector.shape_cast %swap3A_276 : vector<1x16xf32> to vector<16xf32>
    %swap3A_278 = vector.shape_cast %broadcast_in_dim3A_272 : vector<16xf32> to vector<1x16xf32>
    tpu.vector_store %arg8[%swap3A_274, %swap3A_275], %swap3A_278 {strides = array<i32>} : memref<16x128xf32, #tpu.memory_space<vmem>>, vector<1x16xf32>,
    %broadcast_in_dim3A_279 = arith.constant 0.000000e+00 : f32
    %broadcast_in_dim3A_280 = vector.broadcast %broadcast_in_dim3A_279 : f32 to vector<16xf32>
    %swap3A_281 = arith.constant 4 : i32
    %swap3A_282 = arith.index_cast %swap3A_281 : i32 to index
    %swap3A_283 = arith.constant 48 : index
    %swap3A_284 = tpu.vector_load %arg8[%swap3A_282, %swap3A_283] {strides = array<i32>} : memref<16x128xf32, #tpu.memory_space<vmem>>, vector<1x16xf32>,
    %swap3A_285 = vector.shape_cast %swap3A_284 : vector<1x16xf32> to vector<16xf32>
    %swap3A_286 = vector.shape_cast %broadcast_in_dim3A_280 : vector<16xf32> to vector<1x16xf32>
    tpu.vector_store %arg8[%swap3A_282, %swap3A_283], %swap3A_286 {strides = array<i32>} : memref<16x128xf32, #tpu.memory_space<vmem>>, vector<1x16xf32>,
    %broadcast_in_dim3A_287 = arith.constant 0.000000e+00 : f32
    %broadcast_in_dim3A_288 = vector.broadcast %broadcast_in_dim3A_287 : f32 to vector<16xf32>
    %swap3A_289 = arith.constant 4 : i32
    %swap3A_290 = arith.index_cast %swap3A_289 : i32 to index
    %swap3A_291 = arith.constant 64 : index
    %swap3A_292 = tpu.vector_load %arg8[%swap3A_290, %swap3A_291] {strides = array<i32>} : memref<16x128xf32, #tpu.memory_space<vmem>>, vector<1x16xf32>,
    %swap3A_293 = vector.shape_cast %swap3A_292 : vector<1x16xf32> to vector<16xf32>
    %swap3A_294 = vector.shape_cast %broadcast_in_dim3A_288 : vector<16xf32> to vector<1x16xf32>
    tpu.vector_store %arg8[%swap3A_290, %swap3A_291], %swap3A_294 {strides = array<i32>} : memref<16x128xf32, #tpu.memory_space<vmem>>, vector<1x16xf32>,
    %broadcast_in_dim3A_295 = arith.constant 0.000000e+00 : f32
    %broadcast_in_dim3A_296 = vector.broadcast %broadcast_in_dim3A_295 : f32 to vector<16xf32>
    %swap3A_297 = arith.constant 4 : i32
    %swap3A_298 = arith.index_cast %swap3A_297 : i32 to index
    %swap3A_299 = arith.constant 80 : index
    %swap3A_300 = tpu.vector_load %arg8[%swap3A_298, %swap3A_299] {strides = array<i32>} : memref<16x128xf32, #tpu.memory_space<vmem>>, vector<1x16xf32>,
    %swap3A_301 = vector.shape_cast %swap3A_300 : vector<1x16xf32> to vector<16xf32>
    %swap3A_302 = vector.shape_cast %broadcast_in_dim3A_296 : vector<16xf32> to vector<1x16xf32>
    tpu.vector_store %arg8[%swap3A_298, %swap3A_299], %swap3A_302 {strides = array<i32>} : memref<16x128xf32, #tpu.memory_space<vmem>>, vector<1x16xf32>,
    %broadcast_in_dim3A_303 = arith.constant 0.000000e+00 : f32
    %broadcast_in_dim3A_304 = vector.broadcast %broadcast_in_dim3A_303 : f32 to vector<16xf32>
    %swap3A_305 = arith.constant 4 : i32
    %swap3A_306 = arith.index_cast %swap3A_305 : i32 to index
    %swap3A_307 = arith.constant 96 : index
    %swap3A_308 = tpu.vector_load %arg8[%swap3A_306, %swap3A_307] {strides = array<i32>} : memref<16x128xf32, #tpu.memory_space<vmem>>, vector<1x16xf32>,
    %swap3A_309 = vector.shape_cast %swap3A_308 : vector<1x16xf32> to vector<16xf32>
    %swap3A_310 = vector.shape_cast %broadcast_in_dim3A_304 : vector<16xf32> to vector<1x16xf32>
    tpu.vector_store %arg8[%swap3A_306, %swap3A_307], %swap3A_310 {strides = array<i32>} : memref<16x128xf32, #tpu.memory_space<vmem>>, vector<1x16xf32>,
    %broadcast_in_dim3A_311 = arith.constant 0.000000e+00 : f32
    %broadcast_in_dim3A_312 = vector.broadcast %broadcast_in_dim3A_311 : f32 to vector<16xf32>
    %swap3A_313 = arith.constant 4 : i32
    %swap3A_314 = arith.index_cast %swap3A_313 : i32 to index
    %swap3A_315 = arith.constant 112 : index
    %swap3A_316 = tpu.vector_load %arg8[%swap3A_314, %swap3A_315] {strides = array<i32>} : memref<16x128xf32, #tpu.memory_space<vmem>>, vector<1x16xf32>,
    %swap3A_317 = vector.shape_cast %swap3A_316 : vector<1x16xf32> to vector<16xf32>
    %swap3A_318 = vector.shape_cast %broadcast_in_dim3A_312 : vector<16xf32> to vector<1x16xf32>
    tpu.vector_store %arg8[%swap3A_314, %swap3A_315], %swap3A_318 {strides = array<i32>} : memref<16x128xf32, #tpu.memory_space<vmem>>, vector<1x16xf32>,
    %broadcast_in_dim3A_319 = arith.constant 0.000000e+00 : f32
    %broadcast_in_dim3A_320 = vector.broadcast %broadcast_in_dim3A_319 : f32 to vector<16xf32>
    %swap3A_321 = arith.constant 5 : i32
    %swap3A_322 = arith.index_cast %swap3A_321 : i32 to index
    %swap3A_323 = arith.constant 0 : index
    %swap3A_324 = tpu.vector_load %arg8[%swap3A_322, %swap3A_323] {strides = array<i32>} : memref<16x128xf32, #tpu.memory_space<vmem>>, vector<1x16xf32>,
    %swap3A_325 = vector.shape_cast %swap3A_324 : vector<1x16xf32> to vector<16xf32>
    %swap3A_326 = vector.shape_cast %broadcast_in_dim3A_320 : vector<16xf32> to vector<1x16xf32>
    tpu.vector_store %arg8[%swap3A_322, %swap3A_323], %swap3A_326 {strides = array<i32>} : memref<16x128xf32, #tpu.memory_space<vmem>>, vector<1x16xf32>,
    %broadcast_in_dim3A_327 = arith.constant 0.000000e+00 : f32
    %broadcast_in_dim3A_328 = vector.broadcast %broadcast_in_dim3A_327 : f32 to vector<16xf32>
    %swap3A_329 = arith.constant 5 : i32
    %swap3A_330 = arith.index_cast %swap3A_329 : i32 to index
    %swap3A_331 = arith.constant 16 : index
    %swap3A_332 = tpu.vector_load %arg8[%swap3A_330, %swap3A_331] {strides = array<i32>} : memref<16x128xf32, #tpu.memory_space<vmem>>, vector<1x16xf32>,
    %swap3A_333 = vector.shape_cast %swap3A_332 : vector<1x16xf32> to vector<16xf32>
    %swap3A_334 = vector.shape_cast %broadcast_in_dim3A_328 : vector<16xf32> to vector<1x16xf32>
    tpu.vector_store %arg8[%swap3A_330, %swap3A_331], %swap3A_334 {strides = array<i32>} : memref<16x128xf32, #tpu.memory_space<vmem>>, vector<1x16xf32>,
    %broadcast_in_dim3A_335 = arith.constant 0.000000e+00 : f32
    %broadcast_in_dim3A_336 = vector.broadcast %broadcast_in_dim3A_335 : f32 to vector<16xf32>
    %swap3A_337 = arith.constant 5 : i32
    %swap3A_338 = arith.index_cast %swap3A_337 : i32 to index
    %swap3A_339 = arith.constant 32 : index
    %swap3A_340 = tpu.vector_load %arg8[%swap3A_338, %swap3A_339] {strides = array<i32>} : memref<16x128xf32, #tpu.memory_space<vmem>>, vector<1x16xf32>,
    %swap3A_341 = vector.shape_cast %swap3A_340 : vector<1x16xf32> to vector<16xf32>
    %swap3A_342 = vector.shape_cast %broadcast_in_dim3A_336 : vector<16xf32> to vector<1x16xf32>
    tpu.vector_store %arg8[%swap3A_338, %swap3A_339], %swap3A_342 {strides = array<i32>} : memref<16x128xf32, #tpu.memory_space<vmem>>, vector<1x16xf32>,
    %broadcast_in_dim3A_343 = arith.constant 0.000000e+00 : f32
    %broadcast_in_dim3A_344 = vector.broadcast %broadcast_in_dim3A_343 : f32 to vector<16xf32>
    %swap3A_345 = arith.constant 5 : i32
    %swap3A_346 = arith.index_cast %swap3A_345 : i32 to index
    %swap3A_347 = arith.constant 48 : index
    %swap3A_348 = tpu.vector_load %arg8[%swap3A_346, %swap3A_347] {strides = array<i32>} : memref<16x128xf32, #tpu.memory_space<vmem>>, vector<1x16xf32>,
    %swap3A_349 = vector.shape_cast %swap3A_348 : vector<1x16xf32> to vector<16xf32>
    %swap3A_350 = vector.shape_cast %broadcast_in_dim3A_344 : vector<16xf32> to vector<1x16xf32>
    tpu.vector_store %arg8[%swap3A_346, %swap3A_347], %swap3A_350 {strides = array<i32>} : memref<16x128xf32, #tpu.memory_space<vmem>>, vector<1x16xf32>,
    %broadcast_in_dim3A_351 = arith.constant 0.000000e+00 : f32
    %broadcast_in_dim3A_352 = vector.broadcast %broadcast_in_dim3A_351 : f32 to vector<16xf32>
    %swap3A_353 = arith.constant 5 : i32
    %swap3A_354 = arith.index_cast %swap3A_353 : i32 to index
    %swap3A_355 = arith.constant 64 : index
    %swap3A_356 = tpu.vector_load %arg8[%swap3A_354, %swap3A_355] {strides = array<i32>} : memref<16x128xf32, #tpu.memory_space<vmem>>, vector<1x16xf32>,
    %swap3A_357 = vector.shape_cast %swap3A_356 : vector<1x16xf32> to vector<16xf32>
    %swap3A_358 = vector.shape_cast %broadcast_in_dim3A_352 : vector<16xf32> to vector<1x16xf32>
    tpu.vector_store %arg8[%swap3A_354, %swap3A_355], %swap3A_358 {strides = array<i32>} : memref<16x128xf32, #tpu.memory_space<vmem>>, vector<1x16xf32>,
    %broadcast_in_dim3A_359 = arith.constant 0.000000e+00 : f32
    %broadcast_in_dim3A_360 = vector.broadcast %broadcast_in_dim3A_359 : f32 to vector<16xf32>
    %swap3A_361 = arith.constant 5 : i32
    %swap3A_362 = arith.index_cast %swap3A_361 : i32 to index
    %swap3A_363 = arith.constant 80 : index
    %swap3A_364 = tpu.vector_load %arg8[%swap3A_362, %swap3A_363] {strides = array<i32>} : memref<16x128xf32, #tpu.memory_space<vmem>>, vector<1x16xf32>,
    %swap3A_365 = vector.shape_cast %swap3A_364 : vector<1x16xf32> to vector<16xf32>
    %swap3A_366 = vector.shape_cast %broadcast_in_dim3A_360 : vector<16xf32> to vector<1x16xf32>
    tpu.vector_store %arg8[%swap3A_362, %swap3A_363], %swap3A_366 {strides = array<i32>} : memref<16x128xf32, #tpu.memory_space<vmem>>, vector<1x16xf32>,
    %broadcast_in_dim3A_367 = arith.constant 0.000000e+00 : f32
    %broadcast_in_dim3A_368 = vector.broadcast %broadcast_in_dim3A_367 : f32 to vector<16xf32>
    %swap3A_369 = arith.constant 5 : i32
    %swap3A_370 = arith.index_cast %swap3A_369 : i32 to index
    %swap3A_371 = arith.constant 96 : index
    %swap3A_372 = tpu.vector_load %arg8[%swap3A_370, %swap3A_371] {strides = array<i32>} : memref<16x128xf32, #tpu.memory_space<vmem>>, vector<1x16xf32>,
    %swap3A_373 = vector.shape_cast %swap3A_372 : vector<1x16xf32> to vector<16xf32>
    %swap3A_374 = vector.shape_cast %broadcast_in_dim3A_368 : vector<16xf32> to vector<1x16xf32>
    tpu.vector_store %arg8[%swap3A_370, %swap3A_371], %swap3A_374 {strides = array<i32>} : memref<16x128xf32, #tpu.memory_space<vmem>>, vector<1x16xf32>,
    %broadcast_in_dim3A_375 = arith.constant 0.000000e+00 : f32
    %broadcast_in_dim3A_376 = vector.broadcast %broadcast_in_dim3A_375 : f32 to vector<16xf32>
    %swap3A_377 = arith.constant 5 : i32
    %swap3A_378 = arith.index_cast %swap3A_377 : i32 to index
    %swap3A_379 = arith.constant 112 : index
    %swap3A_380 = tpu.vector_load %arg8[%swap3A_378, %swap3A_379] {strides = array<i32>} : memref<16x128xf32, #tpu.memory_space<vmem>>, vector<1x16xf32>,
    %swap3A_381 = vector.shape_cast %swap3A_380 : vector<1x16xf32> to vector<16xf32>
    %swap3A_382 = vector.shape_cast %broadcast_in_dim3A_376 : vector<16xf32> to vector<1x16xf32>
    tpu.vector_store %arg8[%swap3A_378, %swap3A_379], %swap3A_382 {strides = array<i32>} : memref<16x128xf32, #tpu.memory_space<vmem>>, vector<1x16xf32>,
    %broadcast_in_dim3A_383 = arith.constant 0.000000e+00 : f32
    %broadcast_in_dim3A_384 = vector.broadcast %broadcast_in_dim3A_383 : f32 to vector<16xf32>
    %swap3A_385 = arith.constant 6 : i32
    %swap3A_386 = arith.index_cast %swap3A_385 : i32 to index
    %swap3A_387 = arith.constant 0 : index
    %swap3A_388 = tpu.vector_load %arg8[%swap3A_386, %swap3A_387] {strides = array<i32>} : memref<16x128xf32, #tpu.memory_space<vmem>>, vector<1x16xf32>,
    %swap3A_389 = vector.shape_cast %swap3A_388 : vector<1x16xf32> to vector<16xf32>
    %swap3A_390 = vector.shape_cast %broadcast_in_dim3A_384 : vector<16xf32> to vector<1x16xf32>
    tpu.vector_store %arg8[%swap3A_386, %swap3A_387], %swap3A_390 {strides = array<i32>} : memref<16x128xf32, #tpu.memory_space<vmem>>, vector<1x16xf32>,
    %broadcast_in_dim3A_391 = arith.constant 0.000000e+00 : f32
    %broadcast_in_dim3A_392 = vector.broadcast %broadcast_in_dim3A_391 : f32 to vector<16xf32>
    %swap3A_393 = arith.constant 6 : i32
    %swap3A_394 = arith.index_cast %swap3A_393 : i32 to index
    %swap3A_395 = arith.constant 16 : index
    %swap3A_396 = tpu.vector_load %arg8[%swap3A_394, %swap3A_395] {strides = array<i32>} : memref<16x128xf32, #tpu.memory_space<vmem>>, vector<1x16xf32>,
    %swap3A_397 = vector.shape_cast %swap3A_396 : vector<1x16xf32> to vector<16xf32>
    %swap3A_398 = vector.shape_cast %broadcast_in_dim3A_392 : vector<16xf32> to vector<1x16xf32>
    tpu.vector_store %arg8[%swap3A_394, %swap3A_395], %swap3A_398 {strides = array<i32>} : memref<16x128xf32, #tpu.memory_space<vmem>>, vector<1x16xf32>,
    %broadcast_in_dim3A_399 = arith.constant 0.000000e+00 : f32
    %broadcast_in_dim3A_400 = vector.broadcast %broadcast_in_dim3A_399 : f32 to vector<16xf32>
    %swap3A_401 = arith.constant 6 : i32
    %swap3A_402 = arith.index_cast %swap3A_401 : i32 to index
    %swap3A_403 = arith.constant 32 : index
    %swap3A_404 = tpu.vector_load %arg8[%swap3A_402, %swap3A_403] {strides = array<i32>} : memref<16x128xf32, #tpu.memory_space<vmem>>, vector<1x16xf32>,
    %swap3A_405 = vector.shape_cast %swap3A_404 : vector<1x16xf32> to vector<16xf32>
    %swap3A_406 = vector.shape_cast %broadcast_in_dim3A_400 : vector<16xf32> to vector<1x16xf32>
    tpu.vector_store %arg8[%swap3A_402, %swap3A_403], %swap3A_406 {strides = array<i32>} : memref<16x128xf32, #tpu.memory_space<vmem>>, vector<1x16xf32>,
    %broadcast_in_dim3A_407 = arith.constant 0.000000e+00 : f32
    %broadcast_in_dim3A_408 = vector.broadcast %broadcast_in_dim3A_407 : f32 to vector<16xf32>
    %swap3A_409 = arith.constant 6 : i32
    %swap3A_410 = arith.index_cast %swap3A_409 : i32 to index
    %swap3A_411 = arith.constant 48 : index
    %swap3A_412 = tpu.vector_load %arg8[%swap3A_410, %swap3A_411] {strides = array<i32>} : memref<16x128xf32, #tpu.memory_space<vmem>>, vector<1x16xf32>,
    %swap3A_413 = vector.shape_cast %swap3A_412 : vector<1x16xf32> to vector<16xf32>
    %swap3A_414 = vector.shape_cast %broadcast_in_dim3A_408 : vector<16xf32> to vector<1x16xf32>
    tpu.vector_store %arg8[%swap3A_410, %swap3A_411], %swap3A_414 {strides = array<i32>} : memref<16x128xf32, #tpu.memory_space<vmem>>, vector<1x16xf32>,
    %broadcast_in_dim3A_415 = arith.constant 0.000000e+00 : f32
    %broadcast_in_dim3A_416 = vector.broadcast %broadcast_in_dim3A_415 : f32 to vector<16xf32>
    %swap3A_417 = arith.constant 6 : i32
    %swap3A_418 = arith.index_cast %swap3A_417 : i32 to index
    %swap3A_419 = arith.constant 64 : index
    %swap3A_420 = tpu.vector_load %arg8[%swap3A_418, %swap3A_419] {strides = array<i32>} : memref<16x128xf32, #tpu.memory_space<vmem>>, vector<1x16xf32>,
    %swap3A_421 = vector.shape_cast %swap3A_420 : vector<1x16xf32> to vector<16xf32>
    %swap3A_422 = vector.shape_cast %broadcast_in_dim3A_416 : vector<16xf32> to vector<1x16xf32>
    tpu.vector_store %arg8[%swap3A_418, %swap3A_419], %swap3A_422 {strides = array<i32>} : memref<16x128xf32, #tpu.memory_space<vmem>>, vector<1x16xf32>,
    %broadcast_in_dim3A_423 = arith.constant 0.000000e+00 : f32
    %broadcast_in_dim3A_424 = vector.broadcast %broadcast_in_dim3A_423 : f32 to vector<16xf32>
    %swap3A_425 = arith.constant 6 : i32
    %swap3A_426 = arith.index_cast %swap3A_425 : i32 to index
    %swap3A_427 = arith.constant 80 : index
    %swap3A_428 = tpu.vector_load %arg8[%swap3A_426, %swap3A_427] {strides = array<i32>} : memref<16x128xf32, #tpu.memory_space<vmem>>, vector<1x16xf32>,
    %swap3A_429 = vector.shape_cast %swap3A_428 : vector<1x16xf32> to vector<16xf32>
    %swap3A_430 = vector.shape_cast %broadcast_in_dim3A_424 : vector<16xf32> to vector<1x16xf32>
    tpu.vector_store %arg8[%swap3A_426, %swap3A_427], %swap3A_430 {strides = array<i32>} : memref<16x128xf32, #tpu.memory_space<vmem>>, vector<1x16xf32>,
    %broadcast_in_dim3A_431 = arith.constant 0.000000e+00 : f32
    %broadcast_in_dim3A_432 = vector.broadcast %broadcast_in_dim3A_431 : f32 to vector<16xf32>
    %swap3A_433 = arith.constant 6 : i32
    %swap3A_434 = arith.index_cast %swap3A_433 : i32 to index
    %swap3A_435 = arith.constant 96 : index
    %swap3A_436 = tpu.vector_load %arg8[%swap3A_434, %swap3A_435] {strides = array<i32>} : memref<16x128xf32, #tpu.memory_space<vmem>>, vector<1x16xf32>,
    %swap3A_437 = vector.shape_cast %swap3A_436 : vector<1x16xf32> to vector<16xf32>
    %swap3A_438 = vector.shape_cast %broadcast_in_dim3A_432 : vector<16xf32> to vector<1x16xf32>
    tpu.vector_store %arg8[%swap3A_434, %swap3A_435], %swap3A_438 {strides = array<i32>} : memref<16x128xf32, #tpu.memory_space<vmem>>, vector<1x16xf32>,
    %broadcast_in_dim3A_439 = arith.constant 0.000000e+00 : f32
    %broadcast_in_dim3A_440 = vector.broadcast %broadcast_in_dim3A_439 : f32 to vector<16xf32>
    %swap3A_441 = arith.constant 6 : i32
    %swap3A_442 = arith.index_cast %swap3A_441 : i32 to index
    %swap3A_443 = arith.constant 112 : index
    %swap3A_444 = tpu.vector_load %arg8[%swap3A_442, %swap3A_443] {strides = array<i32>} : memref<16x128xf32, #tpu.memory_space<vmem>>, vector<1x16xf32>,
    %swap3A_445 = vector.shape_cast %swap3A_444 : vector<1x16xf32> to vector<16xf32>
    %swap3A_446 = vector.shape_cast %broadcast_in_dim3A_440 : vector<16xf32> to vector<1x16xf32>
    tpu.vector_store %arg8[%swap3A_442, %swap3A_443], %swap3A_446 {strides = array<i32>} : memref<16x128xf32, #tpu.memory_space<vmem>>, vector<1x16xf32>,
    %broadcast_in_dim3A_447 = arith.constant 0.000000e+00 : f32
    %broadcast_in_dim3A_448 = vector.broadcast %broadcast_in_dim3A_447 : f32 to vector<16xf32>
    %swap3A_449 = arith.constant 7 : i32
    %swap3A_450 = arith.index_cast %swap3A_449 : i32 to index
    %swap3A_451 = arith.constant 0 : index
    %swap3A_452 = tpu.vector_load %arg8[%swap3A_450, %swap3A_451] {strides = array<i32>} : memref<16x128xf32, #tpu.memory_space<vmem>>, vector<1x16xf32>,
    %swap3A_453 = vector.shape_cast %swap3A_452 : vector<1x16xf32> to vector<16xf32>
    %swap3A_454 = vector.shape_cast %broadcast_in_dim3A_448 : vector<16xf32> to vector<1x16xf32>
    tpu.vector_store %arg8[%swap3A_450, %swap3A_451], %swap3A_454 {strides = array<i32>} : memref<16x128xf32, #tpu.memory_space<vmem>>, vector<1x16xf32>,
    %broadcast_in_dim3A_455 = arith.constant 0.000000e+00 : f32
    %broadcast_in_dim3A_456 = vector.broadcast %broadcast_in_dim3A_455 : f32 to vector<16xf32>
    %swap3A_457 = arith.constant 7 : i32
    %swap3A_458 = arith.index_cast %swap3A_457 : i32 to index
    %swap3A_459 = arith.constant 16 : index
    %swap3A_460 = tpu.vector_load %arg8[%swap3A_458, %swap3A_459] {strides = array<i32>} : memref<16x128xf32, #tpu.memory_space<vmem>>, vector<1x16xf32>,
    %swap3A_461 = vector.shape_cast %swap3A_460 : vector<1x16xf32> to vector<16xf32>
    %swap3A_462 = vector.shape_cast %broadcast_in_dim3A_456 : vector<16xf32> to vector<1x16xf32>
    tpu.vector_store %arg8[%swap3A_458, %swap3A_459], %swap3A_462 {strides = array<i32>} : memref<16x128xf32, #tpu.memory_space<vmem>>, vector<1x16xf32>,
    %broadcast_in_dim3A_463 = arith.constant 0.000000e+00 : f32
    %broadcast_in_dim3A_464 = vector.broadcast %broadcast_in_dim3A_463 : f32 to vector<16xf32>
    %swap3A_465 = arith.constant 7 : i32
    %swap3A_466 = arith.index_cast %swap3A_465 : i32 to index
    %swap3A_467 = arith.constant 32 : index
    %swap3A_468 = tpu.vector_load %arg8[%swap3A_466, %swap3A_467] {strides = array<i32>} : memref<16x128xf32, #tpu.memory_space<vmem>>, vector<1x16xf32>,
    %swap3A_469 = vector.shape_cast %swap3A_468 : vector<1x16xf32> to vector<16xf32>
    %swap3A_470 = vector.shape_cast %broadcast_in_dim3A_464 : vector<16xf32> to vector<1x16xf32>
    tpu.vector_store %arg8[%swap3A_466, %swap3A_467], %swap3A_470 {strides = array<i32>} : memref<16x128xf32, #tpu.memory_space<vmem>>, vector<1x16xf32>,
    %broadcast_in_dim3A_471 = arith.constant 0.000000e+00 : f32
    %broadcast_in_dim3A_472 = vector.broadcast %broadcast_in_dim3A_471 : f32 to vector<16xf32>
    %swap3A_473 = arith.constant 7 : i32
    %swap3A_474 = arith.index_cast %swap3A_473 : i32 to index
    %swap3A_475 = arith.constant 48 : index
    %swap3A_476 = tpu.vector_load %arg8[%swap3A_474, %swap3A_475] {strides = array<i32>} : memref<16x128xf32, #tpu.memory_space<vmem>>, vector<1x16xf32>,
    %swap3A_477 = vector.shape_cast %swap3A_476 : vector<1x16xf32> to vector<16xf32>
    %swap3A_478 = vector.shape_cast %broadcast_in_dim3A_472 : vector<16xf32> to vector<1x16xf32>
    tpu.vector_store %arg8[%swap3A_474, %swap3A_475], %swap3A_478 {strides = array<i32>} : memref<16x128xf32, #tpu.memory_space<vmem>>, vector<1x16xf32>,
    %broadcast_in_dim3A_479 = arith.constant 0.000000e+00 : f32
    %broadcast_in_dim3A_480 = vector.broadcast %broadcast_in_dim3A_479 : f32 to vector<16xf32>
    %swap3A_481 = arith.constant 7 : i32
    %swap3A_482 = arith.index_cast %swap3A_481 : i32 to index
    %swap3A_483 = arith.constant 64 : index
    %swap3A_484 = tpu.vector_load %arg8[%swap3A_482, %swap3A_483] {strides = array<i32>} : memref<16x128xf32, #tpu.memory_space<vmem>>, vector<1x16xf32>,
    %swap3A_485 = vector.shape_cast %swap3A_484 : vector<1x16xf32> to vector<16xf32>
    %swap3A_486 = vector.shape_cast %broadcast_in_dim3A_480 : vector<16xf32> to vector<1x16xf32>
    tpu.vector_store %arg8[%swap3A_482, %swap3A_483], %swap3A_486 {strides = array<i32>} : memref<16x128xf32, #tpu.memory_space<vmem>>, vector<1x16xf32>,
    %broadcast_in_dim3A_487 = arith.constant 0.000000e+00 : f32
    %broadcast_in_dim3A_488 = vector.broadcast %broadcast_in_dim3A_487 : f32 to vector<16xf32>
    %swap3A_489 = arith.constant 7 : i32
    %swap3A_490 = arith.index_cast %swap3A_489 : i32 to index
    %swap3A_491 = arith.constant 80 : index
    %swap3A_492 = tpu.vector_load %arg8[%swap3A_490, %swap3A_491] {strides = array<i32>} : memref<16x128xf32, #tpu.memory_space<vmem>>, vector<1x16xf32>,
    %swap3A_493 = vector.shape_cast %swap3A_492 : vector<1x16xf32> to vector<16xf32>
    %swap3A_494 = vector.shape_cast %broadcast_in_dim3A_488 : vector<16xf32> to vector<1x16xf32>
    tpu.vector_store %arg8[%swap3A_490, %swap3A_491], %swap3A_494 {strides = array<i32>} : memref<16x128xf32, #tpu.memory_space<vmem>>, vector<1x16xf32>,
    %broadcast_in_dim3A_495 = arith.constant 0.000000e+00 : f32
    %broadcast_in_dim3A_496 = vector.broadcast %broadcast_in_dim3A_495 : f32 to vector<16xf32>
    %swap3A_497 = arith.constant 7 : i32
    %swap3A_498 = arith.index_cast %swap3A_497 : i32 to index
    %swap3A_499 = arith.constant 96 : index
    %swap3A_500 = tpu.vector_load %arg8[%swap3A_498, %swap3A_499] {strides = array<i32>} : memref<16x128xf32, #tpu.memory_space<vmem>>, vector<1x16xf32>,
    %swap3A_501 = vector.shape_cast %swap3A_500 : vector<1x16xf32> to vector<16xf32>
    %swap3A_502 = vector.shape_cast %broadcast_in_dim3A_496 : vector<16xf32> to vector<1x16xf32>
    tpu.vector_store %arg8[%swap3A_498, %swap3A_499], %swap3A_502 {strides = array<i32>} : memref<16x128xf32, #tpu.memory_space<vmem>>, vector<1x16xf32>,
    %broadcast_in_dim3A_503 = arith.constant 0.000000e+00 : f32
    %broadcast_in_dim3A_504 = vector.broadcast %broadcast_in_dim3A_503 : f32 to vector<16xf32>
    %swap3A_505 = arith.constant 7 : i32
    %swap3A_506 = arith.index_cast %swap3A_505 : i32 to index
    %swap3A_507 = arith.constant 112 : index
    %swap3A_508 = tpu.vector_load %arg8[%swap3A_506, %swap3A_507] {strides = array<i32>} : memref<16x128xf32, #tpu.memory_space<vmem>>, vector<1x16xf32>,
    %swap3A_509 = vector.shape_cast %swap3A_508 : vector<1x16xf32> to vector<16xf32>
    %swap3A_510 = vector.shape_cast %broadcast_in_dim3A_504 : vector<16xf32> to vector<1x16xf32>
    tpu.vector_store %arg8[%swap3A_506, %swap3A_507], %swap3A_510 {strides = array<i32>} : memref<16x128xf32, #tpu.memory_space<vmem>>, vector<1x16xf32>,
    %broadcast_in_dim3A_511 = arith.constant 0.000000e+00 : f32
    %broadcast_in_dim3A_512 = vector.broadcast %broadcast_in_dim3A_511 : f32 to vector<16xf32>
    %swap3A_513 = arith.constant 8 : i32
    %swap3A_514 = arith.index_cast %swap3A_513 : i32 to index
    %swap3A_515 = arith.constant 0 : index
    %swap3A_516 = tpu.vector_load %arg8[%swap3A_514, %swap3A_515] {strides = array<i32>} : memref<16x128xf32, #tpu.memory_space<vmem>>, vector<1x16xf32>,
    %swap3A_517 = vector.shape_cast %swap3A_516 : vector<1x16xf32> to vector<16xf32>
    %swap3A_518 = vector.shape_cast %broadcast_in_dim3A_512 : vector<16xf32> to vector<1x16xf32>
    tpu.vector_store %arg8[%swap3A_514, %swap3A_515], %swap3A_518 {strides = array<i32>} : memref<16x128xf32, #tpu.memory_space<vmem>>, vector<1x16xf32>,
    %broadcast_in_dim3A_519 = arith.constant 0.000000e+00 : f32
    %broadcast_in_dim3A_520 = vector.broadcast %broadcast_in_dim3A_519 : f32 to vector<16xf32>
    %swap3A_521 = arith.constant 8 : i32
    %swap3A_522 = arith.index_cast %swap3A_521 : i32 to index
    %swap3A_523 = arith.constant 16 : index
    %swap3A_524 = tpu.vector_load %arg8[%swap3A_522, %swap3A_523] {strides = array<i32>} : memref<16x128xf32, #tpu.memory_space<vmem>>, vector<1x16xf32>,
    %swap3A_525 = vector.shape_cast %swap3A_524 : vector<1x16xf32> to vector<16xf32>
    %swap3A_526 = vector.shape_cast %broadcast_in_dim3A_520 : vector<16xf32> to vector<1x16xf32>
    tpu.vector_store %arg8[%swap3A_522, %swap3A_523], %swap3A_526 {strides = array<i32>} : memref<16x128xf32, #tpu.memory_space<vmem>>, vector<1x16xf32>,
    %broadcast_in_dim3A_527 = arith.constant 0.000000e+00 : f32
    %broadcast_in_dim3A_528 = vector.broadcast %broadcast_in_dim3A_527 : f32 to vector<16xf32>
    %swap3A_529 = arith.constant 8 : i32
    %swap3A_530 = arith.index_cast %swap3A_529 : i32 to index
    %swap3A_531 = arith.constant 32 : index
    %swap3A_532 = tpu.vector_load %arg8[%swap3A_530, %swap3A_531] {strides = array<i32>} : memref<16x128xf32, #tpu.memory_space<vmem>>, vector<1x16xf32>,
    %swap3A_533 = vector.shape_cast %swap3A_532 : vector<1x16xf32> to vector<16xf32>
    %swap3A_534 = vector.shape_cast %broadcast_in_dim3A_528 : vector<16xf32> to vector<1x16xf32>
    tpu.vector_store %arg8[%swap3A_530, %swap3A_531], %swap3A_534 {strides = array<i32>} : memref<16x128xf32, #tpu.memory_space<vmem>>, vector<1x16xf32>,
    %broadcast_in_dim3A_535 = arith.constant 0.000000e+00 : f32
    %broadcast_in_dim3A_536 = vector.broadcast %broadcast_in_dim3A_535 : f32 to vector<16xf32>
    %swap3A_537 = arith.constant 8 : i32
    %swap3A_538 = arith.index_cast %swap3A_537 : i32 to index
    %swap3A_539 = arith.constant 48 : index
    %swap3A_540 = tpu.vector_load %arg8[%swap3A_538, %swap3A_539] {strides = array<i32>} : memref<16x128xf32, #tpu.memory_space<vmem>>, vector<1x16xf32>,
    %swap3A_541 = vector.shape_cast %swap3A_540 : vector<1x16xf32> to vector<16xf32>
    %swap3A_542 = vector.shape_cast %broadcast_in_dim3A_536 : vector<16xf32> to vector<1x16xf32>
    tpu.vector_store %arg8[%swap3A_538, %swap3A_539], %swap3A_542 {strides = array<i32>} : memref<16x128xf32, #tpu.memory_space<vmem>>, vector<1x16xf32>,
    %broadcast_in_dim3A_543 = arith.constant 0.000000e+00 : f32
    %broadcast_in_dim3A_544 = vector.broadcast %broadcast_in_dim3A_543 : f32 to vector<16xf32>
    %swap3A_545 = arith.constant 8 : i32
    %swap3A_546 = arith.index_cast %swap3A_545 : i32 to index
    %swap3A_547 = arith.constant 64 : index
    %swap3A_548 = tpu.vector_load %arg8[%swap3A_546, %swap3A_547] {strides = array<i32>} : memref<16x128xf32, #tpu.memory_space<vmem>>, vector<1x16xf32>,
    %swap3A_549 = vector.shape_cast %swap3A_548 : vector<1x16xf32> to vector<16xf32>
    %swap3A_550 = vector.shape_cast %broadcast_in_dim3A_544 : vector<16xf32> to vector<1x16xf32>
    tpu.vector_store %arg8[%swap3A_546, %swap3A_547], %swap3A_550 {strides = array<i32>} : memref<16x128xf32, #tpu.memory_space<vmem>>, vector<1x16xf32>,
    %broadcast_in_dim3A_551 = arith.constant 0.000000e+00 : f32
    %broadcast_in_dim3A_552 = vector.broadcast %broadcast_in_dim3A_551 : f32 to vector<16xf32>
    %swap3A_553 = arith.constant 8 : i32
    %swap3A_554 = arith.index_cast %swap3A_553 : i32 to index
    %swap3A_555 = arith.constant 80 : index
    %swap3A_556 = tpu.vector_load %arg8[%swap3A_554, %swap3A_555] {strides = array<i32>} : memref<16x128xf32, #tpu.memory_space<vmem>>, vector<1x16xf32>,
    %swap3A_557 = vector.shape_cast %swap3A_556 : vector<1x16xf32> to vector<16xf32>
    %swap3A_558 = vector.shape_cast %broadcast_in_dim3A_552 : vector<16xf32> to vector<1x16xf32>
    tpu.vector_store %arg8[%swap3A_554, %swap3A_555], %swap3A_558 {strides = array<i32>} : memref<16x128xf32, #tpu.memory_space<vmem>>, vector<1x16xf32>,
    %broadcast_in_dim3A_559 = arith.constant 0.000000e+00 : f32
    %broadcast_in_dim3A_560 = vector.broadcast %broadcast_in_dim3A_559 : f32 to vector<16xf32>
    %swap3A_561 = arith.constant 8 : i32
    %swap3A_562 = arith.index_cast %swap3A_561 : i32 to index
    %swap3A_563 = arith.constant 96 : index
    %swap3A_564 = tpu.vector_load %arg8[%swap3A_562, %swap3A_563] {strides = array<i32>} : memref<16x128xf32, #tpu.memory_space<vmem>>, vector<1x16xf32>,
    %swap3A_565 = vector.shape_cast %swap3A_564 : vector<1x16xf32> to vector<16xf32>
    %swap3A_566 = vector.shape_cast %broadcast_in_dim3A_560 : vector<16xf32> to vector<1x16xf32>
    tpu.vector_store %arg8[%swap3A_562, %swap3A_563], %swap3A_566 {strides = array<i32>} : memref<16x128xf32, #tpu.memory_space<vmem>>, vector<1x16xf32>,
    %broadcast_in_dim3A_567 = arith.constant 0.000000e+00 : f32
    %broadcast_in_dim3A_568 = vector.broadcast %broadcast_in_dim3A_567 : f32 to vector<16xf32>
    %swap3A_569 = arith.constant 8 : i32
    %swap3A_570 = arith.index_cast %swap3A_569 : i32 to index
    %swap3A_571 = arith.constant 112 : index
    %swap3A_572 = tpu.vector_load %arg8[%swap3A_570, %swap3A_571] {strides = array<i32>} : memref<16x128xf32, #tpu.memory_space<vmem>>, vector<1x16xf32>,
    %swap3A_573 = vector.shape_cast %swap3A_572 : vector<1x16xf32> to vector<16xf32>
    %swap3A_574 = vector.shape_cast %broadcast_in_dim3A_568 : vector<16xf32> to vector<1x16xf32>
    tpu.vector_store %arg8[%swap3A_570, %swap3A_571], %swap3A_574 {strides = array<i32>} : memref<16x128xf32, #tpu.memory_space<vmem>>, vector<1x16xf32>,
    %broadcast_in_dim3A_575 = arith.constant 0.000000e+00 : f32
    %broadcast_in_dim3A_576 = vector.broadcast %broadcast_in_dim3A_575 : f32 to vector<16xf32>
    %swap3A_577 = arith.constant 9 : i32
    %swap3A_578 = arith.index_cast %swap3A_577 : i32 to index
    %swap3A_579 = arith.constant 0 : index
    %swap3A_580 = tpu.vector_load %arg8[%swap3A_578, %swap3A_579] {strides = array<i32>} : memref<16x128xf32, #tpu.memory_space<vmem>>, vector<1x16xf32>,
    %swap3A_581 = vector.shape_cast %swap3A_580 : vector<1x16xf32> to vector<16xf32>
    %swap3A_582 = vector.shape_cast %broadcast_in_dim3A_576 : vector<16xf32> to vector<1x16xf32>
    tpu.vector_store %arg8[%swap3A_578, %swap3A_579], %swap3A_582 {strides = array<i32>} : memref<16x128xf32, #tpu.memory_space<vmem>>, vector<1x16xf32>,
    %broadcast_in_dim3A_583 = arith.constant 0.000000e+00 : f32
    %broadcast_in_dim3A_584 = vector.broadcast %broadcast_in_dim3A_583 : f32 to vector<16xf32>
    %swap3A_585 = arith.constant 9 : i32
    %swap3A_586 = arith.index_cast %swap3A_585 : i32 to index
    %swap3A_587 = arith.constant 16 : index
    %swap3A_588 = tpu.vector_load %arg8[%swap3A_586, %swap3A_587] {strides = array<i32>} : memref<16x128xf32, #tpu.memory_space<vmem>>, vector<1x16xf32>,
    %swap3A_589 = vector.shape_cast %swap3A_588 : vector<1x16xf32> to vector<16xf32>
    %swap3A_590 = vector.shape_cast %broadcast_in_dim3A_584 : vector<16xf32> to vector<1x16xf32>
    tpu.vector_store %arg8[%swap3A_586, %swap3A_587], %swap3A_590 {strides = array<i32>} : memref<16x128xf32, #tpu.memory_space<vmem>>, vector<1x16xf32>,
    %broadcast_in_dim3A_591 = arith.constant 0.000000e+00 : f32
    %broadcast_in_dim3A_592 = vector.broadcast %broadcast_in_dim3A_591 : f32 to vector<16xf32>
    %swap3A_593 = arith.constant 9 : i32
    %swap3A_594 = arith.index_cast %swap3A_593 : i32 to index
    %swap3A_595 = arith.constant 32 : index
    %swap3A_596 = tpu.vector_load %arg8[%swap3A_594, %swap3A_595] {strides = array<i32>} : memref<16x128xf32, #tpu.memory_space<vmem>>, vector<1x16xf32>,
    %swap3A_597 = vector.shape_cast %swap3A_596 : vector<1x16xf32> to vector<16xf32>
    %swap3A_598 = vector.shape_cast %broadcast_in_dim3A_592 : vector<16xf32> to vector<1x16xf32>
    tpu.vector_store %arg8[%swap3A_594, %swap3A_595], %swap3A_598 {strides = array<i32>} : memref<16x128xf32, #tpu.memory_space<vmem>>, vector<1x16xf32>,
    %broadcast_in_dim3A_599 = arith.constant 0.000000e+00 : f32
    %broadcast_in_dim3A_600 = vector.broadcast %broadcast_in_dim3A_599 : f32 to vector<16xf32>
    %swap3A_601 = arith.constant 9 : i32
    %swap3A_602 = arith.index_cast %swap3A_601 : i32 to index
    %swap3A_603 = arith.constant 48 : index
    %swap3A_604 = tpu.vector_load %arg8[%swap3A_602, %swap3A_603] {strides = array<i32>} : memref<16x128xf32, #tpu.memory_space<vmem>>, vector<1x16xf32>,
    %swap3A_605 = vector.shape_cast %swap3A_604 : vector<1x16xf32> to vector<16xf32>
    %swap3A_606 = vector.shape_cast %broadcast_in_dim3A_600 : vector<16xf32> to vector<1x16xf32>
    tpu.vector_store %arg8[%swap3A_602, %swap3A_603], %swap3A_606 {strides = array<i32>} : memref<16x128xf32, #tpu.memory_space<vmem>>, vector<1x16xf32>,
    %broadcast_in_dim3A_607 = arith.constant 0.000000e+00 : f32
    %broadcast_in_dim3A_608 = vector.broadcast %broadcast_in_dim3A_607 : f32 to vector<16xf32>
    %swap3A_609 = arith.constant 9 : i32
    %swap3A_610 = arith.index_cast %swap3A_609 : i32 to index
    %swap3A_611 = arith.constant 64 : index
    %swap3A_612 = tpu.vector_load %arg8[%swap3A_610, %swap3A_611] {strides = array<i32>} : memref<16x128xf32, #tpu.memory_space<vmem>>, vector<1x16xf32>,
    %swap3A_613 = vector.shape_cast %swap3A_612 : vector<1x16xf32> to vector<16xf32>
    %swap3A_614 = vector.shape_cast %broadcast_in_dim3A_608 : vector<16xf32> to vector<1x16xf32>
    tpu.vector_store %arg8[%swap3A_610, %swap3A_611], %swap3A_614 {strides = array<i32>} : memref<16x128xf32, #tpu.memory_space<vmem>>, vector<1x16xf32>,
    %broadcast_in_dim3A_615 = arith.constant 0.000000e+00 : f32
    %broadcast_in_dim3A_616 = vector.broadcast %broadcast_in_dim3A_615 : f32 to vector<16xf32>
    %swap3A_617 = arith.constant 9 : i32
    %swap3A_618 = arith.index_cast %swap3A_617 : i32 to index
    %swap3A_619 = arith.constant 80 : index
    %swap3A_620 = tpu.vector_load %arg8[%swap3A_618, %swap3A_619] {strides = array<i32>} : memref<16x128xf32, #tpu.memory_space<vmem>>, vector<1x16xf32>,
    %swap3A_621 = vector.shape_cast %swap3A_620 : vector<1x16xf32> to vector<16xf32>
    %swap3A_622 = vector.shape_cast %broadcast_in_dim3A_616 : vector<16xf32> to vector<1x16xf32>
    tpu.vector_store %arg8[%swap3A_618, %swap3A_619], %swap3A_622 {strides = array<i32>} : memref<16x128xf32, #tpu.memory_space<vmem>>, vector<1x16xf32>,
    %broadcast_in_dim3A_623 = arith.constant 0.000000e+00 : f32
    %broadcast_in_dim3A_624 = vector.broadcast %broadcast_in_dim3A_623 : f32 to vector<16xf32>
    %swap3A_625 = arith.constant 9 : i32
    %swap3A_626 = arith.index_cast %swap3A_625 : i32 to index
    %swap3A_627 = arith.constant 96 : index
    %swap3A_628 = tpu.vector_load %arg8[%swap3A_626, %swap3A_627] {strides = array<i32>} : memref<16x128xf32, #tpu.memory_space<vmem>>, vector<1x16xf32>,
    %swap3A_629 = vector.shape_cast %swap3A_628 : vector<1x16xf32> to vector<16xf32>
    %swap3A_630 = vector.shape_cast %broadcast_in_dim3A_624 : vector<16xf32> to vector<1x16xf32>
    tpu.vector_store %arg8[%swap3A_626, %swap3A_627], %swap3A_630 {strides = array<i32>} : memref<16x128xf32, #tpu.memory_space<vmem>>, vector<1x16xf32>,
    %broadcast_in_dim3A_631 = arith.constant 0.000000e+00 : f32
    %broadcast_in_dim3A_632 = vector.broadcast %broadcast_in_dim3A_631 : f32 to vector<16xf32>
    %swap3A_633 = arith.constant 9 : i32
    %swap3A_634 = arith.index_cast %swap3A_633 : i32 to index
    %swap3A_635 = arith.constant 112 : index
    %swap3A_636 = tpu.vector_load %arg8[%swap3A_634, %swap3A_635] {strides = array<i32>} : memref<16x128xf32, #tpu.memory_space<vmem>>, vector<1x16xf32>,
    %swap3A_637 = vector.shape_cast %swap3A_636 : vector<1x16xf32> to vector<16xf32>
    %swap3A_638 = vector.shape_cast %broadcast_in_dim3A_632 : vector<16xf32> to vector<1x16xf32>
    tpu.vector_store %arg8[%swap3A_634, %swap3A_635], %swap3A_638 {strides = array<i32>} : memref<16x128xf32, #tpu.memory_space<vmem>>, vector<1x16xf32>,
    %broadcast_in_dim3A_639 = arith.constant 0.000000e+00 : f32
    %broadcast_in_dim3A_640 = vector.broadcast %broadcast_in_dim3A_639 : f32 to vector<16xf32>
    %swap3A_641 = arith.constant 10 : i32
    %swap3A_642 = arith.index_cast %swap3A_641 : i32 to index
    %swap3A_643 = arith.constant 0 : index
    %swap3A_644 = tpu.vector_load %arg8[%swap3A_642, %swap3A_643] {strides = array<i32>} : memref<16x128xf32, #tpu.memory_space<vmem>>, vector<1x16xf32>,
    %swap3A_645 = vector.shape_cast %swap3A_644 : vector<1x16xf32> to vector<16xf32>
    %swap3A_646 = vector.shape_cast %broadcast_in_dim3A_640 : vector<16xf32> to vector<1x16xf32>
    tpu.vector_store %arg8[%swap3A_642, %swap3A_643], %swap3A_646 {strides = array<i32>} : memref<16x128xf32, #tpu.memory_space<vmem>>, vector<1x16xf32>,
    %broadcast_in_dim3A_647 = arith.constant 0.000000e+00 : f32
    %broadcast_in_dim3A_648 = vector.broadcast %broadcast_in_dim3A_647 : f32 to vector<16xf32>
    %swap3A_649 = arith.constant 10 : i32
    %swap3A_650 = arith.index_cast %swap3A_649 : i32 to index
    %swap3A_651 = arith.constant 16 : index
    %swap3A_652 = tpu.vector_load %arg8[%swap3A_650, %swap3A_651] {strides = array<i32>} : memref<16x128xf32, #tpu.memory_space<vmem>>, vector<1x16xf32>,
    %swap3A_653 = vector.shape_cast %swap3A_652 : vector<1x16xf32> to vector<16xf32>
    %swap3A_654 = vector.shape_cast %broadcast_in_dim3A_648 : vector<16xf32> to vector<1x16xf32>
    tpu.vector_store %arg8[%swap3A_650, %swap3A_651], %swap3A_654 {strides = array<i32>} : memref<16x128xf32, #tpu.memory_space<vmem>>, vector<1x16xf32>,
    %broadcast_in_dim3A_655 = arith.constant 0.000000e+00 : f32
    %broadcast_in_dim3A_656 = vector.broadcast %broadcast_in_dim3A_655 : f32 to vector<16xf32>
    %swap3A_657 = arith.constant 10 : i32
    %swap3A_658 = arith.index_cast %swap3A_657 : i32 to index
    %swap3A_659 = arith.constant 32 : index
    %swap3A_660 = tpu.vector_load %arg8[%swap3A_658, %swap3A_659] {strides = array<i32>} : memref<16x128xf32, #tpu.memory_space<vmem>>, vector<1x16xf32>,
    %swap3A_661 = vector.shape_cast %swap3A_660 : vector<1x16xf32> to vector<16xf32>
    %swap3A_662 = vector.shape_cast %broadcast_in_dim3A_656 : vector<16xf32> to vector<1x16xf32>
    tpu.vector_store %arg8[%swap3A_658, %swap3A_659], %swap3A_662 {strides = array<i32>} : memref<16x128xf32, #tpu.memory_space<vmem>>, vector<1x16xf32>,
    %broadcast_in_dim3A_663 = arith.constant 0.000000e+00 : f32
    %broadcast_in_dim3A_664 = vector.broadcast %broadcast_in_dim3A_663 : f32 to vector<16xf32>
    %swap3A_665 = arith.constant 10 : i32
    %swap3A_666 = arith.index_cast %swap3A_665 : i32 to index
    %swap3A_667 = arith.constant 48 : index
    %swap3A_668 = tpu.vector_load %arg8[%swap3A_666, %swap3A_667] {strides = array<i32>} : memref<16x128xf32, #tpu.memory_space<vmem>>, vector<1x16xf32>,
    %swap3A_669 = vector.shape_cast %swap3A_668 : vector<1x16xf32> to vector<16xf32>
    %swap3A_670 = vector.shape_cast %broadcast_in_dim3A_664 : vector<16xf32> to vector<1x16xf32>
    tpu.vector_store %arg8[%swap3A_666, %swap3A_667], %swap3A_670 {strides = array<i32>} : memref<16x128xf32, #tpu.memory_space<vmem>>, vector<1x16xf32>,
    %broadcast_in_dim3A_671 = arith.constant 0.000000e+00 : f32
    %broadcast_in_dim3A_672 = vector.broadcast %broadcast_in_dim3A_671 : f32 to vector<16xf32>
    %swap3A_673 = arith.constant 10 : i32
    %swap3A_674 = arith.index_cast %swap3A_673 : i32 to index
    %swap3A_675 = arith.constant 64 : index
    %swap3A_676 = tpu.vector_load %arg8[%swap3A_674, %swap3A_675] {strides = array<i32>} : memref<16x128xf32, #tpu.memory_space<vmem>>, vector<1x16xf32>,
    %swap3A_677 = vector.shape_cast %swap3A_676 : vector<1x16xf32> to vector<16xf32>
    %swap3A_678 = vector.shape_cast %broadcast_in_dim3A_672 : vector<16xf32> to vector<1x16xf32>
    tpu.vector_store %arg8[%swap3A_674, %swap3A_675], %swap3A_678 {strides = array<i32>} : memref<16x128xf32, #tpu.memory_space<vmem>>, vector<1x16xf32>,
    %broadcast_in_dim3A_679 = arith.constant 0.000000e+00 : f32
    %broadcast_in_dim3A_680 = vector.broadcast %broadcast_in_dim3A_679 : f32 to vector<16xf32>
    %swap3A_681 = arith.constant 10 : i32
    %swap3A_682 = arith.index_cast %swap3A_681 : i32 to index
    %swap3A_683 = arith.constant 80 : index
    %swap3A_684 = tpu.vector_load %arg8[%swap3A_682, %swap3A_683] {strides = array<i32>} : memref<16x128xf32, #tpu.memory_space<vmem>>, vector<1x16xf32>,
    %swap3A_685 = vector.shape_cast %swap3A_684 : vector<1x16xf32> to vector<16xf32>
    %swap3A_686 = vector.shape_cast %broadcast_in_dim3A_680 : vector<16xf32> to vector<1x16xf32>
    tpu.vector_store %arg8[%swap3A_682, %swap3A_683], %swap3A_686 {strides = array<i32>} : memref<16x128xf32, #tpu.memory_space<vmem>>, vector<1x16xf32>,
    %broadcast_in_dim3A_687 = arith.constant 0.000000e+00 : f32
    %broadcast_in_dim3A_688 = vector.broadcast %broadcast_in_dim3A_687 : f32 to vector<16xf32>
    %swap3A_689 = arith.constant 10 : i32
    %swap3A_690 = arith.index_cast %swap3A_689 : i32 to index
    %swap3A_691 = arith.constant 96 : index
    %swap3A_692 = tpu.vector_load %arg8[%swap3A_690, %swap3A_691] {strides = array<i32>} : memref<16x128xf32, #tpu.memory_space<vmem>>, vector<1x16xf32>,
    %swap3A_693 = vector.shape_cast %swap3A_692 : vector<1x16xf32> to vector<16xf32>
    %swap3A_694 = vector.shape_cast %broadcast_in_dim3A_688 : vector<16xf32> to vector<1x16xf32>
    tpu.vector_store %arg8[%swap3A_690, %swap3A_691], %swap3A_694 {strides = array<i32>} : memref<16x128xf32, #tpu.memory_space<vmem>>, vector<1x16xf32>,
    %broadcast_in_dim3A_695 = arith.constant 0.000000e+00 : f32
    %broadcast_in_dim3A_696 = vector.broadcast %broadcast_in_dim3A_695 : f32 to vector<16xf32>
    %swap3A_697 = arith.constant 10 : i32
    %swap3A_698 = arith.index_cast %swap3A_697 : i32 to index
    %swap3A_699 = arith.constant 112 : index
    %swap3A_700 = tpu.vector_load %arg8[%swap3A_698, %swap3A_699] {strides = array<i32>} : memref<16x128xf32, #tpu.memory_space<vmem>>, vector<1x16xf32>,
    %swap3A_701 = vector.shape_cast %swap3A_700 : vector<1x16xf32> to vector<16xf32>
    %swap3A_702 = vector.shape_cast %broadcast_in_dim3A_696 : vector<16xf32> to vector<1x16xf32>
    tpu.vector_store %arg8[%swap3A_698, %swap3A_699], %swap3A_702 {strides = array<i32>} : memref<16x128xf32, #tpu.memory_space<vmem>>, vector<1x16xf32>,
    %broadcast_in_dim3A_703 = arith.constant 0.000000e+00 : f32
    %broadcast_in_dim3A_704 = vector.broadcast %broadcast_in_dim3A_703 : f32 to vector<16xf32>
    %swap3A_705 = arith.constant 11 : i32
    %swap3A_706 = arith.index_cast %swap3A_705 : i32 to index
    %swap3A_707 = arith.constant 0 : index
    %swap3A_708 = tpu.vector_load %arg8[%swap3A_706, %swap3A_707] {strides = array<i32>} : memref<16x128xf32, #tpu.memory_space<vmem>>, vector<1x16xf32>,
    %swap3A_709 = vector.shape_cast %swap3A_708 : vector<1x16xf32> to vector<16xf32>
    %swap3A_710 = vector.shape_cast %broadcast_in_dim3A_704 : vector<16xf32> to vector<1x16xf32>
    tpu.vector_store %arg8[%swap3A_706, %swap3A_707], %swap3A_710 {strides = array<i32>} : memref<16x128xf32, #tpu.memory_space<vmem>>, vector<1x16xf32>,
    %broadcast_in_dim3A_711 = arith.constant 0.000000e+00 : f32
    %broadcast_in_dim3A_712 = vector.broadcast %broadcast_in_dim3A_711 : f32 to vector<16xf32>
    %swap3A_713 = arith.constant 11 : i32
    %swap3A_714 = arith.index_cast %swap3A_713 : i32 to index
    %swap3A_715 = arith.constant 16 : index
    %swap3A_716 = tpu.vector_load %arg8[%swap3A_714, %swap3A_715] {strides = array<i32>} : memref<16x128xf32, #tpu.memory_space<vmem>>, vector<1x16xf32>,
    %swap3A_717 = vector.shape_cast %swap3A_716 : vector<1x16xf32> to vector<16xf32>
    %swap3A_718 = vector.shape_cast %broadcast_in_dim3A_712 : vector<16xf32> to vector<1x16xf32>
    tpu.vector_store %arg8[%swap3A_714, %swap3A_715], %swap3A_718 {strides = array<i32>} : memref<16x128xf32, #tpu.memory_space<vmem>>, vector<1x16xf32>,
    %broadcast_in_dim3A_719 = arith.constant 0.000000e+00 : f32
    %broadcast_in_dim3A_720 = vector.broadcast %broadcast_in_dim3A_719 : f32 to vector<16xf32>
    %swap3A_721 = arith.constant 11 : i32
    %swap3A_722 = arith.index_cast %swap3A_721 : i32 to index
    %swap3A_723 = arith.constant 32 : index
    %swap3A_724 = tpu.vector_load %arg8[%swap3A_722, %swap3A_723] {strides = array<i32>} : memref<16x128xf32, #tpu.memory_space<vmem>>, vector<1x16xf32>,
    %swap3A_725 = vector.shape_cast %swap3A_724 : vector<1x16xf32> to vector<16xf32>
    %swap3A_726 = vector.shape_cast %broadcast_in_dim3A_720 : vector<16xf32> to vector<1x16xf32>
    tpu.vector_store %arg8[%swap3A_722, %swap3A_723], %swap3A_726 {strides = array<i32>} : memref<16x128xf32, #tpu.memory_space<vmem>>, vector<1x16xf32>,
    %broadcast_in_dim3A_727 = arith.constant 0.000000e+00 : f32
    %broadcast_in_dim3A_728 = vector.broadcast %broadcast_in_dim3A_727 : f32 to vector<16xf32>
    %swap3A_729 = arith.constant 11 : i32
    %swap3A_730 = arith.index_cast %swap3A_729 : i32 to index
    %swap3A_731 = arith.constant 48 : index
    %swap3A_732 = tpu.vector_load %arg8[%swap3A_730, %swap3A_731] {strides = array<i32>} : memref<16x128xf32, #tpu.memory_space<vmem>>, vector<1x16xf32>,
    %swap3A_733 = vector.shape_cast %swap3A_732 : vector<1x16xf32> to vector<16xf32>
    %swap3A_734 = vector.shape_cast %broadcast_in_dim3A_728 : vector<16xf32> to vector<1x16xf32>
    tpu.vector_store %arg8[%swap3A_730, %swap3A_731], %swap3A_734 {strides = array<i32>} : memref<16x128xf32, #tpu.memory_space<vmem>>, vector<1x16xf32>,
    %broadcast_in_dim3A_735 = arith.constant 0.000000e+00 : f32
    %broadcast_in_dim3A_736 = vector.broadcast %broadcast_in_dim3A_735 : f32 to vector<16xf32>
    %swap3A_737 = arith.constant 11 : i32
    %swap3A_738 = arith.index_cast %swap3A_737 : i32 to index
    %swap3A_739 = arith.constant 64 : index
    %swap3A_740 = tpu.vector_load %arg8[%swap3A_738, %swap3A_739] {strides = array<i32>} : memref<16x128xf32, #tpu.memory_space<vmem>>, vector<1x16xf32>,
    %swap3A_741 = vector.shape_cast %swap3A_740 : vector<1x16xf32> to vector<16xf32>
    %swap3A_742 = vector.shape_cast %broadcast_in_dim3A_736 : vector<16xf32> to vector<1x16xf32>
    tpu.vector_store %arg8[%swap3A_738, %swap3A_739], %swap3A_742 {strides = array<i32>} : memref<16x128xf32, #tpu.memory_space<vmem>>, vector<1x16xf32>,
    %broadcast_in_dim3A_743 = arith.constant 0.000000e+00 : f32
    %broadcast_in_dim3A_744 = vector.broadcast %broadcast_in_dim3A_743 : f32 to vector<16xf32>
    %swap3A_745 = arith.constant 11 : i32
    %swap3A_746 = arith.index_cast %swap3A_745 : i32 to index
    %swap3A_747 = arith.constant 80 : index
    %swap3A_748 = tpu.vector_load %arg8[%swap3A_746, %swap3A_747] {strides = array<i32>} : memref<16x128xf32, #tpu.memory_space<vmem>>, vector<1x16xf32>,
    %swap3A_749 = vector.shape_cast %swap3A_748 : vector<1x16xf32> to vector<16xf32>
    %swap3A_750 = vector.shape_cast %broadcast_in_dim3A_744 : vector<16xf32> to vector<1x16xf32>
    tpu.vector_store %arg8[%swap3A_746, %swap3A_747], %swap3A_750 {strides = array<i32>} : memref<16x128xf32, #tpu.memory_space<vmem>>, vector<1x16xf32>,
    %broadcast_in_dim3A_751 = arith.constant 0.000000e+00 : f32
    %broadcast_in_dim3A_752 = vector.broadcast %broadcast_in_dim3A_751 : f32 to vector<16xf32>
    %swap3A_753 = arith.constant 11 : i32
    %swap3A_754 = arith.index_cast %swap3A_753 : i32 to index
    %swap3A_755 = arith.constant 96 : index
    %swap3A_756 = tpu.vector_load %arg8[%swap3A_754, %swap3A_755] {strides = array<i32>} : memref<16x128xf32, #tpu.memory_space<vmem>>, vector<1x16xf32>,
    %swap3A_757 = vector.shape_cast %swap3A_756 : vector<1x16xf32> to vector<16xf32>
    %swap3A_758 = vector.shape_cast %broadcast_in_dim3A_752 : vector<16xf32> to vector<1x16xf32>
    tpu.vector_store %arg8[%swap3A_754, %swap3A_755], %swap3A_758 {strides = array<i32>} : memref<16x128xf32, #tpu.memory_space<vmem>>, vector<1x16xf32>,
    %broadcast_in_dim3A_759 = arith.constant 0.000000e+00 : f32
    %broadcast_in_dim3A_760 = vector.broadcast %broadcast_in_dim3A_759 : f32 to vector<16xf32>
    %swap3A_761 = arith.constant 11 : i32
    %swap3A_762 = arith.index_cast %swap3A_761 : i32 to index
    %swap3A_763 = arith.constant 112 : index
    %swap3A_764 = tpu.vector_load %arg8[%swap3A_762, %swap3A_763] {strides = array<i32>} : memref<16x128xf32, #tpu.memory_space<vmem>>, vector<1x16xf32>,
    %swap3A_765 = vector.shape_cast %swap3A_764 : vector<1x16xf32> to vector<16xf32>
    %swap3A_766 = vector.shape_cast %broadcast_in_dim3A_760 : vector<16xf32> to vector<1x16xf32>
    tpu.vector_store %arg8[%swap3A_762, %swap3A_763], %swap3A_766 {strides = array<i32>} : memref<16x128xf32, #tpu.memory_space<vmem>>, vector<1x16xf32>,
    %broadcast_in_dim3A_767 = arith.constant 0.000000e+00 : f32
    %broadcast_in_dim3A_768 = vector.broadcast %broadcast_in_dim3A_767 : f32 to vector<16xf32>
    %swap3A_769 = arith.constant 12 : i32
    %swap3A_770 = arith.index_cast %swap3A_769 : i32 to index
    %swap3A_771 = arith.constant 0 : index
    %swap3A_772 = tpu.vector_load %arg8[%swap3A_770, %swap3A_771] {strides = array<i32>} : memref<16x128xf32, #tpu.memory_space<vmem>>, vector<1x16xf32>,
    %swap3A_773 = vector.shape_cast %swap3A_772 : vector<1x16xf32> to vector<16xf32>
    %swap3A_774 = vector.shape_cast %broadcast_in_dim3A_768 : vector<16xf32> to vector<1x16xf32>
    tpu.vector_store %arg8[%swap3A_770, %swap3A_771], %swap3A_774 {strides = array<i32>} : memref<16x128xf32, #tpu.memory_space<vmem>>, vector<1x16xf32>,
    %broadcast_in_dim3A_775 = arith.constant 0.000000e+00 : f32
    %broadcast_in_dim3A_776 = vector.broadcast %broadcast_in_dim3A_775 : f32 to vector<16xf32>
    %swap3A_777 = arith.constant 12 : i32
    %swap3A_778 = arith.index_cast %swap3A_777 : i32 to index
    %swap3A_779 = arith.constant 16 : index
    %swap3A_780 = tpu.vector_load %arg8[%swap3A_778, %swap3A_779] {strides = array<i32>} : memref<16x128xf32, #tpu.memory_space<vmem>>, vector<1x16xf32>,
    %swap3A_781 = vector.shape_cast %swap3A_780 : vector<1x16xf32> to vector<16xf32>
    %swap3A_782 = vector.shape_cast %broadcast_in_dim3A_776 : vector<16xf32> to vector<1x16xf32>
    tpu.vector_store %arg8[%swap3A_778, %swap3A_779], %swap3A_782 {strides = array<i32>} : memref<16x128xf32, #tpu.memory_space<vmem>>, vector<1x16xf32>,
    %broadcast_in_dim3A_783 = arith.constant 0.000000e+00 : f32
    %broadcast_in_dim3A_784 = vector.broadcast %broadcast_in_dim3A_783 : f32 to vector<16xf32>
    %swap3A_785 = arith.constant 12 : i32
    %swap3A_786 = arith.index_cast %swap3A_785 : i32 to index
    %swap3A_787 = arith.constant 32 : index
    %swap3A_788 = tpu.vector_load %arg8[%swap3A_786, %swap3A_787] {strides = array<i32>} : memref<16x128xf32, #tpu.memory_space<vmem>>, vector<1x16xf32>,
    %swap3A_789 = vector.shape_cast %swap3A_788 : vector<1x16xf32> to vector<16xf32>
    %swap3A_790 = vector.shape_cast %broadcast_in_dim3A_784 : vector<16xf32> to vector<1x16xf32>
    tpu.vector_store %arg8[%swap3A_786, %swap3A_787], %swap3A_790 {strides = array<i32>} : memref<16x128xf32, #tpu.memory_space<vmem>>, vector<1x16xf32>,
    %broadcast_in_dim3A_791 = arith.constant 0.000000e+00 : f32
    %broadcast_in_dim3A_792 = vector.broadcast %broadcast_in_dim3A_791 : f32 to vector<16xf32>
    %swap3A_793 = arith.constant 12 : i32
    %swap3A_794 = arith.index_cast %swap3A_793 : i32 to index
    %swap3A_795 = arith.constant 48 : index
    %swap3A_796 = tpu.vector_load %arg8[%swap3A_794, %swap3A_795] {strides = array<i32>} : memref<16x128xf32, #tpu.memory_space<vmem>>, vector<1x16xf32>,
    %swap3A_797 = vector.shape_cast %swap3A_796 : vector<1x16xf32> to vector<16xf32>
    %swap3A_798 = vector.shape_cast %broadcast_in_dim3A_792 : vector<16xf32> to vector<1x16xf32>
    tpu.vector_store %arg8[%swap3A_794, %swap3A_795], %swap3A_798 {strides = array<i32>} : memref<16x128xf32, #tpu.memory_space<vmem>>, vector<1x16xf32>,
    %broadcast_in_dim3A_799 = arith.constant 0.000000e+00 : f32
    %broadcast_in_dim3A_800 = vector.broadcast %broadcast_in_dim3A_799 : f32 to vector<16xf32>
    %swap3A_801 = arith.constant 12 : i32
    %swap3A_802 = arith.index_cast %swap3A_801 : i32 to index
    %swap3A_803 = arith.constant 64 : index
    %swap3A_804 = tpu.vector_load %arg8[%swap3A_802, %swap3A_803] {strides = array<i32>} : memref<16x128xf32, #tpu.memory_space<vmem>>, vector<1x16xf32>,
    %swap3A_805 = vector.shape_cast %swap3A_804 : vector<1x16xf32> to vector<16xf32>
    %swap3A_806 = vector.shape_cast %broadcast_in_dim3A_800 : vector<16xf32> to vector<1x16xf32>
    tpu.vector_store %arg8[%swap3A_802, %swap3A_803], %swap3A_806 {strides = array<i32>} : memref<16x128xf32, #tpu.memory_space<vmem>>, vector<1x16xf32>,
    %broadcast_in_dim3A_807 = arith.constant 0.000000e+00 : f32
    %broadcast_in_dim3A_808 = vector.broadcast %broadcast_in_dim3A_807 : f32 to vector<16xf32>
    %swap3A_809 = arith.constant 12 : i32
    %swap3A_810 = arith.index_cast %swap3A_809 : i32 to index
    %swap3A_811 = arith.constant 80 : index
    %swap3A_812 = tpu.vector_load %arg8[%swap3A_810, %swap3A_811] {strides = array<i32>} : memref<16x128xf32, #tpu.memory_space<vmem>>, vector<1x16xf32>,
    %swap3A_813 = vector.shape_cast %swap3A_812 : vector<1x16xf32> to vector<16xf32>
    %swap3A_814 = vector.shape_cast %broadcast_in_dim3A_808 : vector<16xf32> to vector<1x16xf32>
    tpu.vector_store %arg8[%swap3A_810, %swap3A_811], %swap3A_814 {strides = array<i32>} : memref<16x128xf32, #tpu.memory_space<vmem>>, vector<1x16xf32>,
    %broadcast_in_dim3A_815 = arith.constant 0.000000e+00 : f32
    %broadcast_in_dim3A_816 = vector.broadcast %broadcast_in_dim3A_815 : f32 to vector<16xf32>
    %swap3A_817 = arith.constant 12 : i32
    %swap3A_818 = arith.index_cast %swap3A_817 : i32 to index
    %swap3A_819 = arith.constant 96 : index
    %swap3A_820 = tpu.vector_load %arg8[%swap3A_818, %swap3A_819] {strides = array<i32>} : memref<16x128xf32, #tpu.memory_space<vmem>>, vector<1x16xf32>,
    %swap3A_821 = vector.shape_cast %swap3A_820 : vector<1x16xf32> to vector<16xf32>
    %swap3A_822 = vector.shape_cast %broadcast_in_dim3A_816 : vector<16xf32> to vector<1x16xf32>
    tpu.vector_store %arg8[%swap3A_818, %swap3A_819], %swap3A_822 {strides = array<i32>} : memref<16x128xf32, #tpu.memory_space<vmem>>, vector<1x16xf32>,
    %broadcast_in_dim3A_823 = arith.constant 0.000000e+00 : f32
    %broadcast_in_dim3A_824 = vector.broadcast %broadcast_in_dim3A_823 : f32 to vector<16xf32>
    %swap3A_825 = arith.constant 12 : i32
    %swap3A_826 = arith.index_cast %swap3A_825 : i32 to index
    %swap3A_827 = arith.constant 112 : index
    %swap3A_828 = tpu.vector_load %arg8[%swap3A_826, %swap3A_827] {strides = array<i32>} : memref<16x128xf32, #tpu.memory_space<vmem>>, vector<1x16xf32>,
    %swap3A_829 = vector.shape_cast %swap3A_828 : vector<1x16xf32> to vector<16xf32>
    %swap3A_830 = vector.shape_cast %broadcast_in_dim3A_824 : vector<16xf32> to vector<1x16xf32>
    tpu.vector_store %arg8[%swap3A_826, %swap3A_827], %swap3A_830 {strides = array<i32>} : memref<16x128xf32, #tpu.memory_space<vmem>>, vector<1x16xf32>,
    %broadcast_in_dim3A_831 = arith.constant 0.000000e+00 : f32
    %broadcast_in_dim3A_832 = vector.broadcast %broadcast_in_dim3A_831 : f32 to vector<16xf32>
    %swap3A_833 = arith.constant 13 : i32
    %swap3A_834 = arith.index_cast %swap3A_833 : i32 to index
    %swap3A_835 = arith.constant 0 : index
    %swap3A_836 = tpu.vector_load %arg8[%swap3A_834, %swap3A_835] {strides = array<i32>} : memref<16x128xf32, #tpu.memory_space<vmem>>, vector<1x16xf32>,
    %swap3A_837 = vector.shape_cast %swap3A_836 : vector<1x16xf32> to vector<16xf32>
    %swap3A_838 = vector.shape_cast %broadcast_in_dim3A_832 : vector<16xf32> to vector<1x16xf32>
    tpu.vector_store %arg8[%swap3A_834, %swap3A_835], %swap3A_838 {strides = array<i32>} : memref<16x128xf32, #tpu.memory_space<vmem>>, vector<1x16xf32>,
    %broadcast_in_dim3A_839 = arith.constant 0.000000e+00 : f32
    %broadcast_in_dim3A_840 = vector.broadcast %broadcast_in_dim3A_839 : f32 to vector<16xf32>
    %swap3A_841 = arith.constant 13 : i32
    %swap3A_842 = arith.index_cast %swap3A_841 : i32 to index
    %swap3A_843 = arith.constant 16 : index
    %swap3A_844 = tpu.vector_load %arg8[%swap3A_842, %swap3A_843] {strides = array<i32>} : memref<16x128xf32, #tpu.memory_space<vmem>>, vector<1x16xf32>,
    %swap3A_845 = vector.shape_cast %swap3A_844 : vector<1x16xf32> to vector<16xf32>
    %swap3A_846 = vector.shape_cast %broadcast_in_dim3A_840 : vector<16xf32> to vector<1x16xf32>
    tpu.vector_store %arg8[%swap3A_842, %swap3A_843], %swap3A_846 {strides = array<i32>} : memref<16x128xf32, #tpu.memory_space<vmem>>, vector<1x16xf32>,
    %broadcast_in_dim3A_847 = arith.constant 0.000000e+00 : f32
    %broadcast_in_dim3A_848 = vector.broadcast %broadcast_in_dim3A_847 : f32 to vector<16xf32>
    %swap3A_849 = arith.constant 13 : i32
    %swap3A_850 = arith.index_cast %swap3A_849 : i32 to index
    %swap3A_851 = arith.constant 32 : index
    %swap3A_852 = tpu.vector_load %arg8[%swap3A_850, %swap3A_851] {strides = array<i32>} : memref<16x128xf32, #tpu.memory_space<vmem>>, vector<1x16xf32>,
    %swap3A_853 = vector.shape_cast %swap3A_852 : vector<1x16xf32> to vector<16xf32>
    %swap3A_854 = vector.shape_cast %broadcast_in_dim3A_848 : vector<16xf32> to vector<1x16xf32>
    tpu.vector_store %arg8[%swap3A_850, %swap3A_851], %swap3A_854 {strides = array<i32>} : memref<16x128xf32, #tpu.memory_space<vmem>>, vector<1x16xf32>,
    %broadcast_in_dim3A_855 = arith.constant 0.000000e+00 : f32
    %broadcast_in_dim3A_856 = vector.broadcast %broadcast_in_dim3A_855 : f32 to vector<16xf32>
    %swap3A_857 = arith.constant 13 : i32
    %swap3A_858 = arith.index_cast %swap3A_857 : i32 to index
    %swap3A_859 = arith.constant 48 : index
    %swap3A_860 = tpu.vector_load %arg8[%swap3A_858, %swap3A_859] {strides = array<i32>} : memref<16x128xf32, #tpu.memory_space<vmem>>, vector<1x16xf32>,
    %swap3A_861 = vector.shape_cast %swap3A_860 : vector<1x16xf32> to vector<16xf32>
    %swap3A_862 = vector.shape_cast %broadcast_in_dim3A_856 : vector<16xf32> to vector<1x16xf32>
    tpu.vector_store %arg8[%swap3A_858, %swap3A_859], %swap3A_862 {strides = array<i32>} : memref<16x128xf32, #tpu.memory_space<vmem>>, vector<1x16xf32>,
    %broadcast_in_dim3A_863 = arith.constant 0.000000e+00 : f32
    %broadcast_in_dim3A_864 = vector.broadcast %broadcast_in_dim3A_863 : f32 to vector<16xf32>
    %swap3A_865 = arith.constant 13 : i32
    %swap3A_866 = arith.index_cast %swap3A_865 : i32 to index
    %swap3A_867 = arith.constant 64 : index
    %swap3A_868 = tpu.vector_load %arg8[%swap3A_866, %swap3A_867] {strides = array<i32>} : memref<16x128xf32, #tpu.memory_space<vmem>>, vector<1x16xf32>,
    %swap3A_869 = vector.shape_cast %swap3A_868 : vector<1x16xf32> to vector<16xf32>
    %swap3A_870 = vector.shape_cast %broadcast_in_dim3A_864 : vector<16xf32> to vector<1x16xf32>
    tpu.vector_store %arg8[%swap3A_866, %swap3A_867], %swap3A_870 {strides = array<i32>} : memref<16x128xf32, #tpu.memory_space<vmem>>, vector<1x16xf32>,
    %broadcast_in_dim3A_871 = arith.constant 0.000000e+00 : f32
    %broadcast_in_dim3A_872 = vector.broadcast %broadcast_in_dim3A_871 : f32 to vector<16xf32>
    %swap3A_873 = arith.constant 13 : i32
    %swap3A_874 = arith.index_cast %swap3A_873 : i32 to index
    %swap3A_875 = arith.constant 80 : index
    %swap3A_876 = tpu.vector_load %arg8[%swap3A_874, %swap3A_875] {strides = array<i32>} : memref<16x128xf32, #tpu.memory_space<vmem>>, vector<1x16xf32>,
    %swap3A_877 = vector.shape_cast %swap3A_876 : vector<1x16xf32> to vector<16xf32>
    %swap3A_878 = vector.shape_cast %broadcast_in_dim3A_872 : vector<16xf32> to vector<1x16xf32>
    tpu.vector_store %arg8[%swap3A_874, %swap3A_875], %swap3A_878 {strides = array<i32>} : memref<16x128xf32, #tpu.memory_space<vmem>>, vector<1x16xf32>,
    %broadcast_in_dim3A_879 = arith.constant 0.000000e+00 : f32
    %broadcast_in_dim3A_880 = vector.broadcast %broadcast_in_dim3A_879 : f32 to vector<16xf32>
    %swap3A_881 = arith.constant 13 : i32
    %swap3A_882 = arith.index_cast %swap3A_881 : i32 to index
    %swap3A_883 = arith.constant 96 : index
    %swap3A_884 = tpu.vector_load %arg8[%swap3A_882, %swap3A_883] {strides = array<i32>} : memref<16x128xf32, #tpu.memory_space<vmem>>, vector<1x16xf32>,
    %swap3A_885 = vector.shape_cast %swap3A_884 : vector<1x16xf32> to vector<16xf32>
    %swap3A_886 = vector.shape_cast %broadcast_in_dim3A_880 : vector<16xf32> to vector<1x16xf32>
    tpu.vector_store %arg8[%swap3A_882, %swap3A_883], %swap3A_886 {strides = array<i32>} : memref<16x128xf32, #tpu.memory_space<vmem>>, vector<1x16xf32>,
    %broadcast_in_dim3A_887 = arith.constant 0.000000e+00 : f32
    %broadcast_in_dim3A_888 = vector.broadcast %broadcast_in_dim3A_887 : f32 to vector<16xf32>
    %swap3A_889 = arith.constant 13 : i32
    %swap3A_890 = arith.index_cast %swap3A_889 : i32 to index
    %swap3A_891 = arith.constant 112 : index
    %swap3A_892 = tpu.vector_load %arg8[%swap3A_890, %swap3A_891] {strides = array<i32>} : memref<16x128xf32, #tpu.memory_space<vmem>>, vector<1x16xf32>,
    %swap3A_893 = vector.shape_cast %swap3A_892 : vector<1x16xf32> to vector<16xf32>
    %swap3A_894 = vector.shape_cast %broadcast_in_dim3A_888 : vector<16xf32> to vector<1x16xf32>
    tpu.vector_store %arg8[%swap3A_890, %swap3A_891], %swap3A_894 {strides = array<i32>} : memref<16x128xf32, #tpu.memory_space<vmem>>, vector<1x16xf32>,
    %broadcast_in_dim3A_895 = arith.constant 0.000000e+00 : f32
    %broadcast_in_dim3A_896 = vector.broadcast %broadcast_in_dim3A_895 : f32 to vector<16xf32>
    %swap3A_897 = arith.constant 14 : i32
    %swap3A_898 = arith.index_cast %swap3A_897 : i32 to index
    %swap3A_899 = arith.constant 0 : index
    %swap3A_900 = tpu.vector_load %arg8[%swap3A_898, %swap3A_899] {strides = array<i32>} : memref<16x128xf32, #tpu.memory_space<vmem>>, vector<1x16xf32>,
    %swap3A_901 = vector.shape_cast %swap3A_900 : vector<1x16xf32> to vector<16xf32>
    %swap3A_902 = vector.shape_cast %broadcast_in_dim3A_896 : vector<16xf32> to vector<1x16xf32>
    tpu.vector_store %arg8[%swap3A_898, %swap3A_899], %swap3A_902 {strides = array<i32>} : memref<16x128xf32, #tpu.memory_space<vmem>>, vector<1x16xf32>,
    %broadcast_in_dim3A_903 = arith.constant 0.000000e+00 : f32
    %broadcast_in_dim3A_904 = vector.broadcast %broadcast_in_dim3A_903 : f32 to vector<16xf32>
    %swap3A_905 = arith.constant 14 : i32
    %swap3A_906 = arith.index_cast %swap3A_905 : i32 to index
    %swap3A_907 = arith.constant 16 : index
    %swap3A_908 = tpu.vector_load %arg8[%swap3A_906, %swap3A_907] {strides = array<i32>} : memref<16x128xf32, #tpu.memory_space<vmem>>, vector<1x16xf32>,
    %swap3A_909 = vector.shape_cast %swap3A_908 : vector<1x16xf32> to vector<16xf32>
    %swap3A_910 = vector.shape_cast %broadcast_in_dim3A_904 : vector<16xf32> to vector<1x16xf32>
    tpu.vector_store %arg8[%swap3A_906, %swap3A_907], %swap3A_910 {strides = array<i32>} : memref<16x128xf32, #tpu.memory_space<vmem>>, vector<1x16xf32>,
    %broadcast_in_dim3A_911 = arith.constant 0.000000e+00 : f32
    %broadcast_in_dim3A_912 = vector.broadcast %broadcast_in_dim3A_911 : f32 to vector<16xf32>
    %swap3A_913 = arith.constant 14 : i32
    %swap3A_914 = arith.index_cast %swap3A_913 : i32 to index
    %swap3A_915 = arith.constant 32 : index
    %swap3A_916 = tpu.vector_load %arg8[%swap3A_914, %swap3A_915] {strides = array<i32>} : memref<16x128xf32, #tpu.memory_space<vmem>>, vector<1x16xf32>,
    %swap3A_917 = vector.shape_cast %swap3A_916 : vector<1x16xf32> to vector<16xf32>
    %swap3A_918 = vector.shape_cast %broadcast_in_dim3A_912 : vector<16xf32> to vector<1x16xf32>
    tpu.vector_store %arg8[%swap3A_914, %swap3A_915], %swap3A_918 {strides = array<i32>} : memref<16x128xf32, #tpu.memory_space<vmem>>, vector<1x16xf32>,
    %broadcast_in_dim3A_919 = arith.constant 0.000000e+00 : f32
    %broadcast_in_dim3A_920 = vector.broadcast %broadcast_in_dim3A_919 : f32 to vector<16xf32>
    %swap3A_921 = arith.constant 14 : i32
    %swap3A_922 = arith.index_cast %swap3A_921 : i32 to index
    %swap3A_923 = arith.constant 48 : index
    %swap3A_924 = tpu.vector_load %arg8[%swap3A_922, %swap3A_923] {strides = array<i32>} : memref<16x128xf32, #tpu.memory_space<vmem>>, vector<1x16xf32>,
    %swap3A_925 = vector.shape_cast %swap3A_924 : vector<1x16xf32> to vector<16xf32>
    %swap3A_926 = vector.shape_cast %broadcast_in_dim3A_920 : vector<16xf32> to vector<1x16xf32>
    tpu.vector_store %arg8[%swap3A_922, %swap3A_923], %swap3A_926 {strides = array<i32>} : memref<16x128xf32, #tpu.memory_space<vmem>>, vector<1x16xf32>,
    %broadcast_in_dim3A_927 = arith.constant 0.000000e+00 : f32
    %broadcast_in_dim3A_928 = vector.broadcast %broadcast_in_dim3A_927 : f32 to vector<16xf32>
    %swap3A_929 = arith.constant 14 : i32
    %swap3A_930 = arith.index_cast %swap3A_929 : i32 to index
    %swap3A_931 = arith.constant 64 : index
    %swap3A_932 = tpu.vector_load %arg8[%swap3A_930, %swap3A_931] {strides = array<i32>} : memref<16x128xf32, #tpu.memory_space<vmem>>, vector<1x16xf32>,
    %swap3A_933 = vector.shape_cast %swap3A_932 : vector<1x16xf32> to vector<16xf32>
    %swap3A_934 = vector.shape_cast %broadcast_in_dim3A_928 : vector<16xf32> to vector<1x16xf32>
    tpu.vector_store %arg8[%swap3A_930, %swap3A_931], %swap3A_934 {strides = array<i32>} : memref<16x128xf32, #tpu.memory_space<vmem>>, vector<1x16xf32>,
    %broadcast_in_dim3A_935 = arith.constant 0.000000e+00 : f32
    %broadcast_in_dim3A_936 = vector.broadcast %broadcast_in_dim3A_935 : f32 to vector<16xf32>
    %swap3A_937 = arith.constant 14 : i32
    %swap3A_938 = arith.index_cast %swap3A_937 : i32 to index
    %swap3A_939 = arith.constant 80 : index
    %swap3A_940 = tpu.vector_load %arg8[%swap3A_938, %swap3A_939] {strides = array<i32>} : memref<16x128xf32, #tpu.memory_space<vmem>>, vector<1x16xf32>,
    %swap3A_941 = vector.shape_cast %swap3A_940 : vector<1x16xf32> to vector<16xf32>
    %swap3A_942 = vector.shape_cast %broadcast_in_dim3A_936 : vector<16xf32> to vector<1x16xf32>
    tpu.vector_store %arg8[%swap3A_938, %swap3A_939], %swap3A_942 {strides = array<i32>} : memref<16x128xf32, #tpu.memory_space<vmem>>, vector<1x16xf32>,
    %broadcast_in_dim3A_943 = arith.constant 0.000000e+00 : f32
    %broadcast_in_dim3A_944 = vector.broadcast %broadcast_in_dim3A_943 : f32 to vector<16xf32>
    %swap3A_945 = arith.constant 14 : i32
    %swap3A_946 = arith.index_cast %swap3A_945 : i32 to index
    %swap3A_947 = arith.constant 96 : index
    %swap3A_948 = tpu.vector_load %arg8[%swap3A_946, %swap3A_947] {strides = array<i32>} : memref<16x128xf32, #tpu.memory_space<vmem>>, vector<1x16xf32>,
    %swap3A_949 = vector.shape_cast %swap3A_948 : vector<1x16xf32> to vector<16xf32>
    %swap3A_950 = vector.shape_cast %broadcast_in_dim3A_944 : vector<16xf32> to vector<1x16xf32>
    tpu.vector_store %arg8[%swap3A_946, %swap3A_947], %swap3A_950 {strides = array<i32>} : memref<16x128xf32, #tpu.memory_space<vmem>>, vector<1x16xf32>,
    %broadcast_in_dim3A_951 = arith.constant 0.000000e+00 : f32
    %broadcast_in_dim3A_952 = vector.broadcast %broadcast_in_dim3A_951 : f32 to vector<16xf32>
    %swap3A_953 = arith.constant 14 : i32
    %swap3A_954 = arith.index_cast %swap3A_953 : i32 to index
    %swap3A_955 = arith.constant 112 : index
    %swap3A_956 = tpu.vector_load %arg8[%swap3A_954, %swap3A_955] {strides = array<i32>} : memref<16x128xf32, #tpu.memory_space<vmem>>, vector<1x16xf32>,
    %swap3A_957 = vector.shape_cast %swap3A_956 : vector<1x16xf32> to vector<16xf32>
    %swap3A_958 = vector.shape_cast %broadcast_in_dim3A_952 : vector<16xf32> to vector<1x16xf32>
    tpu.vector_store %arg8[%swap3A_954, %swap3A_955], %swap3A_958 {strides = array<i32>} : memref<16x128xf32, #tpu.memory_space<vmem>>, vector<1x16xf32>,
    %broadcast_in_dim3A_959 = arith.constant 0.000000e+00 : f32
    %broadcast_in_dim3A_960 = vector.broadcast %broadcast_in_dim3A_959 : f32 to vector<16xf32>
    %swap3A_961 = arith.constant 15 : i32
    %swap3A_962 = arith.index_cast %swap3A_961 : i32 to index
    %swap3A_963 = arith.constant 0 : index
    %swap3A_964 = tpu.vector_load %arg8[%swap3A_962, %swap3A_963] {strides = array<i32>} : memref<16x128xf32, #tpu.memory_space<vmem>>, vector<1x16xf32>,
    %swap3A_965 = vector.shape_cast %swap3A_964 : vector<1x16xf32> to vector<16xf32>
    %swap3A_966 = vector.shape_cast %broadcast_in_dim3A_960 : vector<16xf32> to vector<1x16xf32>
    tpu.vector_store %arg8[%swap3A_962, %swap3A_963], %swap3A_966 {strides = array<i32>} : memref<16x128xf32, #tpu.memory_space<vmem>>, vector<1x16xf32>,
    %broadcast_in_dim3A_967 = arith.constant 0.000000e+00 : f32
    %broadcast_in_dim3A_968 = vector.broadcast %broadcast_in_dim3A_967 : f32 to vector<16xf32>
    %swap3A_969 = arith.constant 15 : i32
    %swap3A_970 = arith.index_cast %swap3A_969 : i32 to index
    %swap3A_971 = arith.constant 16 : index
    %swap3A_972 = tpu.vector_load %arg8[%swap3A_970, %swap3A_971] {strides = array<i32>} : memref<16x128xf32, #tpu.memory_space<vmem>>, vector<1x16xf32>,
    %swap3A_973 = vector.shape_cast %swap3A_972 : vector<1x16xf32> to vector<16xf32>
    %swap3A_974 = vector.shape_cast %broadcast_in_dim3A_968 : vector<16xf32> to vector<1x16xf32>
    tpu.vector_store %arg8[%swap3A_970, %swap3A_971], %swap3A_974 {strides = array<i32>} : memref<16x128xf32, #tpu.memory_space<vmem>>, vector<1x16xf32>,
    %broadcast_in_dim3A_975 = arith.constant 0.000000e+00 : f32
    %broadcast_in_dim3A_976 = vector.broadcast %broadcast_in_dim3A_975 : f32 to vector<16xf32>
    %swap3A_977 = arith.constant 15 : i32
    %swap3A_978 = arith.index_cast %swap3A_977 : i32 to index
    %swap3A_979 = arith.constant 32 : index
    %swap3A_980 = tpu.vector_load %arg8[%swap3A_978, %swap3A_979] {strides = array<i32>} : memref<16x128xf32, #tpu.memory_space<vmem>>, vector<1x16xf32>,
    %swap3A_981 = vector.shape_cast %swap3A_980 : vector<1x16xf32> to vector<16xf32>
    %swap3A_982 = vector.shape_cast %broadcast_in_dim3A_976 : vector<16xf32> to vector<1x16xf32>
    tpu.vector_store %arg8[%swap3A_978, %swap3A_979], %swap3A_982 {strides = array<i32>} : memref<16x128xf32, #tpu.memory_space<vmem>>, vector<1x16xf32>,
    %broadcast_in_dim3A_983 = arith.constant 0.000000e+00 : f32
    %broadcast_in_dim3A_984 = vector.broadcast %broadcast_in_dim3A_983 : f32 to vector<16xf32>
    %swap3A_985 = arith.constant 15 : i32
    %swap3A_986 = arith.index_cast %swap3A_985 : i32 to index
    %swap3A_987 = arith.constant 48 : index
    %swap3A_988 = tpu.vector_load %arg8[%swap3A_986, %swap3A_987] {strides = array<i32>} : memref<16x128xf32, #tpu.memory_space<vmem>>, vector<1x16xf32>,
    %swap3A_989 = vector.shape_cast %swap3A_988 : vector<1x16xf32> to vector<16xf32>
    %swap3A_990 = vector.shape_cast %broadcast_in_dim3A_984 : vector<16xf32> to vector<1x16xf32>
    tpu.vector_store %arg8[%swap3A_986, %swap3A_987], %swap3A_990 {strides = array<i32>} : memref<16x128xf32, #tpu.memory_space<vmem>>, vector<1x16xf32>,
    %broadcast_in_dim3A_991 = arith.constant 0.000000e+00 : f32
    %broadcast_in_dim3A_992 = vector.broadcast %broadcast_in_dim3A_991 : f32 to vector<16xf32>
    %swap3A_993 = arith.constant 15 : i32
    %swap3A_994 = arith.index_cast %swap3A_993 : i32 to index
    %swap3A_995 = arith.constant 64 : index
    %swap3A_996 = tpu.vector_load %arg8[%swap3A_994, %swap3A_995] {strides = array<i32>} : memref<16x128xf32, #tpu.memory_space<vmem>>, vector<1x16xf32>,
    %swap3A_997 = vector.shape_cast %swap3A_996 : vector<1x16xf32> to vector<16xf32>
    %swap3A_998 = vector.shape_cast %broadcast_in_dim3A_992 : vector<16xf32> to vector<1x16xf32>
    tpu.vector_store %arg8[%swap3A_994, %swap3A_995], %swap3A_998 {strides = array<i32>} : memref<16x128xf32, #tpu.memory_space<vmem>>, vector<1x16xf32>,
    %broadcast_in_dim3A_999 = arith.constant 0.000000e+00 : f32
    %broadcast_in_dim3A_1000 = vector.broadcast %broadcast_in_dim3A_999 : f32 to vector<16xf32>
    %swap3A_1001 = arith.constant 15 : i32
    %swap3A_1002 = arith.index_cast %swap3A_1001 : i32 to index
    %swap3A_1003 = arith.constant 80 : index
    %swap3A_1004 = tpu.vector_load %arg8[%swap3A_1002, %swap3A_1003] {strides = array<i32>} : memref<16x128xf32, #tpu.memory_space<vmem>>, vector<1x16xf32>,
    %swap3A_1005 = vector.shape_cast %swap3A_1004 : vector<1x16xf32> to vector<16xf32>
    %swap3A_1006 = vector.shape_cast %broadcast_in_dim3A_1000 : vector<16xf32> to vector<1x16xf32>
    tpu.vector_store %arg8[%swap3A_1002, %swap3A_1003], %swap3A_1006 {strides = array<i32>} : memref<16x128xf32, #tpu.memory_space<vmem>>, vector<1x16xf32>,
    %broadcast_in_dim3A_1007 = arith.constant 0.000000e+00 : f32
    %broadcast_in_dim3A_1008 = vector.broadcast %broadcast_in_dim3A_1007 : f32 to vector<16xf32>
    %swap3A_1009 = arith.constant 15 : i32
    %swap3A_1010 = arith.index_cast %swap3A_1009 : i32 to index
    %swap3A_1011 = arith.constant 96 : index
    %swap3A_1012 = tpu.vector_load %arg8[%swap3A_1010, %swap3A_1011] {strides = array<i32>} : memref<16x128xf32, #tpu.memory_space<vmem>>, vector<1x16xf32>,
    %swap3A_1013 = vector.shape_cast %swap3A_1012 : vector<1x16xf32> to vector<16xf32>
    %swap3A_1014 = vector.shape_cast %broadcast_in_dim3A_1008 : vector<16xf32> to vector<1x16xf32>
    tpu.vector_store %arg8[%swap3A_1010, %swap3A_1011], %swap3A_1014 {strides = array<i32>} : memref<16x128xf32, #tpu.memory_space<vmem>>, vector<1x16xf32>,
    %broadcast_in_dim3A_1015 = arith.constant 0.000000e+00 : f32
    %broadcast_in_dim3A_1016 = vector.broadcast %broadcast_in_dim3A_1015 : f32 to vector<16xf32>
    %swap3A_1017 = arith.constant 15 : i32
    %swap3A_1018 = arith.index_cast %swap3A_1017 : i32 to index
    %swap3A_1019 = arith.constant 112 : index
    %swap3A_1020 = tpu.vector_load %arg8[%swap3A_1018, %swap3A_1019] {strides = array<i32>} : memref<16x128xf32, #tpu.memory_space<vmem>>, vector<1x16xf32>,
    %swap3A_1021 = vector.shape_cast %swap3A_1020 : vector<1x16xf32> to vector<16xf32>
    %swap3A_1022 = vector.shape_cast %broadcast_in_dim3A_1016 : vector<16xf32> to vector<1x16xf32>
    tpu.vector_store %arg8[%swap3A_1018, %swap3A_1019], %swap3A_1022 {strides = array<i32>} : memref<16x128xf32, #tpu.memory_space<vmem>>, vector<1x16xf32>,
    %mul3A_1023 = arith.constant 640 : i32
    %mul3A_1024 = arith.muli %arg1, %mul3A_1023 : i32
    %scan3A = arith.constant 0 : i32
    %scan3A_1025 = arith.constant 0 : i32
    %scan3A_1026 = arith.constant 40 : i32
    %scan3A_1027 = arith.addi %scan3A_1025, %scan3A_1026 : i32
    %scan3A_1028 = arith.constant 1 : i32
    scf.for %scan3A_1080 = %scan3A_1025 to %scan3A_1027 step %scan3A_1028  : i32 {
      %mul3A_1081 = arith.constant 16 : i32
      %mul3A_1082 = arith.muli %scan3A_1080, %mul3A_1081 : i32
      %add3A_1083 = arith.addi %mul3A_1024, %mul3A_1082 : i32
      %dma_start3A_1084 = arith.constant 0 : i32
      %dma_start3A_1085 = tpu.memref_slice %arg9[%add3A_1083, %dma_start3A_1084] : memref<10240x128xf32, #tpu.memory_space<vmem_shared>> -> memref<16x128xf32, #tpu.memory_space<vmem_shared>>
      %dma_start3A_1086 = arith.constant 0 : i32
      %dma_start3A_1087 = tpu.memref_slice %arg9[%add3A_1083, %dma_start3A_1086] : memref<10240x128xf32, #tpu.memory_space<vmem_shared>> -> memref<16x128xf32, #tpu.memory_space<vmem_shared>>
      tpu.enqueue_dma source(%arg8 : memref<16x128xf32, #tpu.memory_space<vmem>>) target(%dma_start3A_1087 : memref<16x128xf32, #tpu.memory_space<vmem_shared>>) target_semaphore(%arg12 : memref<!tpu.dma_semaphore, #tpu.memory_space<semaphore_mem>>)
    }
    %scan3A_1029 = arith.constant 40 : i32
    %scan3A_1030 = arith.constant 0 : i32
    %scan3A_1031 = arith.constant 0 : i32
    %scan3A_1032 = arith.constant 40 : i32
    %scan3A_1033 = arith.addi %scan3A_1031, %scan3A_1032 : i32
    %scan3A_1034 = arith.constant 1 : i32
    scf.for %scan3A_1080 = %scan3A_1031 to %scan3A_1033 step %scan3A_1034  : i32 {
      %dma_wait3A_1081 = arith.constant 0 : i32
      %dma_wait3A_1082 = tpu.memref_slice %arg9[%mul3A_1024, %dma_wait3A_1081] : memref<10240x128xf32, #tpu.memory_space<vmem_shared>> -> memref<16x128xf32, #tpu.memory_space<vmem_shared>>
      %dma_wait3A_1083 = arith.constant 0 : i32
      %dma_wait3A_1084 = tpu.memref_slice %arg9[%mul3A_1024, %dma_wait3A_1083] : memref<10240x128xf32, #tpu.memory_space<vmem_shared>> -> memref<16x128xf32, #tpu.memory_space<vmem_shared>>
      tpu.wait_dma2 semaphore(%arg12 : memref<!tpu.dma_semaphore, #tpu.memory_space<semaphore_mem>>) src(%arg8 : memref<16x128xf32, #tpu.memory_space<vmem>>) dst(%dma_wait3A_1084 : memref<16x128xf32, #tpu.memory_space<vmem_shared>>)
    }
    %scan3A_1035 = arith.constant 40 : i32
    %barrier3A = arith.constant 0 : index
    tpu.barrier barrier_id(%barrier3A)
    %run_scoped3A = arith.constant 0 : i32
    %run_scoped3A_1036 = arith.constant 0 : i32
    "tpu.region"() ({
      %run_scoped3A_1080 = tpu.sem_alloc : memref<!tpu.dma_semaphore, #tpu.memory_space<semaphore_mem>>
      %dma_start3A_1081 = arith.constant 0 : i32
      %dma_start3A_1082 = arith.constant 0 : i32
      %dma_start3A_1083 = tpu.memref_slice %arg5[%run_scoped3A_1036, %dma_start3A_1081, %dma_start3A_1082] : memref<4x2x128xi32, #tpu.memory_space<vmem>> -> memref<1x2x128xi32, #tpu.memory_space<vmem>>
      %dma_start3A_1084 = tpu.memref_squeeze %dma_start3A_1083 : memref<1x2x128xi32, #tpu.memory_space<vmem>> -> memref<2x128xi32, #tpu.memory_space<vmem>>
      %dma_start3A_1085 = arith.constant 0 : i32
      %dma_start3A_1086 = arith.constant 0 : i32
      %dma_start3A_1087 = tpu.memref_slice %arg3[%add3A, %run_scoped3A, %dma_start3A_1085, %dma_start3A_1086] : memref<32x84x2x128xi32, #tpu.memory_space<hbm>> -> memref<1x1x2x128xi32, #tpu.memory_space<hbm>>
      %dma_start3A_1088 = tpu.memref_squeeze %dma_start3A_1087 : memref<1x1x2x128xi32, #tpu.memory_space<hbm>> -> memref<2x128xi32, #tpu.memory_space<hbm>>
      %dma_start3A_1089 = arith.constant 0 : i32
      %dma_start3A_1090 = arith.constant 0 : i32
      %dma_start3A_1091 = tpu.memref_slice %arg5[%run_scoped3A_1036, %dma_start3A_1089, %dma_start3A_1090] : memref<4x2x128xi32, #tpu.memory_space<vmem>> -> memref<1x2x128xi32, #tpu.memory_space<vmem>>
      %dma_start3A_1092 = tpu.memref_squeeze %dma_start3A_1091 : memref<1x2x128xi32, #tpu.memory_space<vmem>> -> memref<2x128xi32, #tpu.memory_space<vmem>>
      %dma_start3A_1093 = arith.constant 0 : i32
      %dma_start3A_1094 = arith.constant 0 : i32
      %dma_start3A_1095 = tpu.memref_slice %arg3[%add3A, %run_scoped3A, %dma_start3A_1093, %dma_start3A_1094] : memref<32x84x2x128xi32, #tpu.memory_space<hbm>> -> memref<1x1x2x128xi32, #tpu.memory_space<hbm>>
      %dma_start3A_1096 = tpu.memref_squeeze %dma_start3A_1095 : memref<1x1x2x128xi32, #tpu.memory_space<hbm>> -> memref<2x128xi32, #tpu.memory_space<hbm>>
      tpu.enqueue_dma source(%dma_start3A_1096 : memref<2x128xi32, #tpu.memory_space<hbm>>) target(%dma_start3A_1092 : memref<2x128xi32, #tpu.memory_space<vmem>>) target_semaphore(%run_scoped3A_1080 : memref<!tpu.dma_semaphore, #tpu.memory_space<semaphore_mem>>)
      %dma_wait3A_1097 = arith.constant 0 : i32
      %dma_wait3A_1098 = arith.constant 0 : i32
      %dma_wait3A_1099 = tpu.memref_slice %arg5[%run_scoped3A_1036, %dma_wait3A_1097, %dma_wait3A_1098] : memref<4x2x128xi32, #tpu.memory_space<vmem>> -> memref<1x2x128xi32, #tpu.memory_space<vmem>>
      %dma_wait3A_1100 = tpu.memref_squeeze %dma_wait3A_1099 : memref<1x2x128xi32, #tpu.memory_space<vmem>> -> memref<2x128xi32, #tpu.memory_space<vmem>>
      %dma_wait3A_1101 = arith.constant 0 : i32
      %dma_wait3A_1102 = arith.constant 0 : i32
      %dma_wait3A_1103 = tpu.memref_slice %arg3[%add3A, %run_scoped3A, %dma_wait3A_1101, %dma_wait3A_1102] : memref<32x84x2x128xi32, #tpu.memory_space<hbm>> -> memref<1x1x2x128xi32, #tpu.memory_space<hbm>>
      %dma_wait3A_1104 = tpu.memref_squeeze %dma_wait3A_1103 : memref<1x1x2x128xi32, #tpu.memory_space<hbm>> -> memref<2x128xi32, #tpu.memory_space<hbm>>
      %dma_wait3A_1105 = arith.constant 0 : i32
      %dma_wait3A_1106 = arith.constant 0 : i32
      %dma_wait3A_1107 = tpu.memref_slice %arg5[%run_scoped3A_1036, %dma_wait3A_1105, %dma_wait3A_1106] : memref<4x2x128xi32, #tpu.memory_space<vmem>> -> memref<1x2x128xi32, #tpu.memory_space<vmem>>
      %dma_wait3A_1108 = tpu.memref_squeeze %dma_wait3A_1107 : memref<1x2x128xi32, #tpu.memory_space<vmem>> -> memref<2x128xi32, #tpu.memory_space<vmem>>
      %dma_wait3A_1109 = arith.constant 0 : i32
      %dma_wait3A_1110 = arith.constant 0 : i32
      %dma_wait3A_1111 = tpu.memref_slice %arg3[%add3A, %run_scoped3A, %dma_wait3A_1109, %dma_wait3A_1110] : memref<32x84x2x128xi32, #tpu.memory_space<hbm>> -> memref<1x1x2x128xi32, #tpu.memory_space<hbm>>
      %dma_wait3A_1112 = tpu.memref_squeeze %dma_wait3A_1111 : memref<1x1x2x128xi32, #tpu.memory_space<hbm>> -> memref<2x128xi32, #tpu.memory_space<hbm>>
      tpu.wait_dma2 semaphore(%run_scoped3A_1080 : memref<!tpu.dma_semaphore, #tpu.memory_space<semaphore_mem>>) src(%dma_wait3A_1112 : memref<2x128xi32, #tpu.memory_space<hbm>>) dst(%dma_wait3A_1108 : memref<2x128xi32, #tpu.memory_space<vmem>>)
      tpu.yield
    }) : () -> ()
    %run_scoped3A_1037 = arith.constant 1 : i32
    %run_scoped3A_1038 = arith.constant 1 : i32
    "tpu.region"() ({
      %run_scoped3A_1080 = tpu.sem_alloc : memref<!tpu.dma_semaphore, #tpu.memory_space<semaphore_mem>>
      %dma_start3A_1081 = arith.constant 0 : i32
      %dma_start3A_1082 = arith.constant 0 : i32
      %dma_start3A_1083 = tpu.memref_slice %arg5[%run_scoped3A_1038, %dma_start3A_1081, %dma_start3A_1082] : memref<4x2x128xi32, #tpu.memory_space<vmem>> -> memref<1x2x128xi32, #tpu.memory_space<vmem>>
      %dma_start3A_1084 = tpu.memref_squeeze %dma_start3A_1083 : memref<1x2x128xi32, #tpu.memory_space<vmem>> -> memref<2x128xi32, #tpu.memory_space<vmem>>
      %dma_start3A_1085 = arith.constant 0 : i32
      %dma_start3A_1086 = arith.constant 0 : i32
      %dma_start3A_1087 = tpu.memref_slice %arg3[%add3A, %run_scoped3A_1037, %dma_start3A_1085, %dma_start3A_1086] : memref<32x84x2x128xi32, #tpu.memory_space<hbm>> -> memref<1x1x2x128xi32, #tpu.memory_space<hbm>>
      %dma_start3A_1088 = tpu.memref_squeeze %dma_start3A_1087 : memref<1x1x2x128xi32, #tpu.memory_space<hbm>> -> memref<2x128xi32, #tpu.memory_space<hbm>>
      %dma_start3A_1089 = arith.constant 0 : i32
      %dma_start3A_1090 = arith.constant 0 : i32
      %dma_start3A_1091 = tpu.memref_slice %arg5[%run_scoped3A_1038, %dma_start3A_1089, %dma_start3A_1090] : memref<4x2x128xi32, #tpu.memory_space<vmem>> -> memref<1x2x128xi32, #tpu.memory_space<vmem>>
      %dma_start3A_1092 = tpu.memref_squeeze %dma_start3A_1091 : memref<1x2x128xi32, #tpu.memory_space<vmem>> -> memref<2x128xi32, #tpu.memory_space<vmem>>
      %dma_start3A_1093 = arith.constant 0 : i32
      %dma_start3A_1094 = arith.constant 0 : i32
      %dma_start3A_1095 = tpu.memref_slice %arg3[%add3A, %run_scoped3A_1037, %dma_start3A_1093, %dma_start3A_1094] : memref<32x84x2x128xi32, #tpu.memory_space<hbm>> -> memref<1x1x2x128xi32, #tpu.memory_space<hbm>>
      %dma_start3A_1096 = tpu.memref_squeeze %dma_start3A_1095 : memref<1x1x2x128xi32, #tpu.memory_space<hbm>> -> memref<2x128xi32, #tpu.memory_space<hbm>>
      tpu.enqueue_dma source(%dma_start3A_1096 : memref<2x128xi32, #tpu.memory_space<hbm>>) target(%dma_start3A_1092 : memref<2x128xi32, #tpu.memory_space<vmem>>) target_semaphore(%run_scoped3A_1080 : memref<!tpu.dma_semaphore, #tpu.memory_space<semaphore_mem>>)
      %dma_wait3A_1097 = arith.constant 0 : i32
      %dma_wait3A_1098 = arith.constant 0 : i32
      %dma_wait3A_1099 = tpu.memref_slice %arg5[%run_scoped3A_1038, %dma_wait3A_1097, %dma_wait3A_1098] : memref<4x2x128xi32, #tpu.memory_space<vmem>> -> memref<1x2x128xi32, #tpu.memory_space<vmem>>
      %dma_wait3A_1100 = tpu.memref_squeeze %dma_wait3A_1099 : memref<1x2x128xi32, #tpu.memory_space<vmem>> -> memref<2x128xi32, #tpu.memory_space<vmem>>
      %dma_wait3A_1101 = arith.constant 0 : i32
      %dma_wait3A_1102 = arith.constant 0 : i32
      %dma_wait3A_1103 = tpu.memref_slice %arg3[%add3A, %run_scoped3A_1037, %dma_wait3A_1101, %dma_wait3A_1102] : memref<32x84x2x128xi32, #tpu.memory_space<hbm>> -> memref<1x1x2x128xi32, #tpu.memory_space<hbm>>
      %dma_wait3A_1104 = tpu.memref_squeeze %dma_wait3A_1103 : memref<1x1x2x128xi32, #tpu.memory_space<hbm>> -> memref<2x128xi32, #tpu.memory_space<hbm>>
      %dma_wait3A_1105 = arith.constant 0 : i32
      %dma_wait3A_1106 = arith.constant 0 : i32
      %dma_wait3A_1107 = tpu.memref_slice %arg5[%run_scoped3A_1038, %dma_wait3A_1105, %dma_wait3A_1106] : memref<4x2x128xi32, #tpu.memory_space<vmem>> -> memref<1x2x128xi32, #tpu.memory_space<vmem>>
      %dma_wait3A_1108 = tpu.memref_squeeze %dma_wait3A_1107 : memref<1x2x128xi32, #tpu.memory_space<vmem>> -> memref<2x128xi32, #tpu.memory_space<vmem>>
      %dma_wait3A_1109 = arith.constant 0 : i32
      %dma_wait3A_1110 = arith.constant 0 : i32
      %dma_wait3A_1111 = tpu.memref_slice %arg3[%add3A, %run_scoped3A_1037, %dma_wait3A_1109, %dma_wait3A_1110] : memref<32x84x2x128xi32, #tpu.memory_space<hbm>> -> memref<1x1x2x128xi32, #tpu.memory_space<hbm>>
      %dma_wait3A_1112 = tpu.memref_squeeze %dma_wait3A_1111 : memref<1x1x2x128xi32, #tpu.memory_space<hbm>> -> memref<2x128xi32, #tpu.memory_space<hbm>>
      tpu.wait_dma2 semaphore(%run_scoped3A_1080 : memref<!tpu.dma_semaphore, #tpu.memory_space<semaphore_mem>>) src(%dma_wait3A_1112 : memref<2x128xi32, #tpu.memory_space<hbm>>) dst(%dma_wait3A_1108 : memref<2x128xi32, #tpu.memory_space<vmem>>)
      tpu.yield
    }) : () -> ()
    %run_scoped3A_1039 = arith.constant 2 : i32
    %run_scoped3A_1040 = arith.constant 2 : i32
    "tpu.region"() ({
      %run_scoped3A_1080 = tpu.sem_alloc : memref<!tpu.dma_semaphore, #tpu.memory_space<semaphore_mem>>
      %dma_start3A_1081 = arith.constant 0 : i32
      %dma_start3A_1082 = arith.constant 0 : i32
      %dma_start3A_1083 = tpu.memref_slice %arg5[%run_scoped3A_1040, %dma_start3A_1081, %dma_start3A_1082] : memref<4x2x128xi32, #tpu.memory_space<vmem>> -> memref<1x2x128xi32, #tpu.memory_space<vmem>>
      %dma_start3A_1084 = tpu.memref_squeeze %dma_start3A_1083 : memref<1x2x128xi32, #tpu.memory_space<vmem>> -> memref<2x128xi32, #tpu.memory_space<vmem>>
      %dma_start3A_1085 = arith.constant 0 : i32
      %dma_start3A_1086 = arith.constant 0 : i32
      %dma_start3A_1087 = tpu.memref_slice %arg3[%add3A, %run_scoped3A_1039, %dma_start3A_1085, %dma_start3A_1086] : memref<32x84x2x128xi32, #tpu.memory_space<hbm>> -> memref<1x1x2x128xi32, #tpu.memory_space<hbm>>
      %dma_start3A_1088 = tpu.memref_squeeze %dma_start3A_1087 : memref<1x1x2x128xi32, #tpu.memory_space<hbm>> -> memref<2x128xi32, #tpu.memory_space<hbm>>
      %dma_start3A_1089 = arith.constant 0 : i32
      %dma_start3A_1090 = arith.constant 0 : i32
      %dma_start3A_1091 = tpu.memref_slice %arg5[%run_scoped3A_1040, %dma_start3A_1089, %dma_start3A_1090] : memref<4x2x128xi32, #tpu.memory_space<vmem>> -> memref<1x2x128xi32, #tpu.memory_space<vmem>>
      %dma_start3A_1092 = tpu.memref_squeeze %dma_start3A_1091 : memref<1x2x128xi32, #tpu.memory_space<vmem>> -> memref<2x128xi32, #tpu.memory_space<vmem>>
      %dma_start3A_1093 = arith.constant 0 : i32
      %dma_start3A_1094 = arith.constant 0 : i32
      %dma_start3A_1095 = tpu.memref_slice %arg3[%add3A, %run_scoped3A_1039, %dma_start3A_1093, %dma_start3A_1094] : memref<32x84x2x128xi32, #tpu.memory_space<hbm>> -> memref<1x1x2x128xi32, #tpu.memory_space<hbm>>
      %dma_start3A_1096 = tpu.memref_squeeze %dma_start3A_1095 : memref<1x1x2x128xi32, #tpu.memory_space<hbm>> -> memref<2x128xi32, #tpu.memory_space<hbm>>
      tpu.enqueue_dma source(%dma_start3A_1096 : memref<2x128xi32, #tpu.memory_space<hbm>>) target(%dma_start3A_1092 : memref<2x128xi32, #tpu.memory_space<vmem>>) target_semaphore(%run_scoped3A_1080 : memref<!tpu.dma_semaphore, #tpu.memory_space<semaphore_mem>>)
      %dma_wait3A_1097 = arith.constant 0 : i32
      %dma_wait3A_1098 = arith.constant 0 : i32
      %dma_wait3A_1099 = tpu.memref_slice %arg5[%run_scoped3A_1040, %dma_wait3A_1097, %dma_wait3A_1098] : memref<4x2x128xi32, #tpu.memory_space<vmem>> -> memref<1x2x128xi32, #tpu.memory_space<vmem>>
      %dma_wait3A_1100 = tpu.memref_squeeze %dma_wait3A_1099 : memref<1x2x128xi32, #tpu.memory_space<vmem>> -> memref<2x128xi32, #tpu.memory_space<vmem>>
      %dma_wait3A_1101 = arith.constant 0 : i32
      %dma_wait3A_1102 = arith.constant 0 : i32
      %dma_wait3A_1103 = tpu.memref_slice %arg3[%add3A, %run_scoped3A_1039, %dma_wait3A_1101, %dma_wait3A_1102] : memref<32x84x2x128xi32, #tpu.memory_space<hbm>> -> memref<1x1x2x128xi32, #tpu.memory_space<hbm>>
      %dma_wait3A_1104 = tpu.memref_squeeze %dma_wait3A_1103 : memref<1x1x2x128xi32, #tpu.memory_space<hbm>> -> memref<2x128xi32, #tpu.memory_space<hbm>>
      %dma_wait3A_1105 = arith.constant 0 : i32
      %dma_wait3A_1106 = arith.constant 0 : i32
      %dma_wait3A_1107 = tpu.memref_slice %arg5[%run_scoped3A_1040, %dma_wait3A_1105, %dma_wait3A_1106] : memref<4x2x128xi32, #tpu.memory_space<vmem>> -> memref<1x2x128xi32, #tpu.memory_space<vmem>>
      %dma_wait3A_1108 = tpu.memref_squeeze %dma_wait3A_1107 : memref<1x2x128xi32, #tpu.memory_space<vmem>> -> memref<2x128xi32, #tpu.memory_space<vmem>>
      %dma_wait3A_1109 = arith.constant 0 : i32
      %dma_wait3A_1110 = arith.constant 0 : i32
      %dma_wait3A_1111 = tpu.memref_slice %arg3[%add3A, %run_scoped3A_1039, %dma_wait3A_1109, %dma_wait3A_1110] : memref<32x84x2x128xi32, #tpu.memory_space<hbm>> -> memref<1x1x2x128xi32, #tpu.memory_space<hbm>>
      %dma_wait3A_1112 = tpu.memref_squeeze %dma_wait3A_1111 : memref<1x1x2x128xi32, #tpu.memory_space<hbm>> -> memref<2x128xi32, #tpu.memory_space<hbm>>
      tpu.wait_dma2 semaphore(%run_scoped3A_1080 : memref<!tpu.dma_semaphore, #tpu.memory_space<semaphore_mem>>) src(%dma_wait3A_1112 : memref<2x128xi32, #tpu.memory_space<hbm>>) dst(%dma_wait3A_1108 : memref<2x128xi32, #tpu.memory_space<vmem>>)
      tpu.yield
    }) : () -> ()
    %run_scoped3A_1041 = arith.constant 3 : i32
    %run_scoped3A_1042 = arith.constant 3 : i32
    "tpu.region"() ({
      %run_scoped3A_1080 = tpu.sem_alloc : memref<!tpu.dma_semaphore, #tpu.memory_space<semaphore_mem>>
      %dma_start3A_1081 = arith.constant 0 : i32
      %dma_start3A_1082 = arith.constant 0 : i32
      %dma_start3A_1083 = tpu.memref_slice %arg5[%run_scoped3A_1042, %dma_start3A_1081, %dma_start3A_1082] : memref<4x2x128xi32, #tpu.memory_space<vmem>> -> memref<1x2x128xi32, #tpu.memory_space<vmem>>
      %dma_start3A_1084 = tpu.memref_squeeze %dma_start3A_1083 : memref<1x2x128xi32, #tpu.memory_space<vmem>> -> memref<2x128xi32, #tpu.memory_space<vmem>>
      %dma_start3A_1085 = arith.constant 0 : i32
      %dma_start3A_1086 = arith.constant 0 : i32
      %dma_start3A_1087 = tpu.memref_slice %arg3[%add3A, %run_scoped3A_1041, %dma_start3A_1085, %dma_start3A_1086] : memref<32x84x2x128xi32, #tpu.memory_space<hbm>> -> memref<1x1x2x128xi32, #tpu.memory_space<hbm>>
      %dma_start3A_1088 = tpu.memref_squeeze %dma_start3A_1087 : memref<1x1x2x128xi32, #tpu.memory_space<hbm>> -> memref<2x128xi32, #tpu.memory_space<hbm>>
      %dma_start3A_1089 = arith.constant 0 : i32
      %dma_start3A_1090 = arith.constant 0 : i32
      %dma_start3A_1091 = tpu.memref_slice %arg5[%run_scoped3A_1042, %dma_start3A_1089, %dma_start3A_1090] : memref<4x2x128xi32, #tpu.memory_space<vmem>> -> memref<1x2x128xi32, #tpu.memory_space<vmem>>
      %dma_start3A_1092 = tpu.memref_squeeze %dma_start3A_1091 : memref<1x2x128xi32, #tpu.memory_space<vmem>> -> memref<2x128xi32, #tpu.memory_space<vmem>>
      %dma_start3A_1093 = arith.constant 0 : i32
      %dma_start3A_1094 = arith.constant 0 : i32
      %dma_start3A_1095 = tpu.memref_slice %arg3[%add3A, %run_scoped3A_1041, %dma_start3A_1093, %dma_start3A_1094] : memref<32x84x2x128xi32, #tpu.memory_space<hbm>> -> memref<1x1x2x128xi32, #tpu.memory_space<hbm>>
      %dma_start3A_1096 = tpu.memref_squeeze %dma_start3A_1095 : memref<1x1x2x128xi32, #tpu.memory_space<hbm>> -> memref<2x128xi32, #tpu.memory_space<hbm>>
      tpu.enqueue_dma source(%dma_start3A_1096 : memref<2x128xi32, #tpu.memory_space<hbm>>) target(%dma_start3A_1092 : memref<2x128xi32, #tpu.memory_space<vmem>>) target_semaphore(%run_scoped3A_1080 : memref<!tpu.dma_semaphore, #tpu.memory_space<semaphore_mem>>)
      %dma_wait3A_1097 = arith.constant 0 : i32
      %dma_wait3A_1098 = arith.constant 0 : i32
      %dma_wait3A_1099 = tpu.memref_slice %arg5[%run_scoped3A_1042, %dma_wait3A_1097, %dma_wait3A_1098] : memref<4x2x128xi32, #tpu.memory_space<vmem>> -> memref<1x2x128xi32, #tpu.memory_space<vmem>>
      %dma_wait3A_1100 = tpu.memref_squeeze %dma_wait3A_1099 : memref<1x2x128xi32, #tpu.memory_space<vmem>> -> memref<2x128xi32, #tpu.memory_space<vmem>>
      %dma_wait3A_1101 = arith.constant 0 : i32
      %dma_wait3A_1102 = arith.constant 0 : i32
      %dma_wait3A_1103 = tpu.memref_slice %arg3[%add3A, %run_scoped3A_1041, %dma_wait3A_1101, %dma_wait3A_1102] : memref<32x84x2x128xi32, #tpu.memory_space<hbm>> -> memref<1x1x2x128xi32, #tpu.memory_space<hbm>>
      %dma_wait3A_1104 = tpu.memref_squeeze %dma_wait3A_1103 : memref<1x1x2x128xi32, #tpu.memory_space<hbm>> -> memref<2x128xi32, #tpu.memory_space<hbm>>
      %dma_wait3A_1105 = arith.constant 0 : i32
      %dma_wait3A_1106 = arith.constant 0 : i32
      %dma_wait3A_1107 = tpu.memref_slice %arg5[%run_scoped3A_1042, %dma_wait3A_1105, %dma_wait3A_1106] : memref<4x2x128xi32, #tpu.memory_space<vmem>> -> memref<1x2x128xi32, #tpu.memory_space<vmem>>
      %dma_wait3A_1108 = tpu.memref_squeeze %dma_wait3A_1107 : memref<1x2x128xi32, #tpu.memory_space<vmem>> -> memref<2x128xi32, #tpu.memory_space<vmem>>
      %dma_wait3A_1109 = arith.constant 0 : i32
      %dma_wait3A_1110 = arith.constant 0 : i32
      %dma_wait3A_1111 = tpu.memref_slice %arg3[%add3A, %run_scoped3A_1041, %dma_wait3A_1109, %dma_wait3A_1110] : memref<32x84x2x128xi32, #tpu.memory_space<hbm>> -> memref<1x1x2x128xi32, #tpu.memory_space<hbm>>
      %dma_wait3A_1112 = tpu.memref_squeeze %dma_wait3A_1111 : memref<1x1x2x128xi32, #tpu.memory_space<hbm>> -> memref<2x128xi32, #tpu.memory_space<hbm>>
      tpu.wait_dma2 semaphore(%run_scoped3A_1080 : memref<!tpu.dma_semaphore, #tpu.memory_space<semaphore_mem>>) src(%dma_wait3A_1112 : memref<2x128xi32, #tpu.memory_space<hbm>>) dst(%dma_wait3A_1108 : memref<2x128xi32, #tpu.memory_space<vmem>>)
      tpu.yield
    }) : () -> ()
    %dma_start3A = arith.constant 0 : i32
    %dma_start3A_1043 = arith.constant 0 : i32
    %dma_start3A_1044 = arith.constant 0 : i32
    %dma_start3A_1045 = tpu.memref_slice %arg5[%dma_start3A, %dma_start3A_1043, %dma_start3A_1044] : memref<4x2x128xi32, #tpu.memory_space<vmem>> -> memref<1x1x128xi32, #tpu.memory_space<vmem>>
    %dma_start3A_1046 = tpu.memref_squeeze %dma_start3A_1045 : memref<1x1x128xi32, #tpu.memory_space<vmem>> -> memref<128xi32, #tpu.memory_space<vmem>>
    %dma_start3A_1047 = arith.constant 0 : i32
    %dma_start3A_1048 = arith.constant 0 : i32
    %dma_start3A_1049 = tpu.memref_slice %arg2[%dma_start3A_1047, %dma_start3A_1048] : memref<10240x128xf32, #tpu.memory_space<hbm>> -> memref<10240x128xf32, #tpu.memory_space<hbm>>
    tpu.enqueue_indirect_dma source(%dma_start3A_1049 : memref<10240x128xf32, #tpu.memory_space<hbm>>) target(%arg6 : memref<128x128xf32, #tpu.memory_space<vmem>>) offsets(%dma_start3A_1046 : memref<128xi32, #tpu.memory_space<vmem>>) semaphore(%arg10 : memref<!tpu.dma_semaphore, #tpu.memory_space<semaphore_mem>>)
    %dma_start3A_1050 = arith.constant 1 : i32
    %dma_start3A_1051 = arith.constant 0 : i32
    %dma_start3A_1052 = arith.constant 0 : i32
    %dma_start3A_1053 = tpu.memref_slice %arg5[%dma_start3A_1050, %dma_start3A_1051, %dma_start3A_1052] : memref<4x2x128xi32, #tpu.memory_space<vmem>> -> memref<1x1x128xi32, #tpu.memory_space<vmem>>
    %dma_start3A_1054 = tpu.memref_squeeze %dma_start3A_1053 : memref<1x1x128xi32, #tpu.memory_space<vmem>> -> memref<128xi32, #tpu.memory_space<vmem>>
    %dma_start3A_1055 = arith.constant 0 : i32
    %dma_start3A_1056 = arith.constant 0 : i32
    %dma_start3A_1057 = tpu.memref_slice %arg2[%dma_start3A_1055, %dma_start3A_1056] : memref<10240x128xf32, #tpu.memory_space<hbm>> -> memref<10240x128xf32, #tpu.memory_space<hbm>>
    tpu.enqueue_indirect_dma source(%dma_start3A_1057 : memref<10240x128xf32, #tpu.memory_space<hbm>>) target(%arg7 : memref<128x128xf32, #tpu.memory_space<vmem>>) offsets(%dma_start3A_1054 : memref<128xi32, #tpu.memory_space<vmem>>) semaphore(%arg11 : memref<!tpu.dma_semaphore, #tpu.memory_space<semaphore_mem>>)
    %scan3A_1058 = arith.constant 0 : i32
    %scan3A_1059 = arith.constant 0 : i32
    %scan3A_1060 = arith.constant 40 : i32
    %scan3A_1061 = arith.addi %scan3A_1059, %scan3A_1060 : i32
    %scan3A_1062 = arith.constant 1 : i32
    scf.for %scan3A_1080 = %scan3A_1059 to %scan3A_1061 step %scan3A_1062  : i32 {
      %mul3A_1081 = arith.constant 2 : i32
      %mul3A_1082 = arith.muli %mul3A_1081, %scan3A_1080 : i32
      %rem3A = arith.constant 4 : i32
      %rem3A_1083 = arith.remsi %mul3A_1082, %rem3A : i32
      %add3A_1084 = arith.constant 1 : i32
      %add3A_1085 = arith.addi %mul3A_1082, %add3A_1084 : i32
      %rem3A_1086 = arith.constant 4 : i32
      %rem3A_1087 = arith.remsi %add3A_1085, %rem3A_1086 : i32
      %add3A_1088 = arith.constant 2 : i32
      %add3A_1089 = arith.addi %mul3A_1082, %add3A_1088 : i32
      %rem3A_1090 = arith.constant 4 : i32
      %rem3A_1091 = arith.remsi %add3A_1089, %rem3A_1090 : i32
      %add3A_1092 = arith.constant 3 : i32
      %add3A_1093 = arith.addi %mul3A_1082, %add3A_1092 : i32
      %rem3A_1094 = arith.constant 4 : i32
      %rem3A_1095 = arith.remsi %add3A_1093, %rem3A_1094 : i32
      %dma_wait3A_1096 = arith.constant 0 : i32
      %dma_wait3A_1097 = arith.constant 0 : i32
      %dma_wait3A_1098 = tpu.memref_slice %arg5[%rem3A_1083, %dma_wait3A_1096, %dma_wait3A_1097] : memref<4x2x128xi32, #tpu.memory_space<vmem>> -> memref<1x1x128xi32, #tpu.memory_space<vmem>>
      %dma_wait3A_1099 = tpu.memref_squeeze %dma_wait3A_1098 : memref<1x1x128xi32, #tpu.memory_space<vmem>> -> memref<128xi32, #tpu.memory_space<vmem>>
      %dma_wait3A_1100 = arith.constant 0 : i32
      %dma_wait3A_1101 = arith.constant 0 : i32
      %dma_wait3A_1102 = tpu.memref_slice %arg2[%dma_wait3A_1100, %dma_wait3A_1101] : memref<10240x128xf32, #tpu.memory_space<hbm>> -> memref<10240x128xf32, #tpu.memory_space<hbm>>
      tpu.wait_indirect_dma semaphore(%arg10 : memref<!tpu.dma_semaphore, #tpu.memory_space<semaphore_mem>>) src(%dma_wait3A_1102 : memref<10240x128xf32, #tpu.memory_space<hbm>>) dst(%arg6 : memref<128x128xf32, #tpu.memory_space<vmem>>)
      %run_scoped3A_1103 = arith.constant 1 : i32
      "tpu.region"() ({
        %run_scoped3A_1196 = tpu.sem_alloc : memref<!tpu.dma_semaphore, #tpu.memory_space<semaphore_mem>>
        %dma_start3A_1197 = arith.constant 0 : i32
        %dma_start3A_1198 = tpu.memref_slice %arg5[%rem3A_1083, %run_scoped3A_1103, %dma_start3A_1197] : memref<4x2x128xi32, #tpu.memory_space<vmem>> -> memref<1x1x128xi32, #tpu.memory_space<vmem>>
        %dma_start3A_1199 = tpu.memref_squeeze %dma_start3A_1198 : memref<1x1x128xi32, #tpu.memory_space<vmem>> -> memref<128xi32, #tpu.memory_space<vmem>>
        %dma_start3A_1200 = arith.constant 0 : i32
        %dma_start3A_1201 = arith.constant 0 : i32
        %dma_start3A_1202 = tpu.memref_slice %arg9[%dma_start3A_1200, %dma_start3A_1201] : memref<10240x128xf32, #tpu.memory_space<vmem_shared>> -> memref<10240x128xf32, #tpu.memory_space<vmem_shared>>
        tpu.enqueue_indirect_dma source(%arg6 : memref<128x128xf32, #tpu.memory_space<vmem>>) target(%dma_start3A_1202 : memref<10240x128xf32, #tpu.memory_space<vmem_shared>>) offsets(%dma_start3A_1199 : memref<128xi32, #tpu.memory_space<vmem>>) semaphore(%run_scoped3A_1196 : memref<!tpu.dma_semaphore, #tpu.memory_space<semaphore_mem>>) {add = true}
        %dma_wait3A_1203 = arith.constant 0 : i32
        %dma_wait3A_1204 = tpu.memref_slice %arg5[%rem3A_1083, %run_scoped3A_1103, %dma_wait3A_1203] : memref<4x2x128xi32, #tpu.memory_space<vmem>> -> memref<1x1x128xi32, #tpu.memory_space<vmem>>
        %dma_wait3A_1205 = tpu.memref_squeeze %dma_wait3A_1204 : memref<1x1x128xi32, #tpu.memory_space<vmem>> -> memref<128xi32, #tpu.memory_space<vmem>>
        %dma_wait3A_1206 = arith.constant 0 : i32
        %dma_wait3A_1207 = arith.constant 0 : i32
        %dma_wait3A_1208 = tpu.memref_slice %arg9[%dma_wait3A_1206, %dma_wait3A_1207] : memref<10240x128xf32, #tpu.memory_space<vmem_shared>> -> memref<10240x128xf32, #tpu.memory_space<vmem_shared>>
        tpu.wait_indirect_dma semaphore(%run_scoped3A_1196 : memref<!tpu.dma_semaphore, #tpu.memory_space<semaphore_mem>>) src(%arg6 : memref<128x128xf32, #tpu.memory_space<vmem>>) dst(%dma_wait3A_1208 : memref<10240x128xf32, #tpu.memory_space<vmem_shared>>)
        tpu.yield
      }) : () -> ()
      %add3A_1104 = arith.constant 4 : i32
      %add3A_1105 = arith.addi %mul3A_1082, %add3A_1104 : i32
      %dma_start3A_1106 = arith.constant 0 : i32
      %dma_start3A_1107 = arith.constant 0 : i32
      %dma_start3A_1108 = tpu.memref_slice %arg5[%rem3A_1083, %dma_start3A_1106, %dma_start3A_1107] : memref<4x2x128xi32, #tpu.memory_space<vmem>> -> memref<1x2x128xi32, #tpu.memory_space<vmem>>
      %dma_start3A_1109 = tpu.memref_squeeze %dma_start3A_1108 : memref<1x2x128xi32, #tpu.memory_space<vmem>> -> memref<2x128xi32, #tpu.memory_space<vmem>>
      %dma_start3A_1110 = arith.constant 0 : i32
      %dma_start3A_1111 = arith.constant 0 : i32
      %dma_start3A_1112 = tpu.memref_slice %arg3[%add3A, %add3A_1105, %dma_start3A_1110, %dma_start3A_1111] : memref<32x84x2x128xi32, #tpu.memory_space<hbm>> -> memref<1x1x2x128xi32, #tpu.memory_space<hbm>>
      %dma_start3A_1113 = tpu.memref_squeeze %dma_start3A_1112 : memref<1x1x2x128xi32, #tpu.memory_space<hbm>> -> memref<2x128xi32, #tpu.memory_space<hbm>>
      %dma_start3A_1114 = arith.constant 0 : i32
      %dma_start3A_1115 = arith.constant 0 : i32
      %dma_start3A_1116 = tpu.memref_slice %arg5[%rem3A_1083, %dma_start3A_1114, %dma_start3A_1115] : memref<4x2x128xi32, #tpu.memory_space<vmem>> -> memref<1x2x128xi32, #tpu.memory_space<vmem>>
      %dma_start3A_1117 = tpu.memref_squeeze %dma_start3A_1116 : memref<1x2x128xi32, #tpu.memory_space<vmem>> -> memref<2x128xi32, #tpu.memory_space<vmem>>
      %dma_start3A_1118 = arith.constant 0 : i32
      %dma_start3A_1119 = arith.constant 0 : i32
      %dma_start3A_1120 = tpu.memref_slice %arg3[%add3A, %add3A_1105, %dma_start3A_1118, %dma_start3A_1119] : memref<32x84x2x128xi32, #tpu.memory_space<hbm>> -> memref<1x1x2x128xi32, #tpu.memory_space<hbm>>
      %dma_start3A_1121 = tpu.memref_squeeze %dma_start3A_1120 : memref<1x1x2x128xi32, #tpu.memory_space<hbm>> -> memref<2x128xi32, #tpu.memory_space<hbm>>
      tpu.enqueue_dma source(%dma_start3A_1121 : memref<2x128xi32, #tpu.memory_space<hbm>>) target(%dma_start3A_1117 : memref<2x128xi32, #tpu.memory_space<vmem>>) target_semaphore(%arg12 : memref<!tpu.dma_semaphore, #tpu.memory_space<semaphore_mem>>)
      %dma_start3A_1122 = arith.constant 0 : i32
      %dma_start3A_1123 = arith.constant 0 : i32
      %dma_start3A_1124 = tpu.memref_slice %arg5[%rem3A_1091, %dma_start3A_1122, %dma_start3A_1123] : memref<4x2x128xi32, #tpu.memory_space<vmem>> -> memref<1x1x128xi32, #tpu.memory_space<vmem>>
      %dma_start3A_1125 = tpu.memref_squeeze %dma_start3A_1124 : memref<1x1x128xi32, #tpu.memory_space<vmem>> -> memref<128xi32, #tpu.memory_space<vmem>>
      %dma_start3A_1126 = arith.constant 0 : i32
      %dma_start3A_1127 = arith.constant 0 : i32
      %dma_start3A_1128 = tpu.memref_slice %arg2[%dma_start3A_1126, %dma_start3A_1127] : memref<10240x128xf32, #tpu.memory_space<hbm>> -> memref<10240x128xf32, #tpu.memory_space<hbm>>
      tpu.enqueue_indirect_dma source(%dma_start3A_1128 : memref<10240x128xf32, #tpu.memory_space<hbm>>) target(%arg6 : memref<128x128xf32, #tpu.memory_space<vmem>>) offsets(%dma_start3A_1125 : memref<128xi32, #tpu.memory_space<vmem>>) semaphore(%arg10 : memref<!tpu.dma_semaphore, #tpu.memory_space<semaphore_mem>>)
      %dma_wait3A_1129 = arith.constant 0 : i32
      %dma_wait3A_1130 = arith.constant 0 : i32
      %dma_wait3A_1131 = tpu.memref_slice %arg5[%rem3A_1087, %dma_wait3A_1129, %dma_wait3A_1130] : memref<4x2x128xi32, #tpu.memory_space<vmem>> -> memref<1x1x128xi32, #tpu.memory_space<vmem>>
      %dma_wait3A_1132 = tpu.memref_squeeze %dma_wait3A_1131 : memref<1x1x128xi32, #tpu.memory_space<vmem>> -> memref<128xi32, #tpu.memory_space<vmem>>
      %dma_wait3A_1133 = arith.constant 0 : i32
      %dma_wait3A_1134 = arith.constant 0 : i32
      %dma_wait3A_1135 = tpu.memref_slice %arg2[%dma_wait3A_1133, %dma_wait3A_1134] : memref<10240x128xf32, #tpu.memory_space<hbm>> -> memref<10240x128xf32, #tpu.memory_space<hbm>>
      tpu.wait_indirect_dma semaphore(%arg11 : memref<!tpu.dma_semaphore, #tpu.memory_space<semaphore_mem>>) src(%dma_wait3A_1135 : memref<10240x128xf32, #tpu.memory_space<hbm>>) dst(%arg7 : memref<128x128xf32, #tpu.memory_space<vmem>>)
      %run_scoped3A_1136 = arith.constant 1 : i32
      "tpu.region"() ({
        %run_scoped3A_1196 = tpu.sem_alloc : memref<!tpu.dma_semaphore, #tpu.memory_space<semaphore_mem>>
        %dma_start3A_1197 = arith.constant 0 : i32
        %dma_start3A_1198 = tpu.memref_slice %arg5[%rem3A_1087, %run_scoped3A_1136, %dma_start3A_1197] : memref<4x2x128xi32, #tpu.memory_space<vmem>> -> memref<1x1x128xi32, #tpu.memory_space<vmem>>
        %dma_start3A_1199 = tpu.memref_squeeze %dma_start3A_1198 : memref<1x1x128xi32, #tpu.memory_space<vmem>> -> memref<128xi32, #tpu.memory_space<vmem>>
        %dma_start3A_1200 = arith.constant 0 : i32
        %dma_start3A_1201 = arith.constant 0 : i32
        %dma_start3A_1202 = tpu.memref_slice %arg9[%dma_start3A_1200, %dma_start3A_1201] : memref<10240x128xf32, #tpu.memory_space<vmem_shared>> -> memref<10240x128xf32, #tpu.memory_space<vmem_shared>>
        tpu.enqueue_indirect_dma source(%arg7 : memref<128x128xf32, #tpu.memory_space<vmem>>) target(%dma_start3A_1202 : memref<10240x128xf32, #tpu.memory_space<vmem_shared>>) offsets(%dma_start3A_1199 : memref<128xi32, #tpu.memory_space<vmem>>) semaphore(%run_scoped3A_1196 : memref<!tpu.dma_semaphore, #tpu.memory_space<semaphore_mem>>) {add = true}
        %dma_wait3A_1203 = arith.constant 0 : i32
        %dma_wait3A_1204 = tpu.memref_slice %arg5[%rem3A_1087, %run_scoped3A_1136, %dma_wait3A_1203] : memref<4x2x128xi32, #tpu.memory_space<vmem>> -> memref<1x1x128xi32, #tpu.memory_space<vmem>>
        %dma_wait3A_1205 = tpu.memref_squeeze %dma_wait3A_1204 : memref<1x1x128xi32, #tpu.memory_space<vmem>> -> memref<128xi32, #tpu.memory_space<vmem>>
        %dma_wait3A_1206 = arith.constant 0 : i32
        %dma_wait3A_1207 = arith.constant 0 : i32
        %dma_wait3A_1208 = tpu.memref_slice %arg9[%dma_wait3A_1206, %dma_wait3A_1207] : memref<10240x128xf32, #tpu.memory_space<vmem_shared>> -> memref<10240x128xf32, #tpu.memory_space<vmem_shared>>
        tpu.wait_indirect_dma semaphore(%run_scoped3A_1196 : memref<!tpu.dma_semaphore, #tpu.memory_space<semaphore_mem>>) src(%arg7 : memref<128x128xf32, #tpu.memory_space<vmem>>) dst(%dma_wait3A_1208 : memref<10240x128xf32, #tpu.memory_space<vmem_shared>>)
        tpu.yield
      }) : () -> ()
      %add3A_1137 = arith.constant 5 : i32
      %add3A_1138 = arith.addi %mul3A_1082, %add3A_1137 : i32
      %dma_start3A_1139 = arith.constant 0 : i32
      %dma_start3A_1140 = arith.constant 0 : i32
      %dma_start3A_1141 = tpu.memref_slice %arg5[%rem3A_1087, %dma_start3A_1139, %dma_start3A_1140] : memref<4x2x128xi32, #tpu.memory_space<vmem>> -> memref<1x2x128xi32, #tpu.memory_space<vmem>>
      %dma_start3A_1142 = tpu.memref_squeeze %dma_start3A_1141 : memref<1x2x128xi32, #tpu.memory_space<vmem>> -> memref<2x128xi32, #tpu.memory_space<vmem>>
      %dma_start3A_1143 = arith.constant 0 : i32
      %dma_start3A_1144 = arith.constant 0 : i32
      %dma_start3A_1145 = tpu.memref_slice %arg3[%add3A, %add3A_1138, %dma_start3A_1143, %dma_start3A_1144] : memref<32x84x2x128xi32, #tpu.memory_space<hbm>> -> memref<1x1x2x128xi32, #tpu.memory_space<hbm>>
      %dma_start3A_1146 = tpu.memref_squeeze %dma_start3A_1145 : memref<1x1x2x128xi32, #tpu.memory_space<hbm>> -> memref<2x128xi32, #tpu.memory_space<hbm>>
      %dma_start3A_1147 = arith.constant 0 : i32
      %dma_start3A_1148 = arith.constant 0 : i32
      %dma_start3A_1149 = tpu.memref_slice %arg5[%rem3A_1087, %dma_start3A_1147, %dma_start3A_1148] : memref<4x2x128xi32, #tpu.memory_space<vmem>> -> memref<1x2x128xi32, #tpu.memory_space<vmem>>
      %dma_start3A_1150 = tpu.memref_squeeze %dma_start3A_1149 : memref<1x2x128xi32, #tpu.memory_space<vmem>> -> memref<2x128xi32, #tpu.memory_space<vmem>>
      %dma_start3A_1151 = arith.constant 0 : i32
      %dma_start3A_1152 = arith.constant 0 : i32
      %dma_start3A_1153 = tpu.memref_slice %arg3[%add3A, %add3A_1138, %dma_start3A_1151, %dma_start3A_1152] : memref<32x84x2x128xi32, #tpu.memory_space<hbm>> -> memref<1x1x2x128xi32, #tpu.memory_space<hbm>>
      %dma_start3A_1154 = tpu.memref_squeeze %dma_start3A_1153 : memref<1x1x2x128xi32, #tpu.memory_space<hbm>> -> memref<2x128xi32, #tpu.memory_space<hbm>>
      tpu.enqueue_dma source(%dma_start3A_1154 : memref<2x128xi32, #tpu.memory_space<hbm>>) target(%dma_start3A_1150 : memref<2x128xi32, #tpu.memory_space<vmem>>) target_semaphore(%arg12 : memref<!tpu.dma_semaphore, #tpu.memory_space<semaphore_mem>>)
      %dma_start3A_1155 = arith.constant 0 : i32
      %dma_start3A_1156 = arith.constant 0 : i32
      %dma_start3A_1157 = tpu.memref_slice %arg5[%rem3A_1095, %dma_start3A_1155, %dma_start3A_1156] : memref<4x2x128xi32, #tpu.memory_space<vmem>> -> memref<1x1x128xi32, #tpu.memory_space<vmem>>
      %dma_start3A_1158 = tpu.memref_squeeze %dma_start3A_1157 : memref<1x1x128xi32, #tpu.memory_space<vmem>> -> memref<128xi32, #tpu.memory_space<vmem>>
      %dma_start3A_1159 = arith.constant 0 : i32
      %dma_start3A_1160 = arith.constant 0 : i32
      %dma_start3A_1161 = tpu.memref_slice %arg2[%dma_start3A_1159, %dma_start3A_1160] : memref<10240x128xf32, #tpu.memory_space<hbm>> -> memref<10240x128xf32, #tpu.memory_space<hbm>>
      tpu.enqueue_indirect_dma source(%dma_start3A_1161 : memref<10240x128xf32, #tpu.memory_space<hbm>>) target(%arg7 : memref<128x128xf32, #tpu.memory_space<vmem>>) offsets(%dma_start3A_1158 : memref<128xi32, #tpu.memory_space<vmem>>) semaphore(%arg11 : memref<!tpu.dma_semaphore, #tpu.memory_space<semaphore_mem>>)
      %dma_wait3A_1162 = arith.constant 0 : i32
      %dma_wait3A_1163 = arith.constant 0 : i32
      %dma_wait3A_1164 = arith.constant 0 : i32
      %dma_wait3A_1165 = tpu.memref_slice %arg5[%rem3A_1083, %dma_wait3A_1163, %dma_wait3A_1164] : memref<4x2x128xi32, #tpu.memory_space<vmem>> -> memref<1x2x128xi32, #tpu.memory_space<vmem>>
      %dma_wait3A_1166 = tpu.memref_squeeze %dma_wait3A_1165 : memref<1x2x128xi32, #tpu.memory_space<vmem>> -> memref<2x128xi32, #tpu.memory_space<vmem>>
      %dma_wait3A_1167 = arith.constant 0 : i32
      %dma_wait3A_1168 = arith.constant 0 : i32
      %dma_wait3A_1169 = tpu.memref_slice %arg3[%add3A, %dma_wait3A_1162, %dma_wait3A_1167, %dma_wait3A_1168] : memref<32x84x2x128xi32, #tpu.memory_space<hbm>> -> memref<1x1x2x128xi32, #tpu.memory_space<hbm>>
      %dma_wait3A_1170 = tpu.memref_squeeze %dma_wait3A_1169 : memref<1x1x2x128xi32, #tpu.memory_space<hbm>> -> memref<2x128xi32, #tpu.memory_space<hbm>>
      %dma_wait3A_1171 = arith.constant 0 : i32
      %dma_wait3A_1172 = arith.constant 0 : i32
      %dma_wait3A_1173 = tpu.memref_slice %arg5[%rem3A_1083, %dma_wait3A_1171, %dma_wait3A_1172] : memref<4x2x128xi32, #tpu.memory_space<vmem>> -> memref<1x2x128xi32, #tpu.memory_space<vmem>>
      %dma_wait3A_1174 = tpu.memref_squeeze %dma_wait3A_1173 : memref<1x2x128xi32, #tpu.memory_space<vmem>> -> memref<2x128xi32, #tpu.memory_space<vmem>>
      %dma_wait3A_1175 = arith.constant 0 : i32
      %dma_wait3A_1176 = arith.constant 0 : i32
      %dma_wait3A_1177 = tpu.memref_slice %arg3[%add3A, %dma_wait3A_1162, %dma_wait3A_1175, %dma_wait3A_1176] : memref<32x84x2x128xi32, #tpu.memory_space<hbm>> -> memref<1x1x2x128xi32, #tpu.memory_space<hbm>>
      %dma_wait3A_1178 = tpu.memref_squeeze %dma_wait3A_1177 : memref<1x1x2x128xi32, #tpu.memory_space<hbm>> -> memref<2x128xi32, #tpu.memory_space<hbm>>
      tpu.wait_dma2 semaphore(%arg12 : memref<!tpu.dma_semaphore, #tpu.memory_space<semaphore_mem>>) src(%dma_wait3A_1178 : memref<2x128xi32, #tpu.memory_space<hbm>>) dst(%dma_wait3A_1174 : memref<2x128xi32, #tpu.memory_space<vmem>>)
      %dma_wait3A_1179 = arith.constant 0 : i32
      %dma_wait3A_1180 = arith.constant 0 : i32
      %dma_wait3A_1181 = arith.constant 0 : i32
      %dma_wait3A_1182 = tpu.memref_slice %arg5[%rem3A_1087, %dma_wait3A_1180, %dma_wait3A_1181] : memref<4x2x128xi32, #tpu.memory_space<vmem>> -> memref<1x2x128xi32, #tpu.memory_space<vmem>>
      %dma_wait3A_1183 = tpu.memref_squeeze %dma_wait3A_1182 : memref<1x2x128xi32, #tpu.memory_space<vmem>> -> memref<2x128xi32, #tpu.memory_space<vmem>>
      %dma_wait3A_1184 = arith.constant 0 : i32
      %dma_wait3A_1185 = arith.constant 0 : i32
      %dma_wait3A_1186 = tpu.memref_slice %arg3[%add3A, %dma_wait3A_1179, %dma_wait3A_1184, %dma_wait3A_1185] : memref<32x84x2x128xi32, #tpu.memory_space<hbm>> -> memref<1x1x2x128xi32, #tpu.memory_space<hbm>>
      %dma_wait3A_1187 = tpu.memref_squeeze %dma_wait3A_1186 : memref<1x1x2x128xi32, #tpu.memory_space<hbm>> -> memref<2x128xi32, #tpu.memory_space<hbm>>
      %dma_wait3A_1188 = arith.constant 0 : i32
      %dma_wait3A_1189 = arith.constant 0 : i32
      %dma_wait3A_1190 = tpu.memref_slice %arg5[%rem3A_1087, %dma_wait3A_1188, %dma_wait3A_1189] : memref<4x2x128xi32, #tpu.memory_space<vmem>> -> memref<1x2x128xi32, #tpu.memory_space<vmem>>
      %dma_wait3A_1191 = tpu.memref_squeeze %dma_wait3A_1190 : memref<1x2x128xi32, #tpu.memory_space<vmem>> -> memref<2x128xi32, #tpu.memory_space<vmem>>
      %dma_wait3A_1192 = arith.constant 0 : i32
      %dma_wait3A_1193 = arith.constant 0 : i32
      %dma_wait3A_1194 = tpu.memref_slice %arg3[%add3A, %dma_wait3A_1179, %dma_wait3A_1192, %dma_wait3A_1193] : memref<32x84x2x128xi32, #tpu.memory_space<hbm>> -> memref<1x1x2x128xi32, #tpu.memory_space<hbm>>
      %dma_wait3A_1195 = tpu.memref_squeeze %dma_wait3A_1194 : memref<1x1x2x128xi32, #tpu.memory_space<hbm>> -> memref<2x128xi32, #tpu.memory_space<hbm>>
      tpu.wait_dma2 semaphore(%arg12 : memref<!tpu.dma_semaphore, #tpu.memory_space<semaphore_mem>>) src(%dma_wait3A_1195 : memref<2x128xi32, #tpu.memory_space<hbm>>) dst(%dma_wait3A_1191 : memref<2x128xi32, #tpu.memory_space<vmem>>)
    }
    %scan3A_1063 = arith.constant 40 : i32
    %dma_wait3A = arith.constant 0 : i32
    %dma_wait3A_1064 = arith.constant 0 : i32
    %dma_wait3A_1065 = arith.constant 0 : i32
    %dma_wait3A_1066 = tpu.memref_slice %arg5[%dma_wait3A, %dma_wait3A_1064, %dma_wait3A_1065] : memref<4x2x128xi32, #tpu.memory_space<vmem>> -> memref<1x1x128xi32, #tpu.memory_space<vmem>>
    %dma_wait3A_1067 = tpu.memref_squeeze %dma_wait3A_1066 : memref<1x1x128xi32, #tpu.memory_space<vmem>> -> memref<128xi32, #tpu.memory_space<vmem>>
    %dma_wait3A_1068 = arith.constant 0 : i32
    %dma_wait3A_1069 = arith.constant 0 : i32
    %dma_wait3A_1070 = tpu.memref_slice %arg2[%dma_wait3A_1068, %dma_wait3A_1069] : memref<10240x128xf32, #tpu.memory_space<hbm>> -> memref<10240x128xf32, #tpu.memory_space<hbm>>
    tpu.wait_indirect_dma semaphore(%arg10 : memref<!tpu.dma_semaphore, #tpu.memory_space<semaphore_mem>>) src(%dma_wait3A_1070 : memref<10240x128xf32, #tpu.memory_space<hbm>>) dst(%arg6 : memref<128x128xf32, #tpu.memory_space<vmem>>)
    %dma_wait3A_1071 = arith.constant 1 : i32
    %dma_wait3A_1072 = arith.constant 0 : i32
    %dma_wait3A_1073 = arith.constant 0 : i32
    %dma_wait3A_1074 = tpu.memref_slice %arg5[%dma_wait3A_1071, %dma_wait3A_1072, %dma_wait3A_1073] : memref<4x2x128xi32, #tpu.memory_space<vmem>> -> memref<1x1x128xi32, #tpu.memory_space<vmem>>
    %dma_wait3A_1075 = tpu.memref_squeeze %dma_wait3A_1074 : memref<1x1x128xi32, #tpu.memory_space<vmem>> -> memref<128xi32, #tpu.memory_space<vmem>>
    %dma_wait3A_1076 = arith.constant 0 : i32
    %dma_wait3A_1077 = arith.constant 0 : i32
    %dma_wait3A_1078 = tpu.memref_slice %arg2[%dma_wait3A_1076, %dma_wait3A_1077] : memref<10240x128xf32, #tpu.memory_space<hbm>> -> memref<10240x128xf32, #tpu.memory_space<hbm>>
    tpu.wait_indirect_dma semaphore(%arg11 : memref<!tpu.dma_semaphore, #tpu.memory_space<semaphore_mem>>) src(%dma_wait3A_1078 : memref<10240x128xf32, #tpu.memory_space<hbm>>) dst(%arg7 : memref<128x128xf32, #tpu.memory_space<vmem>>)
    %barrier3A_1079 = arith.constant 0 : index
    tpu.barrier barrier_id(%barrier3A_1079)
    "tpu.region"() ({
      %run_scoped3A_1080 = tpu.sem_alloc : memref<!tpu.dma_semaphore, #tpu.memory_space<semaphore_mem>>
      %dma_start3A_1081 = arith.constant 0 : i32
      %dma_start3A_1082 = tpu.memref_slice %arg4[%arg0, %mul3A_1024, %dma_start3A_1081] : memref<2x10240x128xf32, #tpu.memory_space<hbm>> -> memref<1x640x128xf32, #tpu.memory_space<hbm>>
      %dma_start3A_1083 = tpu.memref_squeeze %dma_start3A_1082 : memref<1x640x128xf32, #tpu.memory_space<hbm>> -> memref<640x128xf32, #tpu.memory_space<hbm>>
      %dma_start3A_1084 = arith.constant 0 : i32
      %dma_start3A_1085 = tpu.memref_slice %arg9[%mul3A_1024, %dma_start3A_1084] : memref<10240x128xf32, #tpu.memory_space<vmem_shared>> -> memref<640x128xf32, #tpu.memory_space<vmem_shared>>
      tpu.enqueue_dma source(%dma_start3A_1085 : memref<640x128xf32, #tpu.memory_space<vmem_shared>>) target(%dma_start3A_1083 : memref<640x128xf32, #tpu.memory_space<hbm>>) target_semaphore(%run_scoped3A_1080 : memref<!tpu.dma_semaphore, #tpu.memory_space<semaphore_mem>>)
      %dma_wait3A_1086 = arith.constant 0 : i32
      %dma_wait3A_1087 = tpu.memref_slice %arg4[%arg0, %mul3A_1024, %dma_wait3A_1086] : memref<2x10240x128xf32, #tpu.memory_space<hbm>> -> memref<1x640x128xf32, #tpu.memory_space<hbm>>
      %dma_wait3A_1088 = tpu.memref_squeeze %dma_wait3A_1087 : memref<1x640x128xf32, #tpu.memory_space<hbm>> -> memref<640x128xf32, #tpu.memory_space<hbm>>
      %dma_wait3A_1089 = arith.constant 0 : i32
      %dma_wait3A_1090 = tpu.memref_slice %arg9[%mul3A_1024, %dma_wait3A_1089] : memref<10240x128xf32, #tpu.memory_space<vmem_shared>> -> memref<640x128xf32, #tpu.memory_space<vmem_shared>>
      tpu.wait_dma2 semaphore(%run_scoped3A_1080 : memref<!tpu.dma_semaphore, #tpu.memory_space<semaphore_mem>>) src(%dma_wait3A_1090 : memref<640x128xf32, #tpu.memory_space<vmem_shared>>) dst(%dma_wait3A_1088 : memref<640x128xf32, #tpu.memory_space<hbm>>)
      tpu.yield
    }) : () -> ()
    return
  }
}

module attributes {stable_mosaic.version = 14 : i64} {
  func.func @body(%arg0: i32, %arg1: memref<5120x128xf32, #tpu.memory_space<vmem>>, %arg2: memref<128x128xf32, #tpu.memory_space<vmem>>, %arg3: memref<2x5120x1xf32, #tpu.memory_space<vmem>>, %arg4: memref<5120x128xf32, #tpu.memory_space<vmem>>, %arg5: memref<5120x1xf32, #tpu.memory_space<vmem>>) attributes {dimension_semantics = [#tpu.dimension_semantics<arbitrary>], iteration_bounds = array<i64: 2>, scalar_prefetch = 0 : i64, scratch_operands = 0 : i64, tpu.core_type = #tpu.core_type<tc>, window_params = [{transform_indices = @transform_0, window_bounds = array<i64: 5120, 128>}, {pipeline_mode = #tpu.pipeline_mode<synchronous>, transform_indices = @transform_1, window_bounds = array<i64: 128, 128>}, {transform_indices = @transform_2, window_bounds = array<i64: 2, 5120, 1>}, {transform_indices = @transform_3, window_bounds = array<i64: 5120, 128>}, {transform_indices = @transform_4, window_bounds = array<i64: 5120, 1>}]} {
    %get3A = arith.constant 0 : index
    %get3A_0 = arith.constant 0 : index
    %get3A_1 = arith.constant 0 : index
    %get3A_2 = vector.load %arg3[%get3A, %get3A_0, %get3A_1] : memref<2x5120x1xf32, #tpu.memory_space<vmem>>, vector<1x5120x1xf32>
    %get3A_3 = vector.shape_cast %get3A_2 : vector<1x5120x1xf32> to vector<5120x1xf32>
    %get3A_4 = arith.constant 1 : index
    %get3A_5 = arith.constant 0 : index
    %get3A_6 = arith.constant 0 : index
    %get3A_7 = vector.load %arg3[%get3A_4, %get3A_5, %get3A_6] : memref<2x5120x1xf32, #tpu.memory_space<vmem>>, vector<1x5120x1xf32>
    %get3A_8 = vector.shape_cast %get3A_7 : vector<1x5120x1xf32> to vector<5120x1xf32>
    %add3A = arith.addf %get3A_3, %get3A_8 : vector<5120x1xf32>
    %add3A_9 = arith.constant 1.000000e+00 : f32
    %add3A_10 = vector.broadcast %add3A_9 : f32 to vector<5120x1xf32>
    %add3A_11 = arith.addf %add3A, %add3A_10 : vector<5120x1xf32>
    %rsqrt3A = math.rsqrt %add3A_11 : vector<5120x1xf32>
    %get3A_12 = arith.constant 0 : index
    %get3A_13 = arith.constant 0 : index
    %get3A_14 = vector.load %arg1[%get3A_12, %get3A_13] : memref<5120x128xf32, #tpu.memory_space<vmem>>, vector<5120x128xf32>
    %get3A_15 = arith.constant 0 : index
    %get3A_16 = arith.constant 0 : index
    %get3A_17 = vector.load %arg2[%get3A_15, %get3A_16] : memref<128x128xf32, #tpu.memory_space<vmem>>, vector<128x128xf32>
    %dot_general3A = arith.constant dense<0.000000e+00> : vector<5120x128xf32>
    %dot_general3A_18 = tpu.matmul %get3A_14, %get3A_17, %dot_general3A {dimension_numbers = #tpu.dot_dimension_numbers<[1], [0], [0], [1], [0, 0, 1, 1], [], []>, transpose_lhs_hint = false} : vector<5120x128xf32>, vector<128x128xf32>, vector<5120x128xf32> -> vector<5120x128xf32>
    %mul3A = vector.broadcast %rsqrt3A : vector<5120x1xf32> to vector<5120x128xf32>
    %mul3A_19 = arith.mulf %dot_general3A_18, %mul3A : vector<5120x128xf32>
    %swap3A = arith.constant 0 : index
    %swap3A_20 = arith.constant 0 : index
    %swap3A_21 = vector.load %arg4[%swap3A, %swap3A_20] : memref<5120x128xf32, #tpu.memory_space<vmem>>, vector<5120x128xf32>
    tpu.vector_store %arg4[%swap3A, %swap3A_20], %mul3A_19 {strides = array<i32>} : memref<5120x128xf32, #tpu.memory_space<vmem>>, vector<5120x128xf32>,
    %swap3A_22 = arith.constant 0 : index
    %swap3A_23 = arith.constant 0 : index
    %swap3A_24 = vector.load %arg5[%swap3A_22, %swap3A_23] : memref<5120x1xf32, #tpu.memory_space<vmem>>, vector<5120x1xf32>
    tpu.vector_store %arg5[%swap3A_22, %swap3A_23], %rsqrt3A {strides = array<i32>} : memref<5120x1xf32, #tpu.memory_space<vmem>>, vector<5120x1xf32>,
    return
  }
  func.func @transform_0(%arg0: i32) -> (i32, i32) {
    %c0_i32 = arith.constant 0 : i32
    %c0_i32_0 = arith.constant 0 : i32
    return %arg0, %c0_i32 : i32, i32
  }
  func.func @transform_1(%arg0: i32) -> (i32, i32) {
    %c0_i32 = arith.constant 0 : i32
    %c0_i32_0 = arith.constant 0 : i32
    %c0_i32_1 = arith.constant 0 : i32
    return %c0_i32, %c0_i32_0 : i32, i32
  }
  func.func @transform_2(%arg0: i32) -> (i32, i32, i32) {
    %c0_i32 = arith.constant 0 : i32
    %c0_i32_0 = arith.constant 0 : i32
    %c0_i32_1 = arith.constant 0 : i32
    return %c0_i32, %arg0, %c0_i32_0 : i32, i32, i32
  }
  func.func @transform_3(%arg0: i32) -> (i32, i32) {
    %c0_i32 = arith.constant 0 : i32
    %c0_i32_0 = arith.constant 0 : i32
    return %arg0, %c0_i32 : i32, i32
  }
  func.func @transform_4(%arg0: i32) -> (i32, i32) {
    %c0_i32 = arith.constant 0 : i32
    %c0_i32_0 = arith.constant 0 : i32
    return %arg0, %c0_i32 : i32, i32
  }
}

module attributes {stable_mosaic.version = 14 : i64} {
  func.func @body(%arg0: i32, %arg1: memref<2x5120x128xf32, #tpu.memory_space<vmem>>, %arg2: memref<5120x128xf32, #tpu.memory_space<vmem>>, %arg3: memref<5120x1xf32, #tpu.memory_space<vmem>>, %arg4: memref<1x128xf32, #tpu.memory_space<vmem>>, %arg5: memref<128x1xf32, #tpu.memory_space<vmem>>, %arg6: memref<5120x1xf32, #tpu.memory_space<vmem>>) attributes {dimension_semantics = [#tpu.dimension_semantics<arbitrary>], iteration_bounds = array<i64: 2>, scalar_prefetch = 0 : i64, scratch_operands = 0 : i64, tpu.core_type = #tpu.core_type<tc>, window_params = [{transform_indices = @transform_0, window_bounds = array<i64: 2, 5120, 128>}, {transform_indices = @transform_1, window_bounds = array<i64: 5120, 128>}, {transform_indices = @transform_2, window_bounds = array<i64: 5120, 1>}, {pipeline_mode = #tpu.pipeline_mode<synchronous>, transform_indices = @transform_3, window_bounds = array<i64: 1, 128>}, {pipeline_mode = #tpu.pipeline_mode<synchronous>, transform_indices = @transform_4, window_bounds = array<i64: 128, 1>}, {transform_indices = @transform_5, window_bounds = array<i64: 5120, 1>}]} {
    %get3A = arith.constant 0 : index
    %get3A_0 = arith.constant 0 : index
    %get3A_1 = arith.constant 0 : index
    %get3A_2 = vector.load %arg1[%get3A, %get3A_0, %get3A_1] : memref<2x5120x128xf32, #tpu.memory_space<vmem>>, vector<1x5120x128xf32>
    %get3A_3 = vector.shape_cast %get3A_2 : vector<1x5120x128xf32> to vector<5120x128xf32>
    %get3A_4 = arith.constant 1 : index
    %get3A_5 = arith.constant 0 : index
    %get3A_6 = arith.constant 0 : index
    %get3A_7 = vector.load %arg1[%get3A_4, %get3A_5, %get3A_6] : memref<2x5120x128xf32, #tpu.memory_space<vmem>>, vector<1x5120x128xf32>
    %get3A_8 = vector.shape_cast %get3A_7 : vector<1x5120x128xf32> to vector<5120x128xf32>
    %add3A = arith.addf %get3A_3, %get3A_8 : vector<5120x128xf32>
    %get3A_9 = arith.constant 0 : index
    %get3A_10 = arith.constant 0 : index
    %get3A_11 = vector.load %arg2[%get3A_9, %get3A_10] : memref<5120x128xf32, #tpu.memory_space<vmem>>, vector<5120x128xf32>
    %add3A_12 = arith.addf %add3A, %get3A_11 : vector<5120x128xf32>
    %get3A_13 = arith.constant 0 : index
    %get3A_14 = arith.constant 0 : index
    %get3A_15 = vector.load %arg3[%get3A_13, %get3A_14] : memref<5120x1xf32, #tpu.memory_space<vmem>>, vector<5120x1xf32>
    %mul3A = vector.broadcast %get3A_15 : vector<5120x1xf32> to vector<5120x128xf32>
    %mul3A_16 = arith.mulf %add3A_12, %mul3A : vector<5120x128xf32>
    %get3A_17 = arith.constant 0 : index
    %get3A_18 = arith.constant 0 : index
    %get3A_19 = vector.load %arg4[%get3A_17, %get3A_18] : memref<1x128xf32, #tpu.memory_space<vmem>>, vector<1x128xf32>
    %add3A_20 = vector.broadcast %get3A_19 : vector<1x128xf32> to vector<5120x128xf32>
    %add3A_21 = arith.addf %mul3A_16, %add3A_20 : vector<5120x128xf32>
    %max3A = arith.constant 0.000000e+00 : f32
    %max3A_22 = vector.broadcast %max3A : f32 to vector<5120x128xf32>
    %max3A_23 = arith.maximumf %add3A_21, %max3A_22 : vector<5120x128xf32>
    %get3A_24 = arith.constant 0 : index
    %get3A_25 = arith.constant 0 : index
    %get3A_26 = vector.load %arg5[%get3A_24, %get3A_25] : memref<128x1xf32, #tpu.memory_space<vmem>>, vector<128x1xf32>
    %dot_general3A = arith.constant dense<0.000000e+00> : vector<5120x1xf32>
    %dot_general3A_27 = tpu.matmul %max3A_23, %get3A_26, %dot_general3A {dimension_numbers = #tpu.dot_dimension_numbers<[1], [0], [0], [1], [0, 0, 1, 1], [], []>, transpose_lhs_hint = false} : vector<5120x128xf32>, vector<128x1xf32>, vector<5120x1xf32> -> vector<5120x1xf32>
    %get3A_28 = arith.constant 0 : index
    %get3A_29 = arith.constant 0 : index
    %get3A_30 = vector.load %arg3[%get3A_28, %get3A_29] : memref<5120x1xf32, #tpu.memory_space<vmem>>, vector<5120x1xf32>
    %mul3A_31 = arith.mulf %dot_general3A_27, %get3A_30 : vector<5120x1xf32>
    %swap3A = arith.constant 0 : index
    %swap3A_32 = arith.constant 0 : index
    %swap3A_33 = vector.load %arg6[%swap3A, %swap3A_32] : memref<5120x1xf32, #tpu.memory_space<vmem>>, vector<5120x1xf32>
    tpu.vector_store %arg6[%swap3A, %swap3A_32], %mul3A_31 {strides = array<i32>} : memref<5120x1xf32, #tpu.memory_space<vmem>>, vector<5120x1xf32>,
    return
  }
  func.func @transform_0(%arg0: i32) -> (i32, i32, i32) {
    %c0_i32 = arith.constant 0 : i32
    %c0_i32_0 = arith.constant 0 : i32
    %c0_i32_1 = arith.constant 0 : i32
    return %c0_i32, %arg0, %c0_i32_0 : i32, i32, i32
  }
  func.func @transform_1(%arg0: i32) -> (i32, i32) {
    %c0_i32 = arith.constant 0 : i32
    %c0_i32_0 = arith.constant 0 : i32
    return %arg0, %c0_i32 : i32, i32
  }
  func.func @transform_2(%arg0: i32) -> (i32, i32) {
    %c0_i32 = arith.constant 0 : i32
    %c0_i32_0 = arith.constant 0 : i32
    return %arg0, %c0_i32 : i32, i32
  }
  func.func @transform_3(%arg0: i32) -> (i32, i32) {
    %c0_i32 = arith.constant 0 : i32
    %c0_i32_0 = arith.constant 0 : i32
    %c0_i32_1 = arith.constant 0 : i32
    return %c0_i32, %c0_i32_0 : i32, i32
  }
  func.func @transform_4(%arg0: i32) -> (i32, i32) {
    %c0_i32 = arith.constant 0 : i32
    %c0_i32_0 = arith.constant 0 : i32
    %c0_i32_1 = arith.constant 0 : i32
    return %c0_i32, %c0_i32_0 : i32, i32
  }
  func.func @transform_5(%arg0: i32) -> (i32, i32) {
    %c0_i32 = arith.constant 0 : i32
    %c0_i32_0 = arith.constant 0 : i32
    return %arg0, %c0_i32 : i32, i32
  }
}

module attributes {stable_mosaic.version = 14 : i64} {
  func.func @body(%arg0: i32, %arg1: memref<2x5120x1xf32, #tpu.memory_space<vmem>>, %arg2: memref<5120x1xf32, #tpu.memory_space<vmem>>, %arg3: memref<5120x1xf32, #tpu.memory_space<vmem>>, %arg4: memref<1x1xf32, #tpu.memory_space<vmem>>, %arg5: memref<5120x1xf32, #tpu.memory_space<vmem>>) attributes {dimension_semantics = [#tpu.dimension_semantics<arbitrary>], iteration_bounds = array<i64: 2>, scalar_prefetch = 0 : i64, scratch_operands = 0 : i64, tpu.core_type = #tpu.core_type<tc>, window_params = [{transform_indices = @transform_0, window_bounds = array<i64: 2, 5120, 1>}, {transform_indices = @transform_1, window_bounds = array<i64: 5120, 1>}, {transform_indices = @transform_2, window_bounds = array<i64: 5120, 1>}, {pipeline_mode = #tpu.pipeline_mode<synchronous>, transform_indices = @transform_3, window_bounds = array<i64: 1, 1>}, {transform_indices = @transform_4, window_bounds = array<i64: 5120, 1>}]} {
    %get3A = arith.constant 0 : index
    %get3A_0 = arith.constant 0 : index
    %get3A_1 = arith.constant 0 : index
    %get3A_2 = vector.load %arg1[%get3A, %get3A_0, %get3A_1] : memref<2x5120x1xf32, #tpu.memory_space<vmem>>, vector<1x5120x1xf32>
    %get3A_3 = vector.shape_cast %get3A_2 : vector<1x5120x1xf32> to vector<5120x1xf32>
    %get3A_4 = arith.constant 1 : index
    %get3A_5 = arith.constant 0 : index
    %get3A_6 = arith.constant 0 : index
    %get3A_7 = vector.load %arg1[%get3A_4, %get3A_5, %get3A_6] : memref<2x5120x1xf32, #tpu.memory_space<vmem>>, vector<1x5120x1xf32>
    %get3A_8 = vector.shape_cast %get3A_7 : vector<1x5120x1xf32> to vector<5120x1xf32>
    %add3A = arith.addf %get3A_3, %get3A_8 : vector<5120x1xf32>
    %get3A_9 = arith.constant 0 : index
    %get3A_10 = arith.constant 0 : index
    %get3A_11 = vector.load %arg2[%get3A_9, %get3A_10] : memref<5120x1xf32, #tpu.memory_space<vmem>>, vector<5120x1xf32>
    %add3A_12 = arith.addf %add3A, %get3A_11 : vector<5120x1xf32>
    %get3A_13 = arith.constant 0 : index
    %get3A_14 = arith.constant 0 : index
    %get3A_15 = vector.load %arg3[%get3A_13, %get3A_14] : memref<5120x1xf32, #tpu.memory_space<vmem>>, vector<5120x1xf32>
    %mul3A = arith.mulf %add3A_12, %get3A_15 : vector<5120x1xf32>
    %get3A_16 = arith.constant 0 : index
    %get3A_17 = arith.constant 0 : index
    %get3A_18 = vector.load %arg4[%get3A_16, %get3A_17] : memref<1x1xf32, #tpu.memory_space<vmem>>, vector<1x1xf32>
    %add3A_19 = vector.broadcast %get3A_18 : vector<1x1xf32> to vector<5120x1xf32>
    %add3A_20 = arith.addf %mul3A, %add3A_19 : vector<5120x1xf32>
    %swap3A = arith.constant 0 : index
    %swap3A_21 = arith.constant 0 : index
    %swap3A_22 = vector.load %arg5[%swap3A, %swap3A_21] : memref<5120x1xf32, #tpu.memory_space<vmem>>, vector<5120x1xf32>
    tpu.vector_store %arg5[%swap3A, %swap3A_21], %add3A_20 {strides = array<i32>} : memref<5120x1xf32, #tpu.memory_space<vmem>>, vector<5120x1xf32>,
    return
  }
  func.func @transform_0(%arg0: i32) -> (i32, i32, i32) {
    %c0_i32 = arith.constant 0 : i32
    %c0_i32_0 = arith.constant 0 : i32
    %c0_i32_1 = arith.constant 0 : i32
    return %c0_i32, %arg0, %c0_i32_0 : i32, i32, i32
  }
  func.func @transform_1(%arg0: i32) -> (i32, i32) {
    %c0_i32 = arith.constant 0 : i32
    %c0_i32_0 = arith.constant 0 : i32
    return %arg0, %c0_i32 : i32, i32
  }
  func.func @transform_2(%arg0: i32) -> (i32, i32) {
    %c0_i32 = arith.constant 0 : i32
    %c0_i32_0 = arith.constant 0 : i32
    return %arg0, %c0_i32 : i32, i32
  }
  func.func @transform_3(%arg0: i32) -> (i32, i32) {
    %c0_i32 = arith.constant 0 : i32
    %c0_i32_0 = arith.constant 0 : i32
    %c0_i32_1 = arith.constant 0 : i32
    return %c0_i32, %c0_i32_0 : i32, i32
  }
  func.func @transform_4(%arg0: i32) -> (i32, i32) {
    %c0_i32 = arith.constant 0 : i32
    %c0_i32_0 = arith.constant 0 : i32
    return %arg0, %c0_i32 : i32, i32
  }
}

</mosaic_0001>

<sc_bundles>
// kernel: kernel.11.cloned.1.call-start
scs
__scs_entry_jumppad:
0x0: {  	(pc) =	sbr.rel $0x88, $3  }
0x1: {  	(tag) =	ssettag $0x0;
	lr =	simm.s32 $0x1  }
0x2: {  	[smem:$0x3F9B] =	sst lr;
	_ =	strace $0xD0000000  }
0x3: {  	_ = 	snop  }
0x4: {  	_ = 	snop  }
0x5: {  	_ = 	snop  }
0x6: {  	_ = 	snop  }
0x7: {  	_ = 	snop  }
__scs_overlays_trampoline_lowered:
0x8: {  	[smem:$0x3FAA] =	sst s0  }
0x9: {  	[smem:$0x3FAB] =	sst s1  }
0xa: {  	[smem:$0x3FAC] =	sst s2  }
0xb: {  	[smem:$0x3FAD] =	sst s3  }
0xc: {  	[smem:$0x3FAE] =	sst s4  }
0xd: {  	[smem:$0x3FAF] =	sst s5  }
0xe: {  	[smem:$0x3FB0] =	sst s6  }
0xf: {  	[smem:$0x3FB1] =	sst s7  }
0x10: {  	[smem:$0x3FB2] =	sst s8  }
0x11: {  	[smem:$0x3FB3] =	sst s9;
	s0 =	simm.s32 @!p0 $0x0  }
0x12: {  	s1 =	sld [smem:$0x3F99];
	s0 =	simm.s32 @p0 $0x1  }
0x13: {  	[smem:$0x3FB4] =	sst s0;
	s0 =	simm.s32 @!p1 $0x0  }
0x14: {  	s2 =	sld [smem:$0x3F98];
	s0 =	simm.s32 @p1 $0x1  }
0x15: {  	[smem:$0x3FB5] =	sst s0;
	s0 =	simm.s32 @!p2 $0x0  }
0x16: {  	s3 =	sld [smem:$0x3FDB];
	s0 =	simm.s32 @p2 $0x1  }
0x17: {  	s4 =	simm.s32 $0x1BF5;
	[smem:$0x3FB7] =	sst s0  }
0x18: {  	s0 =	sld [smem:$0x3F9A];
	_ =	swait.ge [sflag:s4], $0x0  }
0x19: {  	s7 =	sld [smem:$0x3F9B]  }
0x1a: {  	s8 =	sadd.s32 $0xFFFFE003, lr  }
0x1b: {  	s9 =	sadd.s32 $0xFFFFFEF7, lr;
	s5 =	simm.s32 $0xFFFFFFFF;
	p2 =	slt.u32 s8, $0xFFFFF086  }
0x1c: {  	p1 =	slt.u32 s9, $0xF7A;
	s5 =	simm.s32 @!p2 $0x0  }
0x1d: {  	s5 =	simm.s32 @p1 $0x1;
	p0 =	seq.s32 s7, s2  }
0x1e: {  	s7 =	smul.u32 @!p0 $0xF7A, s2;
	p2 =	seq.s32 @!p0 s5, $0x0  }
0x1f: {  	s9 =	smul.u32 $0xF7A, s1;
	s8 =	simm.s32 @!p0 $0x1BF5;
	p2 =	por !p2, p0  }
0x20: {  	[sflag:s8] =	ssyncset.s32 @!p0 $0xFFFFF086;
	s6 =	sadd.s32 @!p0 s3, s7;
	s7 =	simm.s32 @!p0 $0x108  }
0x21: {  	s3 =	sadd.s32 s3, s9;
	s6 =	sadd.s32 @!p0 $0x88, s6;
	s7 =	simm.s32 @p2 $0x1082  }
0x22: {  	[simem:s7], [sflag:s8] =	dma.local @!p0 [hbm:s6], $0xF7A  }
0x23: {  	s9 =	sor.u32 $0xD0000000, s2;
	s6 =	simm.s32 $0x108;
	_ =	swait.ge @!p0 [sflag:s8], $0x0  }
0x24: {  	s3 =	sadd.s32 $0x88, s3;
	s6 =	simm.s32 @!p1 $0x1082;
	[sflag:s4] =	ssyncset.s32 $0xFFFFF086  }
0x25: {  	[simem:s6], [sflag:s4] =	dma.local [hbm:s3], $0xF7A  }
0x26: {  	[smem:$0x3F9B] =	sst s1;
	(tag) =	ssettag s2;
	_ =	strace s9  }
0x27: {  	s1 =	sld [smem:$0x3FAB]  }
0x28: {  	s2 =	sld [smem:$0x3FAC]  }
0x29: {  	s4 =	sld [smem:$0x3FAE]  }
0x2a: {  	p0 =	seq.s32 s5, $0x0;
	s5 =	sld [smem:$0x3FAF]  }
0x2b: {  	s6 =	sld [smem:$0x3FB0]  }
0x2c: {  	s7 =	sld [smem:$0x3FB1]  }
0x2d: {  	s3 =	simm.s32 $0x108;
	s8 =	sld [smem:$0x3FB2]  }
0x2e: {  	s3 =	simm.s32 @!p0 $0x1082;
	s9 =	sld [smem:$0x3FB3]  }
0x2f: {  	lr =	sadd.s32 s0, s3;
	s0 =	sld [smem:$0x3FAA]  }
0x30: {  	s3 =	sld [smem:$0x3FAD]  }
0x31: {  	[smem:$0x3FB6] =	sst s10  }
0x32: {  	s10 =	sld [smem:$0x3FB4];
	_ =	sdelay $0x3  }
0x33: {  	p0 =	seq.s32 s10, $0x1;
	s10 =	sld [smem:$0x3FB6];
	_ =	sdelay $0x3  }
0x34: {  	[smem:$0x3FB6] =	sst s10  }
0x35: {  	s10 =	sld [smem:$0x3FB5];
	_ =	sdelay $0x3  }
0x36: {  	p1 =	seq.s32 s10, $0x1;
	s10 =	sld [smem:$0x3FB6];
	_ =	sdelay $0x3  }
0x37: {  	[smem:$0x3FB6] =	sst s10  }
0x38: {  	s10 =	sld [smem:$0x3FB7]  }
0x39: {  	_ = 	snop;
	(pc) =	sbr.ind lr, $3  }
0x3a: {  	_ = 	snop  }
0x3b: {  	_ = 	snop  }
0x3c: {  	p2 =	seq.s32 s10, $0x1;
	s10 =	sld [smem:$0x3FB6]  }
0x3d: {  	_ =	shalt  }
0x3e: {  	_ =	shalt  }
0x3f: {  	_ =	shalt  }
0x40: {  	_ =	shalt  }
0x41: {  	_ =	shalt  }
0x42: {  	_ =	shalt  }
0x43: {  	_ =	shalt  }
0x44: {  	_ =	shalt  }
0x45: {  	_ =	shalt  }
0x46: {  	_ =	shalt  }
0x47: {  	_ =	shalt  }
0x48: {  	_ =	shalt  }
0x49: {  	_ =	shalt  }
0x4a: {  	_ =	shalt  }
0x4b: {  	_ =	shalt  }
0x4c: {  	_ =	shalt  }
0x4d: {  	_ =	shalt  }
0x4e: {  	_ =	shalt  }
0x4f: {  	_ =	shalt  }
0x50: {  	_ =	shalt  }
0x51: {  	_ =	shalt  }
0x52: {  	_ =	shalt  }
0x53: {  	_ =	shalt  }
0x54: {  	_ =	shalt  }
0x55: {  	_ =	shalt  }
0x56: {  	_ =	shalt  }
0x57: {  	_ =	shalt  }
0x58: {  	_ =	shalt  }
0x59: {  	_ =	shalt  }
0x5a: {  	_ =	shalt  }
0x5b: {  	_ =	shalt  }
0x5c: {  	_ =	shalt  }
0x5d: {  	_ =	shalt  }
0x5e: {  	_ =	shalt  }
0x5f: {  	_ =	shalt  }
0x60: {  	_ =	shalt  }
0x61: {  	_ =	shalt  }
0x62: {  	_ =	shalt  }
0x63: {  	_ =	shalt  }
0x64: {  	_ =	shalt  }
0x65: {  	_ =	shalt  }
0x66: {  	_ =	shalt  }
0x67: {  	_ =	shalt  }
0x68: {  	_ =	shalt  }
0x69: {  	_ =	shalt  }
0x6a: {  	_ =	shalt  }
0x6b: {  	_ =	shalt  }
0x6c: {  	_ =	shalt  }
0x6d: {  	_ =	shalt  }
0x6e: {  	_ =	shalt  }
0x6f: {  	_ =	shalt  }
0x70: {  	_ =	shalt  }
0x71: {  	_ =	shalt  }
0x72: {  	_ =	shalt  }
0x73: {  	_ =	shalt  }
0x74: {  	_ =	shalt  }
0x75: {  	_ =	shalt  }
0x76: {  	_ =	shalt  }
0x77: {  	_ =	shalt  }
0x78: {  	_ =	shalt  }
0x79: {  	_ =	shalt  }
0x7a: {  	_ =	shalt  }
0x7b: {  	_ =	shalt  }
0x7c: {  	_ =	shalt  }
0x7d: {  	_ =	shalt  }
0x7e: {  	_ =	shalt  }
0x7f: {  	_ =	shalt  }
0x80: {  	_ =	shalt  }
0x81: {  	_ =	shalt  }
0x82: {  	_ =	shalt  }
0x83: {  	_ =	shalt  }
0x84: {  	_ =	shalt  }
0x85: {  	_ =	shalt  }
0x86: {  	_ =	shalt  }
0x87: {  	_ =	shalt  }
.Lfunc_end0:
.L_simem_size_0:
called_computation.1_lowered:
.L_overlay_start_0:
0x88: {  	s2 =	sld [smem:$0x3FD9]  }
0x89: {  	s3 =	sld [smem:$0x3FFE];
	_ =	sdelay $0x1  }
0x8a: {  	s1 =	srdreg.scid  }
0x8b: {  	s0 =	sand.u32 $0x1, s1  }
0x8c: {  	s16 =	sshll.u32 s0, $0xA;
	s2 =	sadd.s32 s3, s2  }
0x8d: {  	s2 =	sadd.s32 s2, s16  }
0x8e: {  	[smem:$0x3FC2] =	sst s2  }
0x8f: {  	_ = 	snop  }
0x90: {  	(tm) =	ssettm $0x1  }
0x91: {  	s17 =	sld [smem:$0x3FFB];
	_ =	sdelay $0x3  }
0x92: {  	_ =	strace s17  }
0x93: {  	s2 =	sld [smem:$0x3FFC];
	_ =	sdelay $0x3  }
0x94: {  	_ =	strace s2  }
0x95: {  	s2 =	sld [smem:$0x3FFD];
	_ =	sdelay $0x3  }
0x96: {  	_ =	strace s2  }
0x97: {  	_ =	strace $0x8FFFFFFF  }
0x98: {  	s18 =	sld [smem:$0x3FDB];
	_ =	sdelay $0x1  }
0x99: {  	s19 =	simm.s32 $_scs_section_size  }
0x9a: {  	s4 =	simm.s32 $_size__tile_overlayer_lowered;
	s5 =	simm.s32 $_tile_overlayer_lowered  }
0x9b: {  	s22 =	simm.s32 $0x1BFF;
	s21 =	sshll.u32 s5, $0x1;
	s2 =	sadd.s32 s19, s18  }
0x9c: {  	s6 =	simm.s32 $0x0;
	s20 =	sshll.u32 s4, $0x1;
	s4 =	sadd.s32 s21, s2  }
0x9d: {  	[timem:s6], [sflag:s22] =	dma.local [hbm:s4], s20  }
0x9e: {  	_ =	swait.ge [sflag:s22], s20  }
0x9f: {  	s3 =	ssub.s32 $0x0, s20;
	[sflag:s22] =	ssyncset.done $0x0  }
0xa0: {  	[sflag:s22] =	ssyncadd.s32 s3;
	_ =	sdelay $0x1  }
0xa1: {  	s23 =	simm.s32 $0x1B8B  }
0xa2: {  	_ =	swait.ge [sflag:s23], $0x1  }
0xa3: {  	[sflag:s23] =	ssyncset.done $0x0  }
0xa4: {  	s25 =	simm.s32 $0x1B8E;
	s24 =	sld [smem:$0x3FFE];
	[sflag:s23] =	ssyncadd.s32 $0xFFFFFFFF  }
0xa5: {  	s26 =	simm.s32 $execute0_lowered;
	[smem:$0x3FD2] =	sst s25  }
0xa6: {  	s4 =	sshll.u32 s26, $0x1;
	_ =	strace $0x80000049;
	[dreg:$0x1] =	wrdreg $0xFFFFFFFF  }
0xa7: {  	s28 =	simm.s32 $_size_execute0_lowered;
	s2 =	sadd.s32 s2, s4;
	[dreg:$0x0] =	wrdreg $0x0  }
0xa8: {  	s4 =	sshll.u32 s28, $0x1;
	[dreg:$0x2] =	wrdreg s2  }
0xa9: {  	[dreg:$0x3] =	wrdreg s4  }
0xaa: {  	[dreg:$0x4] =	wrdreg $0xC0  }
0xab: {  	_ =	task [dreg:s6], $0x5FFFF  }
0xac: {  	[dreg:$0x1] =	wrdreg $0xFFFFFFFF  }
0xad: {  	[dreg:$0x0] =	wrdreg $0x60  }
0xae: {  	[dreg:$0x2] =	wrdreg s24  }
0xaf: {  	[dreg:$0x3] =	wrdreg $0x8C000  }
0xb0: {  	[dreg:$0x4] =	wrdreg $0x9  }
0xb1: {  	_ =	task.clear_ibuf [dreg:s6], $0x5FFFF;
	_ =	strace $0x90000049  }
0xb2: {  	s29 =	simm.s32 $0x9;
	_ =	strace $0x8000004B  }
0xb3: {  	_ =	swait.ge [sflag:s29], $0x1  }
0xb4: {  	[sflag:s29] =	ssyncadd.s32 $0xFFFFFFFF  }
0xb5: {  	_ =	strace $0x9000004B  }
0xb6: {  	_ =	sfence  }
0xb7: {  	s30 =	sld [smem:$0x0];
	_ =	sdelay $0x2  }
0xb8: {  	s31 =	sshll.u32 s1, $0xD;
	s1 =	sshrl.u32 s1, $0x2  }
0xb9: {  	s3 =	sand.u32 $0x4000, s31;
	s1 =	sadd.s32 s1, s30  }
0xba: {  	s0 =	sor.u32 s3, s0;
	s1 =	sshll.u32 s1, $0x11  }
0xbb: {  	s0 =	sor.u32 s1, s0  }
0xbc: {  	s0 =	sadd.s32 $0x8F2B, s0  }
0xbd: {  	[sflag:s0] =	ssyncadd.remote.s32 $0x1  }
0xbe: {  	_ =	sfence.sel $0xFFFF  }
0xbf: {  	[dreg:$0x0] =	wrdreg $0xFFFFFFFF;
	(pc) =	sbr.abs _section_cstart, $3  }
0xc0: {  	[dreg:$0x1] =	wrdreg $0xFFFFFFFF  }
0xc1: {  	_ =	task.clear_ibuf [dreg:s6], $0x2FFFF;
	_ =	strace $0x9FFFFFFF  }
0xc2: {  	(tm) =	ssettm $0x7FFFFFFF  }
0xc3: {  	_ =	shalt  }
tec
execute0_lowered:
.L_overlay_start_1:
0x0: {  	(tag) =	ssettag $0x1  }
0x1: {  	s0 =	rddreg [dreg:$0x0]  }
0x2: {  	s1 =	rddreg [dreg:$0x1]  }
0x3: {  	s2 =	srdreg.scid;
	s10 =	stileid.u32  }
0x4: {  	s2 =	sand.u32 $0x1, s2;
	s6 =	smul.u32 $0x14000, s10;
	s7 =	sshll.u32 s10, $0x1  }
0x5: {  	s3 =	simm.s32 $0x0;
	s5 =	smul.u32 $0x140000, s2;
	s7 =	sor.u32 s2, s7  }
0x6: {  	[smem:$0x7FF] =	sst s3;
	s21 =	smul.u32 $0x5400, s7  }
0x7: {  	s4 =	sadd.s32 $0x2D800, s0;
	s8 =	sadd.s32 $0x18800, s0;
	s9 =	smul.u32 $0x50000, s10  }
0x8: {  	s22 =	ssub.s32 $0x2, s2;
	s5 =	sadd.s32 s6, s5;
	s6 =	sshrl.u32 s21, $0x3  }
0x9: {  	_ =	strace $0x8000004A;
	s23 =	sshrl.u32 s22, $0x1;
	s25 =	sadd.s32 s8, s6  }
0xa: {  	s24 =	sshrl.u32 s9, $0x2;
	s26 =	sadd.s32 $0x20, s25;
	[dreg:$0x3] =	wrdreg s25  }
0xb: {  	s5 =	sshrl.u32 s5, $0x3;
	s11 =	sadd.s32 $0x40, s25;
	[dreg:$0x4] =	wrdreg s26  }
0xc: {  	s0 =	sadd.s32 s5, s0;
	s12 =	sadd.s32 $0x60, s25;
	[dreg:$0x5] =	wrdreg s11  }
0xd: {  	s5 =	ssub.s32 s22, s23;
	s0 =	sadd.s32 $0x55800, s0;
	[dreg:$0x6] =	wrdreg s12  }
0xe: {  	s6 =	sadd.s32 s24, s1;
	s13 =	smax.u32 s5, $0x1;
	[dreg:$0x7] =	wrdreg s0  }
0xf: {  	s14 =	sadd.s32 $0x800, s6;
	[dreg:$0x8] =	wrdreg s13  }
0x10: {  	s15 =	sadd.s32 $0x1000, s6;
	[dreg:$0x9] =	wrdreg s14  }
0x11: {  	s17 =	sadd.s32 $0x1800, s6;
	[dreg:$0xa] =	wrdreg s15  }
0x12: {  	s18 =	sadd.s32 $0x2000, s6;
	[dreg:$0xb] =	wrdreg s17  }
0x13: {  	s19 =	sadd.s32 $0x2800, s6;
	[dreg:$0xc] =	wrdreg s18  }
0x14: {  	s20 =	sadd.s32 $0x3000, s6;
	[dreg:$0xd] =	wrdreg s19  }
0x15: {  	s21 =	sadd.s32 $0x3800, s6;
	[dreg:$0xe] =	wrdreg s20  }
0x16: {  	s22 =	sadd.s32 $0x4000, s6;
	[dreg:$0xf] =	wrdreg s21  }
0x17: {  	s23 =	sadd.s32 $0x4800, s6;
	[dreg:$0x10] =	wrdreg s22  }
0x18: {  	s24 =	sadd.s32 $0x5000, s6;
	[dreg:$0x11] =	wrdreg s23  }
0x19: {  	s5 =	sadd.s32 $0x6000, s6;
	[dreg:$0x12] =	wrdreg s24  }
0x1a: {  	s7 =	sadd.s32 $0x6800, s6;
	[dreg:$0x14] =	wrdreg s5  }
0x1b: {  	s9 =	sadd.s32 $0x7800, s6;
	[dreg:$0x15] =	wrdreg s7  }
0x1c: {  	s16 =	smul.u32 $0xA800, s10;
	s10 =	sadd.s32 $0x8000, s6;
	[dreg:$0x17] =	wrdreg s9  }
0x1d: {  	s26 =	sadd.s32 $0x5800, s6;
	[dreg:$0x18] =	wrdreg s10  }
0x1e: {  	s11 =	sadd.s32 $0x8800, s6;
	[dreg:$0x13] =	wrdreg s26  }
0x1f: {  	s12 =	sadd.s32 $0x9000, s6;
	[dreg:$0x19] =	wrdreg s11  }
0x20: {  	s2 =	smul.u32 $0x5400, s2;
	s13 =	sadd.s32 $0x9800, s6;
	[dreg:$0x1a] =	wrdreg s12  }
0x21: {  	s30 =	simm.s32 $0x8400;
	s14 =	sadd.s32 $0xA000, s6;
	[dreg:$0x1b] =	wrdreg s13  }
0x22: {  	s0 =	sadd.s32 s2, s16;
	s16 =	sadd.s32 $0xA800, s6;
	[dreg:$0x1c] =	wrdreg s14  }
0x23: {  	s31 =	simm.s32 $0x3;
	s17 =	sadd.s32 $0xB000, s6;
	[dreg:$0x1d] =	wrdreg s16  }
0x24: {  	s28 =	sadd.s32 $0x13000, s6;
	s18 =	sadd.s32 $0xB800, s6;
	[dreg:$0x1e] =	wrdreg s17  }
0x25: {  	s29 =	sadd.s32 $0x13800, s6;
	s19 =	sadd.s32 $0xC000, s6;
	[dreg:$0x1f] =	wrdreg s18  }
0x26: {  	s20 =	sadd.s32 $0xC800, s6;
	s21 =	sadd.s32 $0xD000, s6;
	[smem:$0x7F7] =	sst s19  }
0x27: {  	s22 =	sadd.s32 $0xD800, s6;
	s23 =	sadd.s32 $0xE000, s6;
	[smem:$0x7F8] =	sst s20  }
0x28: {  	s7 =	simm.s32 $0x80;
	s5 =	simm.s32 $0x400;
	[smem:$0x7F9] =	sst s21  }
0x29: {  	s9 =	simm.s32 $0x1;
	s10 =	simm.s32 $0x2;
	[smem:$0x7FA] =	sst s22  }
0x2a: {  	s25 =	sadd.s32 $0x500, s0;
	s0 =	sadd.s32 $0x400, s0;
	[smem:$0x7FB] =	sst s23  }
0x2b: {  	s26 =	sadd.s32 $0xF000, s6;
	s18 =	sadd.s32 $0xF800, s6;
	s19 =	sadd.s32 $0x10000, s6  }
0x2c: {  	s20 =	sadd.s32 $0x10800, s6;
	s21 =	sadd.s32 $0x11000, s6;
	s22 =	sadd.s32 $0x11800, s6  }
0x2d: {  	s11 =	simm.s32 $0x0;
	s2 =	sshrl.u32 s25, $0x3;
	s0 =	sshrl.u32 s0, $0x3  }
0x2e: {  	s25 =	sadd.s32 $0xE800, s6;
	[smem:$0x7FD] =	sst s26;
	s26 =	sadd.s32 $0x12800, s6  }
0x2f: {  	s15 =	sadd.s32 s2, s8;
	s24 =	sadd.s32 s0, s8;
	s8 =	sadd.s32 $0x7000, s6  }
0x30: {  	[smem:$0x7FC] =	sst s25;
	s25 =	sadd.s32 $0x12000, s6;
	s0 =	simm.s32 $0x4  }
0x31: {  	v0 =	vimm.f32 $0.0e+00;
	s2 =	simm.s32 $0x100;
	[dreg:$0x16] =	wrdreg s8;
	s8 =	simm.s32 $0x4400  }
.LBB2_1:
0x32: {  	[tilespmem:$0x8400] =	vst v0  }
0x33: {  	[tilespmem:$0x8410] =	vst v0  }
0x34: {  	[tilespmem:$0x8420] =	vst v0  }
0x35: {  	[tilespmem:$0x8430] =	vst v0  }
0x36: {  	[tilespmem:$0x8440] =	vst v0  }
0x37: {  	[tilespmem:$0x8450] =	vst v0  }
0x38: {  	[tilespmem:$0x8460] =	vst v0  }
0x39: {  	[tilespmem:$0x8470] =	vst v0  }
0x3a: {  	[tilespmem:$0x8480] =	vst v0  }
0x3b: {  	[tilespmem:$0x8490] =	vst v0  }
0x3c: {  	[tilespmem:$0x84A0] =	vst v0  }
0x3d: {  	[tilespmem:$0x84B0] =	vst v0  }
0x3e: {  	[tilespmem:$0x84C0] =	vst v0  }
0x3f: {  	[tilespmem:$0x84D0] =	vst v0  }
0x40: {  	[tilespmem:$0x84E0] =	vst v0  }
0x41: {  	[tilespmem:$0x84F0] =	vst v0  }
0x42: {  	[tilespmem:$0x8500] =	vst v0  }
0x43: {  	[tilespmem:$0x8510] =	vst v0  }
0x44: {  	[tilespmem:$0x8520] =	vst v0  }
0x45: {  	[tilespmem:$0x8530] =	vst v0  }
0x46: {  	[tilespmem:$0x8540] =	vst v0  }
0x47: {  	[tilespmem:$0x8550] =	vst v0  }
0x48: {  	[tilespmem:$0x8560] =	vst v0  }
0x49: {  	[tilespmem:$0x8570] =	vst v0  }
0x4a: {  	[tilespmem:$0x8580] =	vst v0  }
0x4b: {  	[tilespmem:$0x8590] =	vst v0  }
0x4c: {  	[tilespmem:$0x85A0] =	vst v0  }
0x4d: {  	[tilespmem:$0x85B0] =	vst v0  }
0x4e: {  	[tilespmem:$0x85C0] =	vst v0  }
0x4f: {  	[tilespmem:$0x85D0] =	vst v0  }
0x50: {  	[tilespmem:$0x85E0] =	vst v0  }
0x51: {  	[tilespmem:$0x85F0] =	vst v0  }
0x52: {  	[tilespmem:$0x8600] =	vst v0  }
0x53: {  	[tilespmem:$0x8610] =	vst v0  }
0x54: {  	[tilespmem:$0x8620] =	vst v0  }
0x55: {  	[tilespmem:$0x8630] =	vst v0  }
0x56: {  	[tilespmem:$0x8640] =	vst v0  }
0x57: {  	[tilespmem:$0x8650] =	vst v0  }
0x58: {  	[tilespmem:$0x8660] =	vst v0  }
0x59: {  	[tilespmem:$0x8670] =	vst v0  }
0x5a: {  	[tilespmem:$0x8680] =	vst v0  }
0x5b: {  	[tilespmem:$0x8690] =	vst v0  }
0x5c: {  	[tilespmem:$0x86A0] =	vst v0  }
0x5d: {  	[tilespmem:$0x86B0] =	vst v0  }
0x5e: {  	[tilespmem:$0x86C0] =	vst v0  }
0x5f: {  	[tilespmem:$0x86D0] =	vst v0  }
0x60: {  	[tilespmem:$0x86E0] =	vst v0  }
0x61: {  	[tilespmem:$0x86F0] =	vst v0  }
0x62: {  	[tilespmem:$0x8700] =	vst v0  }
0x63: {  	[tilespmem:$0x8710] =	vst v0  }
0x64: {  	[tilespmem:$0x8720] =	vst v0  }
0x65: {  	[tilespmem:$0x8730] =	vst v0  }
0x66: {  	[tilespmem:$0x8740] =	vst v0  }
0x67: {  	[tilespmem:$0x8750] =	vst v0  }
0x68: {  	[tilespmem:$0x8760] =	vst v0  }
0x69: {  	[tilespmem:$0x8770] =	vst v0  }
0x6a: {  	[tilespmem:$0x8780] =	vst v0  }
0x6b: {  	[tilespmem:$0x8790] =	vst v0  }
0x6c: {  	[tilespmem:$0x87A0] =	vst v0  }
0x6d: {  	[tilespmem:$0x87B0] =	vst v0  }
0x6e: {  	[tilespmem:$0x87C0] =	vst v0  }
0x6f: {  	[tilespmem:$0x87D0] =	vst v0  }
0x70: {  	[tilespmem:$0x87E0] =	vst v0  }
0x71: {  	[tilespmem:$0x87F0] =	vst v0  }
0x72: {  	[tilespmem:$0x8800] =	vst v0  }
0x73: {  	[tilespmem:$0x8810] =	vst v0  }
0x74: {  	[tilespmem:$0x8820] =	vst v0  }
0x75: {  	[tilespmem:$0x8830] =	vst v0  }
0x76: {  	[tilespmem:$0x8840] =	vst v0  }
0x77: {  	[tilespmem:$0x8850] =	vst v0  }
0x78: {  	[tilespmem:$0x8860] =	vst v0  }
0x79: {  	[tilespmem:$0x8870] =	vst v0  }
0x7a: {  	[tilespmem:$0x8880] =	vst v0  }
0x7b: {  	[tilespmem:$0x8890] =	vst v0  }
0x7c: {  	[tilespmem:$0x88A0] =	vst v0  }
0x7d: {  	[tilespmem:$0x88B0] =	vst v0  }
0x7e: {  	[tilespmem:$0x88C0] =	vst v0  }
0x7f: {  	[tilespmem:$0x88D0] =	vst v0  }
0x80: {  	[tilespmem:$0x88E0] =	vst v0  }
0x81: {  	[tilespmem:$0x88F0] =	vst v0  }
0x82: {  	[tilespmem:$0x8900] =	vst v0  }
0x83: {  	[tilespmem:$0x8910] =	vst v0  }
0x84: {  	[tilespmem:$0x8920] =	vst v0  }
0x85: {  	[tilespmem:$0x8930] =	vst v0  }
0x86: {  	[tilespmem:$0x8940] =	vst v0  }
0x87: {  	[tilespmem:$0x8950] =	vst v0  }
0x88: {  	[tilespmem:$0x8960] =	vst v0  }
0x89: {  	[tilespmem:$0x8970] =	vst v0  }
0x8a: {  	[tilespmem:$0x8980] =	vst v0  }
0x8b: {  	[tilespmem:$0x8990] =	vst v0  }
0x8c: {  	[tilespmem:$0x89A0] =	vst v0  }
0x8d: {  	[tilespmem:$0x89B0] =	vst v0  }
0x8e: {  	[tilespmem:$0x89C0] =	vst v0  }
0x8f: {  	[tilespmem:$0x89D0] =	vst v0  }
0x90: {  	[tilespmem:$0x89E0] =	vst v0  }
0x91: {  	[tilespmem:$0x89F0] =	vst v0  }
0x92: {  	[tilespmem:$0x8A00] =	vst v0  }
0x93: {  	[tilespmem:$0x8A10] =	vst v0  }
0x94: {  	[tilespmem:$0x8A20] =	vst v0  }
0x95: {  	[tilespmem:$0x8A30] =	vst v0  }
0x96: {  	[tilespmem:$0x8A40] =	vst v0  }
0x97: {  	[tilespmem:$0x8A50] =	vst v0  }
0x98: {  	[tilespmem:$0x8A60] =	vst v0  }
0x99: {  	[tilespmem:$0x8A70] =	vst v0  }
0x9a: {  	[tilespmem:$0x8A80] =	vst v0  }
0x9b: {  	[tilespmem:$0x8A90] =	vst v0  }
0x9c: {  	[tilespmem:$0x8AA0] =	vst v0  }
0x9d: {  	[tilespmem:$0x8AB0] =	vst v0  }
0x9e: {  	[tilespmem:$0x8AC0] =	vst v0  }
0x9f: {  	[tilespmem:$0x8AD0] =	vst v0  }
0xa0: {  	[tilespmem:$0x8AE0] =	vst v0  }
0xa1: {  	[tilespmem:$0x8AF0] =	vst v0  }
0xa2: {  	[tilespmem:$0x8B00] =	vst v0  }
0xa3: {  	[tilespmem:$0x8B10] =	vst v0  }
0xa4: {  	[tilespmem:$0x8B20] =	vst v0  }
0xa5: {  	[tilespmem:$0x8B30] =	vst v0  }
0xa6: {  	[tilespmem:$0x8B40] =	vst v0  }
0xa7: {  	[tilespmem:$0x8B50] =	vst v0  }
0xa8: {  	[tilespmem:$0x8B60] =	vst v0  }
0xa9: {  	[tilespmem:$0x8B70] =	vst v0  }
0xaa: {  	[tilespmem:$0x8B80] =	vst v0  }
0xab: {  	[tilespmem:$0x8B90] =	vst v0  }
0xac: {  	[tilespmem:$0x8BA0] =	vst v0  }
0xad: {  	[tilespmem:$0x8BB0] =	vst v0  }
0xae: {  	[tilespmem:$0x8BC0] =	vst v0  }
0xaf: {  	[tilespmem:$0x8BD0] =	vst v0  }
0xb0: {  	[tilespmem:$0x8BE0] =	vst v0  }
0xb1: {  	[tilespmem:$0x8BF0] =	vst v0;
	s12 =	rddreg [dreg:$0x9]  }
0xb2: {  	[spmem:s6] =	stream.linear.scatter [tilespmem:s30], [sflag:$0x3], $0x800, $0x38;
	[tilespmem:$0x1CC00] =	vst v63  }
0xb3: {  	s14 =	rddreg [dreg:$0xa]  }
0xb4: {  	[spmem:s12] =	stream.linear.scatter [tilespmem:s30], [sflag:$0x3], $0x800, $0x38;
	[tilespmem:$0x1CC00] =	vst v63  }
0xb5: {  	s16 =	rddreg [dreg:$0xb]  }
0xb6: {  	[spmem:s14] =	stream.linear.scatter [tilespmem:s30], [sflag:$0x3], $0x800, $0x38;
	[tilespmem:$0x1CC00] =	vst v63  }
0xb7: {  	s17 =	rddreg [dreg:$0xc]  }
0xb8: {  	[spmem:s16] =	stream.linear.scatter [tilespmem:s30], [sflag:$0x3], $0x800, $0x38;
	[tilespmem:$0x1CC00] =	vst v63  }
0xb9: {  	s23 =	rddreg [dreg:$0xd]  }
0xba: {  	[spmem:s17] =	stream.linear.scatter [tilespmem:s30], [sflag:$0x3], $0x800, $0x38;
	[tilespmem:$0x1CC00] =	vst v63  }
0xbb: {  	s13 =	rddreg [dreg:$0xe]  }
0xbc: {  	[spmem:s23] =	stream.linear.scatter [tilespmem:s30], [sflag:$0x3], $0x800, $0x38;
	[tilespmem:$0x1CC00] =	vst v63  }
0xbd: {  	s14 =	rddreg [dreg:$0xf]  }
0xbe: {  	[spmem:s13] =	stream.linear.scatter [tilespmem:s30], [sflag:$0x3], $0x800, $0x38;
	[tilespmem:$0x1CC00] =	vst v63  }
0xbf: {  	s16 =	rddreg [dreg:$0x10]  }
0xc0: {  	[spmem:s14] =	stream.linear.scatter [tilespmem:s30], [sflag:$0x3], $0x800, $0x38;
	[tilespmem:$0x1CC00] =	vst v63  }
0xc1: {  	s17 =	rddreg [dreg:$0x11]  }
0xc2: {  	[spmem:s16] =	stream.linear.scatter [tilespmem:s30], [sflag:$0x3], $0x800, $0x38;
	[tilespmem:$0x1CC00] =	vst v63  }
0xc3: {  	s23 =	rddreg [dreg:$0x12]  }
0xc4: {  	[spmem:s17] =	stream.linear.scatter [tilespmem:s30], [sflag:$0x3], $0x800, $0x38;
	[tilespmem:$0x1CC00] =	vst v63  }
0xc5: {  	s13 =	rddreg [dreg:$0x13]  }
0xc6: {  	[spmem:s23] =	stream.linear.scatter [tilespmem:s30], [sflag:$0x3], $0x800, $0x38;
	[tilespmem:$0x1CC00] =	vst v63  }
0xc7: {  	s14 =	rddreg [dreg:$0x14]  }
0xc8: {  	[spmem:s13] =	stream.linear.scatter [tilespmem:s30], [sflag:$0x3], $0x800, $0x38;
	[tilespmem:$0x1CC00] =	vst v63  }
0xc9: {  	s16 =	rddreg [dreg:$0x15]  }
0xca: {  	[spmem:s14] =	stream.linear.scatter [tilespmem:s30], [sflag:$0x3], $0x800, $0x38;
	[tilespmem:$0x1CC00] =	vst v63  }
0xcb: {  	s17 =	rddreg [dreg:$0x16]  }
0xcc: {  	[spmem:s16] =	stream.linear.scatter [tilespmem:s30], [sflag:$0x3], $0x800, $0x38;
	[tilespmem:$0x1CC00] =	vst v63  }
0xcd: {  	s23 =	rddreg [dreg:$0x17]  }
0xce: {  	[spmem:s17] =	stream.linear.scatter [tilespmem:s30], [sflag:$0x3], $0x800, $0x38;
	[tilespmem:$0x1CC00] =	vst v63  }
0xcf: {  	s13 =	rddreg [dreg:$0x18]  }
0xd0: {  	[spmem:s23] =	stream.linear.scatter [tilespmem:s30], [sflag:$0x3], $0x800, $0x38;
	[tilespmem:$0x1CC00] =	vst v63  }
0xd1: {  	s14 =	rddreg [dreg:$0x19]  }
0xd2: {  	[spmem:s13] =	stream.linear.scatter [tilespmem:s30], [sflag:$0x3], $0x800, $0x38;
	[tilespmem:$0x1CC00] =	vst v63  }
0xd3: {  	s16 =	rddreg [dreg:$0x1a]  }
0xd4: {  	[spmem:s14] =	stream.linear.scatter [tilespmem:s30], [sflag:$0x3], $0x800, $0x38;
	[tilespmem:$0x1CC00] =	vst v63  }
0xd5: {  	s17 =	rddreg [dreg:$0x1b]  }
0xd6: {  	[spmem:s16] =	stream.linear.scatter [tilespmem:s30], [sflag:$0x3], $0x800, $0x38;
	[tilespmem:$0x1CC00] =	vst v63  }
0xd7: {  	s23 =	rddreg [dreg:$0x1c]  }
0xd8: {  	[spmem:s17] =	stream.linear.scatter [tilespmem:s30], [sflag:$0x3], $0x800, $0x38;
	[tilespmem:$0x1CC00] =	vst v63  }
0xd9: {  	s13 =	rddreg [dreg:$0x1d]  }
0xda: {  	[spmem:s23] =	stream.linear.scatter [tilespmem:s30], [sflag:$0x3], $0x800, $0x38;
	[tilespmem:$0x1CC00] =	vst v63  }
0xdb: {  	s14 =	rddreg [dreg:$0x1e]  }
0xdc: {  	[spmem:s13] =	stream.linear.scatter [tilespmem:s30], [sflag:$0x3], $0x800, $0x38;
	[tilespmem:$0x1CC00] =	vst v63  }
0xdd: {  	s16 =	rddreg [dreg:$0x1f]  }
0xde: {  	[spmem:s14] =	stream.linear.scatter [tilespmem:s30], [sflag:$0x3], $0x800, $0x38;
	[tilespmem:$0x1CC00] =	vst v63  }
0xdf: {  	s17 =	sld [smem:$0x7F7]  }
0xe0: {  	[spmem:s16] =	stream.linear.scatter [tilespmem:s30], [sflag:$0x3], $0x800, $0x38;
	[tilespmem:$0x1CC00] =	vst v63  }
0xe1: {  	s23 =	sld [smem:$0x7F8]  }
0xe2: {  	[spmem:s17] =	stream.linear.scatter [tilespmem:s30], [sflag:$0x3], $0x800, $0x38;
	[tilespmem:$0x1CC00] =	vst v63  }
0xe3: {  	s13 =	sld [smem:$0x7F9]  }
0xe4: {  	[spmem:s23] =	stream.linear.scatter [tilespmem:s30], [sflag:$0x3], $0x800, $0x38;
	[tilespmem:$0x1CC00] =	vst v63  }
0xe5: {  	s14 =	sld [smem:$0x7FA]  }
0xe6: {  	[spmem:s13] =	stream.linear.scatter [tilespmem:s30], [sflag:$0x3], $0x800, $0x38;
	[tilespmem:$0x1CC00] =	vst v63  }
0xe7: {  	s16 =	sld [smem:$0x7FB]  }
0xe8: {  	[spmem:s14] =	stream.linear.scatter [tilespmem:s30], [sflag:$0x3], $0x800, $0x38;
	[tilespmem:$0x1CC00] =	vst v63  }
0xe9: {  	s17 =	sld [smem:$0x7FC]  }
0xea: {  	[spmem:s16] =	stream.linear.scatter [tilespmem:s30], [sflag:$0x3], $0x800, $0x38;
	[tilespmem:$0x1CC00] =	vst v63  }
0xeb: {  	s23 =	sld [smem:$0x7FD]  }
0xec: {  	[spmem:s17] =	stream.linear.scatter [tilespmem:s30], [sflag:$0x3], $0x800, $0x38;
	[tilespmem:$0x1CC00] =	vst v63  }
0xed: {  	_ = 	snop  }
0xee: {  	[spmem:s23] =	stream.linear.scatter [tilespmem:s30], [sflag:$0x3], $0x800, $0x38;
	[tilespmem:$0x1CC00] =	vst v63  }
0xef: {  	_ = 	snop  }
0xf0: {  	[spmem:s18] =	stream.linear.scatter [tilespmem:s30], [sflag:$0x3], $0x800, $0x38;
	[tilespmem:$0x1CC00] =	vst v63  }
0xf1: {  	_ = 	snop  }
0xf2: {  	[spmem:s19] =	stream.linear.scatter [tilespmem:s30], [sflag:$0x3], $0x800, $0x38;
	[tilespmem:$0x1CC00] =	vst v63  }
0xf3: {  	_ = 	snop  }
0xf4: {  	[spmem:s20] =	stream.linear.scatter [tilespmem:s30], [sflag:$0x3], $0x800, $0x38;
	[tilespmem:$0x1CC00] =	vst v63  }
0xf5: {  	_ = 	snop  }
0xf6: {  	[spmem:s21] =	stream.linear.scatter [tilespmem:s30], [sflag:$0x3], $0x800, $0x38;
	[tilespmem:$0x1CC00] =	vst v63  }
0xf7: {  	_ = 	snop  }
0xf8: {  	[spmem:s22] =	stream.linear.scatter [tilespmem:s30], [sflag:$0x3], $0x800, $0x38;
	[tilespmem:$0x1CC00] =	vst v63  }
0xf9: {  	_ = 	snop  }
0xfa: {  	[spmem:s25] =	stream.linear.scatter [tilespmem:s30], [sflag:$0x3], $0x800, $0x38;
	[tilespmem:$0x1CC00] =	vst v63  }
0xfb: {  	_ = 	snop  }
0xfc: {  	[spmem:s26] =	stream.linear.scatter [tilespmem:s30], [sflag:$0x3], $0x800, $0x38;
	[tilespmem:$0x1CC00] =	vst v63  }
0xfd: {  	_ = 	snop  }
0xfe: {  	[spmem:s28] =	stream.linear.scatter [tilespmem:s30], [sflag:$0x3], $0x800, $0x38;
	[tilespmem:$0x1CC00] =	vst v63  }
0xff: {  	_ = 	snop  }
0x100: {  	[spmem:s29] =	stream.linear.scatter [tilespmem:s30], [sflag:$0x3], $0x800, $0x38;
	[tilespmem:$0x1CC00] =	vst v63  }
0x101: {  	_ =	swait.ge [sflag:s31], $0x800  }
0x102: {  	s12 =	simm.s32 $0x27;
	[sflag:s31] =	ssyncset.done $0x0  }
.LBB2_2:
0x103: {  	p0 =	sne.s32 s12, $0x1;
	s12 =	sadd.s32 $0xFFFFFFFF, s12;
	[sflag:s31] =	ssyncadd.s32 $0xFFFFF800  }
.Ltmp0:
0x104: {  	(pc) =	sbr.rel @p0 .LBB2_2-.Ltmp0, $3  }
0x105: {  	_ =	sdelay $0x1  }
0x106: {  	_ =	swait.ge [sflag:s31], $0x800  }
0x107: {  	[sflag:s31] =	ssyncset.done $0x0  }
0x108: {  	[sflag:s31] =	ssyncadd.s32 $0xFFFFF800  }
0x109: {  	[bflag:$0x0] =	sbarrier.arrive $0xFFFF  }
0x10a: {  	s12 =	simm.s32 $0x0;
	s13 =	rddreg [dreg:$0x3]  }
0x10b: {  	[tilespmem:s12], [sflag:$0x4] =	stream.linear.gather [hbm4b:s13+s12], $0x100, $0x38;
	[tilespmem:$0x1CC00] =	vst v63  }
0x10c: {  	_ =	swait.ge [sflag:s0], $0x100  }
0x10d: {  	[sflag:s0] =	ssyncset.done $0x0  }
0x10e: {  	s17 =	rddreg [dreg:$0x4];
	[sflag:s0] =	ssyncadd.s32 $0xFFFFFF00  }
0x10f: {  	[tilespmem:s2], [sflag:$0x4] =	stream.linear.gather [hbm4b:s17+s12], $0x100, $0x38;
	[tilespmem:$0x1CC00] =	vst v63  }
0x110: {  	_ =	swait.ge [sflag:s0], $0x100  }
0x111: {  	[sflag:s0] =	ssyncset.done $0x0  }
0x112: {  	s14 =	simm.s32 $0x200;
	s23 =	rddreg [dreg:$0x5];
	[sflag:s0] =	ssyncadd.s32 $0xFFFFFF00  }
0x113: {  	[tilespmem:s14], [sflag:$0x4] =	stream.linear.gather [hbm4b:s23+s12], $0x100, $0x38;
	[tilespmem:$0x1CC00] =	vst v63  }
0x114: {  	_ =	swait.ge [sflag:s0], $0x100  }
0x115: {  	[sflag:s0] =	ssyncset.done $0x0  }
0x116: {  	s16 =	simm.s32 $0x300;
	s14 =	rddreg [dreg:$0x6];
	[sflag:s0] =	ssyncadd.s32 $0xFFFFFF00  }
0x117: {  	[tilespmem:s16], [sflag:$0x4] =	stream.linear.gather [hbm4b:s14+s12], $0x100, $0x38;
	[tilespmem:$0x1CC00] =	vst v63  }
0x118: {  	_ =	swait.ge [sflag:s0], $0x100  }
0x119: {  	[sflag:s0] =	ssyncset.done $0x0  }
0x11a: {  	[sflag:s0] =	ssyncadd.s32 $0xFFFFFF00  }
0x11b: {  	[tilespmem:s5], [sflag:$0x1] =	stream.indirect.gather [hbm4b:s4+s7], $0x80, s12, s7, $0xb8;
	[tilespmem:$0x1CC00] =	vst v63  }
0x11c: {  	_ = 	snop  }
0x11d: {  	[tilespmem:s8], [sflag:$0x2] =	stream.indirect.gather [hbm4b:s4+s7], $0x80, s2, s7, $0xb8;
	[tilespmem:$0x1CC00] =	vst v63  }
0x11e: {  	_ =	swait.ge [sflag:s9], $0x4000  }
0x11f: {  	s13 =	sand.u32 $0x200, s12;
	[sflag:s9] =	ssyncset.done $0x0  }
0x120: {  	s17 =	sor.u32 $0x80, s13;
	[sflag:s9] =	ssyncadd.s32 $0xFFFFC000  }
0x121: {  	[spmem:s1] =	stream.indirect.scatter.add.f32 [tilespmem:s5], [sflag:$0x4], $0x80, s17, s7, $0xb8;
	[tilespmem:$0x1CC00] =	vst v63  }
0x122: {  	_ =	swait.ge [sflag:s0], $0x4000  }
0x123: {  	s23 =	sxor.u32 $0xFFFFFFFF, s12;
	[sflag:s0] =	ssyncset.done $0x0  }
0x124: {  	s14 =	sand.u32 $0x800, s23;
	[sflag:s0] =	ssyncadd.s32 $0xFFFFC000  }
0x125: {  	[tilespmem:s13], [sflag:$0x3] =	stream.linear.gather [hbm4b:s24+s3], $0x100, $0x38;
	[tilespmem:$0x1CC00] =	vst v63  }
0x126: {  	s14 =	sshrl.u32 s14, $0x2  }
0x127: {  	[tilespmem:s5], [sflag:$0x1] =	stream.indirect.gather [hbm4b:s4+s7], $0x80, s14, s7, $0xb8;
	[tilespmem:$0x1CC00] =	vst v63  }
0x128: {  	_ =	swait.ge [sflag:s10], $0x4000  }
0x129: {  	[sflag:s10] =	ssyncset.done $0x0  }
0x12a: {  	s16 =	sor.u32 $0x180, s13;
	[sflag:s10] =	ssyncadd.s32 $0xFFFFC000  }
0x12b: {  	[spmem:s1] =	stream.indirect.scatter.add.f32 [tilespmem:s8], [sflag:$0x4], $0x80, s16, s7, $0xb8;
	[tilespmem:$0x1CC00] =	vst v63  }
0x12c: {  	_ =	swait.ge [sflag:s0], $0x4000  }
0x12d: {  	s17 =	simm.s32 $0xC00;
	[sflag:s0] =	ssyncset.done $0x0  }
0x12e: {  	s13 =	sor.u32 $0x100, s13;
	s14 =	sand.u32 $0xC00, s17;
	[sflag:s0] =	ssyncadd.s32 $0xFFFFC000  }
0x12f: {  	[tilespmem:s13], [sflag:$0x3] =	stream.linear.gather [hbm4b:s15+s3], $0x100, $0x38;
	[tilespmem:$0x1CC00] =	vst v63  }
0x130: {  	s23 =	sshrl.u32 s14, $0x2  }
0x131: {  	[tilespmem:s8], [sflag:$0x2] =	stream.indirect.gather [hbm4b:s4+s7], $0x80, s23, s7, $0xb8;
	[tilespmem:$0x1CC00] =	vst v63  }
0x132: {  	_ =	swait.ge [sflag:s31], $0x100  }
0x133: {  	[sflag:s31] =	ssyncset.done $0x0  }
0x134: {  	s14 =	sadd.s32 $0x40, s24;
	[sflag:s31] =	ssyncadd.s32 $0xFFFFFF00  }
0x135: {  	s13 =	simm.s32 $0x200;
	s23 =	smov.u32 s15;
	_ =	swait.ge [sflag:s31], $0x100  }
.LBB2_4:
0x136: {  	[sflag:s31] =	ssyncset.done $0x0  }
0x137: {  	s12 =	sadd.s32 $0x800, s12;
	s23 =	sadd.s32 $0x40, s23;
	s16 =	smov.u32 s13  }
0x138: {  	p0 =	sne.s32 s13, $0x4E00;
	s13 =	sadd.s32 $0x200, s13;
	[sflag:s31] =	ssyncadd.s32 $0xFFFFFF00  }
0x139: {  	_ =	swait.ge [sflag:s9], $0x4000  }
0x13a: {  	s16 =	sand.u32 $0x200, s16;
	[sflag:s9] =	ssyncset.done $0x0  }
0x13b: {  	s17 =	sor.u32 $0x80, s16;
	[sflag:s9] =	ssyncadd.s32 $0xFFFFC000  }
0x13c: {  	[spmem:s1] =	stream.indirect.scatter.add.f32 [tilespmem:s5], [sflag:$0x4], $0x80, s17, s7, $0xb8;
	[tilespmem:$0x1CC00] =	vst v63  }
0x13d: {  	_ =	swait.ge [sflag:s0], $0x4000  }
0x13e: {  	[sflag:s0] =	ssyncset.done $0x0  }
0x13f: {  	s17 =	sxor.u32 $0xFFFFFFFF, s12;
	[sflag:s0] =	ssyncadd.s32 $0xFFFFC000  }
0x140: {  	[tilespmem:s16], [sflag:$0x3] =	stream.linear.gather [hbm4b:s14+s3], $0x100, $0x38;
	[tilespmem:$0x1CC00] =	vst v63  }
0x141: {  	s17 =	sand.u32 $0x800, s17  }
0x142: {  	s17 =	sshrl.u32 s17, $0x2  }
0x143: {  	[tilespmem:s5], [sflag:$0x1] =	stream.indirect.gather [hbm4b:s4+s7], $0x80, s17, s7, $0xb8;
	[tilespmem:$0x1CC00] =	vst v63  }
0x144: {  	_ =	swait.ge [sflag:s10], $0x4000  }
0x145: {  	s17 =	sor.u32 $0x180, s16;
	[sflag:s10] =	ssyncset.done $0x0  }
0x146: {  	[sflag:s10] =	ssyncadd.s32 $0xFFFFC000  }
0x147: {  	[spmem:s1] =	stream.indirect.scatter.add.f32 [tilespmem:s8], [sflag:$0x4], $0x80, s17, s7, $0xb8;
	[tilespmem:$0x1CC00] =	vst v63  }
0x148: {  	_ =	swait.ge [sflag:s0], $0x4000  }
0x149: {  	s16 =	sor.u32 $0x100, s16;
	s17 =	sadd.s32 $0xC00, s12;
	[sflag:s0] =	ssyncset.done $0x0  }
0x14a: {  	s17 =	sand.u32 $0xC00, s17;
	[sflag:s0] =	ssyncadd.s32 $0xFFFFC000  }
0x14b: {  	[tilespmem:s16], [sflag:$0x3] =	stream.linear.gather [hbm4b:s23+s3], $0x100, $0x38;
	[tilespmem:$0x1CC00] =	vst v63  }
0x14c: {  	s16 =	sshrl.u32 s17, $0x2  }
0x14d: {  	[tilespmem:s8], [sflag:$0x2] =	stream.indirect.gather [hbm4b:s4+s7], $0x80, s16, s7, $0xb8;
	[tilespmem:$0x1CC00] =	vst v63  }
.Ltmp1:
0x14e: {  	_ = 	snop;
	(pc) =	sbr.rel @p0 .LBB2_4-.Ltmp1, $4  }
0x14f: {  	_ =	swait.ge [sflag:s31], $0x100  }
0x150: {  	[sflag:s31] =	ssyncset.done $0x0  }
0x151: {  	[sflag:s31] =	ssyncadd.s32 $0xFFFFFF00  }
0x152: {  	s14 =	sadd.s32 $0x40, s14;
	_ =	swait.ge [sflag:s31], $0x100  }
0x153: {  	[sflag:s31] =	ssyncset.done $0x0  }
0x154: {  	[sflag:s31] =	ssyncadd.s32 $0xFFFFFF00  }
0x155: {  	_ =	swait.ge [sflag:s9], $0x4000  }
0x156: {  	[sflag:s9] =	ssyncset.done $0x0  }
0x157: {  	[sflag:s9] =	ssyncadd.s32 $0xFFFFC000  }
0x158: {  	_ =	swait.ge [sflag:s10], $0x4000  }
0x159: {  	[sflag:s10] =	ssyncset.done $0x0  }
0x15a: {  	s12 =	stileid.u32;
	[sflag:s10] =	ssyncadd.s32 $0xFFFFC000  }
0x15b: {  	s12 =	sshll.u32 s12, $0x6;
	[bflag:$0x0] =	sbarrier.arrive $0xFFFF  }
0x15c: {  	s13 =	sshrl.u32 s6, $0x3;
	s12 =	sor.u32 $0x1C04, s12;
	s14 =	rddreg [dreg:$0x7]  }
0x15d: {  	[hbm:s14], [sflag:s12] =	dma.local [spmem:s13], $0x2800  }
0x15e: {  	_ =	swait.ge [sflag:s0], $0x2800  }
0x15f: {  	s11 =	sadd.s32 $0x1, s11;
	s23 =	rddreg [dreg:$0x8]  }
0x160: {  	p0 =	sne.s32 s11, s23  }
.Ltmp2:
0x161: {  	_ = 	snop;
	(pc) =	sbr.rel @p0 .LBB2_1-.Ltmp2, $3  }
0x162: {  	_ =	sdelay $0x1  }
0x163: {  	[sflag:s0] =	ssyncset.done $0x0  }
0x164: {  	[sflag:s0] =	ssyncadd.s32 $0xFFFFD800  }
0x165: {  	_ =	sfence.sel $0x180000  }
0x166: {  	[bflag:$0x0] =	sbarrier.arrive $0xFFFF  }
0x167: {  	_ =	strace $0x9000004A  }
0x168: {  	s0 =	stileid.u32;
	[bflag:$0x2] =	sbarrier.arrive $0xFFFF  }
0x169: {  	p0 =	sne.s32 s0, $0x0;
	s0 =	rddreg [dreg:$0x2]  }
0x16a: {  	s0 =	sadd.s32 @!p0 $0x100000, s0  }
0x16b: {  	[sflag:s0] =	ssyncadd.tile.s32 @!p0 $0x1;
	_ =	shalt  }
.Lfunc_end2:
_tile_overlayer_lowered:
.L_overlay_start_2:
0x16c: {  	(tag) =	ssettag $0x2  }
0x16d: {  	s0 =	rddreg [dreg:$0x0];
	s2 =	stileid.u32  }
0x16e: {  	s1 =	rddreg [dreg:$0x1];
	p0 =	sne.s32 s2, $0x0  }
0x16f: {  	s3 =	rddreg [dreg:$0x2];
	[bflag:$0x3] =	sbarrier.arrive $0xFFFF;
	s2 =	simm.s32 @!p0 $0x1C04  }
0x170: {  	[timem:s3], [sflag:s2] =	dma.local @!p0 [hbm:s0], s1  }
0x171: {  	s0 =	simm.s32 @!p0 $0x4  }
0x172: {  	_ =	swait.ge @!p0 [sflag:s0], s1  }
0x173: {  	s1 =	ssub.s32 @!p0 $0x0, s1;
	[sflag:s0] =	ssyncset.done @!p0 $0x0  }
0x174: {  	[sflag:s0] =	ssyncadd.s32 @!p0 s1  }
0x175: {  	[bflag:$0x3] =	sbarrier.arrive $0xFFFF  }
0x176: {  	_ =	shalt  }

// kernel: kernel.14.cloned.1.call-start
scs
__scs_entry_jumppad:
0x0: {  	(pc) =	sbr.rel $0x88, $3  }
0x1: {  	(tag) =	ssettag $0x0;
	lr =	simm.s32 $0x1  }
0x2: {  	[smem:$0x3F9B] =	sst lr;
	_ =	strace $0xD0000000  }
0x3: {  	_ = 	snop  }
0x4: {  	_ = 	snop  }
0x5: {  	_ = 	snop  }
0x6: {  	_ = 	snop  }
0x7: {  	_ = 	snop  }
__scs_overlays_trampoline_lowered:
0x8: {  	[smem:$0x3FAA] =	sst s0  }
0x9: {  	[smem:$0x3FAB] =	sst s1  }
0xa: {  	[smem:$0x3FAC] =	sst s2  }
0xb: {  	[smem:$0x3FAD] =	sst s3  }
0xc: {  	[smem:$0x3FAE] =	sst s4  }
0xd: {  	[smem:$0x3FAF] =	sst s5  }
0xe: {  	[smem:$0x3FB0] =	sst s6  }
0xf: {  	[smem:$0x3FB1] =	sst s7  }
0x10: {  	[smem:$0x3FB2] =	sst s8  }
0x11: {  	[smem:$0x3FB3] =	sst s9;
	s0 =	simm.s32 @!p0 $0x0  }
0x12: {  	s1 =	sld [smem:$0x3F99];
	s0 =	simm.s32 @p0 $0x1  }
0x13: {  	[smem:$0x3FB4] =	sst s0;
	s0 =	simm.s32 @!p1 $0x0  }
0x14: {  	s2 =	sld [smem:$0x3F98];
	s0 =	simm.s32 @p1 $0x1  }
0x15: {  	[smem:$0x3FB5] =	sst s0;
	s0 =	simm.s32 @!p2 $0x0  }
0x16: {  	s3 =	sld [smem:$0x3FDB];
	s0 =	simm.s32 @p2 $0x1  }
0x17: {  	s4 =	simm.s32 $0x1BF5;
	[smem:$0x3FB7] =	sst s0  }
0x18: {  	s0 =	sld [smem:$0x3F9A];
	_ =	swait.ge [sflag:s4], $0x0  }
0x19: {  	s7 =	sld [smem:$0x3F9B]  }
0x1a: {  	s8 =	sadd.s32 $0xFFFFE003, lr  }
0x1b: {  	s9 =	sadd.s32 $0xFFFFFEF7, lr;
	s5 =	simm.s32 $0xFFFFFFFF;
	p2 =	slt.u32 s8, $0xFFFFF086  }
0x1c: {  	p1 =	slt.u32 s9, $0xF7A;
	s5 =	simm.s32 @!p2 $0x0  }
0x1d: {  	s5 =	simm.s32 @p1 $0x1;
	p0 =	seq.s32 s7, s2  }
0x1e: {  	s7 =	smul.u32 @!p0 $0xF7A, s2;
	p2 =	seq.s32 @!p0 s5, $0x0  }
0x1f: {  	s9 =	smul.u32 $0xF7A, s1;
	s8 =	simm.s32 @!p0 $0x1BF5;
	p2 =	por !p2, p0  }
0x20: {  	[sflag:s8] =	ssyncset.s32 @!p0 $0xFFFFF086;
	s6 =	sadd.s32 @!p0 s3, s7;
	s7 =	simm.s32 @!p0 $0x108  }
0x21: {  	s3 =	sadd.s32 s3, s9;
	s6 =	sadd.s32 @!p0 $0x88, s6;
	s7 =	simm.s32 @p2 $0x1082  }
0x22: {  	[simem:s7], [sflag:s8] =	dma.local @!p0 [hbm:s6], $0xF7A  }
0x23: {  	s9 =	sor.u32 $0xD0000000, s2;
	s6 =	simm.s32 $0x108;
	_ =	swait.ge @!p0 [sflag:s8], $0x0  }
0x24: {  	s3 =	sadd.s32 $0x88, s3;
	s6 =	simm.s32 @!p1 $0x1082;
	[sflag:s4] =	ssyncset.s32 $0xFFFFF086  }
0x25: {  	[simem:s6], [sflag:s4] =	dma.local [hbm:s3], $0xF7A  }
0x26: {  	[smem:$0x3F9B] =	sst s1;
	(tag) =	ssettag s2;
	_ =	strace s9  }
0x27: {  	s1 =	sld [smem:$0x3FAB]  }
0x28: {  	s2 =	sld [smem:$0x3FAC]  }
0x29: {  	s4 =	sld [smem:$0x3FAE]  }
0x2a: {  	p0 =	seq.s32 s5, $0x0;
	s5 =	sld [smem:$0x3FAF]  }
0x2b: {  	s6 =	sld [smem:$0x3FB0]  }
0x2c: {  	s7 =	sld [smem:$0x3FB1]  }
0x2d: {  	s3 =	simm.s32 $0x108;
	s8 =	sld [smem:$0x3FB2]  }
0x2e: {  	s3 =	simm.s32 @!p0 $0x1082;
	s9 =	sld [smem:$0x3FB3]  }
0x2f: {  	lr =	sadd.s32 s0, s3;
	s0 =	sld [smem:$0x3FAA]  }
0x30: {  	s3 =	sld [smem:$0x3FAD]  }
0x31: {  	[smem:$0x3FB6] =	sst s10  }
0x32: {  	s10 =	sld [smem:$0x3FB4];
	_ =	sdelay $0x3  }
0x33: {  	p0 =	seq.s32 s10, $0x1;
	s10 =	sld [smem:$0x3FB6];
	_ =	sdelay $0x3  }
0x34: {  	[smem:$0x3FB6] =	sst s10  }
0x35: {  	s10 =	sld [smem:$0x3FB5];
	_ =	sdelay $0x3  }
0x36: {  	p1 =	seq.s32 s10, $0x1;
	s10 =	sld [smem:$0x3FB6];
	_ =	sdelay $0x3  }
0x37: {  	[smem:$0x3FB6] =	sst s10  }
0x38: {  	s10 =	sld [smem:$0x3FB7]  }
0x39: {  	_ = 	snop;
	(pc) =	sbr.ind lr, $3  }
0x3a: {  	_ = 	snop  }
0x3b: {  	_ = 	snop  }
0x3c: {  	p2 =	seq.s32 s10, $0x1;
	s10 =	sld [smem:$0x3FB6]  }
0x3d: {  	_ =	shalt  }
0x3e: {  	_ =	shalt  }
0x3f: {  	_ =	shalt  }
0x40: {  	_ =	shalt  }
0x41: {  	_ =	shalt  }
0x42: {  	_ =	shalt  }
0x43: {  	_ =	shalt  }
0x44: {  	_ =	shalt  }
0x45: {  	_ =	shalt  }
0x46: {  	_ =	shalt  }
0x47: {  	_ =	shalt  }
0x48: {  	_ =	shalt  }
0x49: {  	_ =	shalt  }
0x4a: {  	_ =	shalt  }
0x4b: {  	_ =	shalt  }
0x4c: {  	_ =	shalt  }
0x4d: {  	_ =	shalt  }
0x4e: {  	_ =	shalt  }
0x4f: {  	_ =	shalt  }
0x50: {  	_ =	shalt  }
0x51: {  	_ =	shalt  }
0x52: {  	_ =	shalt  }
0x53: {  	_ =	shalt  }
0x54: {  	_ =	shalt  }
0x55: {  	_ =	shalt  }
0x56: {  	_ =	shalt  }
0x57: {  	_ =	shalt  }
0x58: {  	_ =	shalt  }
0x59: {  	_ =	shalt  }
0x5a: {  	_ =	shalt  }
0x5b: {  	_ =	shalt  }
0x5c: {  	_ =	shalt  }
0x5d: {  	_ =	shalt  }
0x5e: {  	_ =	shalt  }
0x5f: {  	_ =	shalt  }
0x60: {  	_ =	shalt  }
0x61: {  	_ =	shalt  }
0x62: {  	_ =	shalt  }
0x63: {  	_ =	shalt  }
0x64: {  	_ =	shalt  }
0x65: {  	_ =	shalt  }
0x66: {  	_ =	shalt  }
0x67: {  	_ =	shalt  }
0x68: {  	_ =	shalt  }
0x69: {  	_ =	shalt  }
0x6a: {  	_ =	shalt  }
0x6b: {  	_ =	shalt  }
0x6c: {  	_ =	shalt  }
0x6d: {  	_ =	shalt  }
0x6e: {  	_ =	shalt  }
0x6f: {  	_ =	shalt  }
0x70: {  	_ =	shalt  }
0x71: {  	_ =	shalt  }
0x72: {  	_ =	shalt  }
0x73: {  	_ =	shalt  }
0x74: {  	_ =	shalt  }
0x75: {  	_ =	shalt  }
0x76: {  	_ =	shalt  }
0x77: {  	_ =	shalt  }
0x78: {  	_ =	shalt  }
0x79: {  	_ =	shalt  }
0x7a: {  	_ =	shalt  }
0x7b: {  	_ =	shalt  }
0x7c: {  	_ =	shalt  }
0x7d: {  	_ =	shalt  }
0x7e: {  	_ =	shalt  }
0x7f: {  	_ =	shalt  }
0x80: {  	_ =	shalt  }
0x81: {  	_ =	shalt  }
0x82: {  	_ =	shalt  }
0x83: {  	_ =	shalt  }
0x84: {  	_ =	shalt  }
0x85: {  	_ =	shalt  }
0x86: {  	_ =	shalt  }
0x87: {  	_ =	shalt  }
.Lfunc_end0:
.L_simem_size_0:
called_computation.2_lowered:
.L_overlay_start_0:
0x88: {  	s2 =	sld [smem:$0x3FD9]  }
0x89: {  	s3 =	sld [smem:$0x3FFE];
	_ =	sdelay $0x1  }
0x8a: {  	s1 =	srdreg.scid  }
0x8b: {  	s0 =	sand.u32 $0x1, s1  }
0x8c: {  	s16 =	sshll.u32 s0, $0xA;
	s2 =	sadd.s32 s3, s2  }
0x8d: {  	s2 =	sadd.s32 s2, s16  }
0x8e: {  	[smem:$0x3FC2] =	sst s2  }
0x8f: {  	_ = 	snop  }
0x90: {  	(tm) =	ssettm $0x1  }
0x91: {  	s17 =	sld [smem:$0x3FFB];
	_ =	sdelay $0x3  }
0x92: {  	_ =	strace s17  }
0x93: {  	s2 =	sld [smem:$0x3FFC];
	_ =	sdelay $0x3  }
0x94: {  	_ =	strace s2  }
0x95: {  	s2 =	sld [smem:$0x3FFD];
	_ =	sdelay $0x3  }
0x96: {  	_ =	strace s2  }
0x97: {  	_ =	strace $0x8FFFFFFF  }
0x98: {  	s18 =	sld [smem:$0x3FDB];
	_ =	sdelay $0x1  }
0x99: {  	s19 =	simm.s32 $_scs_section_size  }
0x9a: {  	s4 =	simm.s32 $_size__tile_overlayer_lowered;
	s5 =	simm.s32 $_tile_overlayer_lowered  }
0x9b: {  	s22 =	simm.s32 $0x1BFF;
	s21 =	sshll.u32 s5, $0x1;
	s2 =	sadd.s32 s19, s18  }
0x9c: {  	s6 =	simm.s32 $0x0;
	s20 =	sshll.u32 s4, $0x1;
	s4 =	sadd.s32 s21, s2  }
0x9d: {  	[timem:s6], [sflag:s22] =	dma.local [hbm:s4], s20  }
0x9e: {  	_ =	swait.ge [sflag:s22], s20  }
0x9f: {  	s3 =	ssub.s32 $0x0, s20;
	[sflag:s22] =	ssyncset.done $0x0  }
0xa0: {  	[sflag:s22] =	ssyncadd.s32 s3;
	_ =	sdelay $0x1  }
0xa1: {  	s23 =	simm.s32 $0x1B8B  }
0xa2: {  	_ =	swait.ge [sflag:s23], $0x1  }
0xa3: {  	[sflag:s23] =	ssyncset.done $0x0  }
0xa4: {  	s25 =	simm.s32 $0x1B8E;
	s24 =	sld [smem:$0x3FFE];
	[sflag:s23] =	ssyncadd.s32 $0xFFFFFFFF  }
0xa5: {  	s26 =	simm.s32 $execute0_lowered;
	[smem:$0x3FD2] =	sst s25  }
0xa6: {  	s4 =	sshll.u32 s26, $0x1;
	_ =	strace $0x8000004C;
	[dreg:$0x1] =	wrdreg $0xFFFFFFFF  }
0xa7: {  	s28 =	simm.s32 $_size_execute0_lowered;
	s2 =	sadd.s32 s2, s4;
	[dreg:$0x0] =	wrdreg $0x0  }
0xa8: {  	s4 =	sshll.u32 s28, $0x1;
	[dreg:$0x2] =	wrdreg s2  }
0xa9: {  	[dreg:$0x3] =	wrdreg s4  }
0xaa: {  	[dreg:$0x4] =	wrdreg $0xC0  }
0xab: {  	_ =	task [dreg:s6], $0x5FFFF  }
0xac: {  	[dreg:$0x1] =	wrdreg $0xFFFFFFFF  }
0xad: {  	[dreg:$0x0] =	wrdreg $0x60  }
0xae: {  	[dreg:$0x2] =	wrdreg s24  }
0xaf: {  	[dreg:$0x3] =	wrdreg $0x5E800  }
0xb0: {  	[dreg:$0x4] =	wrdreg $0x9  }
0xb1: {  	_ =	task.clear_ibuf [dreg:s6], $0x5FFFF;
	_ =	strace $0x9000004C  }
0xb2: {  	s29 =	simm.s32 $0x9;
	_ =	strace $0x8000004E  }
0xb3: {  	_ =	swait.ge [sflag:s29], $0x1  }
0xb4: {  	[sflag:s29] =	ssyncadd.s32 $0xFFFFFFFF  }
0xb5: {  	_ =	strace $0x9000004E  }
0xb6: {  	_ =	sfence  }
0xb7: {  	s30 =	sld [smem:$0x0];
	_ =	sdelay $0x2  }
0xb8: {  	s31 =	sshll.u32 s1, $0xD;
	s1 =	sshrl.u32 s1, $0x2  }
0xb9: {  	s3 =	sand.u32 $0x4000, s31;
	s1 =	sadd.s32 s1, s30  }
0xba: {  	s0 =	sor.u32 s3, s0;
	s1 =	sshll.u32 s1, $0x11  }
0xbb: {  	s0 =	sor.u32 s1, s0  }
0xbc: {  	s0 =	sadd.s32 $0x8F2B, s0  }
0xbd: {  	[sflag:s0] =	ssyncadd.remote.s32 $0x1  }
0xbe: {  	_ =	sfence.sel $0xFFFF  }
0xbf: {  	[dreg:$0x0] =	wrdreg $0xFFFFFFFF;
	(pc) =	sbr.abs _section_cstart, $3  }
0xc0: {  	[dreg:$0x1] =	wrdreg $0xFFFFFFFF  }
0xc1: {  	_ =	task.clear_ibuf [dreg:s6], $0x2FFFF;
	_ =	strace $0x9FFFFFFF  }
0xc2: {  	(tm) =	ssettm $0x7FFFFFFF  }
0xc3: {  	_ =	shalt  }
tec
execute0_lowered:
.L_overlay_start_1:
0x0: {  	(tag) =	ssettag $0x1  }
0x1: {  	s0 =	rddreg [dreg:$0x0]  }
0x2: {  	s1 =	rddreg [dreg:$0x1]  }
0x3: {  	s3 =	simm.s32 $0x0;
	s2 =	srdreg.scid;
	s8 =	stileid.u32  }
0x4: {  	s10 =	simm.s32 $0x9;
	s13 =	simm.s32 $0x80;
	s14 =	simm.s32 $0x5800  }
0x5: {  	s15 =	simm.s32 $0x5880;
	s17 =	simm.s32 $0x5900;
	s19 =	simm.s32 $0x5980  }
0x6: {  	s21 =	simm.s32 $0x5A00;
	s23 =	simm.s32 $0x5A80;
	s28 =	simm.s32 $0x5B80  }
0x7: {  	s29 =	simm.s32 $0x1;
	s30 =	simm.s32 $0x2;
	s31 =	simm.s32 $0x3  }
0x8: {  	s11 =	simm.s32 $0x5;
	s12 =	simm.s32 $0x6;
	s16 =	simm.s32 $0x7  }
0x9: {  	s18 =	simm.s32 $0x8;
	s22 =	simm.s32 $0x0;
	[smem:$0x7FF] =	sst s3  }
0xa: {  	s2 =	sand.u32 $0x1, s2;
	s5 =	sshll.u32 s8, $0x1;
	s6 =	smul.u32 $0x500, s8  }
0xb: {  	s4 =	sadd.s32 $0xCE00, s0;
	s8 =	smul.u32 $0xA00, s8;
	_ =	strace $0x8000004D  }
0xc: {  	s5 =	sor.u32 s2, s5;
	s7 =	sshll.u32 s2, $0x7;
	s2 =	ssub.s32 $0x2, s2  }
0xd: {  	s5 =	smul.u32 $0x580, s5;
	s6 =	sor.u32 s7, s6;
	s25 =	sshrl.u32 s2, $0x1  }
0xe: {  	s26 =	sshrl.u32 s8, $0x2;
	s6 =	sshrl.u32 s6, $0x3;
	s2 =	ssub.s32 s2, s25  }
0xf: {  	s7 =	sadd.s32 s26, s1;
	s25 =	simm.s32 $0x5B00;
	s9 =	sadd.s32 s5, s0  }
0x10: {  	s0 =	sadd.s32 s6, s0;
	s5 =	sadd.s32 $0xD800, s9;
	s6 =	sadd.s32 $0x1E00, s9  }
0x11: {  	v0 =	vimm.f32 $0.0e+00;
	s8 =	sadd.s32 $0x18800, s0;
	s9 =	smax.u32 s2, $0x1;
	s0 =	simm.s32 $0x4  }
.LBB2_1:
0x12: {  	[tilespmem:s3], [sflag:$0x9] =	stream.linear.gather [hbm4b:s5+s3], $0x2A00, $0x38;
	[tilespmem:$0x6100] =	vst v63  }
0x13: {  	_ =	swait.ge [sflag:s10], $0x2A00  }
0x14: {  	[sflag:s10] =	ssyncset.done $0x0  }
0x15: {  	s2 =	simm.s32 $0x2C00;
	[sflag:s10] =	ssyncadd.s32 $0xFFFFD600  }
0x16: {  	[tilespmem:s2], [sflag:$0x9] =	stream.linear.gather [hbm4b:s6+s3], $0x2A00, $0x38;
	[tilespmem:$0x6100] =	vst v63  }
0x17: {  	_ =	swait.ge [sflag:s10], $0x2A00  }
0x18: {  	[sflag:s10] =	ssyncset.done $0x0  }
0x19: {  	[sflag:s10] =	ssyncadd.s32 $0xFFFFD600  }
0x1a: {  	[tilespmem:$0x5C00] =	vst v0  }
0x1b: {  	[tilespmem:$0x5C10] =	vst v0  }
0x1c: {  	[tilespmem:$0x5C20] =	vst v0  }
0x1d: {  	[tilespmem:$0x5C30] =	vst v0  }
0x1e: {  	[tilespmem:$0x5C40] =	vst v0  }
0x1f: {  	[tilespmem:$0x5C50] =	vst v0  }
0x20: {  	[tilespmem:$0x5C60] =	vst v0  }
0x21: {  	[tilespmem:$0x5C70] =	vst v0  }
0x22: {  	[tilespmem:$0x5C80] =	vst v0  }
0x23: {  	[tilespmem:$0x5C90] =	vst v0  }
0x24: {  	[tilespmem:$0x5CA0] =	vst v0  }
0x25: {  	[tilespmem:$0x5CB0] =	vst v0  }
0x26: {  	[tilespmem:$0x5CC0] =	vst v0  }
0x27: {  	[tilespmem:$0x5CD0] =	vst v0  }
0x28: {  	[tilespmem:$0x5CE0] =	vst v0  }
0x29: {  	[tilespmem:$0x5CF0] =	vst v0  }
0x2a: {  	[tilespmem:$0x5D00] =	vst v0  }
0x2b: {  	[tilespmem:$0x5D10] =	vst v0  }
0x2c: {  	[tilespmem:$0x5D20] =	vst v0  }
0x2d: {  	[tilespmem:$0x5D30] =	vst v0  }
0x2e: {  	[tilespmem:$0x5D40] =	vst v0  }
0x2f: {  	[tilespmem:$0x5D50] =	vst v0  }
0x30: {  	[tilespmem:$0x5D60] =	vst v0  }
0x31: {  	[tilespmem:$0x5D70] =	vst v0  }
0x32: {  	[tilespmem:$0x5D80] =	vst v0  }
0x33: {  	[tilespmem:$0x5D90] =	vst v0  }
0x34: {  	[tilespmem:$0x5DA0] =	vst v0  }
0x35: {  	[tilespmem:$0x5DB0] =	vst v0  }
0x36: {  	[tilespmem:$0x5DC0] =	vst v0  }
0x37: {  	[tilespmem:$0x5DD0] =	vst v0  }
0x38: {  	[tilespmem:$0x5DE0] =	vst v0  }
0x39: {  	[tilespmem:$0x5DF0] =	vst v0  }
0x3a: {  	[tilespmem:$0x5E00] =	vst v0  }
0x3b: {  	[tilespmem:$0x5E10] =	vst v0  }
0x3c: {  	[tilespmem:$0x5E20] =	vst v0  }
0x3d: {  	[tilespmem:$0x5E30] =	vst v0  }
0x3e: {  	[tilespmem:$0x5E40] =	vst v0  }
0x3f: {  	[tilespmem:$0x5E50] =	vst v0  }
0x40: {  	[tilespmem:$0x5E60] =	vst v0  }
0x41: {  	s24 =	simm.s32 $0x5C00;
	[tilespmem:$0x5E70] =	vst v0  }
0x42: {  	[spmem:s7] =	stream.linear.scatter [tilespmem:s24], [sflag:$0x9], $0x280, $0x38;
	[tilespmem:$0x6100] =	vst v63  }
0x43: {  	_ =	swait.ge [sflag:s10], $0x280  }
0x44: {  	[sflag:s10] =	ssyncset.done $0x0  }
0x45: {  	[sflag:s10] =	ssyncadd.s32 $0xFFFFFD80  }
0x46: {  	[bflag:$0x0] =	sbarrier.arrive $0xFFFF  }
0x47: {  	[tilespmem:s14], [sflag:$0x1] =	stream.indirect.gather [hbm4b:s4+s13], $0x1, s3, s13, $0xb8;
	[tilespmem:$0x6100] =	vst v63  }
0x48: {  	_ = 	snop  }
0x49: {  	[tilespmem:s15], [sflag:$0x2] =	stream.indirect.gather [hbm4b:s4+s13], $0x1, s13, s13, $0xb8;
	[tilespmem:$0x6100] =	vst v63  }
0x4a: {  	s26 =	simm.s32 $0x100  }
0x4b: {  	[tilespmem:s17], [sflag:$0x3] =	stream.indirect.gather [hbm4b:s4+s13], $0x1, s26, s13, $0xb8;
	[tilespmem:$0x6100] =	vst v63  }
0x4c: {  	s20 =	simm.s32 $0x180  }
0x4d: {  	[tilespmem:s19], [sflag:$0x4] =	stream.indirect.gather [hbm4b:s4+s13], $0x1, s20, s13, $0xb8;
	[tilespmem:$0x6100] =	vst v63  }
0x4e: {  	s24 =	simm.s32 $0x200  }
0x4f: {  	[tilespmem:s21], [sflag:$0x5] =	stream.indirect.gather [hbm4b:s4+s13], $0x1, s24, s13, $0xb8;
	[tilespmem:$0x6100] =	vst v63  }
0x50: {  	s26 =	simm.s32 $0x280  }
0x51: {  	[tilespmem:s23], [sflag:$0x6] =	stream.indirect.gather [hbm4b:s4+s13], $0x1, s26, s13, $0xb8;
	[tilespmem:$0x6100] =	vst v63  }
0x52: {  	s20 =	simm.s32 $0x300  }
0x53: {  	[tilespmem:s25], [sflag:$0x7] =	stream.indirect.gather [hbm4b:s4+s13], $0x1, s20, s13, $0xb8;
	[tilespmem:$0x6100] =	vst v63  }
0x54: {  	s24 =	simm.s32 $0x380  }
0x55: {  	[tilespmem:s28], [sflag:$0x8] =	stream.indirect.gather [hbm4b:s4+s13], $0x1, s24, s13, $0xb8;
	[tilespmem:$0x6100] =	vst v63  }
0x56: {  	_ =	swait.ge [sflag:s29], $0x80  }
0x57: {  	[sflag:s29] =	ssyncset.done $0x0  }
0x58: {  	s26 =	simm.s32 $0x2C00;
	[sflag:s29] =	ssyncadd.s32 $0xFFFFFF80  }
0x59: {  	[spmem:s1] =	stream.indirect.scatter.add.f32 [tilespmem:s14], [sflag:$0x9], $0x1, s26, s13, $0xb8;
	[tilespmem:$0x6100] =	vst v63  }
0x5a: {  	_ =	swait.ge [sflag:s10], $0x80  }
0x5b: {  	[sflag:s10] =	ssyncset.done $0x0  }
0x5c: {  	s20 =	simm.s32 $0x400;
	[sflag:s10] =	ssyncadd.s32 $0xFFFFFF80  }
0x5d: {  	[tilespmem:s14], [sflag:$0x1] =	stream.indirect.gather [hbm4b:s4+s13], $0x1, s20, s13, $0xb8;
	[tilespmem:$0x6100] =	vst v63  }
0x5e: {  	_ =	swait.ge [sflag:s30], $0x80  }
0x5f: {  	[sflag:s30] =	ssyncset.done $0x0  }
0x60: {  	s24 =	simm.s32 $0x2C80;
	[sflag:s30] =	ssyncadd.s32 $0xFFFFFF80  }
0x61: {  	[spmem:s1] =	stream.indirect.scatter.add.f32 [tilespmem:s15], [sflag:$0x9], $0x1, s24, s13, $0xb8;
	[tilespmem:$0x6100] =	vst v63  }
0x62: {  	_ =	swait.ge [sflag:s10], $0x80  }
0x63: {  	[sflag:s10] =	ssyncset.done $0x0  }
0x64: {  	s26 =	simm.s32 $0x480;
	[sflag:s10] =	ssyncadd.s32 $0xFFFFFF80  }
0x65: {  	[tilespmem:s15], [sflag:$0x2] =	stream.indirect.gather [hbm4b:s4+s13], $0x1, s26, s13, $0xb8;
	[tilespmem:$0x6100] =	vst v63  }
0x66: {  	_ =	swait.ge [sflag:s31], $0x80  }
0x67: {  	[sflag:s31] =	ssyncset.done $0x0  }
0x68: {  	s20 =	simm.s32 $0x2D00;
	[sflag:s31] =	ssyncadd.s32 $0xFFFFFF80  }
0x69: {  	[spmem:s1] =	stream.indirect.scatter.add.f32 [tilespmem:s17], [sflag:$0x9], $0x1, s20, s13, $0xb8;
	[tilespmem:$0x6100] =	vst v63  }
0x6a: {  	_ =	swait.ge [sflag:s10], $0x80  }
0x6b: {  	[sflag:s10] =	ssyncset.done $0x0  }
0x6c: {  	s24 =	simm.s32 $0x500;
	[sflag:s10] =	ssyncadd.s32 $0xFFFFFF80  }
0x6d: {  	[tilespmem:s17], [sflag:$0x3] =	stream.indirect.gather [hbm4b:s4+s13], $0x1, s24, s13, $0xb8;
	[tilespmem:$0x6100] =	vst v63  }
0x6e: {  	_ =	swait.ge [sflag:s0], $0x80  }
0x6f: {  	[sflag:s0] =	ssyncset.done $0x0  }
0x70: {  	s26 =	simm.s32 $0x2D80;
	[sflag:s0] =	ssyncadd.s32 $0xFFFFFF80  }
0x71: {  	[spmem:s1] =	stream.indirect.scatter.add.f32 [tilespmem:s19], [sflag:$0x9], $0x1, s26, s13, $0xb8;
	[tilespmem:$0x6100] =	vst v63  }
0x72: {  	_ =	swait.ge [sflag:s10], $0x80  }
0x73: {  	[sflag:s10] =	ssyncset.done $0x0  }
0x74: {  	s20 =	simm.s32 $0x580;
	[sflag:s10] =	ssyncadd.s32 $0xFFFFFF80  }
0x75: {  	[tilespmem:s19], [sflag:$0x4] =	stream.indirect.gather [hbm4b:s4+s13], $0x1, s20, s13, $0xb8;
	[tilespmem:$0x6100] =	vst v63  }
0x76: {  	_ =	swait.ge [sflag:s11], $0x80  }
0x77: {  	[sflag:s11] =	ssyncset.done $0x0  }
0x78: {  	s24 =	simm.s32 $0x2E00;
	[sflag:s11] =	ssyncadd.s32 $0xFFFFFF80  }
0x79: {  	[spmem:s1] =	stream.indirect.scatter.add.f32 [tilespmem:s21], [sflag:$0x9], $0x1, s24, s13, $0xb8;
	[tilespmem:$0x6100] =	vst v63  }
0x7a: {  	s26 =	smin.u32 s3, $0x47;
	_ =	swait.ge [sflag:s10], $0x80  }
0x7b: {  	s2 =	sshll.u32 s26, $0x7;
	[sflag:s10] =	ssyncset.done $0x0  }
0x7c: {  	s2 =	sadd.s32 $0x600, s2;
	[sflag:s10] =	ssyncadd.s32 $0xFFFFFF80  }
0x7d: {  	[tilespmem:s21], [sflag:$0x5] =	stream.indirect.gather [hbm4b:s4+s13], $0x1, s2, s13, $0xb8;
	[tilespmem:$0x6100] =	vst v63  }
0x7e: {  	_ =	swait.ge [sflag:s12], $0x80  }
0x7f: {  	[sflag:s12] =	ssyncset.done $0x0  }
0x80: {  	s20 =	simm.s32 $0x2E80;
	[sflag:s12] =	ssyncadd.s32 $0xFFFFFF80  }
0x81: {  	[spmem:s1] =	stream.indirect.scatter.add.f32 [tilespmem:s23], [sflag:$0x9], $0x1, s20, s13, $0xb8;
	[tilespmem:$0x6100] =	vst v63  }
0x82: {  	s24 =	smin.u32 s3, $0x46;
	_ =	swait.ge [sflag:s10], $0x80  }
0x83: {  	s2 =	sshll.u32 s24, $0x7;
	[sflag:s10] =	ssyncset.done $0x0  }
0x84: {  	s2 =	sadd.s32 $0x680, s2;
	[sflag:s10] =	ssyncadd.s32 $0xFFFFFF80  }
0x85: {  	[tilespmem:s23], [sflag:$0x6] =	stream.indirect.gather [hbm4b:s4+s13], $0x1, s2, s13, $0xb8;
	[tilespmem:$0x6100] =	vst v63  }
0x86: {  	_ =	swait.ge [sflag:s16], $0x80  }
0x87: {  	[sflag:s16] =	ssyncset.done $0x0  }
0x88: {  	s26 =	simm.s32 $0x2F00;
	[sflag:s16] =	ssyncadd.s32 $0xFFFFFF80  }
0x89: {  	[spmem:s1] =	stream.indirect.scatter.add.f32 [tilespmem:s25], [sflag:$0x9], $0x1, s26, s13, $0xb8;
	[tilespmem:$0x6100] =	vst v63  }
0x8a: {  	s20 =	smin.u32 s3, $0x45;
	_ =	swait.ge [sflag:s10], $0x80  }
0x8b: {  	s2 =	sshll.u32 s20, $0x7;
	[sflag:s10] =	ssyncset.done $0x0  }
0x8c: {  	s2 =	sadd.s32 $0x700, s2;
	[sflag:s10] =	ssyncadd.s32 $0xFFFFFF80  }
0x8d: {  	[tilespmem:s25], [sflag:$0x7] =	stream.indirect.gather [hbm4b:s4+s13], $0x1, s2, s13, $0xb8;
	[tilespmem:$0x6100] =	vst v63  }
0x8e: {  	_ =	swait.ge [sflag:s18], $0x80  }
0x8f: {  	[sflag:s18] =	ssyncset.done $0x0  }
0x90: {  	s24 =	simm.s32 $0x2F80;
	[sflag:s18] =	ssyncadd.s32 $0xFFFFFF80  }
0x91: {  	[spmem:s1] =	stream.indirect.scatter.add.f32 [tilespmem:s28], [sflag:$0x9], $0x1, s24, s13, $0xb8;
	[tilespmem:$0x6100] =	vst v63  }
0x92: {  	s26 =	smin.u32 s3, $0x44;
	_ =	swait.ge [sflag:s10], $0x80  }
0x93: {  	s2 =	sshll.u32 s26, $0x7;
	s26 =	simm.s32 $0x8;
	[sflag:s10] =	ssyncset.done $0x0  }
0x94: {  	s2 =	sadd.s32 $0x780, s2;
	s24 =	simm.s32 $0x1000;
	[sflag:s10] =	ssyncadd.s32 $0xFFFFFF80  }
.LBB2_2:
0x95: {  	[tilespmem:s28], [sflag:$0x8] =	stream.indirect.gather [hbm4b:s4+s13], $0x1, s2, s13, $0xb8;
	[tilespmem:$0x6100] =	vst v63  }
0x96: {  	s2 =	smov.u32 s24  }
0x97: {  	p0 =	sne.s32 s24, $0x9000;
	s24 =	sadd.s32 $0x1000, s24;
	_ =	swait.ge [sflag:s29], $0x80  }
0x98: {  	s2 =	sshra.s32 s2, $0x2;
	[sflag:s29] =	ssyncset.done $0x0  }
0x99: {  	s20 =	sadd.s32 $0x2C00, s2;
	[sflag:s29] =	ssyncadd.s32 $0xFFFFFF80  }
0x9a: {  	[spmem:s1] =	stream.indirect.scatter.add.f32 [tilespmem:s14], [sflag:$0x9], $0x1, s20, s13, $0xb8;
	[tilespmem:$0x6100] =	vst v63  }
0x9b: {  	_ =	swait.ge [sflag:s10], $0x80  }
0x9c: {  	[sflag:s10] =	ssyncset.done $0x0  }
0x9d: {  	s20 =	sadd.s32 $0x400, s2;
	[sflag:s10] =	ssyncadd.s32 $0xFFFFFF80  }
0x9e: {  	[tilespmem:s14], [sflag:$0x1] =	stream.indirect.gather [hbm4b:s4+s13], $0x1, s20, s13, $0xb8;
	[tilespmem:$0x6100] =	vst v63  }
0x9f: {  	_ =	swait.ge [sflag:s30], $0x80  }
0xa0: {  	[sflag:s30] =	ssyncset.done $0x0  }
0xa1: {  	s20 =	sadd.s32 $0x2C80, s2;
	[sflag:s30] =	ssyncadd.s32 $0xFFFFFF80  }
0xa2: {  	[spmem:s1] =	stream.indirect.scatter.add.f32 [tilespmem:s15], [sflag:$0x9], $0x1, s20, s13, $0xb8;
	[tilespmem:$0x6100] =	vst v63  }
0xa3: {  	_ =	swait.ge [sflag:s10], $0x80  }
0xa4: {  	[sflag:s10] =	ssyncset.done $0x0  }
0xa5: {  	s20 =	sadd.s32 $0x480, s2;
	[sflag:s10] =	ssyncadd.s32 $0xFFFFFF80  }
0xa6: {  	[tilespmem:s15], [sflag:$0x2] =	stream.indirect.gather [hbm4b:s4+s13], $0x1, s20, s13, $0xb8;
	[tilespmem:$0x6100] =	vst v63  }
0xa7: {  	_ =	swait.ge [sflag:s31], $0x80  }
0xa8: {  	[sflag:s31] =	ssyncset.done $0x0  }
0xa9: {  	s20 =	sadd.s32 $0x2D00, s2;
	[sflag:s31] =	ssyncadd.s32 $0xFFFFFF80  }
0xaa: {  	[spmem:s1] =	stream.indirect.scatter.add.f32 [tilespmem:s17], [sflag:$0x9], $0x1, s20, s13, $0xb8;
	[tilespmem:$0x6100] =	vst v63  }
0xab: {  	_ =	swait.ge [sflag:s10], $0x80  }
0xac: {  	[sflag:s10] =	ssyncset.done $0x0  }
0xad: {  	s20 =	sadd.s32 $0x500, s2;
	[sflag:s10] =	ssyncadd.s32 $0xFFFFFF80  }
0xae: {  	[tilespmem:s17], [sflag:$0x3] =	stream.indirect.gather [hbm4b:s4+s13], $0x1, s20, s13, $0xb8;
	[tilespmem:$0x6100] =	vst v63  }
0xaf: {  	_ =	swait.ge [sflag:s0], $0x80  }
0xb0: {  	[sflag:s0] =	ssyncset.done $0x0  }
0xb1: {  	s20 =	sadd.s32 $0x2D80, s2;
	[sflag:s0] =	ssyncadd.s32 $0xFFFFFF80  }
0xb2: {  	[spmem:s1] =	stream.indirect.scatter.add.f32 [tilespmem:s19], [sflag:$0x9], $0x1, s20, s13, $0xb8;
	[tilespmem:$0x6100] =	vst v63  }
0xb3: {  	_ =	swait.ge [sflag:s10], $0x80  }
0xb4: {  	[sflag:s10] =	ssyncset.done $0x0  }
0xb5: {  	s20 =	sadd.s32 $0x580, s2;
	[sflag:s10] =	ssyncadd.s32 $0xFFFFFF80  }
0xb6: {  	[tilespmem:s19], [sflag:$0x4] =	stream.indirect.gather [hbm4b:s4+s13], $0x1, s20, s13, $0xb8;
	[tilespmem:$0x6100] =	vst v63  }
0xb7: {  	_ =	swait.ge [sflag:s11], $0x80  }
0xb8: {  	[sflag:s11] =	ssyncset.done $0x0  }
0xb9: {  	s20 =	sadd.s32 $0x2E00, s2;
	[sflag:s11] =	ssyncadd.s32 $0xFFFFFF80  }
0xba: {  	[spmem:s1] =	stream.indirect.scatter.add.f32 [tilespmem:s21], [sflag:$0x9], $0x1, s20, s13, $0xb8;
	[tilespmem:$0x6100] =	vst v63  }
0xbb: {  	s20 =	smin.u32 s26, $0x47;
	_ =	swait.ge [sflag:s10], $0x80  }
0xbc: {  	s20 =	sshll.u32 s20, $0x7;
	[sflag:s10] =	ssyncset.done $0x0  }
0xbd: {  	s20 =	sadd.s32 $0x600, s20;
	[sflag:s10] =	ssyncadd.s32 $0xFFFFFF80  }
0xbe: {  	[tilespmem:s21], [sflag:$0x5] =	stream.indirect.gather [hbm4b:s4+s13], $0x1, s20, s13, $0xb8;
	[tilespmem:$0x6100] =	vst v63  }
0xbf: {  	_ =	swait.ge [sflag:s12], $0x80  }
0xc0: {  	[sflag:s12] =	ssyncset.done $0x0  }
0xc1: {  	s20 =	sadd.s32 $0x2E80, s2;
	[sflag:s12] =	ssyncadd.s32 $0xFFFFFF80  }
0xc2: {  	[spmem:s1] =	stream.indirect.scatter.add.f32 [tilespmem:s23], [sflag:$0x9], $0x1, s20, s13, $0xb8;
	[tilespmem:$0x6100] =	vst v63  }
0xc3: {  	s20 =	smin.u32 s26, $0x46;
	_ =	swait.ge [sflag:s10], $0x80  }
0xc4: {  	s20 =	sshll.u32 s20, $0x7;
	[sflag:s10] =	ssyncset.done $0x0  }
0xc5: {  	s20 =	sadd.s32 $0x680, s20;
	[sflag:s10] =	ssyncadd.s32 $0xFFFFFF80  }
0xc6: {  	[tilespmem:s23], [sflag:$0x6] =	stream.indirect.gather [hbm4b:s4+s13], $0x1, s20, s13, $0xb8;
	[tilespmem:$0x6100] =	vst v63  }
0xc7: {  	_ =	swait.ge [sflag:s16], $0x80  }
0xc8: {  	[sflag:s16] =	ssyncset.done $0x0  }
0xc9: {  	s20 =	sadd.s32 $0x2F00, s2;
	[sflag:s16] =	ssyncadd.s32 $0xFFFFFF80  }
0xca: {  	[spmem:s1] =	stream.indirect.scatter.add.f32 [tilespmem:s25], [sflag:$0x9], $0x1, s20, s13, $0xb8;
	[tilespmem:$0x6100] =	vst v63  }
0xcb: {  	s20 =	smin.u32 s26, $0x45;
	_ =	swait.ge [sflag:s10], $0x80  }
0xcc: {  	s20 =	sshll.u32 s20, $0x7;
	[sflag:s10] =	ssyncset.done $0x0  }
0xcd: {  	s20 =	sadd.s32 $0x700, s20;
	[sflag:s10] =	ssyncadd.s32 $0xFFFFFF80  }
0xce: {  	[tilespmem:s25], [sflag:$0x7] =	stream.indirect.gather [hbm4b:s4+s13], $0x1, s20, s13, $0xb8;
	[tilespmem:$0x6100] =	vst v63  }
0xcf: {  	_ =	swait.ge [sflag:s18], $0x80  }
0xd0: {  	[sflag:s18] =	ssyncset.done $0x0  }
.Ltmp0:
0xd1: {  	s2 =	sadd.s32 $0x2F80, s2;
	[sflag:s18] =	ssyncadd.s32 $0xFFFFFF80;
	(pc) =	sbr.rel @p0 .LBB2_2-.Ltmp0, $4  }
0xd2: {  	[spmem:s1] =	stream.indirect.scatter.add.f32 [tilespmem:s28], [sflag:$0x9], $0x1, s2, s13, $0xb8;
	[tilespmem:$0x6100] =	vst v63  }
0xd3: {  	s2 =	smin.u32 s26, $0x44;
	_ =	swait.ge [sflag:s10], $0x80  }
0xd4: {  	s2 =	sshll.u32 s2, $0x7;
	[sflag:s10] =	ssyncset.done $0x0  }
0xd5: {  	s26 =	sadd.s32 $0x8, s26;
	s2 =	sadd.s32 $0x780, s2;
	[sflag:s10] =	ssyncadd.s32 $0xFFFFFF80  }
0xd6: {  	[tilespmem:s28], [sflag:$0x8] =	stream.indirect.gather [hbm4b:s4+s13], $0x1, s2, s13, $0xb8;
	[tilespmem:$0x6100] =	vst v63  }
0xd7: {  	_ =	swait.ge [sflag:s29], $0x80  }
0xd8: {  	[sflag:s29] =	ssyncset.done $0x0  }
0xd9: {  	s24 =	simm.s32 $0x5400;
	[sflag:s29] =	ssyncadd.s32 $0xFFFFFF80  }
0xda: {  	[spmem:s1] =	stream.indirect.scatter.add.f32 [tilespmem:s14], [sflag:$0x9], $0x1, s24, s13, $0xb8;
	[tilespmem:$0x6100] =	vst v63  }
0xdb: {  	_ =	swait.ge [sflag:s10], $0x80  }
0xdc: {  	[sflag:s10] =	ssyncset.done $0x0  }
0xdd: {  	[sflag:s10] =	ssyncadd.s32 $0xFFFFFF80  }
0xde: {  	_ =	swait.ge [sflag:s30], $0x80  }
0xdf: {  	[sflag:s30] =	ssyncset.done $0x0  }
0xe0: {  	s26 =	simm.s32 $0x5480;
	[sflag:s30] =	ssyncadd.s32 $0xFFFFFF80  }
0xe1: {  	[spmem:s1] =	stream.indirect.scatter.add.f32 [tilespmem:s15], [sflag:$0x9], $0x1, s26, s13, $0xb8;
	[tilespmem:$0x6100] =	vst v63  }
0xe2: {  	_ =	swait.ge [sflag:s10], $0x80  }
0xe3: {  	[sflag:s10] =	ssyncset.done $0x0  }
0xe4: {  	[sflag:s10] =	ssyncadd.s32 $0xFFFFFF80  }
0xe5: {  	_ =	swait.ge [sflag:s31], $0x80  }
0xe6: {  	[sflag:s31] =	ssyncset.done $0x0  }
0xe7: {  	s20 =	simm.s32 $0x5500;
	[sflag:s31] =	ssyncadd.s32 $0xFFFFFF80  }
0xe8: {  	[spmem:s1] =	stream.indirect.scatter.add.f32 [tilespmem:s17], [sflag:$0x9], $0x1, s20, s13, $0xb8;
	[tilespmem:$0x6100] =	vst v63  }
0xe9: {  	_ =	swait.ge [sflag:s10], $0x80  }
0xea: {  	[sflag:s10] =	ssyncset.done $0x0  }
0xeb: {  	[sflag:s10] =	ssyncadd.s32 $0xFFFFFF80  }
0xec: {  	_ =	swait.ge [sflag:s0], $0x80  }
0xed: {  	[sflag:s0] =	ssyncset.done $0x0  }
0xee: {  	s24 =	simm.s32 $0x5580;
	[sflag:s0] =	ssyncadd.s32 $0xFFFFFF80  }
0xef: {  	[spmem:s1] =	stream.indirect.scatter.add.f32 [tilespmem:s19], [sflag:$0x9], $0x1, s24, s13, $0xb8;
	[tilespmem:$0x6100] =	vst v63  }
0xf0: {  	_ =	swait.ge [sflag:s10], $0x80  }
0xf1: {  	[sflag:s10] =	ssyncset.done $0x0  }
0xf2: {  	[sflag:s10] =	ssyncadd.s32 $0xFFFFFF80  }
0xf3: {  	_ =	swait.ge [sflag:s11], $0x80  }
0xf4: {  	[sflag:s11] =	ssyncset.done $0x0  }
0xf5: {  	[sflag:s11] =	ssyncadd.s32 $0xFFFFFF80  }
0xf6: {  	_ =	swait.ge [sflag:s12], $0x80  }
0xf7: {  	[sflag:s12] =	ssyncset.done $0x0  }
0xf8: {  	[sflag:s12] =	ssyncadd.s32 $0xFFFFFF80  }
0xf9: {  	_ =	swait.ge [sflag:s16], $0x80  }
0xfa: {  	[sflag:s16] =	ssyncset.done $0x0  }
0xfb: {  	s22 =	sadd.s32 $0x1, s22;
	[sflag:s16] =	ssyncadd.s32 $0xFFFFFF80  }
0xfc: {  	p0 =	sne.s32 s22, s9;
	s26 =	stileid.u32;
	_ =	swait.ge [sflag:s18], $0x80  }
0xfd: {  	s2 =	sshll.u32 s26, $0x6;
	s26 =	simm.s32 $0x10;
	[sflag:s18] =	ssyncset.done $0x0  }
0xfe: {  	s2 =	sor.u32 $0x1C09, s2;
	s20 =	sshrl.u32 s7, $0x3;
	[sflag:s18] =	ssyncadd.s32 $0xFFFFFF80  }
.Ltmp1:
0xff: {  	s24 =	simm.s32 $0x20;
	[bflag:$0x0] =	sbarrier.arrive $0xFFFF;
	(pc) =	sbr.rel @p0 .LBB2_1-.Ltmp1, $4  }
0x100: {  	[hbm:s8@s24], [sflag:s2] =	dma.strided [spmem:s20@s26], $0x50, s29, $0x10   }
0x101: {  	_ =	swait.ge [sflag:s10], $0x50  }
0x102: {  	[sflag:s10] =	ssyncset.done $0x0  }
0x103: {  	[sflag:s10] =	ssyncadd.s32 $0xFFFFFFB0  }
0x104: {  	_ =	sfence.sel $0x180000  }
0x105: {  	[bflag:$0x0] =	sbarrier.arrive $0xFFFF  }
0x106: {  	_ =	strace $0x9000004D  }
0x107: {  	s0 =	stileid.u32;
	[bflag:$0x2] =	sbarrier.arrive $0xFFFF  }
0x108: {  	p0 =	sne.s32 s0, $0x0;
	s0 =	rddreg [dreg:$0x2]  }
0x109: {  	s0 =	sadd.s32 @!p0 $0x100000, s0  }
0x10a: {  	[sflag:s0] =	ssyncadd.tile.s32 @!p0 $0x1;
	_ =	shalt  }
.Lfunc_end2:
_tile_overlayer_lowered:
.L_overlay_start_2:
0x10b: {  	(tag) =	ssettag $0x2  }
0x10c: {  	s0 =	rddreg [dreg:$0x0];
	s2 =	stileid.u32  }
0x10d: {  	s1 =	rddreg [dreg:$0x1];
	p0 =	sne.s32 s2, $0x0  }
0x10e: {  	s3 =	rddreg [dreg:$0x2];
	[bflag:$0x3] =	sbarrier.arrive $0xFFFF;
	s2 =	simm.s32 @!p0 $0x1C09  }
0x10f: {  	[timem:s3], [sflag:s2] =	dma.local @!p0 [hbm:s0], s1  }
0x110: {  	s0 =	simm.s32 @!p0 $0x9  }
0x111: {  	_ =	swait.ge @!p0 [sflag:s0], s1  }
0x112: {  	s1 =	ssub.s32 @!p0 $0x0, s1;
	[sflag:s0] =	ssyncset.done @!p0 $0x0  }
0x113: {  	[sflag:s0] =	ssyncadd.s32 @!p0 s1  }
0x114: {  	[bflag:$0x3] =	sbarrier.arrive $0xFFFF  }
0x115: {  	_ =	shalt  }

// kernel: kernel.8.cloned.1.call-start
scs
__scs_entry_jumppad:
0x0: {  	(pc) =	sbr.rel $0x88, $3  }
0x1: {  	(tag) =	ssettag $0x0;
	lr =	simm.s32 $0x1  }
0x2: {  	[smem:$0x3F9B] =	sst lr;
	_ =	strace $0xD0000000  }
0x3: {  	_ = 	snop  }
0x4: {  	_ = 	snop  }
0x5: {  	_ = 	snop  }
0x6: {  	_ = 	snop  }
0x7: {  	_ = 	snop  }
__scs_overlays_trampoline_lowered:
0x8: {  	[smem:$0x3FAA] =	sst s0  }
0x9: {  	[smem:$0x3FAB] =	sst s1  }
0xa: {  	[smem:$0x3FAC] =	sst s2  }
0xb: {  	[smem:$0x3FAD] =	sst s3  }
0xc: {  	[smem:$0x3FAE] =	sst s4  }
0xd: {  	[smem:$0x3FAF] =	sst s5  }
0xe: {  	[smem:$0x3FB0] =	sst s6  }
0xf: {  	[smem:$0x3FB1] =	sst s7  }
0x10: {  	[smem:$0x3FB2] =	sst s8  }
0x11: {  	[smem:$0x3FB3] =	sst s9;
	s0 =	simm.s32 @!p0 $0x0  }
0x12: {  	s1 =	sld [smem:$0x3F99];
	s0 =	simm.s32 @p0 $0x1  }
0x13: {  	[smem:$0x3FB4] =	sst s0;
	s0 =	simm.s32 @!p1 $0x0  }
0x14: {  	s2 =	sld [smem:$0x3F98];
	s0 =	simm.s32 @p1 $0x1  }
0x15: {  	[smem:$0x3FB5] =	sst s0;
	s0 =	simm.s32 @!p2 $0x0  }
0x16: {  	s3 =	sld [smem:$0x3FDB];
	s0 =	simm.s32 @p2 $0x1  }
0x17: {  	s4 =	simm.s32 $0x1BF5;
	[smem:$0x3FB7] =	sst s0  }
0x18: {  	s0 =	sld [smem:$0x3F9A];
	_ =	swait.ge [sflag:s4], $0x0  }
0x19: {  	s7 =	sld [smem:$0x3F9B]  }
0x1a: {  	s8 =	sadd.s32 $0xFFFFE003, lr  }
0x1b: {  	s9 =	sadd.s32 $0xFFFFFEF7, lr;
	s5 =	simm.s32 $0xFFFFFFFF;
	p2 =	slt.u32 s8, $0xFFFFF086  }
0x1c: {  	p1 =	slt.u32 s9, $0xF7A;
	s5 =	simm.s32 @!p2 $0x0  }
0x1d: {  	s5 =	simm.s32 @p1 $0x1;
	p0 =	seq.s32 s7, s2  }
0x1e: {  	s7 =	smul.u32 @!p0 $0xF7A, s2;
	p2 =	seq.s32 @!p0 s5, $0x0  }
0x1f: {  	s9 =	smul.u32 $0xF7A, s1;
	s8 =	simm.s32 @!p0 $0x1BF5;
	p2 =	por !p2, p0  }
0x20: {  	[sflag:s8] =	ssyncset.s32 @!p0 $0xFFFFF086;
	s6 =	sadd.s32 @!p0 s3, s7;
	s7 =	simm.s32 @!p0 $0x108  }
0x21: {  	s3 =	sadd.s32 s3, s9;
	s6 =	sadd.s32 @!p0 $0x88, s6;
	s7 =	simm.s32 @p2 $0x1082  }
0x22: {  	[simem:s7], [sflag:s8] =	dma.local @!p0 [hbm:s6], $0xF7A  }
0x23: {  	s9 =	sor.u32 $0xD0000000, s2;
	s6 =	simm.s32 $0x108;
	_ =	swait.ge @!p0 [sflag:s8], $0x0  }
0x24: {  	s3 =	sadd.s32 $0x88, s3;
	s6 =	simm.s32 @!p1 $0x1082;
	[sflag:s4] =	ssyncset.s32 $0xFFFFF086  }
0x25: {  	[simem:s6], [sflag:s4] =	dma.local [hbm:s3], $0xF7A  }
0x26: {  	[smem:$0x3F9B] =	sst s1;
	(tag) =	ssettag s2;
	_ =	strace s9  }
0x27: {  	s1 =	sld [smem:$0x3FAB]  }
0x28: {  	s2 =	sld [smem:$0x3FAC]  }
0x29: {  	s4 =	sld [smem:$0x3FAE]  }
0x2a: {  	p0 =	seq.s32 s5, $0x0;
	s5 =	sld [smem:$0x3FAF]  }
0x2b: {  	s6 =	sld [smem:$0x3FB0]  }
0x2c: {  	s7 =	sld [smem:$0x3FB1]  }
0x2d: {  	s3 =	simm.s32 $0x108;
	s8 =	sld [smem:$0x3FB2]  }
0x2e: {  	s3 =	simm.s32 @!p0 $0x1082;
	s9 =	sld [smem:$0x3FB3]  }
0x2f: {  	lr =	sadd.s32 s0, s3;
	s0 =	sld [smem:$0x3FAA]  }
0x30: {  	s3 =	sld [smem:$0x3FAD]  }
0x31: {  	[smem:$0x3FB6] =	sst s10  }
0x32: {  	s10 =	sld [smem:$0x3FB4];
	_ =	sdelay $0x3  }
0x33: {  	p0 =	seq.s32 s10, $0x1;
	s10 =	sld [smem:$0x3FB6];
	_ =	sdelay $0x3  }
0x34: {  	[smem:$0x3FB6] =	sst s10  }
0x35: {  	s10 =	sld [smem:$0x3FB5];
	_ =	sdelay $0x3  }
0x36: {  	p1 =	seq.s32 s10, $0x1;
	s10 =	sld [smem:$0x3FB6];
	_ =	sdelay $0x3  }
0x37: {  	[smem:$0x3FB6] =	sst s10  }
0x38: {  	s10 =	sld [smem:$0x3FB7]  }
0x39: {  	_ = 	snop;
	(pc) =	sbr.ind lr, $3  }
0x3a: {  	_ = 	snop  }
0x3b: {  	_ = 	snop  }
0x3c: {  	p2 =	seq.s32 s10, $0x1;
	s10 =	sld [smem:$0x3FB6]  }
0x3d: {  	_ =	shalt  }
0x3e: {  	_ =	shalt  }
0x3f: {  	_ =	shalt  }
0x40: {  	_ =	shalt  }
0x41: {  	_ =	shalt  }
0x42: {  	_ =	shalt  }
0x43: {  	_ =	shalt  }
0x44: {  	_ =	shalt  }
0x45: {  	_ =	shalt  }
0x46: {  	_ =	shalt  }
0x47: {  	_ =	shalt  }
0x48: {  	_ =	shalt  }
0x49: {  	_ =	shalt  }
0x4a: {  	_ =	shalt  }
0x4b: {  	_ =	shalt  }
0x4c: {  	_ =	shalt  }
0x4d: {  	_ =	shalt  }
0x4e: {  	_ =	shalt  }
0x4f: {  	_ =	shalt  }
0x50: {  	_ =	shalt  }
0x51: {  	_ =	shalt  }
0x52: {  	_ =	shalt  }
0x53: {  	_ =	shalt  }
0x54: {  	_ =	shalt  }
0x55: {  	_ =	shalt  }
0x56: {  	_ =	shalt  }
0x57: {  	_ =	shalt  }
0x58: {  	_ =	shalt  }
0x59: {  	_ =	shalt  }
0x5a: {  	_ =	shalt  }
0x5b: {  	_ =	shalt  }
0x5c: {  	_ =	shalt  }
0x5d: {  	_ =	shalt  }
0x5e: {  	_ =	shalt  }
0x5f: {  	_ =	shalt  }
0x60: {  	_ =	shalt  }
0x61: {  	_ =	shalt  }
0x62: {  	_ =	shalt  }
0x63: {  	_ =	shalt  }
0x64: {  	_ =	shalt  }
0x65: {  	_ =	shalt  }
0x66: {  	_ =	shalt  }
0x67: {  	_ =	shalt  }
0x68: {  	_ =	shalt  }
0x69: {  	_ =	shalt  }
0x6a: {  	_ =	shalt  }
0x6b: {  	_ =	shalt  }
0x6c: {  	_ =	shalt  }
0x6d: {  	_ =	shalt  }
0x6e: {  	_ =	shalt  }
0x6f: {  	_ =	shalt  }
0x70: {  	_ =	shalt  }
0x71: {  	_ =	shalt  }
0x72: {  	_ =	shalt  }
0x73: {  	_ =	shalt  }
0x74: {  	_ =	shalt  }
0x75: {  	_ =	shalt  }
0x76: {  	_ =	shalt  }
0x77: {  	_ =	shalt  }
0x78: {  	_ =	shalt  }
0x79: {  	_ =	shalt  }
0x7a: {  	_ =	shalt  }
0x7b: {  	_ =	shalt  }
0x7c: {  	_ =	shalt  }
0x7d: {  	_ =	shalt  }
0x7e: {  	_ =	shalt  }
0x7f: {  	_ =	shalt  }
0x80: {  	_ =	shalt  }
0x81: {  	_ =	shalt  }
0x82: {  	_ =	shalt  }
0x83: {  	_ =	shalt  }
0x84: {  	_ =	shalt  }
0x85: {  	_ =	shalt  }
0x86: {  	_ =	shalt  }
0x87: {  	_ =	shalt  }
.Lfunc_end0:
.L_simem_size_0:
called_computation_lowered:
.L_overlay_start_0:
0x88: {  	s2 =	sld [smem:$0x3FD9]  }
0x89: {  	s3 =	sld [smem:$0x3FFE];
	_ =	sdelay $0x1  }
0x8a: {  	s1 =	srdreg.scid  }
0x8b: {  	s0 =	sand.u32 $0x1, s1  }
0x8c: {  	s16 =	sshll.u32 s0, $0xA;
	s2 =	sadd.s32 s3, s2  }
0x8d: {  	s2 =	sadd.s32 s2, s16  }
0x8e: {  	[smem:$0x3FC2] =	sst s2  }
0x8f: {  	_ = 	snop  }
0x90: {  	(tm) =	ssettm $0x1  }
0x91: {  	s17 =	sld [smem:$0x3FFB];
	_ =	sdelay $0x3  }
0x92: {  	_ =	strace s17  }
0x93: {  	s2 =	sld [smem:$0x3FFC];
	_ =	sdelay $0x3  }
0x94: {  	_ =	strace s2  }
0x95: {  	s2 =	sld [smem:$0x3FFD];
	_ =	sdelay $0x3  }
0x96: {  	_ =	strace s2  }
0x97: {  	_ =	strace $0x8FFFFFFF  }
0x98: {  	s18 =	sld [smem:$0x3FDB];
	_ =	sdelay $0x1  }
0x99: {  	s19 =	simm.s32 $_scs_section_size  }
0x9a: {  	s4 =	simm.s32 $_size__tile_overlayer_lowered;
	s5 =	simm.s32 $_tile_overlayer_lowered  }
0x9b: {  	s22 =	simm.s32 $0x1BFF;
	s21 =	sshll.u32 s5, $0x1;
	s2 =	sadd.s32 s19, s18  }
0x9c: {  	s6 =	simm.s32 $0x0;
	s20 =	sshll.u32 s4, $0x1;
	s4 =	sadd.s32 s21, s2  }
0x9d: {  	[timem:s6], [sflag:s22] =	dma.local [hbm:s4], s20  }
0x9e: {  	_ =	swait.ge [sflag:s22], s20  }
0x9f: {  	s3 =	ssub.s32 $0x0, s20;
	[sflag:s22] =	ssyncset.done $0x0  }
0xa0: {  	[sflag:s22] =	ssyncadd.s32 s3;
	_ =	sdelay $0x1  }
0xa1: {  	s23 =	simm.s32 $0x1B8B  }
0xa2: {  	_ =	swait.ge [sflag:s23], $0x1  }
0xa3: {  	[sflag:s23] =	ssyncset.done $0x0  }
0xa4: {  	s25 =	simm.s32 $0x1B8E;
	s24 =	sld [smem:$0x3FFE];
	[sflag:s23] =	ssyncadd.s32 $0xFFFFFFFF  }
0xa5: {  	s26 =	simm.s32 $execute0_lowered;
	[smem:$0x3FD2] =	sst s25  }
0xa6: {  	s4 =	sshll.u32 s26, $0x1;
	_ =	strace $0x80000046;
	[dreg:$0x1] =	wrdreg $0xFFFFFFFF  }
0xa7: {  	s28 =	simm.s32 $_size_execute0_lowered;
	s2 =	sadd.s32 s2, s4;
	[dreg:$0x0] =	wrdreg $0x0  }
0xa8: {  	s4 =	sshll.u32 s28, $0x1;
	[dreg:$0x2] =	wrdreg s2  }
0xa9: {  	[dreg:$0x3] =	wrdreg s4  }
0xaa: {  	[dreg:$0x4] =	wrdreg $0xC0  }
0xab: {  	_ =	task [dreg:s6], $0x5FFFF  }
0xac: {  	[dreg:$0x1] =	wrdreg $0xFFFFFFFF  }
0xad: {  	[dreg:$0x0] =	wrdreg $0x60  }
0xae: {  	[dreg:$0x2] =	wrdreg s24  }
0xaf: {  	[dreg:$0x3] =	wrdreg $0x2F000  }
0xb0: {  	[dreg:$0x4] =	wrdreg $0x9  }
0xb1: {  	_ =	task.clear_ibuf [dreg:s6], $0x5FFFF;
	_ =	strace $0x90000046  }
0xb2: {  	s29 =	simm.s32 $0x9;
	_ =	strace $0x80000048  }
0xb3: {  	_ =	swait.ge [sflag:s29], $0x1  }
0xb4: {  	[sflag:s29] =	ssyncadd.s32 $0xFFFFFFFF  }
0xb5: {  	_ =	strace $0x90000048  }
0xb6: {  	_ =	sfence  }
0xb7: {  	s30 =	sld [smem:$0x0];
	_ =	sdelay $0x2  }
0xb8: {  	s31 =	sshll.u32 s1, $0xD;
	s1 =	sshrl.u32 s1, $0x2  }
0xb9: {  	s3 =	sand.u32 $0x4000, s31;
	s1 =	sadd.s32 s1, s30  }
0xba: {  	s0 =	sor.u32 s3, s0;
	s1 =	sshll.u32 s1, $0x11  }
0xbb: {  	s0 =	sor.u32 s1, s0  }
0xbc: {  	s0 =	sadd.s32 $0x8F2B, s0  }
0xbd: {  	[sflag:s0] =	ssyncadd.remote.s32 $0x1  }
0xbe: {  	_ =	sfence.sel $0xFFFF  }
0xbf: {  	[dreg:$0x0] =	wrdreg $0xFFFFFFFF;
	(pc) =	sbr.abs _section_cstart, $3  }
0xc0: {  	[dreg:$0x1] =	wrdreg $0xFFFFFFFF  }
0xc1: {  	_ =	task.clear_ibuf [dreg:s6], $0x2FFFF;
	_ =	strace $0x9FFFFFFF  }
0xc2: {  	(tm) =	ssettm $0x7FFFFFFF  }
0xc3: {  	_ =	shalt  }
tec
execute0_lowered:
.L_overlay_start_1:
0x0: {  	(tag) =	ssettag $0x1  }
0x1: {  	s4 =	rddreg [dreg:$0x0]  }
0x2: {  	s2 =	rddreg [dreg:$0x1]  }
0x3: {  	s0 =	rddreg [dreg:$0x2]  }
0x4: {  	s5 =	srdreg.scid;
	s1 =	stileid.u32  }
0x5: {  	s3 =	simm.s32 $0x0;
	s10 =	simm.s32 $0x80;
	s11 =	simm.s32 $0x2C00  }
0x6: {  	s12 =	simm.s32 $0x1;
	s15 =	simm.s32 $0x20;
	s16 =	simm.s32 $0x10  }
0x7: {  	s17 =	simm.s32 $0x0;
	s5 =	sand.u32 $0x1, s5;
	s7 =	smul.u32 $0x500, s1  }
0x8: {  	s6 =	sshll.u32 s1, $0x1;
	[smem:$0x7FF] =	sst s3;
	s30 =	smul.u32 $0xA00, s1  }
0x9: {  	s13 =	sshll.u32 s1, $0x6;
	s6 =	sor.u32 s5, s6;
	_ =	strace $0x80000047  }
0xa: {  	s8 =	sshll.u32 s5, $0x7;
	s5 =	ssub.s32 $0x2, s5;
	s13 =	sor.u32 $0x1C02, s13  }
0xb: {  	s6 =	smul.u32 $0x580, s6;
	s7 =	sor.u32 s8, s7;
	s9 =	sshrl.u32 s5, $0x1  }
0xc: {  	s31 =	sshrl.u32 s30, $0x2;
	s8 =	simm.s32 $0x2;
	s7 =	sshrl.u32 s7, $0x3  }
0xd: {  	s9 =	ssub.s32 s5, s9;
	s5 =	sadd.s32 s31, s2;
	s6 =	sadd.s32 s6, s4  }
0xe: {  	s7 =	sadd.s32 s7, s4;
	s14 =	sshrl.u32 s5, $0x3;
	s4 =	sadd.s32 $0x1E00, s6  }
0xf: {  	v0 =	vimm.f32 $1.000000000e+00;
	v1 =	vimm.f32 $0.0e+00;
	s6 =	sadd.s32 $0xCE00, s7;
	s7 =	smax.u32 s9, $0x1;
	s9 =	simm.s32 $0x2C80  }
.LBB2_1:
0x10: {  	[tilespmem:s3], [sflag:$0x2] =	stream.linear.gather [hbm4b:s4+s3], $0x2A00, $0x38;
	[tilespmem:$0x3180] =	vst v63  }
0x11: {  	_ =	swait.ge [sflag:s8], $0x2A00  }
0x12: {  	[sflag:s8] =	ssyncset.done $0x0  }
0x13: {  	[sflag:s8] =	ssyncadd.s32 $0xFFFFD600  }
0x14: {  	[tilespmem:$0x2C00] =	vst v0  }
0x15: {  	[tilespmem:$0x2C10] =	vst v0  }
0x16: {  	[tilespmem:$0x2C20] =	vst v0  }
0x17: {  	[tilespmem:$0x2C30] =	vst v0  }
0x18: {  	[tilespmem:$0x2C40] =	vst v0  }
0x19: {  	[tilespmem:$0x2C50] =	vst v0  }
0x1a: {  	[tilespmem:$0x2C60] =	vst v0  }
0x1b: {  	[tilespmem:$0x2C70] =	vst v0  }
0x1c: {  	[tilespmem:$0x2C80] =	vst v1  }
0x1d: {  	[tilespmem:$0x2C90] =	vst v1  }
0x1e: {  	[tilespmem:$0x2CA0] =	vst v1  }
0x1f: {  	[tilespmem:$0x2CB0] =	vst v1  }
0x20: {  	[tilespmem:$0x2CC0] =	vst v1  }
0x21: {  	[tilespmem:$0x2CD0] =	vst v1  }
0x22: {  	[tilespmem:$0x2CE0] =	vst v1  }
0x23: {  	[tilespmem:$0x2CF0] =	vst v1  }
0x24: {  	[tilespmem:$0x2D00] =	vst v1  }
0x25: {  	[tilespmem:$0x2D10] =	vst v1  }
0x26: {  	[tilespmem:$0x2D20] =	vst v1  }
0x27: {  	[tilespmem:$0x2D30] =	vst v1  }
0x28: {  	[tilespmem:$0x2D40] =	vst v1  }
0x29: {  	[tilespmem:$0x2D50] =	vst v1  }
0x2a: {  	[tilespmem:$0x2D60] =	vst v1  }
0x2b: {  	[tilespmem:$0x2D70] =	vst v1  }
0x2c: {  	[tilespmem:$0x2D80] =	vst v1  }
0x2d: {  	[tilespmem:$0x2D90] =	vst v1  }
0x2e: {  	[tilespmem:$0x2DA0] =	vst v1  }
0x2f: {  	[tilespmem:$0x2DB0] =	vst v1  }
0x30: {  	[tilespmem:$0x2DC0] =	vst v1  }
0x31: {  	[tilespmem:$0x2DD0] =	vst v1  }
0x32: {  	[tilespmem:$0x2DE0] =	vst v1  }
0x33: {  	[tilespmem:$0x2DF0] =	vst v1  }
0x34: {  	[tilespmem:$0x2E00] =	vst v1  }
0x35: {  	[tilespmem:$0x2E10] =	vst v1  }
0x36: {  	[tilespmem:$0x2E20] =	vst v1  }
0x37: {  	[tilespmem:$0x2E30] =	vst v1  }
0x38: {  	[tilespmem:$0x2E40] =	vst v1  }
0x39: {  	[tilespmem:$0x2E50] =	vst v1  }
0x3a: {  	[tilespmem:$0x2E60] =	vst v1  }
0x3b: {  	[tilespmem:$0x2E70] =	vst v1  }
0x3c: {  	[tilespmem:$0x2E80] =	vst v1  }
0x3d: {  	[tilespmem:$0x2E90] =	vst v1  }
0x3e: {  	[tilespmem:$0x2EA0] =	vst v1  }
0x3f: {  	[tilespmem:$0x2EB0] =	vst v1  }
0x40: {  	[tilespmem:$0x2EC0] =	vst v1  }
0x41: {  	[tilespmem:$0x2ED0] =	vst v1  }
0x42: {  	[tilespmem:$0x2EE0] =	vst v1  }
0x43: {  	[tilespmem:$0x2EF0] =	vst v1  }
0x44: {  	[spmem:s5] =	stream.linear.scatter [tilespmem:s9], [sflag:$0x2], $0x280, $0x38;
	[tilespmem:$0x3180] =	vst v63  }
0x45: {  	_ =	swait.ge [sflag:s8], $0x280  }
0x46: {  	[sflag:s8] =	ssyncset.done $0x0  }
0x47: {  	[sflag:s8] =	ssyncadd.s32 $0xFFFFFD80  }
0x48: {  	s18 =	simm.s32 $0x0;
	[bflag:$0x0] =	sbarrier.arrive $0xFFFF  }
0x49: {  	[spmem:s2] =	stream.indirect.scatter.add.f32 [tilespmem:s11], [sflag:$0x1], $0x1, s18, s10, $0xb8;
	[tilespmem:$0x3180] =	vst v63  }
0x4a: {  	s20 =	simm.s32 $0x80  }
0x4b: {  	[spmem:s2] =	stream.indirect.scatter.add.f32 [tilespmem:s11], [sflag:$0x1], $0x1, s20, s10, $0xb8;
	[tilespmem:$0x3180] =	vst v63  }
0x4c: {  	s21 =	simm.s32 $0x100  }
0x4d: {  	[spmem:s2] =	stream.indirect.scatter.add.f32 [tilespmem:s11], [sflag:$0x1], $0x1, s21, s10, $0xb8;
	[tilespmem:$0x3180] =	vst v63  }
0x4e: {  	s22 =	simm.s32 $0x180  }
0x4f: {  	[spmem:s2] =	stream.indirect.scatter.add.f32 [tilespmem:s11], [sflag:$0x1], $0x1, s22, s10, $0xb8;
	[tilespmem:$0x3180] =	vst v63  }
0x50: {  	s23 =	simm.s32 $0x200  }
0x51: {  	[spmem:s2] =	stream.indirect.scatter.add.f32 [tilespmem:s11], [sflag:$0x1], $0x1, s23, s10, $0xb8;
	[tilespmem:$0x3180] =	vst v63  }
0x52: {  	s24 =	simm.s32 $0x280  }
0x53: {  	[spmem:s2] =	stream.indirect.scatter.add.f32 [tilespmem:s11], [sflag:$0x1], $0x1, s24, s10, $0xb8;
	[tilespmem:$0x3180] =	vst v63  }
0x54: {  	s25 =	simm.s32 $0x300  }
0x55: {  	[spmem:s2] =	stream.indirect.scatter.add.f32 [tilespmem:s11], [sflag:$0x1], $0x1, s25, s10, $0xb8;
	[tilespmem:$0x3180] =	vst v63  }
0x56: {  	s26 =	simm.s32 $0x380  }
0x57: {  	[spmem:s2] =	stream.indirect.scatter.add.f32 [tilespmem:s11], [sflag:$0x1], $0x1, s26, s10, $0xb8;
	[tilespmem:$0x3180] =	vst v63  }
0x58: {  	s28 =	simm.s32 $0x400  }
0x59: {  	[spmem:s2] =	stream.indirect.scatter.add.f32 [tilespmem:s11], [sflag:$0x1], $0x1, s28, s10, $0xb8;
	[tilespmem:$0x3180] =	vst v63  }
0x5a: {  	s29 =	simm.s32 $0x480  }
0x5b: {  	[spmem:s2] =	stream.indirect.scatter.add.f32 [tilespmem:s11], [sflag:$0x1], $0x1, s29, s10, $0xb8;
	[tilespmem:$0x3180] =	vst v63  }
0x5c: {  	s30 =	simm.s32 $0x500  }
0x5d: {  	[spmem:s2] =	stream.indirect.scatter.add.f32 [tilespmem:s11], [sflag:$0x1], $0x1, s30, s10, $0xb8;
	[tilespmem:$0x3180] =	vst v63  }
0x5e: {  	s31 =	simm.s32 $0x580  }
0x5f: {  	[spmem:s2] =	stream.indirect.scatter.add.f32 [tilespmem:s11], [sflag:$0x1], $0x1, s31, s10, $0xb8;
	[tilespmem:$0x3180] =	vst v63  }
0x60: {  	_ =	swait.ge [sflag:s12], $0x80  }
0x61: {  	[sflag:s12] =	ssyncset.done $0x0  }
0x62: {  	[sflag:s12] =	ssyncadd.s32 $0xFFFFFF80  }
0x63: {  	_ =	swait.ge [sflag:s12], $0x80  }
0x64: {  	[sflag:s12] =	ssyncset.done $0x0  }
0x65: {  	[sflag:s12] =	ssyncadd.s32 $0xFFFFFF80  }
0x66: {  	_ =	swait.ge [sflag:s12], $0x80  }
0x67: {  	[sflag:s12] =	ssyncset.done $0x0  }
0x68: {  	[sflag:s12] =	ssyncadd.s32 $0xFFFFFF80  }
0x69: {  	_ =	swait.ge [sflag:s12], $0x80  }
0x6a: {  	[sflag:s12] =	ssyncset.done $0x0  }
0x6b: {  	[sflag:s12] =	ssyncadd.s32 $0xFFFFFF80  }
0x6c: {  	_ =	swait.ge [sflag:s12], $0x80  }
0x6d: {  	[sflag:s12] =	ssyncset.done $0x0  }
0x6e: {  	[sflag:s12] =	ssyncadd.s32 $0xFFFFFF80  }
0x6f: {  	_ =	swait.ge [sflag:s12], $0x80  }
0x70: {  	[sflag:s12] =	ssyncset.done $0x0  }
0x71: {  	[sflag:s12] =	ssyncadd.s32 $0xFFFFFF80  }
0x72: {  	_ =	swait.ge [sflag:s12], $0x80  }
0x73: {  	[sflag:s12] =	ssyncset.done $0x0  }
0x74: {  	[sflag:s12] =	ssyncadd.s32 $0xFFFFFF80  }
0x75: {  	_ =	swait.ge [sflag:s12], $0x80  }
0x76: {  	[sflag:s12] =	ssyncset.done $0x0  }
0x77: {  	[sflag:s12] =	ssyncadd.s32 $0xFFFFFF80  }
0x78: {  	_ =	swait.ge [sflag:s12], $0x80  }
0x79: {  	[sflag:s12] =	ssyncset.done $0x0  }
0x7a: {  	[sflag:s12] =	ssyncadd.s32 $0xFFFFFF80  }
0x7b: {  	_ =	swait.ge [sflag:s12], $0x80  }
0x7c: {  	[sflag:s12] =	ssyncset.done $0x0  }
0x7d: {  	[sflag:s12] =	ssyncadd.s32 $0xFFFFFF80  }
0x7e: {  	_ =	swait.ge [sflag:s12], $0x80  }
0x7f: {  	[sflag:s12] =	ssyncset.done $0x0  }
0x80: {  	[sflag:s12] =	ssyncadd.s32 $0xFFFFFF80  }
0x81: {  	_ =	swait.ge [sflag:s12], $0x80  }
0x82: {  	s18 =	simm.s32 $0x1800;
	s20 =	simm.s32 $0x3000;
	[sflag:s12] =	ssyncset.done $0x0  }
.LBB2_2:
0x83: {  	s21 =	sshra.s32 s18, $0x2  }
0x84: {  	[sflag:s12] =	ssyncadd.s32 $0xFFFFFF80;
	s18 =	smov.u32 s20;
	s19 =	sadd.s32 $0x1800, s20  }
0x85: {  	[spmem:s2] =	stream.indirect.scatter.add.f32 [tilespmem:s11], [sflag:$0x1], $0x1, s21, s10, $0xb8;
	[tilespmem:$0x3180] =	vst v63  }
0x86: {  	p0 =	sne.s32 s20, $0x9000;
	s20 =	sadd.s32 $0x80, s21  }
0x87: {  	[spmem:s2] =	stream.indirect.scatter.add.f32 [tilespmem:s11], [sflag:$0x1], $0x1, s20, s10, $0xb8;
	[tilespmem:$0x3180] =	vst v63  }
0x88: {  	s20 =	sadd.s32 $0x100, s21  }
0x89: {  	[spmem:s2] =	stream.indirect.scatter.add.f32 [tilespmem:s11], [sflag:$0x1], $0x1, s20, s10, $0xb8;
	[tilespmem:$0x3180] =	vst v63  }
0x8a: {  	s20 =	sadd.s32 $0x180, s21  }
0x8b: {  	[spmem:s2] =	stream.indirect.scatter.add.f32 [tilespmem:s11], [sflag:$0x1], $0x1, s20, s10, $0xb8;
	[tilespmem:$0x3180] =	vst v63  }
0x8c: {  	s20 =	sadd.s32 $0x200, s21  }
0x8d: {  	[spmem:s2] =	stream.indirect.scatter.add.f32 [tilespmem:s11], [sflag:$0x1], $0x1, s20, s10, $0xb8;
	[tilespmem:$0x3180] =	vst v63  }
0x8e: {  	s20 =	sadd.s32 $0x280, s21  }
0x8f: {  	[spmem:s2] =	stream.indirect.scatter.add.f32 [tilespmem:s11], [sflag:$0x1], $0x1, s20, s10, $0xb8;
	[tilespmem:$0x3180] =	vst v63  }
0x90: {  	s20 =	sadd.s32 $0x300, s21  }
0x91: {  	[spmem:s2] =	stream.indirect.scatter.add.f32 [tilespmem:s11], [sflag:$0x1], $0x1, s20, s10, $0xb8;
	[tilespmem:$0x3180] =	vst v63  }
0x92: {  	s20 =	sadd.s32 $0x380, s21  }
0x93: {  	[spmem:s2] =	stream.indirect.scatter.add.f32 [tilespmem:s11], [sflag:$0x1], $0x1, s20, s10, $0xb8;
	[tilespmem:$0x3180] =	vst v63  }
0x94: {  	s20 =	sadd.s32 $0x400, s21  }
0x95: {  	[spmem:s2] =	stream.indirect.scatter.add.f32 [tilespmem:s11], [sflag:$0x1], $0x1, s20, s10, $0xb8;
	[tilespmem:$0x3180] =	vst v63  }
0x96: {  	s20 =	sadd.s32 $0x480, s21  }
0x97: {  	[spmem:s2] =	stream.indirect.scatter.add.f32 [tilespmem:s11], [sflag:$0x1], $0x1, s20, s10, $0xb8;
	[tilespmem:$0x3180] =	vst v63  }
0x98: {  	s20 =	sadd.s32 $0x500, s21  }
0x99: {  	[spmem:s2] =	stream.indirect.scatter.add.f32 [tilespmem:s11], [sflag:$0x1], $0x1, s20, s10, $0xb8;
	[tilespmem:$0x3180] =	vst v63  }
0x9a: {  	s20 =	sadd.s32 $0x580, s21  }
0x9b: {  	[spmem:s2] =	stream.indirect.scatter.add.f32 [tilespmem:s11], [sflag:$0x1], $0x1, s20, s10, $0xb8;
	[tilespmem:$0x3180] =	vst v63  }
0x9c: {  	_ =	swait.ge [sflag:s12], $0x80  }
0x9d: {  	[sflag:s12] =	ssyncset.done $0x0  }
0x9e: {  	[sflag:s12] =	ssyncadd.s32 $0xFFFFFF80  }
0x9f: {  	_ =	swait.ge [sflag:s12], $0x80  }
0xa0: {  	[sflag:s12] =	ssyncset.done $0x0  }
0xa1: {  	[sflag:s12] =	ssyncadd.s32 $0xFFFFFF80  }
0xa2: {  	_ =	swait.ge [sflag:s12], $0x80  }
0xa3: {  	[sflag:s12] =	ssyncset.done $0x0  }
0xa4: {  	[sflag:s12] =	ssyncadd.s32 $0xFFFFFF80  }
0xa5: {  	_ =	swait.ge [sflag:s12], $0x80  }
0xa6: {  	[sflag:s12] =	ssyncset.done $0x0  }
0xa7: {  	[sflag:s12] =	ssyncadd.s32 $0xFFFFFF80  }
0xa8: {  	_ =	swait.ge [sflag:s12], $0x80  }
0xa9: {  	[sflag:s12] =	ssyncset.done $0x0  }
0xaa: {  	[sflag:s12] =	ssyncadd.s32 $0xFFFFFF80  }
0xab: {  	_ =	swait.ge [sflag:s12], $0x80  }
0xac: {  	[sflag:s12] =	ssyncset.done $0x0  }
0xad: {  	[sflag:s12] =	ssyncadd.s32 $0xFFFFFF80  }
0xae: {  	_ =	swait.ge [sflag:s12], $0x80  }
0xaf: {  	[sflag:s12] =	ssyncset.done $0x0  }
0xb0: {  	[sflag:s12] =	ssyncadd.s32 $0xFFFFFF80  }
0xb1: {  	_ =	swait.ge [sflag:s12], $0x80  }
0xb2: {  	[sflag:s12] =	ssyncset.done $0x0  }
0xb3: {  	[sflag:s12] =	ssyncadd.s32 $0xFFFFFF80  }
0xb4: {  	_ =	swait.ge [sflag:s12], $0x80  }
0xb5: {  	[sflag:s12] =	ssyncset.done $0x0  }
0xb6: {  	[sflag:s12] =	ssyncadd.s32 $0xFFFFFF80  }
0xb7: {  	_ =	swait.ge [sflag:s12], $0x80  }
0xb8: {  	[sflag:s12] =	ssyncset.done $0x0  }
0xb9: {  	[sflag:s12] =	ssyncadd.s32 $0xFFFFFF80  }
.Ltmp0:
0xba: {  	_ =	swait.ge [sflag:s12], $0x80;
	(pc) =	sbr.rel @p0 .LBB2_2-.Ltmp0, $4  }
0xbb: {  	[sflag:s12] =	ssyncset.done $0x0  }
0xbc: {  	[sflag:s12] =	ssyncadd.s32 $0xFFFFFF80  }
0xbd: {  	_ =	swait.ge [sflag:s12], $0x80  }
0xbe: {  	s20 =	smov.u32 s19;
	[sflag:s12] =	ssyncset.done $0x0  }
0xbf: {  	s18 =	sshra.s32 s18, $0x2;
	[sflag:s12] =	ssyncadd.s32 $0xFFFFFF80  }
0xc0: {  	[spmem:s2] =	stream.indirect.scatter.add.f32 [tilespmem:s11], [sflag:$0x1], $0x1, s18, s10, $0xb8;
	[tilespmem:$0x3180] =	vst v63  }
0xc1: {  	s19 =	sadd.s32 $0x80, s18  }
0xc2: {  	[spmem:s2] =	stream.indirect.scatter.add.f32 [tilespmem:s11], [sflag:$0x1], $0x1, s19, s10, $0xb8;
	[tilespmem:$0x3180] =	vst v63  }
0xc3: {  	s22 =	sadd.s32 $0x100, s18  }
0xc4: {  	[spmem:s2] =	stream.indirect.scatter.add.f32 [tilespmem:s11], [sflag:$0x1], $0x1, s22, s10, $0xb8;
	[tilespmem:$0x3180] =	vst v63  }
0xc5: {  	s23 =	sadd.s32 $0x180, s18  }
0xc6: {  	[spmem:s2] =	stream.indirect.scatter.add.f32 [tilespmem:s11], [sflag:$0x1], $0x1, s23, s10, $0xb8;
	[tilespmem:$0x3180] =	vst v63  }
0xc7: {  	s24 =	sadd.s32 $0x200, s18  }
0xc8: {  	[spmem:s2] =	stream.indirect.scatter.add.f32 [tilespmem:s11], [sflag:$0x1], $0x1, s24, s10, $0xb8;
	[tilespmem:$0x3180] =	vst v63  }
0xc9: {  	s25 =	sadd.s32 $0x280, s18  }
0xca: {  	[spmem:s2] =	stream.indirect.scatter.add.f32 [tilespmem:s11], [sflag:$0x1], $0x1, s25, s10, $0xb8;
	[tilespmem:$0x3180] =	vst v63  }
0xcb: {  	s26 =	sadd.s32 $0x300, s18  }
0xcc: {  	[spmem:s2] =	stream.indirect.scatter.add.f32 [tilespmem:s11], [sflag:$0x1], $0x1, s26, s10, $0xb8;
	[tilespmem:$0x3180] =	vst v63  }
0xcd: {  	s28 =	sadd.s32 $0x380, s18  }
0xce: {  	[spmem:s2] =	stream.indirect.scatter.add.f32 [tilespmem:s11], [sflag:$0x1], $0x1, s28, s10, $0xb8;
	[tilespmem:$0x3180] =	vst v63  }
0xcf: {  	s29 =	sadd.s32 $0x400, s18  }
0xd0: {  	[spmem:s2] =	stream.indirect.scatter.add.f32 [tilespmem:s11], [sflag:$0x1], $0x1, s29, s10, $0xb8;
	[tilespmem:$0x3180] =	vst v63  }
0xd1: {  	s30 =	sadd.s32 $0x480, s18  }
0xd2: {  	[spmem:s2] =	stream.indirect.scatter.add.f32 [tilespmem:s11], [sflag:$0x1], $0x1, s30, s10, $0xb8;
	[tilespmem:$0x3180] =	vst v63  }
0xd3: {  	s31 =	sadd.s32 $0x500, s18  }
0xd4: {  	[spmem:s2] =	stream.indirect.scatter.add.f32 [tilespmem:s11], [sflag:$0x1], $0x1, s31, s10, $0xb8;
	[tilespmem:$0x3180] =	vst v63  }
0xd5: {  	s18 =	sadd.s32 $0x580, s18  }
0xd6: {  	[spmem:s2] =	stream.indirect.scatter.add.f32 [tilespmem:s11], [sflag:$0x1], $0x1, s18, s10, $0xb8;
	[tilespmem:$0x3180] =	vst v63  }
0xd7: {  	_ =	swait.ge [sflag:s12], $0x80  }
0xd8: {  	[sflag:s12] =	ssyncset.done $0x0  }
0xd9: {  	[sflag:s12] =	ssyncadd.s32 $0xFFFFFF80  }
0xda: {  	_ =	swait.ge [sflag:s12], $0x80  }
0xdb: {  	[sflag:s12] =	ssyncset.done $0x0  }
0xdc: {  	[sflag:s12] =	ssyncadd.s32 $0xFFFFFF80  }
0xdd: {  	_ =	swait.ge [sflag:s12], $0x80  }
0xde: {  	[sflag:s12] =	ssyncset.done $0x0  }
0xdf: {  	[sflag:s12] =	ssyncadd.s32 $0xFFFFFF80  }
0xe0: {  	_ =	swait.ge [sflag:s12], $0x80  }
0xe1: {  	[sflag:s12] =	ssyncset.done $0x0  }
0xe2: {  	[sflag:s12] =	ssyncadd.s32 $0xFFFFFF80  }
0xe3: {  	_ =	swait.ge [sflag:s12], $0x80  }
0xe4: {  	[sflag:s12] =	ssyncset.done $0x0  }
0xe5: {  	[sflag:s12] =	ssyncadd.s32 $0xFFFFFF80  }
0xe6: {  	_ =	swait.ge [sflag:s12], $0x80  }
0xe7: {  	[sflag:s12] =	ssyncset.done $0x0  }
0xe8: {  	[sflag:s12] =	ssyncadd.s32 $0xFFFFFF80  }
0xe9: {  	_ =	swait.ge [sflag:s12], $0x80  }
0xea: {  	[sflag:s12] =	ssyncset.done $0x0  }
0xeb: {  	[sflag:s12] =	ssyncadd.s32 $0xFFFFFF80  }
0xec: {  	_ =	swait.ge [sflag:s12], $0x80  }
0xed: {  	[sflag:s12] =	ssyncset.done $0x0  }
0xee: {  	[sflag:s12] =	ssyncadd.s32 $0xFFFFFF80  }
0xef: {  	_ =	swait.ge [sflag:s12], $0x80  }
0xf0: {  	[sflag:s12] =	ssyncset.done $0x0  }
0xf1: {  	[sflag:s12] =	ssyncadd.s32 $0xFFFFFF80  }
0xf2: {  	_ =	swait.ge [sflag:s12], $0x80  }
0xf3: {  	[sflag:s12] =	ssyncset.done $0x0  }
0xf4: {  	[sflag:s12] =	ssyncadd.s32 $0xFFFFFF80  }
0xf5: {  	_ =	swait.ge [sflag:s12], $0x80  }
0xf6: {  	[sflag:s12] =	ssyncset.done $0x0  }
0xf7: {  	[sflag:s12] =	ssyncadd.s32 $0xFFFFFF80  }
0xf8: {  	_ =	swait.ge [sflag:s12], $0x80  }
0xf9: {  	s17 =	sadd.s32 $0x1, s17;
	[sflag:s12] =	ssyncset.done $0x0  }
0xfa: {  	p0 =	sne.s32 s17, s7;
	[sflag:s12] =	ssyncadd.s32 $0xFFFFFF80  }
.Ltmp1:
0xfb: {  	[bflag:$0x0] =	sbarrier.arrive $0xFFFF;
	(pc) =	sbr.rel @p0 .LBB2_1-.Ltmp1, $4  }
0xfc: {  	[hbm:s6@s15], [sflag:s13] =	dma.strided [spmem:s14@s16], $0x50, s12, $0x10   }
0xfd: {  	_ =	swait.ge [sflag:s8], $0x50  }
0xfe: {  	[sflag:s8] =	ssyncset.done $0x0  }
0xff: {  	[sflag:s8] =	ssyncadd.s32 $0xFFFFFFB0  }
0x100: {  	_ =	sfence.sel $0x180000  }
0x101: {  	[bflag:$0x0] =	sbarrier.arrive $0xFFFF  }
0x102: {  	p0 =	sne.s32 s1, $0x0;
	_ =	strace $0x90000047  }
0x103: {  	s0 =	sadd.s32 @!p0 $0x100000, s0;
	[bflag:$0x2] =	sbarrier.arrive $0xFFFF  }
0x104: {  	[sflag:s0] =	ssyncadd.tile.s32 @!p0 $0x1;
	_ =	shalt  }
.Lfunc_end2:
_tile_overlayer_lowered:
.L_overlay_start_2:
0x105: {  	(tag) =	ssettag $0x2  }
0x106: {  	s0 =	rddreg [dreg:$0x0];
	s2 =	stileid.u32  }
0x107: {  	s1 =	rddreg [dreg:$0x1];
	p0 =	sne.s32 s2, $0x0  }
0x108: {  	s3 =	rddreg [dreg:$0x2];
	[bflag:$0x3] =	sbarrier.arrive $0xFFFF;
	s2 =	simm.s32 @!p0 $0x1C02  }
0x109: {  	[timem:s3], [sflag:s2] =	dma.local @!p0 [hbm:s0], s1  }
0x10a: {  	s0 =	simm.s32 @!p0 $0x2  }
0x10b: {  	_ =	swait.ge @!p0 [sflag:s0], s1  }
0x10c: {  	s1 =	ssub.s32 @!p0 $0x0, s1;
	[sflag:s0] =	ssyncset.done @!p0 $0x0  }
0x10d: {  	[sflag:s0] =	ssyncadd.s32 @!p0 s1  }
0x10e: {  	[bflag:$0x3] =	sbarrier.arrive $0xFFFF  }
0x10f: {  	_ =	shalt  }

</sc_bundles>
